<compile_context>
chip_gen: v7x
topology: tpu7x:2x2x1
jax: 0.10.2.dev20260603
libtpu: 0.0.44.dev20260713+nightly
codegen_flags: <defaults>
</compile_context>

<pallas_src>
import functools

import jax
import jax.numpy as jnp
from jax import lax
from jax.experimental import pallas as pl
from jax.experimental.pallas import tpu as pltpu
from jax.experimental.pallas import tpu_sc as plsc

NUM_SC = 2
NUM_TEC = 16
NUM_WORKERS = NUM_SC * NUM_TEC

CH = 16
IT = CH * 6
LANES = 16


def _build_table_kernel(nf_ref, pos_ref, t_ref):
    a = pl.program_id(0)
    i = pl.program_id(1)
    bn, d = t_ref.shape
    v = nf_ref[...] + pos_ref[pl.ds(a + 1, 1), :]
    rowid = lax.broadcasted_iota(jnp.int32, (bn, d), 0)
    is_node0 = (rowid == 0) & (i == 0)
    t_ref[...] = jnp.where(is_node0, 1.0, v)


def _final_kernel(p_ref, nf_ref, w_ref, b_ref, g_ref, be_ref, o_ref):
    i = pl.program_id(0)
    bn, d = nf_ref.shape
    agg = p_ref[0] + p_ref[1]
    nfb = nf_ref[...]
    rowid = lax.broadcasted_iota(jnp.int32, (bn, d), 0)
    mask = (rowid == 0) & (i == 0)
    agg = jnp.where(mask, 0.0, agg)
    nfb = jnp.where(mask, 0.0, nfb)
    w1 = w_ref[:, :d]
    w2 = w_ref[:, d:]
    h = lax.dot_general(agg, w1, (((1,), (1,)), ((), ())),
                        preferred_element_type=jnp.float32)
    h = h + lax.dot_general(nfb, w2, (((1,), (1,)), ((), ())),
                            preferred_element_type=jnp.float32)
    h = h + b_ref[...]
    mu = jnp.mean(h, axis=1, keepdims=True)
    var = jnp.mean((h - mu) * (h - mu), axis=1, keepdims=True)
    o_ref[...] = (h - mu) * lax.rsqrt(var + 1e-5) * g_ref[...] + be_ref[...]


def _sc_kernel_body(t_hbm, gidx_hbm, ridx_hbm, rel_emb_hbm, offs_hbm,
                    out_hbm,
                    gi0, gi1, si_v, ri0, ri1, rows0, rows1, msg_b,
                    rr0, rr1, offs_v,
                    sem_gi0, sem_gi1, sem_ri0, sem_ri1,
                    sem_rows0, sem_rows1, sem_rr0, sem_rr1, sem_sc,
                    acc,
                    *, n_nodes, chunks_per_worker):
    c = lax.axis_index("c")
    s = lax.axis_index("s")
    wid = c * NUM_TEC + s

    gi = (gi0, gi1)
    ri = (ri0, ri1)
    rows = (rows0, rows1)
    rr = (rr0, rr1)
    sem_gi = (sem_gi0, sem_gi1)
    sem_ri = (sem_ri0, sem_ri1)
    sem_rows = (sem_rows0, sem_rows1)
    sem_rr = (sem_rr0, sem_rr1)

    chunks = chunks_per_worker
    base_e = wid * (chunks * CH)

    zrows = 80
    nchunks = n_nodes // zrows
    rounds = -(-nchunks // NUM_TEC)

    pltpu.sync_copy(offs_hbm, offs_v)

    def zfill(r, _):
        for dk in range(8):
            msg_b[r, pl.ds(dk * LANES, LANES)] = jnp.zeros((LANES,), jnp.float32)
        return 0
    lax.fori_loop(0, zrows, zfill, 0)

    def zcopy(j, _):
        kk = s + j * NUM_TEC
        @pl.when(kk < nchunks)
        def _():
            pltpu.sync_copy(msg_b.at[pl.ds(0, zrows)],
                            acc.at[pl.ds(kk * zrows, zrows)])
        return 0
    lax.fori_loop(0, rounds, zcopy, 0)
    plsc.subcore_barrier()

    def issue_gi(i, b):
        pltpu.async_copy(gidx_hbm.at[pl.ds((base_e + i * CH) * 6, IT)],
                         gi[b], sem_gi[b])

    def issue_ri(i, b):
        pltpu.async_copy(ridx_hbm.at[pl.ds(base_e + i * CH, CH)],
                         ri[b], sem_ri[b])

    def wait_gi(b):
        pltpu.make_async_copy(gidx_hbm.at[pl.ds(0, IT)], gi[b],
                              sem_gi[b]).wait()

    def wait_ri(b):
        pltpu.make_async_copy(ridx_hbm.at[pl.ds(0, CH)],
                              ri[b], sem_ri[b]).wait()

    def issue_rr(b):
        pltpu.async_copy(rel_emb_hbm.at[ri[b]], rr[b], sem_rr[b])

    def wait_rr(b):
        pltpu.make_async_copy(rel_emb_hbm.at[ri[b]], rr[b],
                              sem_rr[b]).wait()

    def issue_gather(b):
        pltpu.async_copy(t_hbm.at[gi[b]], rows[b], sem_rows[b])

    def wait_gather(b):
        pltpu.make_async_copy(t_hbm.at[gi[b]], rows[b],
                              sem_rows[b]).wait()

    def issue_scatter():
        pltpu.async_copy(msg_b, acc.at[si_v], sem_sc, add=True)

    def wait_scatter():
        pltpu.make_async_copy(msg_b, acc.at[si_v], sem_sc).wait()

    def compute(b):
        rows_v = rows[b]
        msg_v = msg_b
        rr_v = rr[b]

        def one_edge(e):
            r6 = e * 6
            for dk in range(8):
                sl = pl.ds(dk * LANES, LANES)
                s0 = rows_v[r6 + 0, sl]
                s1 = rows_v[r6 + 1, sl]
                s2 = rows_v[r6 + 2, sl]
                s3 = rows_v[r6 + 3, sl]
                s4 = rows_v[r6 + 4, sl]
                s5 = rows_v[r6 + 5, sl]
                p1 = s0 * s1
                p2 = p1 * s2
                p3 = p2 * s3
                p4 = p3 * s4
                q4 = s5 * s4
                q3 = q4 * s3
                q2 = q3 * s2
                q1 = q2 * s1
                r = rr_v[e, sl]
                msg_v[r6 + 0, sl] = q1 * r
                msg_v[r6 + 1, sl] = (s0 * q2) * r
                msg_v[r6 + 2, sl] = (p1 * q3) * r
                msg_v[r6 + 3, sl] = (p2 * q4) * r
                msg_v[r6 + 4, sl] = (p3 * s5) * r
                msg_v[r6 + 5, sl] = p4 * r

        def edge2(u, _):
            one_edge(2 * u)
            one_edge(2 * u + 1)
            return 0
        lax.fori_loop(0, CH // 2, edge2, 0)

    issue_gi(0, 0)
    issue_ri(0, 0)
    issue_gi(1, 1)
    issue_ri(1, 1)
    wait_gi(0)
    wait_ri(0)
    issue_gather(0)
    issue_rr(0)

    def pair(h, _):
        for b in range(2):
            i = 2 * h + b
            nb = 1 - b
            if b == 0:
                wait_gi(nb)
                wait_ri(nb)
                issue_gather(nb)
                issue_rr(nb)
            else:
                @pl.when(i + 1 < chunks)
                def _():
                    wait_gi(nb)
                    wait_ri(nb)
                    issue_gather(nb)
                    issue_rr(nb)
            wait_gather(b)
            @pl.when(i >= 1)
            def _():
                wait_scatter()
            for k in range(IT // LANES):
                sl = pl.ds(k * LANES, LANES)
                si_v[sl] = gi[b][sl] - offs_v[sl]
            @pl.when(i + 2 < chunks)
            def _():
                issue_gi(i + 2, b)
            wait_rr(b)
            compute(b)
            @pl.when(i + 2 < chunks)
            def _():
                issue_ri(i + 2, b)
            issue_scatter()
        return 0
    lax.fori_loop(0, chunks // 2, pair, 0)

    wait_scatter()
    plsc.subcore_barrier()

    def dump(j, _):
        kk = s + j * NUM_TEC
        @pl.when(kk < nchunks)
        def _():
            off = kk * zrows
            pltpu.sync_copy(acc.at[pl.ds(off, zrows)],
                            out_hbm.at[c, pl.ds(off, zrows)])
        return 0
    lax.fori_loop(0, rounds, dump, 0)


def kernel(node_features, query, edge_list, rel, W_lin, b_lin, rel_emb,
           pos_emb, ln_scale, ln_bias):
    del query
    Bsz, N, D = node_features.shape
    E, A = edge_list.shape
    OUT = W_lin.shape[0]
    nf = node_features.reshape(N, D)

    pos = pos_emb.at[0].set(1.0)
    BN = 1000
    NB = N // BN
    build = pl.pallas_call(
        _build_table_kernel,
        grid=(A, NB),
        in_specs=[
            pl.BlockSpec((BN, D), lambda a, i: (i, 0)),
            pl.BlockSpec((A + 1, D), lambda a, i: (0, 0)),
        ],
        out_specs=pl.BlockSpec((BN, D), lambda a, i: (a * NB + i, 0)),
        out_shape=jax.ShapeDtypeStruct((A * N, D), jnp.float32),
    )
    table = build(nf, pos)

    per_worker = -(-E // (NUM_WORKERS * CH * 2)) * CH * 2
    E_pad = per_worker * NUM_WORKERS
    chunks_per_worker = per_worker // CH
    el = jnp.pad(edge_list, ((0, E_pad - E), (0, 0)))
    relx = jnp.pad(rel, (0, E_pad - E)).astype(jnp.int32)
    gidx = (el + (jnp.arange(A, dtype=jnp.int32) * N)[None, :]).reshape(-1)
    offs = (jnp.arange(IT, dtype=jnp.int32) % A) * N

    mesh = plsc.VectorSubcoreMesh(core_axis_name="c", subcore_axis_name="s")
    sc_fn = functools.partial(_sc_kernel_body, n_nodes=N,
                              chunks_per_worker=chunks_per_worker)
    R = rel_emb.shape[0]
    partials = pl.kernel(
        sc_fn,
        out_type=jax.ShapeDtypeStruct((NUM_SC, N, D), jnp.float32),
        mesh=mesh,
        scratch_types=[
            pltpu.VMEM((IT,), jnp.int32),
            pltpu.VMEM((IT,), jnp.int32),
            pltpu.VMEM((IT,), jnp.int32),
            pltpu.VMEM((CH,), jnp.int32),
            pltpu.VMEM((CH,), jnp.int32),
            pltpu.VMEM((IT, D), jnp.float32),
            pltpu.VMEM((IT, D), jnp.float32),
            pltpu.VMEM((IT, D), jnp.float32),
            pltpu.VMEM((CH, D), jnp.float32),
            pltpu.VMEM((CH, D), jnp.float32),
            pltpu.VMEM((IT,), jnp.int32),
            pltpu.SemaphoreType.DMA,
            pltpu.SemaphoreType.DMA,
            pltpu.SemaphoreType.DMA,
            pltpu.SemaphoreType.DMA,
            pltpu.SemaphoreType.DMA,
            pltpu.SemaphoreType.DMA,
            pltpu.SemaphoreType.DMA,
            pltpu.SemaphoreType.DMA,
            pltpu.SemaphoreType.DMA,
            pltpu.VMEM_SHARED((N, D), jnp.float32),
        ],
    )(table, gidx, relx, rel_emb, offs)

    finish = pl.pallas_call(
        _final_kernel,
        grid=(NB,),
        in_specs=[
            pl.BlockSpec((NUM_SC, BN, D), lambda i: (0, i, 0)),
            pl.BlockSpec((BN, D), lambda i: (i, 0)),
            pl.BlockSpec((OUT, 2 * D), lambda i: (0, 0)),
            pl.BlockSpec((1, OUT), lambda i: (0, 0)),
            pl.BlockSpec((1, OUT), lambda i: (0, 0)),
            pl.BlockSpec((1, OUT), lambda i: (0, 0)),
        ],
        out_specs=pl.BlockSpec((BN, OUT), lambda i: (i, 0)),
        out_shape=jax.ShapeDtypeStruct((N, OUT), jnp.float32),
    )
    out = finish(partials, nf, W_lin, b_lin.reshape(1, OUT),
                 ln_scale.reshape(1, OUT), ln_bias.reshape(1, OUT))
    return out.reshape(Bsz, N, OUT)

# --- scband reference (transcript-rebuilt; emitter-appended) ---
"""Pipeline reference for scband-hypergraph-layer-32160715112910 (READ-ONLY COPY).

The authoritative reference and input builder live on the scoring server;
editing this copy changes nothing except your own understanding.
"""

import jax, jax.numpy as jnp
import numpy as np

B, N, D = 1, 10000, 128
E, A = 100000, 6
R = 50
OUT = 128
EPS = 1e-5

def setup_inputs(seed: int = 0) -> dict:
    key = jax.random.key(seed)
    ks = jax.random.split(key, 8)
    node_features = jax.random.normal(ks[0], (B, N, D), dtype=jnp.float32)
    query = jax.random.normal(ks[1], (B, D), dtype=jnp.float32)
    edge_list = jax.random.randint(ks[2], (E, A), 0, N, dtype=jnp.int32)
    rel = jax.random.randint(ks[3], (E,), 0, R, dtype=jnp.int32)
    W_lin = jax.random.normal(ks[4], (OUT, 2 * D), dtype=jnp.float32) * 0.02
    b_lin = jnp.zeros((OUT,), dtype=jnp.float32)
    rel_emb = jax.random.normal(ks[5], (R, D), dtype=jnp.float32) * 0.02
    pos_emb = jax.random.normal(ks[6], (A + 1, D), dtype=jnp.float32) * 0.02
    ln_scale = jnp.ones((OUT,), dtype=jnp.float32)
    ln_bias = jnp.zeros((OUT,), dtype=jnp.float32)
    return {"node_features": node_features, "query": query, "edge_list": edge_list, "rel": rel,
            "W_lin": W_lin, "b_lin": b_lin, "rel_emb": rel_emb, "pos_emb": pos_emb,
            "ln_scale": ln_scale, "ln_bias": ln_bias}

def reference(node_features, query, edge_list, rel, W_lin, b_lin, rel_emb, pos_emb, ln_scale, ln_bias):
    # pos_embedding.weight.data[0] = ones
    pos_emb = pos_emb.at[0].set(jnp.ones((pos_emb.shape[1],), dtype=pos_emb.dtype))
    # node_features[:, 0, :] = 0
    nf = node_features.at[:, 0, :].set(0.0)
    Bsz, Nn, Dd = nf.shape
    Esz, Ar = edge_list.shape
    # messages(): gather node features per hyperedge position -> [B, E, A, D]
    snp = nf[:, edge_list, :]
    # positional encodings (position 0 reserved for padding node 0)
    seq = jnp.arange(1, Ar + 1, dtype=edge_list.dtype)[None, :]
    pos_idx = jnp.where(edge_list != 0, seq, jnp.zeros_like(edge_list))
    snp = snp + pos_emb[pos_idx][None, :, :, :]
    # all-but-one trick via forward/backward cumulative products
    cf = jnp.cumprod(snp, axis=2)
    cb = jnp.flip(jnp.cumprod(jnp.flip(snp, axis=2), axis=2), axis=2)
    ones = jnp.ones_like(snp[:, :, :1, :])
    sf = jnp.concatenate([ones, cf[:, :, :-1, :]], axis=2)
    sb = jnp.concatenate([cb[:, :, 1:, :], ones], axis=2)
    msg = sf * sb
    # relation modulation (dependent=False -> embedding lookup)
    rv = rel_emb[rel][None, :, None, :]
    msg = msg * rv
    # aggregates(): scatter-add messages into destination nodes
    me = msg.reshape(Bsz, Esz * Ar, Dd)
    out = jnp.zeros((Bsz, Nn, Dd), dtype=msg.dtype).at[:, edge_list.reshape(-1), :].add(me)
    out = out.at[:, 0, :].set(0.0)
    # linear on concat([aggregated, node_features])
    out = jnp.concatenate([out, nf], axis=-1)
    out = out @ W_lin.T + b_lin
    # dropout: eval mode -> identity
    # layer norm
    mu = jnp.mean(out, axis=-1, keepdims=True)
    var = jnp.var(out, axis=-1, keepdims=True)
    out = (out - mu) / jnp.sqrt(var + EPS) * ln_scale + ln_bias
    return out

if __name__ == "__main__":
    import jax
    _d = setup_inputs()
    print(jax.jit(kernel)(*tuple(_d.values())))

</pallas_src>

<mosaic_0001>
#map = affine_map<(d0, d1) -> (0, 0)>
#map1 = affine_map<(d0, d1) -> (0)>
#map2 = affine_map<(d0, d1) -> (0, 0, 0)>
module attributes {stable_mosaic.version = 14 : i64} {
  func.func @_sc_kernel_body(%arg0: i32, %arg1: i32, %arg2: memref<60000x128xf32, #tpu.memory_space<hbm>>, %arg3: memref<602112xi32, #tpu.memory_space<hbm>>, %arg4: memref<100352xi32, #tpu.memory_space<hbm>>, %arg5: memref<50x128xf32, #tpu.memory_space<hbm>>, %arg6: memref<96xi32, #tpu.memory_space<hbm>>, %arg7: memref<2x10000x128xf32, #tpu.memory_space<hbm>>, %arg8: memref<96xi32, #tpu.memory_space<vmem>>, %arg9: memref<96xi32, #tpu.memory_space<vmem>>, %arg10: memref<96xi32, #tpu.memory_space<vmem>>, %arg11: memref<16xi32, #tpu.memory_space<vmem>>, %arg12: memref<16xi32, #tpu.memory_space<vmem>>, %arg13: memref<96x128xf32, #tpu.memory_space<vmem>>, %arg14: memref<96x128xf32, #tpu.memory_space<vmem>>, %arg15: memref<96x128xf32, #tpu.memory_space<vmem>>, %arg16: memref<16x128xf32, #tpu.memory_space<vmem>>, %arg17: memref<16x128xf32, #tpu.memory_space<vmem>>, %arg18: memref<96xi32, #tpu.memory_space<vmem>>, %arg19: memref<!tpu.dma_semaphore, #tpu.memory_space<semaphore_mem>>, %arg20: memref<!tpu.dma_semaphore, #tpu.memory_space<semaphore_mem>>, %arg21: memref<!tpu.dma_semaphore, #tpu.memory_space<semaphore_mem>>, %arg22: memref<!tpu.dma_semaphore, #tpu.memory_space<semaphore_mem>>, %arg23: memref<!tpu.dma_semaphore, #tpu.memory_space<semaphore_mem>>, %arg24: memref<!tpu.dma_semaphore, #tpu.memory_space<semaphore_mem>>, %arg25: memref<!tpu.dma_semaphore, #tpu.memory_space<semaphore_mem>>, %arg26: memref<!tpu.dma_semaphore, #tpu.memory_space<semaphore_mem>>, %arg27: memref<!tpu.dma_semaphore, #tpu.memory_space<semaphore_mem>>, %arg28: memref<10000x128xf32, #tpu.memory_space<vmem_shared>>) attributes {dimension_semantics = [#tpu.dimension_semantics<core_parallel>, #tpu.dimension_semantics<subcore_parallel>], iteration_bounds = array<i64: 2, 16>, scalar_prefetch = 0 : i64, scratch_operands = 21 : i64, tpu.core_type = #tpu.core_type<sc_vector_subcore>, window_params = [{transform_indices = #map}, {transform_indices = #map1}, {transform_indices = #map1}, {transform_indices = #map}, {transform_indices = #map1}, {transform_indices = #map2}]} {
    %mul3A = arith.constant 16 : i32
    %mul3A_0 = arith.muli %arg0, %mul3A : i32
    %add3A = arith.addi %mul3A_0, %arg1 : i32
    %mul3A_1 = arith.constant 3136 : i32
    %mul3A_2 = arith.muli %add3A, %mul3A_1 : i32
    "tpu.region"() ({
      %run_scoped3A = tpu.sem_alloc : memref<!tpu.dma_semaphore, #tpu.memory_space<semaphore_mem>>
      tpu.enqueue_dma source(%arg6 : memref<96xi32, #tpu.memory_space<hbm>>) target(%arg18 : memref<96xi32, #tpu.memory_space<vmem>>) target_semaphore(%run_scoped3A : memref<!tpu.dma_semaphore, #tpu.memory_space<semaphore_mem>>)
      tpu.wait_dma2 semaphore(%run_scoped3A : memref<!tpu.dma_semaphore, #tpu.memory_space<semaphore_mem>>) src(%arg6 : memref<96xi32, #tpu.memory_space<hbm>>) dst(%arg18 : memref<96xi32, #tpu.memory_space<vmem>>)
      tpu.yield
    }) : () -> ()
    %scan3A = arith.constant 0 : i32
    %scan3A_3 = arith.constant 0 : i32
    %scan3A_4 = arith.constant 80 : i32
    %scan3A_5 = arith.addi %scan3A_3, %scan3A_4 : i32
    %scan3A_6 = arith.constant 1 : i32
    %scan3A_7 = scf.for %scan3A_66 = %scan3A_3 to %scan3A_5 step %scan3A_6 iter_args(%scan3A_67 = %scan3A) -> (i32)  : i32 {
      %broadcast_in_dim3A = arith.constant 0.000000e+00 : f32
      %broadcast_in_dim3A_68 = vector.broadcast %broadcast_in_dim3A : f32 to vector<16xf32>
      %swap3A = arith.index_cast %scan3A_66 : i32 to index
      %swap3A_69 = arith.constant 0 : index
      %swap3A_70 = tpu.vector_load %arg15[%swap3A, %swap3A_69] {strides = array<i32>} : memref<96x128xf32, #tpu.memory_space<vmem>>, vector<1x16xf32>,
      %swap3A_71 = vector.shape_cast %swap3A_70 : vector<1x16xf32> to vector<16xf32>
      %swap3A_72 = vector.shape_cast %broadcast_in_dim3A_68 : vector<16xf32> to vector<1x16xf32>
      tpu.vector_store %arg15[%swap3A, %swap3A_69], %swap3A_72 {strides = array<i32>} : memref<96x128xf32, #tpu.memory_space<vmem>>, vector<1x16xf32>,
      %broadcast_in_dim3A_73 = arith.constant 0.000000e+00 : f32
      %broadcast_in_dim3A_74 = vector.broadcast %broadcast_in_dim3A_73 : f32 to vector<16xf32>
      %swap3A_75 = arith.index_cast %scan3A_66 : i32 to index
      %swap3A_76 = arith.constant 16 : index
      %swap3A_77 = tpu.vector_load %arg15[%swap3A_75, %swap3A_76] {strides = array<i32>} : memref<96x128xf32, #tpu.memory_space<vmem>>, vector<1x16xf32>,
      %swap3A_78 = vector.shape_cast %swap3A_77 : vector<1x16xf32> to vector<16xf32>
      %swap3A_79 = vector.shape_cast %broadcast_in_dim3A_74 : vector<16xf32> to vector<1x16xf32>
      tpu.vector_store %arg15[%swap3A_75, %swap3A_76], %swap3A_79 {strides = array<i32>} : memref<96x128xf32, #tpu.memory_space<vmem>>, vector<1x16xf32>,
      %broadcast_in_dim3A_80 = arith.constant 0.000000e+00 : f32
      %broadcast_in_dim3A_81 = vector.broadcast %broadcast_in_dim3A_80 : f32 to vector<16xf32>
      %swap3A_82 = arith.index_cast %scan3A_66 : i32 to index
      %swap3A_83 = arith.constant 32 : index
      %swap3A_84 = tpu.vector_load %arg15[%swap3A_82, %swap3A_83] {strides = array<i32>} : memref<96x128xf32, #tpu.memory_space<vmem>>, vector<1x16xf32>,
      %swap3A_85 = vector.shape_cast %swap3A_84 : vector<1x16xf32> to vector<16xf32>
      %swap3A_86 = vector.shape_cast %broadcast_in_dim3A_81 : vector<16xf32> to vector<1x16xf32>
      tpu.vector_store %arg15[%swap3A_82, %swap3A_83], %swap3A_86 {strides = array<i32>} : memref<96x128xf32, #tpu.memory_space<vmem>>, vector<1x16xf32>,
      %broadcast_in_dim3A_87 = arith.constant 0.000000e+00 : f32
      %broadcast_in_dim3A_88 = vector.broadcast %broadcast_in_dim3A_87 : f32 to vector<16xf32>
      %swap3A_89 = arith.index_cast %scan3A_66 : i32 to index
      %swap3A_90 = arith.constant 48 : index
      %swap3A_91 = tpu.vector_load %arg15[%swap3A_89, %swap3A_90] {strides = array<i32>} : memref<96x128xf32, #tpu.memory_space<vmem>>, vector<1x16xf32>,
      %swap3A_92 = vector.shape_cast %swap3A_91 : vector<1x16xf32> to vector<16xf32>
      %swap3A_93 = vector.shape_cast %broadcast_in_dim3A_88 : vector<16xf32> to vector<1x16xf32>
      tpu.vector_store %arg15[%swap3A_89, %swap3A_90], %swap3A_93 {strides = array<i32>} : memref<96x128xf32, #tpu.memory_space<vmem>>, vector<1x16xf32>,
      %broadcast_in_dim3A_94 = arith.constant 0.000000e+00 : f32
      %broadcast_in_dim3A_95 = vector.broadcast %broadcast_in_dim3A_94 : f32 to vector<16xf32>
      %swap3A_96 = arith.index_cast %scan3A_66 : i32 to index
      %swap3A_97 = arith.constant 64 : index
      %swap3A_98 = tpu.vector_load %arg15[%swap3A_96, %swap3A_97] {strides = array<i32>} : memref<96x128xf32, #tpu.memory_space<vmem>>, vector<1x16xf32>,
      %swap3A_99 = vector.shape_cast %swap3A_98 : vector<1x16xf32> to vector<16xf32>
      %swap3A_100 = vector.shape_cast %broadcast_in_dim3A_95 : vector<16xf32> to vector<1x16xf32>
      tpu.vector_store %arg15[%swap3A_96, %swap3A_97], %swap3A_100 {strides = array<i32>} : memref<96x128xf32, #tpu.memory_space<vmem>>, vector<1x16xf32>,
      %broadcast_in_dim3A_101 = arith.constant 0.000000e+00 : f32
      %broadcast_in_dim3A_102 = vector.broadcast %broadcast_in_dim3A_101 : f32 to vector<16xf32>
      %swap3A_103 = arith.index_cast %scan3A_66 : i32 to index
      %swap3A_104 = arith.constant 80 : index
      %swap3A_105 = tpu.vector_load %arg15[%swap3A_103, %swap3A_104] {strides = array<i32>} : memref<96x128xf32, #tpu.memory_space<vmem>>, vector<1x16xf32>,
      %swap3A_106 = vector.shape_cast %swap3A_105 : vector<1x16xf32> to vector<16xf32>
      %swap3A_107 = vector.shape_cast %broadcast_in_dim3A_102 : vector<16xf32> to vector<1x16xf32>
      tpu.vector_store %arg15[%swap3A_103, %swap3A_104], %swap3A_107 {strides = array<i32>} : memref<96x128xf32, #tpu.memory_space<vmem>>, vector<1x16xf32>,
      %broadcast_in_dim3A_108 = arith.constant 0.000000e+00 : f32
      %broadcast_in_dim3A_109 = vector.broadcast %broadcast_in_dim3A_108 : f32 to vector<16xf32>
      %swap3A_110 = arith.index_cast %scan3A_66 : i32 to index
      %swap3A_111 = arith.constant 96 : index
      %swap3A_112 = tpu.vector_load %arg15[%swap3A_110, %swap3A_111] {strides = array<i32>} : memref<96x128xf32, #tpu.memory_space<vmem>>, vector<1x16xf32>,
      %swap3A_113 = vector.shape_cast %swap3A_112 : vector<1x16xf32> to vector<16xf32>
      %swap3A_114 = vector.shape_cast %broadcast_in_dim3A_109 : vector<16xf32> to vector<1x16xf32>
      tpu.vector_store %arg15[%swap3A_110, %swap3A_111], %swap3A_114 {strides = array<i32>} : memref<96x128xf32, #tpu.memory_space<vmem>>, vector<1x16xf32>,
      %broadcast_in_dim3A_115 = arith.constant 0.000000e+00 : f32
      %broadcast_in_dim3A_116 = vector.broadcast %broadcast_in_dim3A_115 : f32 to vector<16xf32>
      %swap3A_117 = arith.index_cast %scan3A_66 : i32 to index
      %swap3A_118 = arith.constant 112 : index
      %swap3A_119 = tpu.vector_load %arg15[%swap3A_117, %swap3A_118] {strides = array<i32>} : memref<96x128xf32, #tpu.memory_space<vmem>>, vector<1x16xf32>,
      %swap3A_120 = vector.shape_cast %swap3A_119 : vector<1x16xf32> to vector<16xf32>
      %swap3A_121 = vector.shape_cast %broadcast_in_dim3A_116 : vector<16xf32> to vector<1x16xf32>
      tpu.vector_store %arg15[%swap3A_117, %swap3A_118], %swap3A_121 {strides = array<i32>} : memref<96x128xf32, #tpu.memory_space<vmem>>, vector<1x16xf32>,
      %scan3A_122 = arith.constant 0 : i32
      scf.yield %scan3A_122 : i32
    }
    %scan3A_8 = arith.constant 80 : i32
    %scan3A_9 = arith.constant 0 : i32
    %scan3A_10 = arith.constant 0 : i32
    %scan3A_11 = arith.constant 8 : i32
    %scan3A_12 = arith.addi %scan3A_10, %scan3A_11 : i32
    %scan3A_13 = arith.constant 1 : i32
    %scan3A_14 = scf.for %scan3A_66 = %scan3A_10 to %scan3A_12 step %scan3A_13 iter_args(%scan3A_67 = %scan3A_9) -> (i32)  : i32 {
      %mul3A_68 = arith.constant 16 : i32
      %mul3A_69 = arith.muli %scan3A_66, %mul3A_68 : i32
      %add3A_70 = arith.addi %arg1, %mul3A_69 : i32
      %lt3A = arith.constant 125 : i32
      %lt3A_71 = arith.cmpi slt, %add3A_70, %lt3A : i32
      %convert_element_type3A = arith.extui %lt3A_71 : i1 to i32
      %cond3A = arith.constant 0 : i32
      %cond3A_72 = arith.cmpi ne, %convert_element_type3A, %cond3A : i32
      scf.if %cond3A_72 {
        %mul3A_74 = arith.constant 80 : i32
        %mul3A_75 = arith.muli %add3A_70, %mul3A_74 : i32
        "tpu.region"() ({
          %run_scoped3A = tpu.sem_alloc : memref<!tpu.dma_semaphore, #tpu.memory_space<semaphore_mem>>
          %dma_start3A_76 = arith.constant 0 : i32
          %dma_start3A_77 = arith.constant 0 : i32
          %dma_start3A_78 = tpu.memref_slice %arg15[%dma_start3A_76, %dma_start3A_77] : memref<96x128xf32, #tpu.memory_space<vmem>> -> memref<80x128xf32, #tpu.memory_space<vmem>>
          %dma_start3A_79 = arith.constant 0 : i32
          %dma_start3A_80 = tpu.memref_slice %arg28[%mul3A_75, %dma_start3A_79] : memref<10000x128xf32, #tpu.memory_space<vmem_shared>> -> memref<80x128xf32, #tpu.memory_space<vmem_shared>>
          %dma_start3A_81 = arith.constant 0 : i32
          %dma_start3A_82 = tpu.memref_slice %arg28[%mul3A_75, %dma_start3A_81] : memref<10000x128xf32, #tpu.memory_space<vmem_shared>> -> memref<80x128xf32, #tpu.memory_space<vmem_shared>>
          %dma_start3A_83 = arith.constant 0 : i32
          %dma_start3A_84 = arith.constant 0 : i32
          %dma_start3A_85 = tpu.memref_slice %arg15[%dma_start3A_83, %dma_start3A_84] : memref<96x128xf32, #tpu.memory_space<vmem>> -> memref<80x128xf32, #tpu.memory_space<vmem>>
          tpu.enqueue_dma source(%dma_start3A_85 : memref<80x128xf32, #tpu.memory_space<vmem>>) target(%dma_start3A_82 : memref<80x128xf32, #tpu.memory_space<vmem_shared>>) target_semaphore(%run_scoped3A : memref<!tpu.dma_semaphore, #tpu.memory_space<semaphore_mem>>)
          %dma_wait3A_86 = arith.constant 0 : i32
          %dma_wait3A_87 = arith.constant 0 : i32
          %dma_wait3A_88 = tpu.memref_slice %arg15[%dma_wait3A_86, %dma_wait3A_87] : memref<96x128xf32, #tpu.memory_space<vmem>> -> memref<80x128xf32, #tpu.memory_space<vmem>>
          %dma_wait3A_89 = arith.constant 0 : i32
          %dma_wait3A_90 = tpu.memref_slice %arg28[%mul3A_75, %dma_wait3A_89] : memref<10000x128xf32, #tpu.memory_space<vmem_shared>> -> memref<80x128xf32, #tpu.memory_space<vmem_shared>>
          %dma_wait3A_91 = arith.constant 0 : i32
          %dma_wait3A_92 = tpu.memref_slice %arg28[%mul3A_75, %dma_wait3A_91] : memref<10000x128xf32, #tpu.memory_space<vmem_shared>> -> memref<80x128xf32, #tpu.memory_space<vmem_shared>>
          %dma_wait3A_93 = arith.constant 0 : i32
          %dma_wait3A_94 = arith.constant 0 : i32
          %dma_wait3A_95 = tpu.memref_slice %arg15[%dma_wait3A_93, %dma_wait3A_94] : memref<96x128xf32, #tpu.memory_space<vmem>> -> memref<80x128xf32, #tpu.memory_space<vmem>>
          tpu.wait_dma2 semaphore(%run_scoped3A : memref<!tpu.dma_semaphore, #tpu.memory_space<semaphore_mem>>) src(%dma_wait3A_95 : memref<80x128xf32, #tpu.memory_space<vmem>>) dst(%dma_wait3A_92 : memref<80x128xf32, #tpu.memory_space<vmem_shared>>)
          tpu.yield
        }) : () -> ()
      } else {
      }
      %scan3A_73 = arith.constant 0 : i32
      scf.yield %scan3A_73 : i32
    }
    %scan3A_15 = arith.constant 8 : i32
    %barrier3A = arith.constant 0 : index
    tpu.barrier barrier_id(%barrier3A)
    %add3A_16 = arith.constant 0 : i32
    %add3A_17 = arith.addi %mul3A_2, %add3A_16 : i32
    %mul3A_18 = arith.constant 6 : i32
    %mul3A_19 = arith.muli %add3A_17, %mul3A_18 : i32
    %dma_start3A = tpu.memref_slice %arg3[%mul3A_19] : memref<602112xi32, #tpu.memory_space<hbm>> -> memref<96xi32, #tpu.memory_space<hbm>>
    %dma_start3A_20 = tpu.memref_slice %arg3[%mul3A_19] : memref<602112xi32, #tpu.memory_space<hbm>> -> memref<96xi32, #tpu.memory_space<hbm>>
    tpu.enqueue_dma source(%dma_start3A_20 : memref<96xi32, #tpu.memory_space<hbm>>) target(%arg8 : memref<96xi32, #tpu.memory_space<vmem>>) target_semaphore(%arg19 : memref<!tpu.dma_semaphore, #tpu.memory_space<semaphore_mem>>)
    %add3A_21 = arith.constant 0 : i32
    %add3A_22 = arith.addi %mul3A_2, %add3A_21 : i32
    %dma_start3A_23 = tpu.memref_slice %arg4[%add3A_22] : memref<100352xi32, #tpu.memory_space<hbm>> -> memref<16xi32, #tpu.memory_space<hbm>>
    %dma_start3A_24 = tpu.memref_slice %arg4[%add3A_22] : memref<100352xi32, #tpu.memory_space<hbm>> -> memref<16xi32, #tpu.memory_space<hbm>>
    tpu.enqueue_dma source(%dma_start3A_24 : memref<16xi32, #tpu.memory_space<hbm>>) target(%arg11 : memref<16xi32, #tpu.memory_space<vmem>>) target_semaphore(%arg21 : memref<!tpu.dma_semaphore, #tpu.memory_space<semaphore_mem>>)
    %add3A_25 = arith.constant 16 : i32
    %add3A_26 = arith.addi %mul3A_2, %add3A_25 : i32
    %mul3A_27 = arith.constant 6 : i32
    %mul3A_28 = arith.muli %add3A_26, %mul3A_27 : i32
    %dma_start3A_29 = tpu.memref_slice %arg3[%mul3A_28] : memref<602112xi32, #tpu.memory_space<hbm>> -> memref<96xi32, #tpu.memory_space<hbm>>
    %dma_start3A_30 = tpu.memref_slice %arg3[%mul3A_28] : memref<602112xi32, #tpu.memory_space<hbm>> -> memref<96xi32, #tpu.memory_space<hbm>>
    tpu.enqueue_dma source(%dma_start3A_30 : memref<96xi32, #tpu.memory_space<hbm>>) target(%arg9 : memref<96xi32, #tpu.memory_space<vmem>>) target_semaphore(%arg20 : memref<!tpu.dma_semaphore, #tpu.memory_space<semaphore_mem>>)
    %add3A_31 = arith.constant 16 : i32
    %add3A_32 = arith.addi %mul3A_2, %add3A_31 : i32
    %dma_start3A_33 = tpu.memref_slice %arg4[%add3A_32] : memref<100352xi32, #tpu.memory_space<hbm>> -> memref<16xi32, #tpu.memory_space<hbm>>
    %dma_start3A_34 = tpu.memref_slice %arg4[%add3A_32] : memref<100352xi32, #tpu.memory_space<hbm>> -> memref<16xi32, #tpu.memory_space<hbm>>
    tpu.enqueue_dma source(%dma_start3A_34 : memref<16xi32, #tpu.memory_space<hbm>>) target(%arg12 : memref<16xi32, #tpu.memory_space<vmem>>) target_semaphore(%arg22 : memref<!tpu.dma_semaphore, #tpu.memory_space<semaphore_mem>>)
    %dma_wait3A = arith.constant 0 : i32
    %dma_wait3A_35 = tpu.memref_slice %arg3[%dma_wait3A] : memref<602112xi32, #tpu.memory_space<hbm>> -> memref<96xi32, #tpu.memory_space<hbm>>
    %dma_wait3A_36 = arith.constant 0 : i32
    %dma_wait3A_37 = tpu.memref_slice %arg3[%dma_wait3A_36] : memref<602112xi32, #tpu.memory_space<hbm>> -> memref<96xi32, #tpu.memory_space<hbm>>
    tpu.wait_dma2 semaphore(%arg19 : memref<!tpu.dma_semaphore, #tpu.memory_space<semaphore_mem>>) src(%dma_wait3A_37 : memref<96xi32, #tpu.memory_space<hbm>>) dst(%arg8 : memref<96xi32, #tpu.memory_space<vmem>>)
    %dma_wait3A_38 = arith.constant 0 : i32
    %dma_wait3A_39 = tpu.memref_slice %arg4[%dma_wait3A_38] : memref<100352xi32, #tpu.memory_space<hbm>> -> memref<16xi32, #tpu.memory_space<hbm>>
    %dma_wait3A_40 = arith.constant 0 : i32
    %dma_wait3A_41 = tpu.memref_slice %arg4[%dma_wait3A_40] : memref<100352xi32, #tpu.memory_space<hbm>> -> memref<16xi32, #tpu.memory_space<hbm>>
    tpu.wait_dma2 semaphore(%arg21 : memref<!tpu.dma_semaphore, #tpu.memory_space<semaphore_mem>>) src(%dma_wait3A_41 : memref<16xi32, #tpu.memory_space<hbm>>) dst(%arg11 : memref<16xi32, #tpu.memory_space<vmem>>)
    %dma_start3A_42 = arith.constant 0 : i32
    %dma_start3A_43 = arith.constant 0 : i32
    %dma_start3A_44 = tpu.memref_slice %arg2[%dma_start3A_42, %dma_start3A_43] : memref<60000x128xf32, #tpu.memory_space<hbm>> -> memref<60000x128xf32, #tpu.memory_space<hbm>>
    tpu.enqueue_indirect_dma source(%dma_start3A_44 : memref<60000x128xf32, #tpu.memory_space<hbm>>) target(%arg13 : memref<96x128xf32, #tpu.memory_space<vmem>>) offsets(%arg8 : memref<96xi32, #tpu.memory_space<vmem>>) semaphore(%arg23 : memref<!tpu.dma_semaphore, #tpu.memory_space<semaphore_mem>>)
    %dma_start3A_45 = arith.constant 0 : i32
    %dma_start3A_46 = arith.constant 0 : i32
    %dma_start3A_47 = tpu.memref_slice %arg5[%dma_start3A_45, %dma_start3A_46] : memref<50x128xf32, #tpu.memory_space<hbm>> -> memref<50x128xf32, #tpu.memory_space<hbm>>
    tpu.enqueue_indirect_dma source(%dma_start3A_47 : memref<50x128xf32, #tpu.memory_space<hbm>>) target(%arg16 : memref<16x128xf32, #tpu.memory_space<vmem>>) offsets(%arg11 : memref<16xi32, #tpu.memory_space<vmem>>) semaphore(%arg25 : memref<!tpu.dma_semaphore, #tpu.memory_space<semaphore_mem>>)
    %scan3A_48 = arith.constant 0 : i32
    %scan3A_49 = arith.constant 0 : i32
    %scan3A_50 = arith.constant 98 : i32
    %scan3A_51 = arith.addi %scan3A_49, %scan3A_50 : i32
    %scan3A_52 = arith.constant 1 : i32
    %scan3A_53 = scf.for %scan3A_66 = %scan3A_49 to %scan3A_51 step %scan3A_52 iter_args(%scan3A_67 = %scan3A_48) -> (i32)  : i32 {
      %mul3A_68 = arith.constant 2 : i32
      %mul3A_69 = arith.muli %mul3A_68, %scan3A_66 : i32
      %add3A_70 = arith.constant 0 : i32
      %add3A_71 = arith.addi %mul3A_69, %add3A_70 : i32
      %dma_wait3A_72 = arith.constant 0 : i32
      %dma_wait3A_73 = tpu.memref_slice %arg3[%dma_wait3A_72] : memref<602112xi32, #tpu.memory_space<hbm>> -> memref<96xi32, #tpu.memory_space<hbm>>
      %dma_wait3A_74 = arith.constant 0 : i32
      %dma_wait3A_75 = tpu.memref_slice %arg3[%dma_wait3A_74] : memref<602112xi32, #tpu.memory_space<hbm>> -> memref<96xi32, #tpu.memory_space<hbm>>
      tpu.wait_dma2 semaphore(%arg20 : memref<!tpu.dma_semaphore, #tpu.memory_space<semaphore_mem>>) src(%dma_wait3A_75 : memref<96xi32, #tpu.memory_space<hbm>>) dst(%arg9 : memref<96xi32, #tpu.memory_space<vmem>>)
      %dma_wait3A_76 = arith.constant 0 : i32
      %dma_wait3A_77 = tpu.memref_slice %arg4[%dma_wait3A_76] : memref<100352xi32, #tpu.memory_space<hbm>> -> memref<16xi32, #tpu.memory_space<hbm>>
      %dma_wait3A_78 = arith.constant 0 : i32
      %dma_wait3A_79 = tpu.memref_slice %arg4[%dma_wait3A_78] : memref<100352xi32, #tpu.memory_space<hbm>> -> memref<16xi32, #tpu.memory_space<hbm>>
      tpu.wait_dma2 semaphore(%arg22 : memref<!tpu.dma_semaphore, #tpu.memory_space<semaphore_mem>>) src(%dma_wait3A_79 : memref<16xi32, #tpu.memory_space<hbm>>) dst(%arg12 : memref<16xi32, #tpu.memory_space<vmem>>)
      %dma_start3A_80 = arith.constant 0 : i32
      %dma_start3A_81 = arith.constant 0 : i32
      %dma_start3A_82 = tpu.memref_slice %arg2[%dma_start3A_80, %dma_start3A_81] : memref<60000x128xf32, #tpu.memory_space<hbm>> -> memref<60000x128xf32, #tpu.memory_space<hbm>>
      tpu.enqueue_indirect_dma source(%dma_start3A_82 : memref<60000x128xf32, #tpu.memory_space<hbm>>) target(%arg14 : memref<96x128xf32, #tpu.memory_space<vmem>>) offsets(%arg9 : memref<96xi32, #tpu.memory_space<vmem>>) semaphore(%arg24 : memref<!tpu.dma_semaphore, #tpu.memory_space<semaphore_mem>>)
      %dma_start3A_83 = arith.constant 0 : i32
      %dma_start3A_84 = arith.constant 0 : i32
      %dma_start3A_85 = tpu.memref_slice %arg5[%dma_start3A_83, %dma_start3A_84] : memref<50x128xf32, #tpu.memory_space<hbm>> -> memref<50x128xf32, #tpu.memory_space<hbm>>
      tpu.enqueue_indirect_dma source(%dma_start3A_85 : memref<50x128xf32, #tpu.memory_space<hbm>>) target(%arg17 : memref<16x128xf32, #tpu.memory_space<vmem>>) offsets(%arg12 : memref<16xi32, #tpu.memory_space<vmem>>) semaphore(%arg26 : memref<!tpu.dma_semaphore, #tpu.memory_space<semaphore_mem>>)
      %dma_wait3A_86 = arith.constant 0 : i32
      %dma_wait3A_87 = arith.constant 0 : i32
      %dma_wait3A_88 = tpu.memref_slice %arg2[%dma_wait3A_86, %dma_wait3A_87] : memref<60000x128xf32, #tpu.memory_space<hbm>> -> memref<60000x128xf32, #tpu.memory_space<hbm>>
      tpu.wait_indirect_dma semaphore(%arg23 : memref<!tpu.dma_semaphore, #tpu.memory_space<semaphore_mem>>) src(%dma_wait3A_88 : memref<60000x128xf32, #tpu.memory_space<hbm>>) dst(%arg13 : memref<96x128xf32, #tpu.memory_space<vmem>>)
      %ge3A = arith.constant 1 : i32
      %ge3A_89 = arith.cmpi sge, %add3A_71, %ge3A : i32
      %convert_element_type3A = arith.extui %ge3A_89 : i1 to i32
      %cond3A = arith.constant 0 : i32
      %cond3A_90 = arith.cmpi ne, %convert_element_type3A, %cond3A : i32
      scf.if %cond3A_90 {
        %dma_wait3A_293 = arith.constant 0 : i32
        %dma_wait3A_294 = arith.constant 0 : i32
        %dma_wait3A_295 = tpu.memref_slice %arg28[%dma_wait3A_293, %dma_wait3A_294] : memref<10000x128xf32, #tpu.memory_space<vmem_shared>> -> memref<10000x128xf32, #tpu.memory_space<vmem_shared>>
        tpu.wait_indirect_dma semaphore(%arg27 : memref<!tpu.dma_semaphore, #tpu.memory_space<semaphore_mem>>) src(%arg15 : memref<96x128xf32, #tpu.memory_space<vmem>>) dst(%dma_wait3A_295 : memref<10000x128xf32, #tpu.memory_space<vmem_shared>>)
      } else {
      }
      %get3A = arith.constant 0 : index
      %get3A_91 = tpu.vector_load %arg8[%get3A] {strides = array<i32>} : memref<96xi32, #tpu.memory_space<vmem>>, vector<16xi32>,
      %get3A_92 = vector.shape_cast %get3A_91 : vector<16xi32> to vector<16xi32>
      %get3A_93 = arith.constant 0 : index
      %get3A_94 = tpu.vector_load %arg18[%get3A_93] {strides = array<i32>} : memref<96xi32, #tpu.memory_space<vmem>>, vector<16xi32>,
      %get3A_95 = vector.shape_cast %get3A_94 : vector<16xi32> to vector<16xi32>
      %sub3A = arith.subi %get3A_92, %get3A_95 : vector<16xi32>
      %swap3A = arith.constant 0 : index
      %swap3A_96 = tpu.vector_load %arg10[%swap3A] {strides = array<i32>} : memref<96xi32, #tpu.memory_space<vmem>>, vector<16xi32>,
      %swap3A_97 = vector.shape_cast %swap3A_96 : vector<16xi32> to vector<16xi32>
      %swap3A_98 = vector.shape_cast %sub3A : vector<16xi32> to vector<16xi32>
      tpu.vector_store %arg10[%swap3A], %swap3A_98 {strides = array<i32>} : memref<96xi32, #tpu.memory_space<vmem>>, vector<16xi32>,
      %get3A_99 = arith.constant 16 : index
      %get3A_100 = tpu.vector_load %arg8[%get3A_99] {strides = array<i32>} : memref<96xi32, #tpu.memory_space<vmem>>, vector<16xi32>,
      %get3A_101 = vector.shape_cast %get3A_100 : vector<16xi32> to vector<16xi32>
      %get3A_102 = arith.constant 16 : index
      %get3A_103 = tpu.vector_load %arg18[%get3A_102] {strides = array<i32>} : memref<96xi32, #tpu.memory_space<vmem>>, vector<16xi32>,
      %get3A_104 = vector.shape_cast %get3A_103 : vector<16xi32> to vector<16xi32>
      %sub3A_105 = arith.subi %get3A_101, %get3A_104 : vector<16xi32>
      %swap3A_106 = arith.constant 16 : index
      %swap3A_107 = tpu.vector_load %arg10[%swap3A_106] {strides = array<i32>} : memref<96xi32, #tpu.memory_space<vmem>>, vector<16xi32>,
      %swap3A_108 = vector.shape_cast %swap3A_107 : vector<16xi32> to vector<16xi32>
      %swap3A_109 = vector.shape_cast %sub3A_105 : vector<16xi32> to vector<16xi32>
      tpu.vector_store %arg10[%swap3A_106], %swap3A_109 {strides = array<i32>} : memref<96xi32, #tpu.memory_space<vmem>>, vector<16xi32>,
      %get3A_110 = arith.constant 32 : index
      %get3A_111 = tpu.vector_load %arg8[%get3A_110] {strides = array<i32>} : memref<96xi32, #tpu.memory_space<vmem>>, vector<16xi32>,
      %get3A_112 = vector.shape_cast %get3A_111 : vector<16xi32> to vector<16xi32>
      %get3A_113 = arith.constant 32 : index
      %get3A_114 = tpu.vector_load %arg18[%get3A_113] {strides = array<i32>} : memref<96xi32, #tpu.memory_space<vmem>>, vector<16xi32>,
      %get3A_115 = vector.shape_cast %get3A_114 : vector<16xi32> to vector<16xi32>
      %sub3A_116 = arith.subi %get3A_112, %get3A_115 : vector<16xi32>
      %swap3A_117 = arith.constant 32 : index
      %swap3A_118 = tpu.vector_load %arg10[%swap3A_117] {strides = array<i32>} : memref<96xi32, #tpu.memory_space<vmem>>, vector<16xi32>,
      %swap3A_119 = vector.shape_cast %swap3A_118 : vector<16xi32> to vector<16xi32>
      %swap3A_120 = vector.shape_cast %sub3A_116 : vector<16xi32> to vector<16xi32>
      tpu.vector_store %arg10[%swap3A_117], %swap3A_120 {strides = array<i32>} : memref<96xi32, #tpu.memory_space<vmem>>, vector<16xi32>,
      %get3A_121 = arith.constant 48 : index
      %get3A_122 = tpu.vector_load %arg8[%get3A_121] {strides = array<i32>} : memref<96xi32, #tpu.memory_space<vmem>>, vector<16xi32>,
      %get3A_123 = vector.shape_cast %get3A_122 : vector<16xi32> to vector<16xi32>
      %get3A_124 = arith.constant 48 : index
      %get3A_125 = tpu.vector_load %arg18[%get3A_124] {strides = array<i32>} : memref<96xi32, #tpu.memory_space<vmem>>, vector<16xi32>,
      %get3A_126 = vector.shape_cast %get3A_125 : vector<16xi32> to vector<16xi32>
      %sub3A_127 = arith.subi %get3A_123, %get3A_126 : vector<16xi32>
      %swap3A_128 = arith.constant 48 : index
      %swap3A_129 = tpu.vector_load %arg10[%swap3A_128] {strides = array<i32>} : memref<96xi32, #tpu.memory_space<vmem>>, vector<16xi32>,
      %swap3A_130 = vector.shape_cast %swap3A_129 : vector<16xi32> to vector<16xi32>
      %swap3A_131 = vector.shape_cast %sub3A_127 : vector<16xi32> to vector<16xi32>
      tpu.vector_store %arg10[%swap3A_128], %swap3A_131 {strides = array<i32>} : memref<96xi32, #tpu.memory_space<vmem>>, vector<16xi32>,
      %get3A_132 = arith.constant 64 : index
      %get3A_133 = tpu.vector_load %arg8[%get3A_132] {strides = array<i32>} : memref<96xi32, #tpu.memory_space<vmem>>, vector<16xi32>,
      %get3A_134 = vector.shape_cast %get3A_133 : vector<16xi32> to vector<16xi32>
      %get3A_135 = arith.constant 64 : index
      %get3A_136 = tpu.vector_load %arg18[%get3A_135] {strides = array<i32>} : memref<96xi32, #tpu.memory_space<vmem>>, vector<16xi32>,
      %get3A_137 = vector.shape_cast %get3A_136 : vector<16xi32> to vector<16xi32>
      %sub3A_138 = arith.subi %get3A_134, %get3A_137 : vector<16xi32>
      %swap3A_139 = arith.constant 64 : index
      %swap3A_140 = tpu.vector_load %arg10[%swap3A_139] {strides = array<i32>} : memref<96xi32, #tpu.memory_space<vmem>>, vector<16xi32>,
      %swap3A_141 = vector.shape_cast %swap3A_140 : vector<16xi32> to vector<16xi32>
      %swap3A_142 = vector.shape_cast %sub3A_138 : vector<16xi32> to vector<16xi32>
      tpu.vector_store %arg10[%swap3A_139], %swap3A_142 {strides = array<i32>} : memref<96xi32, #tpu.memory_space<vmem>>, vector<16xi32>,
      %get3A_143 = arith.constant 80 : index
      %get3A_144 = tpu.vector_load %arg8[%get3A_143] {strides = array<i32>} : memref<96xi32, #tpu.memory_space<vmem>>, vector<16xi32>,
      %get3A_145 = vector.shape_cast %get3A_144 : vector<16xi32> to vector<16xi32>
      %get3A_146 = arith.constant 80 : index
      %get3A_147 = tpu.vector_load %arg18[%get3A_146] {strides = array<i32>} : memref<96xi32, #tpu.memory_space<vmem>>, vector<16xi32>,
      %get3A_148 = vector.shape_cast %get3A_147 : vector<16xi32> to vector<16xi32>
      %sub3A_149 = arith.subi %get3A_145, %get3A_148 : vector<16xi32>
      %swap3A_150 = arith.constant 80 : index
      %swap3A_151 = tpu.vector_load %arg10[%swap3A_150] {strides = array<i32>} : memref<96xi32, #tpu.memory_space<vmem>>, vector<16xi32>,
      %swap3A_152 = vector.shape_cast %swap3A_151 : vector<16xi32> to vector<16xi32>
      %swap3A_153 = vector.shape_cast %sub3A_149 : vector<16xi32> to vector<16xi32>
      tpu.vector_store %arg10[%swap3A_150], %swap3A_153 {strides = array<i32>} : memref<96xi32, #tpu.memory_space<vmem>>, vector<16xi32>,
      %add3A_154 = arith.constant 2 : i32
      %add3A_155 = arith.addi %add3A_71, %add3A_154 : i32
      %lt3A = arith.constant 196 : i32
      %lt3A_156 = arith.cmpi slt, %add3A_155, %lt3A : i32
      %convert_element_type3A_157 = arith.extui %lt3A_156 : i1 to i32
      %cond3A_158 = arith.constant 0 : i32
      %cond3A_159 = arith.cmpi ne, %convert_element_type3A_157, %cond3A_158 : i32
      scf.if %cond3A_159 {
        %add3A_293 = arith.constant 2 : i32
        %add3A_294 = arith.addi %add3A_71, %add3A_293 : i32
        %mul3A_295 = arith.constant 16 : i32
        %mul3A_296 = arith.muli %add3A_294, %mul3A_295 : i32
        %add3A_297 = arith.addi %mul3A_2, %mul3A_296 : i32
        %mul3A_298 = arith.constant 6 : i32
        %mul3A_299 = arith.muli %add3A_297, %mul3A_298 : i32
        %dma_start3A_300 = tpu.memref_slice %arg3[%mul3A_299] : memref<602112xi32, #tpu.memory_space<hbm>> -> memref<96xi32, #tpu.memory_space<hbm>>
        %dma_start3A_301 = tpu.memref_slice %arg3[%mul3A_299] : memref<602112xi32, #tpu.memory_space<hbm>> -> memref<96xi32, #tpu.memory_space<hbm>>
        tpu.enqueue_dma source(%dma_start3A_301 : memref<96xi32, #tpu.memory_space<hbm>>) target(%arg8 : memref<96xi32, #tpu.memory_space<vmem>>) target_semaphore(%arg19 : memref<!tpu.dma_semaphore, #tpu.memory_space<semaphore_mem>>)
      } else {
      }
      %dma_wait3A_160 = arith.constant 0 : i32
      %dma_wait3A_161 = arith.constant 0 : i32
      %dma_wait3A_162 = tpu.memref_slice %arg5[%dma_wait3A_160, %dma_wait3A_161] : memref<50x128xf32, #tpu.memory_space<hbm>> -> memref<50x128xf32, #tpu.memory_space<hbm>>
      tpu.wait_indirect_dma semaphore(%arg25 : memref<!tpu.dma_semaphore, #tpu.memory_space<semaphore_mem>>) src(%dma_wait3A_162 : memref<50x128xf32, #tpu.memory_space<hbm>>) dst(%arg16 : memref<16x128xf32, #tpu.memory_space<vmem>>)
      %scan3A_163 = arith.constant 0 : i32
      %scan3A_164 = arith.constant 0 : i32
      %scan3A_165 = arith.constant 8 : i32
      %scan3A_166 = arith.addi %scan3A_164, %scan3A_165 : i32
      %scan3A_167 = arith.constant 1 : i32
      %scan3A_168 = scf.for %scan3A_293 = %scan3A_164 to %scan3A_166 step %scan3A_167 iter_args(%scan3A_294 = %scan3A_163) -> (i32)  : i32 {
        %mul3A_295 = arith.constant 2 : i32
        %mul3A_296 = arith.muli %mul3A_295, %scan3A_293 : i32
        %mul3A_297 = arith.constant 6 : i32
        %mul3A_298 = arith.muli %mul3A_296, %mul3A_297 : i32
        %add3A_299 = arith.constant 0 : i32
        %add3A_300 = arith.addi %mul3A_298, %add3A_299 : i32
        %get3A_301 = arith.index_cast %add3A_300 : i32 to index
        %get3A_302 = arith.constant 0 : index
        %get3A_303 = tpu.vector_load %arg13[%get3A_301, %get3A_302] {strides = array<i32>} : memref<96x128xf32, #tpu.memory_space<vmem>>, vector<1x16xf32>,
        %get3A_304 = vector.shape_cast %get3A_303 : vector<1x16xf32> to vector<16xf32>
        %add3A_305 = arith.constant 1 : i32
        %add3A_306 = arith.addi %mul3A_298, %add3A_305 : i32
        %get3A_307 = arith.index_cast %add3A_306 : i32 to index
        %get3A_308 = arith.constant 0 : index
        %get3A_309 = tpu.vector_load %arg13[%get3A_307, %get3A_308] {strides = array<i32>} : memref<96x128xf32, #tpu.memory_space<vmem>>, vector<1x16xf32>,
        %get3A_310 = vector.shape_cast %get3A_309 : vector<1x16xf32> to vector<16xf32>
        %add3A_311 = arith.constant 2 : i32
        %add3A_312 = arith.addi %mul3A_298, %add3A_311 : i32
        %get3A_313 = arith.index_cast %add3A_312 : i32 to index
        %get3A_314 = arith.constant 0 : index
        %get3A_315 = tpu.vector_load %arg13[%get3A_313, %get3A_314] {strides = array<i32>} : memref<96x128xf32, #tpu.memory_space<vmem>>, vector<1x16xf32>,
        %get3A_316 = vector.shape_cast %get3A_315 : vector<1x16xf32> to vector<16xf32>
        %add3A_317 = arith.constant 3 : i32
        %add3A_318 = arith.addi %mul3A_298, %add3A_317 : i32
        %get3A_319 = arith.index_cast %add3A_318 : i32 to index
        %get3A_320 = arith.constant 0 : index
        %get3A_321 = tpu.vector_load %arg13[%get3A_319, %get3A_320] {strides = array<i32>} : memref<96x128xf32, #tpu.memory_space<vmem>>, vector<1x16xf32>,
        %get3A_322 = vector.shape_cast %get3A_321 : vector<1x16xf32> to vector<16xf32>
        %add3A_323 = arith.constant 4 : i32
        %add3A_324 = arith.addi %mul3A_298, %add3A_323 : i32
        %get3A_325 = arith.index_cast %add3A_324 : i32 to index
        %get3A_326 = arith.constant 0 : index
        %get3A_327 = tpu.vector_load %arg13[%get3A_325, %get3A_326] {strides = array<i32>} : memref<96x128xf32, #tpu.memory_space<vmem>>, vector<1x16xf32>,
        %get3A_328 = vector.shape_cast %get3A_327 : vector<1x16xf32> to vector<16xf32>
        %add3A_329 = arith.constant 5 : i32
        %add3A_330 = arith.addi %mul3A_298, %add3A_329 : i32
        %get3A_331 = arith.index_cast %add3A_330 : i32 to index
        %get3A_332 = arith.constant 0 : index
        %get3A_333 = tpu.vector_load %arg13[%get3A_331, %get3A_332] {strides = array<i32>} : memref<96x128xf32, #tpu.memory_space<vmem>>, vector<1x16xf32>,
        %get3A_334 = vector.shape_cast %get3A_333 : vector<1x16xf32> to vector<16xf32>
        %mul3A_335 = arith.mulf %get3A_304, %get3A_310 : vector<16xf32>
        %mul3A_336 = arith.mulf %mul3A_335, %get3A_316 : vector<16xf32>
        %mul3A_337 = arith.mulf %mul3A_336, %get3A_322 : vector<16xf32>
        %mul3A_338 = arith.mulf %mul3A_337, %get3A_328 : vector<16xf32>
        %mul3A_339 = arith.mulf %get3A_334, %get3A_328 : vector<16xf32>
        %mul3A_340 = arith.mulf %mul3A_339, %get3A_322 : vector<16xf32>
        %mul3A_341 = arith.mulf %mul3A_340, %get3A_316 : vector<16xf32>
        %mul3A_342 = arith.mulf %mul3A_341, %get3A_310 : vector<16xf32>
        %get3A_343 = arith.index_cast %mul3A_296 : i32 to index
        %get3A_344 = arith.constant 0 : index
        %get3A_345 = tpu.vector_load %arg16[%get3A_343, %get3A_344] {strides = array<i32>} : memref<16x128xf32, #tpu.memory_space<vmem>>, vector<1x16xf32>,
        %get3A_346 = vector.shape_cast %get3A_345 : vector<1x16xf32> to vector<16xf32>
        %mul3A_347 = arith.mulf %mul3A_342, %get3A_346 : vector<16xf32>
        %add3A_348 = arith.constant 0 : i32
        %add3A_349 = arith.addi %mul3A_298, %add3A_348 : i32
        %swap3A_350 = arith.index_cast %add3A_349 : i32 to index
        %swap3A_351 = arith.constant 0 : index
        %swap3A_352 = tpu.vector_load %arg15[%swap3A_350, %swap3A_351] {strides = array<i32>} : memref<96x128xf32, #tpu.memory_space<vmem>>, vector<1x16xf32>,
        %swap3A_353 = vector.shape_cast %swap3A_352 : vector<1x16xf32> to vector<16xf32>
        %swap3A_354 = vector.shape_cast %mul3A_347 : vector<16xf32> to vector<1x16xf32>
        tpu.vector_store %arg15[%swap3A_350, %swap3A_351], %swap3A_354 {strides = array<i32>} : memref<96x128xf32, #tpu.memory_space<vmem>>, vector<1x16xf32>,
        %mul3A_355 = arith.mulf %get3A_304, %mul3A_341 : vector<16xf32>
        %mul3A_356 = arith.mulf %mul3A_355, %get3A_346 : vector<16xf32>
        %add3A_357 = arith.constant 1 : i32
        %add3A_358 = arith.addi %mul3A_298, %add3A_357 : i32
        %swap3A_359 = arith.index_cast %add3A_358 : i32 to index
        %swap3A_360 = arith.constant 0 : index
        %swap3A_361 = tpu.vector_load %arg15[%swap3A_359, %swap3A_360] {strides = array<i32>} : memref<96x128xf32, #tpu.memory_space<vmem>>, vector<1x16xf32>,
        %swap3A_362 = vector.shape_cast %swap3A_361 : vector<1x16xf32> to vector<16xf32>
        %swap3A_363 = vector.shape_cast %mul3A_356 : vector<16xf32> to vector<1x16xf32>
        tpu.vector_store %arg15[%swap3A_359, %swap3A_360], %swap3A_363 {strides = array<i32>} : memref<96x128xf32, #tpu.memory_space<vmem>>, vector<1x16xf32>,
        %mul3A_364 = arith.mulf %mul3A_335, %mul3A_340 : vector<16xf32>
        %mul3A_365 = arith.mulf %mul3A_364, %get3A_346 : vector<16xf32>
        %add3A_366 = arith.constant 2 : i32
        %add3A_367 = arith.addi %mul3A_298, %add3A_366 : i32
        %swap3A_368 = arith.index_cast %add3A_367 : i32 to index
        %swap3A_369 = arith.constant 0 : index
        %swap3A_370 = tpu.vector_load %arg15[%swap3A_368, %swap3A_369] {strides = array<i32>} : memref<96x128xf32, #tpu.memory_space<vmem>>, vector<1x16xf32>,
        %swap3A_371 = vector.shape_cast %swap3A_370 : vector<1x16xf32> to vector<16xf32>
        %swap3A_372 = vector.shape_cast %mul3A_365 : vector<16xf32> to vector<1x16xf32>
        tpu.vector_store %arg15[%swap3A_368, %swap3A_369], %swap3A_372 {strides = array<i32>} : memref<96x128xf32, #tpu.memory_space<vmem>>, vector<1x16xf32>,
        %mul3A_373 = arith.mulf %mul3A_336, %mul3A_339 : vector<16xf32>
        %mul3A_374 = arith.mulf %mul3A_373, %get3A_346 : vector<16xf32>
        %add3A_375 = arith.constant 3 : i32
        %add3A_376 = arith.addi %mul3A_298, %add3A_375 : i32
        %swap3A_377 = arith.index_cast %add3A_376 : i32 to index
        %swap3A_378 = arith.constant 0 : index
        %swap3A_379 = tpu.vector_load %arg15[%swap3A_377, %swap3A_378] {strides = array<i32>} : memref<96x128xf32, #tpu.memory_space<vmem>>, vector<1x16xf32>,
        %swap3A_380 = vector.shape_cast %swap3A_379 : vector<1x16xf32> to vector<16xf32>
        %swap3A_381 = vector.shape_cast %mul3A_374 : vector<16xf32> to vector<1x16xf32>
        tpu.vector_store %arg15[%swap3A_377, %swap3A_378], %swap3A_381 {strides = array<i32>} : memref<96x128xf32, #tpu.memory_space<vmem>>, vector<1x16xf32>,
        %mul3A_382 = arith.mulf %mul3A_337, %get3A_334 : vector<16xf32>
        %mul3A_383 = arith.mulf %mul3A_382, %get3A_346 : vector<16xf32>
        %add3A_384 = arith.constant 4 : i32
        %add3A_385 = arith.addi %mul3A_298, %add3A_384 : i32
        %swap3A_386 = arith.index_cast %add3A_385 : i32 to index
        %swap3A_387 = arith.constant 0 : index
        %swap3A_388 = tpu.vector_load %arg15[%swap3A_386, %swap3A_387] {strides = array<i32>} : memref<96x128xf32, #tpu.memory_space<vmem>>, vector<1x16xf32>,
        %swap3A_389 = vector.shape_cast %swap3A_388 : vector<1x16xf32> to vector<16xf32>
        %swap3A_390 = vector.shape_cast %mul3A_383 : vector<16xf32> to vector<1x16xf32>
        tpu.vector_store %arg15[%swap3A_386, %swap3A_387], %swap3A_390 {strides = array<i32>} : memref<96x128xf32, #tpu.memory_space<vmem>>, vector<1x16xf32>,
        %mul3A_391 = arith.mulf %mul3A_338, %get3A_346 : vector<16xf32>
        %add3A_392 = arith.constant 5 : i32
        %add3A_393 = arith.addi %mul3A_298, %add3A_392 : i32
        %swap3A_394 = arith.index_cast %add3A_393 : i32 to index
        %swap3A_395 = arith.constant 0 : index
        %swap3A_396 = tpu.vector_load %arg15[%swap3A_394, %swap3A_395] {strides = array<i32>} : memref<96x128xf32, #tpu.memory_space<vmem>>, vector<1x16xf32>,
        %swap3A_397 = vector.shape_cast %swap3A_396 : vector<1x16xf32> to vector<16xf32>
        %swap3A_398 = vector.shape_cast %mul3A_391 : vector<16xf32> to vector<1x16xf32>
        tpu.vector_store %arg15[%swap3A_394, %swap3A_395], %swap3A_398 {strides = array<i32>} : memref<96x128xf32, #tpu.memory_space<vmem>>, vector<1x16xf32>,
        %add3A_399 = arith.constant 0 : i32
        %add3A_400 = arith.addi %mul3A_298, %add3A_399 : i32
        %get3A_401 = arith.index_cast %add3A_400 : i32 to index
        %get3A_402 = arith.constant 16 : index
        %get3A_403 = tpu.vector_load %arg13[%get3A_401, %get3A_402] {strides = array<i32>} : memref<96x128xf32, #tpu.memory_space<vmem>>, vector<1x16xf32>,
        %get3A_404 = vector.shape_cast %get3A_403 : vector<1x16xf32> to vector<16xf32>
        %add3A_405 = arith.constant 1 : i32
        %add3A_406 = arith.addi %mul3A_298, %add3A_405 : i32
        %get3A_407 = arith.index_cast %add3A_406 : i32 to index
        %get3A_408 = arith.constant 16 : index
        %get3A_409 = tpu.vector_load %arg13[%get3A_407, %get3A_408] {strides = array<i32>} : memref<96x128xf32, #tpu.memory_space<vmem>>, vector<1x16xf32>,
        %get3A_410 = vector.shape_cast %get3A_409 : vector<1x16xf32> to vector<16xf32>
        %add3A_411 = arith.constant 2 : i32
        %add3A_412 = arith.addi %mul3A_298, %add3A_411 : i32
        %get3A_413 = arith.index_cast %add3A_412 : i32 to index
        %get3A_414 = arith.constant 16 : index
        %get3A_415 = tpu.vector_load %arg13[%get3A_413, %get3A_414] {strides = array<i32>} : memref<96x128xf32, #tpu.memory_space<vmem>>, vector<1x16xf32>,
        %get3A_416 = vector.shape_cast %get3A_415 : vector<1x16xf32> to vector<16xf32>
        %add3A_417 = arith.constant 3 : i32
        %add3A_418 = arith.addi %mul3A_298, %add3A_417 : i32
        %get3A_419 = arith.index_cast %add3A_418 : i32 to index
        %get3A_420 = arith.constant 16 : index
        %get3A_421 = tpu.vector_load %arg13[%get3A_419, %get3A_420] {strides = array<i32>} : memref<96x128xf32, #tpu.memory_space<vmem>>, vector<1x16xf32>,
        %get3A_422 = vector.shape_cast %get3A_421 : vector<1x16xf32> to vector<16xf32>
        %add3A_423 = arith.constant 4 : i32
        %add3A_424 = arith.addi %mul3A_298, %add3A_423 : i32
        %get3A_425 = arith.index_cast %add3A_424 : i32 to index
        %get3A_426 = arith.constant 16 : index
        %get3A_427 = tpu.vector_load %arg13[%get3A_425, %get3A_426] {strides = array<i32>} : memref<96x128xf32, #tpu.memory_space<vmem>>, vector<1x16xf32>,
        %get3A_428 = vector.shape_cast %get3A_427 : vector<1x16xf32> to vector<16xf32>
        %add3A_429 = arith.constant 5 : i32
        %add3A_430 = arith.addi %mul3A_298, %add3A_429 : i32
        %get3A_431 = arith.index_cast %add3A_430 : i32 to index
        %get3A_432 = arith.constant 16 : index
        %get3A_433 = tpu.vector_load %arg13[%get3A_431, %get3A_432] {strides = array<i32>} : memref<96x128xf32, #tpu.memory_space<vmem>>, vector<1x16xf32>,
        %get3A_434 = vector.shape_cast %get3A_433 : vector<1x16xf32> to vector<16xf32>
        %mul3A_435 = arith.mulf %get3A_404, %get3A_410 : vector<16xf32>
        %mul3A_436 = arith.mulf %mul3A_435, %get3A_416 : vector<16xf32>
        %mul3A_437 = arith.mulf %mul3A_436, %get3A_422 : vector<16xf32>
        %mul3A_438 = arith.mulf %mul3A_437, %get3A_428 : vector<16xf32>
        %mul3A_439 = arith.mulf %get3A_434, %get3A_428 : vector<16xf32>
        %mul3A_440 = arith.mulf %mul3A_439, %get3A_422 : vector<16xf32>
        %mul3A_441 = arith.mulf %mul3A_440, %get3A_416 : vector<16xf32>
        %mul3A_442 = arith.mulf %mul3A_441, %get3A_410 : vector<16xf32>
        %get3A_443 = arith.index_cast %mul3A_296 : i32 to index
        %get3A_444 = arith.constant 16 : index
        %get3A_445 = tpu.vector_load %arg16[%get3A_443, %get3A_444] {strides = array<i32>} : memref<16x128xf32, #tpu.memory_space<vmem>>, vector<1x16xf32>,
        %get3A_446 = vector.shape_cast %get3A_445 : vector<1x16xf32> to vector<16xf32>
        %mul3A_447 = arith.mulf %mul3A_442, %get3A_446 : vector<16xf32>
        %add3A_448 = arith.constant 0 : i32
        %add3A_449 = arith.addi %mul3A_298, %add3A_448 : i32
        %swap3A_450 = arith.index_cast %add3A_449 : i32 to index
        %swap3A_451 = arith.constant 16 : index
        %swap3A_452 = tpu.vector_load %arg15[%swap3A_450, %swap3A_451] {strides = array<i32>} : memref<96x128xf32, #tpu.memory_space<vmem>>, vector<1x16xf32>,
        %swap3A_453 = vector.shape_cast %swap3A_452 : vector<1x16xf32> to vector<16xf32>
        %swap3A_454 = vector.shape_cast %mul3A_447 : vector<16xf32> to vector<1x16xf32>
        tpu.vector_store %arg15[%swap3A_450, %swap3A_451], %swap3A_454 {strides = array<i32>} : memref<96x128xf32, #tpu.memory_space<vmem>>, vector<1x16xf32>,
        %mul3A_455 = arith.mulf %get3A_404, %mul3A_441 : vector<16xf32>
        %mul3A_456 = arith.mulf %mul3A_455, %get3A_446 : vector<16xf32>
        %add3A_457 = arith.constant 1 : i32
        %add3A_458 = arith.addi %mul3A_298, %add3A_457 : i32
        %swap3A_459 = arith.index_cast %add3A_458 : i32 to index
        %swap3A_460 = arith.constant 16 : index
        %swap3A_461 = tpu.vector_load %arg15[%swap3A_459, %swap3A_460] {strides = array<i32>} : memref<96x128xf32, #tpu.memory_space<vmem>>, vector<1x16xf32>,
        %swap3A_462 = vector.shape_cast %swap3A_461 : vector<1x16xf32> to vector<16xf32>
        %swap3A_463 = vector.shape_cast %mul3A_456 : vector<16xf32> to vector<1x16xf32>
        tpu.vector_store %arg15[%swap3A_459, %swap3A_460], %swap3A_463 {strides = array<i32>} : memref<96x128xf32, #tpu.memory_space<vmem>>, vector<1x16xf32>,
        %mul3A_464 = arith.mulf %mul3A_435, %mul3A_440 : vector<16xf32>
        %mul3A_465 = arith.mulf %mul3A_464, %get3A_446 : vector<16xf32>
        %add3A_466 = arith.constant 2 : i32
        %add3A_467 = arith.addi %mul3A_298, %add3A_466 : i32
        %swap3A_468 = arith.index_cast %add3A_467 : i32 to index
        %swap3A_469 = arith.constant 16 : index
        %swap3A_470 = tpu.vector_load %arg15[%swap3A_468, %swap3A_469] {strides = array<i32>} : memref<96x128xf32, #tpu.memory_space<vmem>>, vector<1x16xf32>,
        %swap3A_471 = vector.shape_cast %swap3A_470 : vector<1x16xf32> to vector<16xf32>
        %swap3A_472 = vector.shape_cast %mul3A_465 : vector<16xf32> to vector<1x16xf32>
        tpu.vector_store %arg15[%swap3A_468, %swap3A_469], %swap3A_472 {strides = array<i32>} : memref<96x128xf32, #tpu.memory_space<vmem>>, vector<1x16xf32>,
        %mul3A_473 = arith.mulf %mul3A_436, %mul3A_439 : vector<16xf32>
        %mul3A_474 = arith.mulf %mul3A_473, %get3A_446 : vector<16xf32>
        %add3A_475 = arith.constant 3 : i32
        %add3A_476 = arith.addi %mul3A_298, %add3A_475 : i32
        %swap3A_477 = arith.index_cast %add3A_476 : i32 to index
        %swap3A_478 = arith.constant 16 : index
        %swap3A_479 = tpu.vector_load %arg15[%swap3A_477, %swap3A_478] {strides = array<i32>} : memref<96x128xf32, #tpu.memory_space<vmem>>, vector<1x16xf32>,
        %swap3A_480 = vector.shape_cast %swap3A_479 : vector<1x16xf32> to vector<16xf32>
        %swap3A_481 = vector.shape_cast %mul3A_474 : vector<16xf32> to vector<1x16xf32>
        tpu.vector_store %arg15[%swap3A_477, %swap3A_478], %swap3A_481 {strides = array<i32>} : memref<96x128xf32, #tpu.memory_space<vmem>>, vector<1x16xf32>,
        %mul3A_482 = arith.mulf %mul3A_437, %get3A_434 : vector<16xf32>
        %mul3A_483 = arith.mulf %mul3A_482, %get3A_446 : vector<16xf32>
        %add3A_484 = arith.constant 4 : i32
        %add3A_485 = arith.addi %mul3A_298, %add3A_484 : i32
        %swap3A_486 = arith.index_cast %add3A_485 : i32 to index
        %swap3A_487 = arith.constant 16 : index
        %swap3A_488 = tpu.vector_load %arg15[%swap3A_486, %swap3A_487] {strides = array<i32>} : memref<96x128xf32, #tpu.memory_space<vmem>>, vector<1x16xf32>,
        %swap3A_489 = vector.shape_cast %swap3A_488 : vector<1x16xf32> to vector<16xf32>
        %swap3A_490 = vector.shape_cast %mul3A_483 : vector<16xf32> to vector<1x16xf32>
        tpu.vector_store %arg15[%swap3A_486, %swap3A_487], %swap3A_490 {strides = array<i32>} : memref<96x128xf32, #tpu.memory_space<vmem>>, vector<1x16xf32>,
        %mul3A_491 = arith.mulf %mul3A_438, %get3A_446 : vector<16xf32>
        %add3A_492 = arith.constant 5 : i32
        %add3A_493 = arith.addi %mul3A_298, %add3A_492 : i32
        %swap3A_494 = arith.index_cast %add3A_493 : i32 to index
        %swap3A_495 = arith.constant 16 : index
        %swap3A_496 = tpu.vector_load %arg15[%swap3A_494, %swap3A_495] {strides = array<i32>} : memref<96x128xf32, #tpu.memory_space<vmem>>, vector<1x16xf32>,
        %swap3A_497 = vector.shape_cast %swap3A_496 : vector<1x16xf32> to vector<16xf32>
        %swap3A_498 = vector.shape_cast %mul3A_491 : vector<16xf32> to vector<1x16xf32>
        tpu.vector_store %arg15[%swap3A_494, %swap3A_495], %swap3A_498 {strides = array<i32>} : memref<96x128xf32, #tpu.memory_space<vmem>>, vector<1x16xf32>,
        %add3A_499 = arith.constant 0 : i32
        %add3A_500 = arith.addi %mul3A_298, %add3A_499 : i32
        %get3A_501 = arith.index_cast %add3A_500 : i32 to index
        %get3A_502 = arith.constant 32 : index
        %get3A_503 = tpu.vector_load %arg13[%get3A_501, %get3A_502] {strides = array<i32>} : memref<96x128xf32, #tpu.memory_space<vmem>>, vector<1x16xf32>,
        %get3A_504 = vector.shape_cast %get3A_503 : vector<1x16xf32> to vector<16xf32>
        %add3A_505 = arith.constant 1 : i32
        %add3A_506 = arith.addi %mul3A_298, %add3A_505 : i32
        %get3A_507 = arith.index_cast %add3A_506 : i32 to index
        %get3A_508 = arith.constant 32 : index
        %get3A_509 = tpu.vector_load %arg13[%get3A_507, %get3A_508] {strides = array<i32>} : memref<96x128xf32, #tpu.memory_space<vmem>>, vector<1x16xf32>,
        %get3A_510 = vector.shape_cast %get3A_509 : vector<1x16xf32> to vector<16xf32>
        %add3A_511 = arith.constant 2 : i32
        %add3A_512 = arith.addi %mul3A_298, %add3A_511 : i32
        %get3A_513 = arith.index_cast %add3A_512 : i32 to index
        %get3A_514 = arith.constant 32 : index
        %get3A_515 = tpu.vector_load %arg13[%get3A_513, %get3A_514] {strides = array<i32>} : memref<96x128xf32, #tpu.memory_space<vmem>>, vector<1x16xf32>,
        %get3A_516 = vector.shape_cast %get3A_515 : vector<1x16xf32> to vector<16xf32>
        %add3A_517 = arith.constant 3 : i32
        %add3A_518 = arith.addi %mul3A_298, %add3A_517 : i32
        %get3A_519 = arith.index_cast %add3A_518 : i32 to index
        %get3A_520 = arith.constant 32 : index
        %get3A_521 = tpu.vector_load %arg13[%get3A_519, %get3A_520] {strides = array<i32>} : memref<96x128xf32, #tpu.memory_space<vmem>>, vector<1x16xf32>,
        %get3A_522 = vector.shape_cast %get3A_521 : vector<1x16xf32> to vector<16xf32>
        %add3A_523 = arith.constant 4 : i32
        %add3A_524 = arith.addi %mul3A_298, %add3A_523 : i32
        %get3A_525 = arith.index_cast %add3A_524 : i32 to index
        %get3A_526 = arith.constant 32 : index
        %get3A_527 = tpu.vector_load %arg13[%get3A_525, %get3A_526] {strides = array<i32>} : memref<96x128xf32, #tpu.memory_space<vmem>>, vector<1x16xf32>,
        %get3A_528 = vector.shape_cast %get3A_527 : vector<1x16xf32> to vector<16xf32>
        %add3A_529 = arith.constant 5 : i32
        %add3A_530 = arith.addi %mul3A_298, %add3A_529 : i32
        %get3A_531 = arith.index_cast %add3A_530 : i32 to index
        %get3A_532 = arith.constant 32 : index
        %get3A_533 = tpu.vector_load %arg13[%get3A_531, %get3A_532] {strides = array<i32>} : memref<96x128xf32, #tpu.memory_space<vmem>>, vector<1x16xf32>,
        %get3A_534 = vector.shape_cast %get3A_533 : vector<1x16xf32> to vector<16xf32>
        %mul3A_535 = arith.mulf %get3A_504, %get3A_510 : vector<16xf32>
        %mul3A_536 = arith.mulf %mul3A_535, %get3A_516 : vector<16xf32>
        %mul3A_537 = arith.mulf %mul3A_536, %get3A_522 : vector<16xf32>
        %mul3A_538 = arith.mulf %mul3A_537, %get3A_528 : vector<16xf32>
        %mul3A_539 = arith.mulf %get3A_534, %get3A_528 : vector<16xf32>
        %mul3A_540 = arith.mulf %mul3A_539, %get3A_522 : vector<16xf32>
        %mul3A_541 = arith.mulf %mul3A_540, %get3A_516 : vector<16xf32>
        %mul3A_542 = arith.mulf %mul3A_541, %get3A_510 : vector<16xf32>
        %get3A_543 = arith.index_cast %mul3A_296 : i32 to index
        %get3A_544 = arith.constant 32 : index
        %get3A_545 = tpu.vector_load %arg16[%get3A_543, %get3A_544] {strides = array<i32>} : memref<16x128xf32, #tpu.memory_space<vmem>>, vector<1x16xf32>,
        %get3A_546 = vector.shape_cast %get3A_545 : vector<1x16xf32> to vector<16xf32>
        %mul3A_547 = arith.mulf %mul3A_542, %get3A_546 : vector<16xf32>
        %add3A_548 = arith.constant 0 : i32
        %add3A_549 = arith.addi %mul3A_298, %add3A_548 : i32
        %swap3A_550 = arith.index_cast %add3A_549 : i32 to index
        %swap3A_551 = arith.constant 32 : index
        %swap3A_552 = tpu.vector_load %arg15[%swap3A_550, %swap3A_551] {strides = array<i32>} : memref<96x128xf32, #tpu.memory_space<vmem>>, vector<1x16xf32>,
        %swap3A_553 = vector.shape_cast %swap3A_552 : vector<1x16xf32> to vector<16xf32>
        %swap3A_554 = vector.shape_cast %mul3A_547 : vector<16xf32> to vector<1x16xf32>
        tpu.vector_store %arg15[%swap3A_550, %swap3A_551], %swap3A_554 {strides = array<i32>} : memref<96x128xf32, #tpu.memory_space<vmem>>, vector<1x16xf32>,
        %mul3A_555 = arith.mulf %get3A_504, %mul3A_541 : vector<16xf32>
        %mul3A_556 = arith.mulf %mul3A_555, %get3A_546 : vector<16xf32>
        %add3A_557 = arith.constant 1 : i32
        %add3A_558 = arith.addi %mul3A_298, %add3A_557 : i32
        %swap3A_559 = arith.index_cast %add3A_558 : i32 to index
        %swap3A_560 = arith.constant 32 : index
        %swap3A_561 = tpu.vector_load %arg15[%swap3A_559, %swap3A_560] {strides = array<i32>} : memref<96x128xf32, #tpu.memory_space<vmem>>, vector<1x16xf32>,
        %swap3A_562 = vector.shape_cast %swap3A_561 : vector<1x16xf32> to vector<16xf32>
        %swap3A_563 = vector.shape_cast %mul3A_556 : vector<16xf32> to vector<1x16xf32>
        tpu.vector_store %arg15[%swap3A_559, %swap3A_560], %swap3A_563 {strides = array<i32>} : memref<96x128xf32, #tpu.memory_space<vmem>>, vector<1x16xf32>,
        %mul3A_564 = arith.mulf %mul3A_535, %mul3A_540 : vector<16xf32>
        %mul3A_565 = arith.mulf %mul3A_564, %get3A_546 : vector<16xf32>
        %add3A_566 = arith.constant 2 : i32
        %add3A_567 = arith.addi %mul3A_298, %add3A_566 : i32
        %swap3A_568 = arith.index_cast %add3A_567 : i32 to index
        %swap3A_569 = arith.constant 32 : index
        %swap3A_570 = tpu.vector_load %arg15[%swap3A_568, %swap3A_569] {strides = array<i32>} : memref<96x128xf32, #tpu.memory_space<vmem>>, vector<1x16xf32>,
        %swap3A_571 = vector.shape_cast %swap3A_570 : vector<1x16xf32> to vector<16xf32>
        %swap3A_572 = vector.shape_cast %mul3A_565 : vector<16xf32> to vector<1x16xf32>
        tpu.vector_store %arg15[%swap3A_568, %swap3A_569], %swap3A_572 {strides = array<i32>} : memref<96x128xf32, #tpu.memory_space<vmem>>, vector<1x16xf32>,
        %mul3A_573 = arith.mulf %mul3A_536, %mul3A_539 : vector<16xf32>
        %mul3A_574 = arith.mulf %mul3A_573, %get3A_546 : vector<16xf32>
        %add3A_575 = arith.constant 3 : i32
        %add3A_576 = arith.addi %mul3A_298, %add3A_575 : i32
        %swap3A_577 = arith.index_cast %add3A_576 : i32 to index
        %swap3A_578 = arith.constant 32 : index
        %swap3A_579 = tpu.vector_load %arg15[%swap3A_577, %swap3A_578] {strides = array<i32>} : memref<96x128xf32, #tpu.memory_space<vmem>>, vector<1x16xf32>,
        %swap3A_580 = vector.shape_cast %swap3A_579 : vector<1x16xf32> to vector<16xf32>
        %swap3A_581 = vector.shape_cast %mul3A_574 : vector<16xf32> to vector<1x16xf32>
        tpu.vector_store %arg15[%swap3A_577, %swap3A_578], %swap3A_581 {strides = array<i32>} : memref<96x128xf32, #tpu.memory_space<vmem>>, vector<1x16xf32>,
        %mul3A_582 = arith.mulf %mul3A_537, %get3A_534 : vector<16xf32>
        %mul3A_583 = arith.mulf %mul3A_582, %get3A_546 : vector<16xf32>
        %add3A_584 = arith.constant 4 : i32
        %add3A_585 = arith.addi %mul3A_298, %add3A_584 : i32
        %swap3A_586 = arith.index_cast %add3A_585 : i32 to index
        %swap3A_587 = arith.constant 32 : index
        %swap3A_588 = tpu.vector_load %arg15[%swap3A_586, %swap3A_587] {strides = array<i32>} : memref<96x128xf32, #tpu.memory_space<vmem>>, vector<1x16xf32>,
        %swap3A_589 = vector.shape_cast %swap3A_588 : vector<1x16xf32> to vector<16xf32>
        %swap3A_590 = vector.shape_cast %mul3A_583 : vector<16xf32> to vector<1x16xf32>
        tpu.vector_store %arg15[%swap3A_586, %swap3A_587], %swap3A_590 {strides = array<i32>} : memref<96x128xf32, #tpu.memory_space<vmem>>, vector<1x16xf32>,
        %mul3A_591 = arith.mulf %mul3A_538, %get3A_546 : vector<16xf32>
        %add3A_592 = arith.constant 5 : i32
        %add3A_593 = arith.addi %mul3A_298, %add3A_592 : i32
        %swap3A_594 = arith.index_cast %add3A_593 : i32 to index
        %swap3A_595 = arith.constant 32 : index
        %swap3A_596 = tpu.vector_load %arg15[%swap3A_594, %swap3A_595] {strides = array<i32>} : memref<96x128xf32, #tpu.memory_space<vmem>>, vector<1x16xf32>,
        %swap3A_597 = vector.shape_cast %swap3A_596 : vector<1x16xf32> to vector<16xf32>
        %swap3A_598 = vector.shape_cast %mul3A_591 : vector<16xf32> to vector<1x16xf32>
        tpu.vector_store %arg15[%swap3A_594, %swap3A_595], %swap3A_598 {strides = array<i32>} : memref<96x128xf32, #tpu.memory_space<vmem>>, vector<1x16xf32>,
        %add3A_599 = arith.constant 0 : i32
        %add3A_600 = arith.addi %mul3A_298, %add3A_599 : i32
        %get3A_601 = arith.index_cast %add3A_600 : i32 to index
        %get3A_602 = arith.constant 48 : index
        %get3A_603 = tpu.vector_load %arg13[%get3A_601, %get3A_602] {strides = array<i32>} : memref<96x128xf32, #tpu.memory_space<vmem>>, vector<1x16xf32>,
        %get3A_604 = vector.shape_cast %get3A_603 : vector<1x16xf32> to vector<16xf32>
        %add3A_605 = arith.constant 1 : i32
        %add3A_606 = arith.addi %mul3A_298, %add3A_605 : i32
        %get3A_607 = arith.index_cast %add3A_606 : i32 to index
        %get3A_608 = arith.constant 48 : index
        %get3A_609 = tpu.vector_load %arg13[%get3A_607, %get3A_608] {strides = array<i32>} : memref<96x128xf32, #tpu.memory_space<vmem>>, vector<1x16xf32>,
        %get3A_610 = vector.shape_cast %get3A_609 : vector<1x16xf32> to vector<16xf32>
        %add3A_611 = arith.constant 2 : i32
        %add3A_612 = arith.addi %mul3A_298, %add3A_611 : i32
        %get3A_613 = arith.index_cast %add3A_612 : i32 to index
        %get3A_614 = arith.constant 48 : index
        %get3A_615 = tpu.vector_load %arg13[%get3A_613, %get3A_614] {strides = array<i32>} : memref<96x128xf32, #tpu.memory_space<vmem>>, vector<1x16xf32>,
        %get3A_616 = vector.shape_cast %get3A_615 : vector<1x16xf32> to vector<16xf32>
        %add3A_617 = arith.constant 3 : i32
        %add3A_618 = arith.addi %mul3A_298, %add3A_617 : i32
        %get3A_619 = arith.index_cast %add3A_618 : i32 to index
        %get3A_620 = arith.constant 48 : index
        %get3A_621 = tpu.vector_load %arg13[%get3A_619, %get3A_620] {strides = array<i32>} : memref<96x128xf32, #tpu.memory_space<vmem>>, vector<1x16xf32>,
        %get3A_622 = vector.shape_cast %get3A_621 : vector<1x16xf32> to vector<16xf32>
        %add3A_623 = arith.constant 4 : i32
        %add3A_624 = arith.addi %mul3A_298, %add3A_623 : i32
        %get3A_625 = arith.index_cast %add3A_624 : i32 to index
        %get3A_626 = arith.constant 48 : index
        %get3A_627 = tpu.vector_load %arg13[%get3A_625, %get3A_626] {strides = array<i32>} : memref<96x128xf32, #tpu.memory_space<vmem>>, vector<1x16xf32>,
        %get3A_628 = vector.shape_cast %get3A_627 : vector<1x16xf32> to vector<16xf32>
        %add3A_629 = arith.constant 5 : i32
        %add3A_630 = arith.addi %mul3A_298, %add3A_629 : i32
        %get3A_631 = arith.index_cast %add3A_630 : i32 to index
        %get3A_632 = arith.constant 48 : index
        %get3A_633 = tpu.vector_load %arg13[%get3A_631, %get3A_632] {strides = array<i32>} : memref<96x128xf32, #tpu.memory_space<vmem>>, vector<1x16xf32>,
        %get3A_634 = vector.shape_cast %get3A_633 : vector<1x16xf32> to vector<16xf32>
        %mul3A_635 = arith.mulf %get3A_604, %get3A_610 : vector<16xf32>
        %mul3A_636 = arith.mulf %mul3A_635, %get3A_616 : vector<16xf32>
        %mul3A_637 = arith.mulf %mul3A_636, %get3A_622 : vector<16xf32>
        %mul3A_638 = arith.mulf %mul3A_637, %get3A_628 : vector<16xf32>
        %mul3A_639 = arith.mulf %get3A_634, %get3A_628 : vector<16xf32>
        %mul3A_640 = arith.mulf %mul3A_639, %get3A_622 : vector<16xf32>
        %mul3A_641 = arith.mulf %mul3A_640, %get3A_616 : vector<16xf32>
        %mul3A_642 = arith.mulf %mul3A_641, %get3A_610 : vector<16xf32>
        %get3A_643 = arith.index_cast %mul3A_296 : i32 to index
        %get3A_644 = arith.constant 48 : index
        %get3A_645 = tpu.vector_load %arg16[%get3A_643, %get3A_644] {strides = array<i32>} : memref<16x128xf32, #tpu.memory_space<vmem>>, vector<1x16xf32>,
        %get3A_646 = vector.shape_cast %get3A_645 : vector<1x16xf32> to vector<16xf32>
        %mul3A_647 = arith.mulf %mul3A_642, %get3A_646 : vector<16xf32>
        %add3A_648 = arith.constant 0 : i32
        %add3A_649 = arith.addi %mul3A_298, %add3A_648 : i32
        %swap3A_650 = arith.index_cast %add3A_649 : i32 to index
        %swap3A_651 = arith.constant 48 : index
        %swap3A_652 = tpu.vector_load %arg15[%swap3A_650, %swap3A_651] {strides = array<i32>} : memref<96x128xf32, #tpu.memory_space<vmem>>, vector<1x16xf32>,
        %swap3A_653 = vector.shape_cast %swap3A_652 : vector<1x16xf32> to vector<16xf32>
        %swap3A_654 = vector.shape_cast %mul3A_647 : vector<16xf32> to vector<1x16xf32>
        tpu.vector_store %arg15[%swap3A_650, %swap3A_651], %swap3A_654 {strides = array<i32>} : memref<96x128xf32, #tpu.memory_space<vmem>>, vector<1x16xf32>,
        %mul3A_655 = arith.mulf %get3A_604, %mul3A_641 : vector<16xf32>
        %mul3A_656 = arith.mulf %mul3A_655, %get3A_646 : vector<16xf32>
        %add3A_657 = arith.constant 1 : i32
        %add3A_658 = arith.addi %mul3A_298, %add3A_657 : i32
        %swap3A_659 = arith.index_cast %add3A_658 : i32 to index
        %swap3A_660 = arith.constant 48 : index
        %swap3A_661 = tpu.vector_load %arg15[%swap3A_659, %swap3A_660] {strides = array<i32>} : memref<96x128xf32, #tpu.memory_space<vmem>>, vector<1x16xf32>,
        %swap3A_662 = vector.shape_cast %swap3A_661 : vector<1x16xf32> to vector<16xf32>
        %swap3A_663 = vector.shape_cast %mul3A_656 : vector<16xf32> to vector<1x16xf32>
        tpu.vector_store %arg15[%swap3A_659, %swap3A_660], %swap3A_663 {strides = array<i32>} : memref<96x128xf32, #tpu.memory_space<vmem>>, vector<1x16xf32>,
        %mul3A_664 = arith.mulf %mul3A_635, %mul3A_640 : vector<16xf32>
        %mul3A_665 = arith.mulf %mul3A_664, %get3A_646 : vector<16xf32>
        %add3A_666 = arith.constant 2 : i32
        %add3A_667 = arith.addi %mul3A_298, %add3A_666 : i32
        %swap3A_668 = arith.index_cast %add3A_667 : i32 to index
        %swap3A_669 = arith.constant 48 : index
        %swap3A_670 = tpu.vector_load %arg15[%swap3A_668, %swap3A_669] {strides = array<i32>} : memref<96x128xf32, #tpu.memory_space<vmem>>, vector<1x16xf32>,
        %swap3A_671 = vector.shape_cast %swap3A_670 : vector<1x16xf32> to vector<16xf32>
        %swap3A_672 = vector.shape_cast %mul3A_665 : vector<16xf32> to vector<1x16xf32>
        tpu.vector_store %arg15[%swap3A_668, %swap3A_669], %swap3A_672 {strides = array<i32>} : memref<96x128xf32, #tpu.memory_space<vmem>>, vector<1x16xf32>,
        %mul3A_673 = arith.mulf %mul3A_636, %mul3A_639 : vector<16xf32>
        %mul3A_674 = arith.mulf %mul3A_673, %get3A_646 : vector<16xf32>
        %add3A_675 = arith.constant 3 : i32
        %add3A_676 = arith.addi %mul3A_298, %add3A_675 : i32
        %swap3A_677 = arith.index_cast %add3A_676 : i32 to index
        %swap3A_678 = arith.constant 48 : index
        %swap3A_679 = tpu.vector_load %arg15[%swap3A_677, %swap3A_678] {strides = array<i32>} : memref<96x128xf32, #tpu.memory_space<vmem>>, vector<1x16xf32>,
        %swap3A_680 = vector.shape_cast %swap3A_679 : vector<1x16xf32> to vector<16xf32>
        %swap3A_681 = vector.shape_cast %mul3A_674 : vector<16xf32> to vector<1x16xf32>
        tpu.vector_store %arg15[%swap3A_677, %swap3A_678], %swap3A_681 {strides = array<i32>} : memref<96x128xf32, #tpu.memory_space<vmem>>, vector<1x16xf32>,
        %mul3A_682 = arith.mulf %mul3A_637, %get3A_634 : vector<16xf32>
        %mul3A_683 = arith.mulf %mul3A_682, %get3A_646 : vector<16xf32>
        %add3A_684 = arith.constant 4 : i32
        %add3A_685 = arith.addi %mul3A_298, %add3A_684 : i32
        %swap3A_686 = arith.index_cast %add3A_685 : i32 to index
        %swap3A_687 = arith.constant 48 : index
        %swap3A_688 = tpu.vector_load %arg15[%swap3A_686, %swap3A_687] {strides = array<i32>} : memref<96x128xf32, #tpu.memory_space<vmem>>, vector<1x16xf32>,
        %swap3A_689 = vector.shape_cast %swap3A_688 : vector<1x16xf32> to vector<16xf32>
        %swap3A_690 = vector.shape_cast %mul3A_683 : vector<16xf32> to vector<1x16xf32>
        tpu.vector_store %arg15[%swap3A_686, %swap3A_687], %swap3A_690 {strides = array<i32>} : memref<96x128xf32, #tpu.memory_space<vmem>>, vector<1x16xf32>,
        %mul3A_691 = arith.mulf %mul3A_638, %get3A_646 : vector<16xf32>
        %add3A_692 = arith.constant 5 : i32
        %add3A_693 = arith.addi %mul3A_298, %add3A_692 : i32
        %swap3A_694 = arith.index_cast %add3A_693 : i32 to index
        %swap3A_695 = arith.constant 48 : index
        %swap3A_696 = tpu.vector_load %arg15[%swap3A_694, %swap3A_695] {strides = array<i32>} : memref<96x128xf32, #tpu.memory_space<vmem>>, vector<1x16xf32>,
        %swap3A_697 = vector.shape_cast %swap3A_696 : vector<1x16xf32> to vector<16xf32>
        %swap3A_698 = vector.shape_cast %mul3A_691 : vector<16xf32> to vector<1x16xf32>
        tpu.vector_store %arg15[%swap3A_694, %swap3A_695], %swap3A_698 {strides = array<i32>} : memref<96x128xf32, #tpu.memory_space<vmem>>, vector<1x16xf32>,
        %add3A_699 = arith.constant 0 : i32
        %add3A_700 = arith.addi %mul3A_298, %add3A_699 : i32
        %get3A_701 = arith.index_cast %add3A_700 : i32 to index
        %get3A_702 = arith.constant 64 : index
        %get3A_703 = tpu.vector_load %arg13[%get3A_701, %get3A_702] {strides = array<i32>} : memref<96x128xf32, #tpu.memory_space<vmem>>, vector<1x16xf32>,
        %get3A_704 = vector.shape_cast %get3A_703 : vector<1x16xf32> to vector<16xf32>
        %add3A_705 = arith.constant 1 : i32
        %add3A_706 = arith.addi %mul3A_298, %add3A_705 : i32
        %get3A_707 = arith.index_cast %add3A_706 : i32 to index
        %get3A_708 = arith.constant 64 : index
        %get3A_709 = tpu.vector_load %arg13[%get3A_707, %get3A_708] {strides = array<i32>} : memref<96x128xf32, #tpu.memory_space<vmem>>, vector<1x16xf32>,
        %get3A_710 = vector.shape_cast %get3A_709 : vector<1x16xf32> to vector<16xf32>
        %add3A_711 = arith.constant 2 : i32
        %add3A_712 = arith.addi %mul3A_298, %add3A_711 : i32
        %get3A_713 = arith.index_cast %add3A_712 : i32 to index
        %get3A_714 = arith.constant 64 : index
        %get3A_715 = tpu.vector_load %arg13[%get3A_713, %get3A_714] {strides = array<i32>} : memref<96x128xf32, #tpu.memory_space<vmem>>, vector<1x16xf32>,
        %get3A_716 = vector.shape_cast %get3A_715 : vector<1x16xf32> to vector<16xf32>
        %add3A_717 = arith.constant 3 : i32
        %add3A_718 = arith.addi %mul3A_298, %add3A_717 : i32
        %get3A_719 = arith.index_cast %add3A_718 : i32 to index
        %get3A_720 = arith.constant 64 : index
        %get3A_721 = tpu.vector_load %arg13[%get3A_719, %get3A_720] {strides = array<i32>} : memref<96x128xf32, #tpu.memory_space<vmem>>, vector<1x16xf32>,
        %get3A_722 = vector.shape_cast %get3A_721 : vector<1x16xf32> to vector<16xf32>
        %add3A_723 = arith.constant 4 : i32
        %add3A_724 = arith.addi %mul3A_298, %add3A_723 : i32
        %get3A_725 = arith.index_cast %add3A_724 : i32 to index
        %get3A_726 = arith.constant 64 : index
        %get3A_727 = tpu.vector_load %arg13[%get3A_725, %get3A_726] {strides = array<i32>} : memref<96x128xf32, #tpu.memory_space<vmem>>, vector<1x16xf32>,
        %get3A_728 = vector.shape_cast %get3A_727 : vector<1x16xf32> to vector<16xf32>
        %add3A_729 = arith.constant 5 : i32
        %add3A_730 = arith.addi %mul3A_298, %add3A_729 : i32
        %get3A_731 = arith.index_cast %add3A_730 : i32 to index
        %get3A_732 = arith.constant 64 : index
        %get3A_733 = tpu.vector_load %arg13[%get3A_731, %get3A_732] {strides = array<i32>} : memref<96x128xf32, #tpu.memory_space<vmem>>, vector<1x16xf32>,
        %get3A_734 = vector.shape_cast %get3A_733 : vector<1x16xf32> to vector<16xf32>
        %mul3A_735 = arith.mulf %get3A_704, %get3A_710 : vector<16xf32>
        %mul3A_736 = arith.mulf %mul3A_735, %get3A_716 : vector<16xf32>
        %mul3A_737 = arith.mulf %mul3A_736, %get3A_722 : vector<16xf32>
        %mul3A_738 = arith.mulf %mul3A_737, %get3A_728 : vector<16xf32>
        %mul3A_739 = arith.mulf %get3A_734, %get3A_728 : vector<16xf32>
        %mul3A_740 = arith.mulf %mul3A_739, %get3A_722 : vector<16xf32>
        %mul3A_741 = arith.mulf %mul3A_740, %get3A_716 : vector<16xf32>
        %mul3A_742 = arith.mulf %mul3A_741, %get3A_710 : vector<16xf32>
        %get3A_743 = arith.index_cast %mul3A_296 : i32 to index
        %get3A_744 = arith.constant 64 : index
        %get3A_745 = tpu.vector_load %arg16[%get3A_743, %get3A_744] {strides = array<i32>} : memref<16x128xf32, #tpu.memory_space<vmem>>, vector<1x16xf32>,
        %get3A_746 = vector.shape_cast %get3A_745 : vector<1x16xf32> to vector<16xf32>
        %mul3A_747 = arith.mulf %mul3A_742, %get3A_746 : vector<16xf32>
        %add3A_748 = arith.constant 0 : i32
        %add3A_749 = arith.addi %mul3A_298, %add3A_748 : i32
        %swap3A_750 = arith.index_cast %add3A_749 : i32 to index
        %swap3A_751 = arith.constant 64 : index
        %swap3A_752 = tpu.vector_load %arg15[%swap3A_750, %swap3A_751] {strides = array<i32>} : memref<96x128xf32, #tpu.memory_space<vmem>>, vector<1x16xf32>,
        %swap3A_753 = vector.shape_cast %swap3A_752 : vector<1x16xf32> to vector<16xf32>
        %swap3A_754 = vector.shape_cast %mul3A_747 : vector<16xf32> to vector<1x16xf32>
        tpu.vector_store %arg15[%swap3A_750, %swap3A_751], %swap3A_754 {strides = array<i32>} : memref<96x128xf32, #tpu.memory_space<vmem>>, vector<1x16xf32>,
        %mul3A_755 = arith.mulf %get3A_704, %mul3A_741 : vector<16xf32>
        %mul3A_756 = arith.mulf %mul3A_755, %get3A_746 : vector<16xf32>
        %add3A_757 = arith.constant 1 : i32
        %add3A_758 = arith.addi %mul3A_298, %add3A_757 : i32
        %swap3A_759 = arith.index_cast %add3A_758 : i32 to index
        %swap3A_760 = arith.constant 64 : index
        %swap3A_761 = tpu.vector_load %arg15[%swap3A_759, %swap3A_760] {strides = array<i32>} : memref<96x128xf32, #tpu.memory_space<vmem>>, vector<1x16xf32>,
        %swap3A_762 = vector.shape_cast %swap3A_761 : vector<1x16xf32> to vector<16xf32>
        %swap3A_763 = vector.shape_cast %mul3A_756 : vector<16xf32> to vector<1x16xf32>
        tpu.vector_store %arg15[%swap3A_759, %swap3A_760], %swap3A_763 {strides = array<i32>} : memref<96x128xf32, #tpu.memory_space<vmem>>, vector<1x16xf32>,
        %mul3A_764 = arith.mulf %mul3A_735, %mul3A_740 : vector<16xf32>
        %mul3A_765 = arith.mulf %mul3A_764, %get3A_746 : vector<16xf32>
        %add3A_766 = arith.constant 2 : i32
        %add3A_767 = arith.addi %mul3A_298, %add3A_766 : i32
        %swap3A_768 = arith.index_cast %add3A_767 : i32 to index
        %swap3A_769 = arith.constant 64 : index
        %swap3A_770 = tpu.vector_load %arg15[%swap3A_768, %swap3A_769] {strides = array<i32>} : memref<96x128xf32, #tpu.memory_space<vmem>>, vector<1x16xf32>,
        %swap3A_771 = vector.shape_cast %swap3A_770 : vector<1x16xf32> to vector<16xf32>
        %swap3A_772 = vector.shape_cast %mul3A_765 : vector<16xf32> to vector<1x16xf32>
        tpu.vector_store %arg15[%swap3A_768, %swap3A_769], %swap3A_772 {strides = array<i32>} : memref<96x128xf32, #tpu.memory_space<vmem>>, vector<1x16xf32>,
        %mul3A_773 = arith.mulf %mul3A_736, %mul3A_739 : vector<16xf32>
        %mul3A_774 = arith.mulf %mul3A_773, %get3A_746 : vector<16xf32>
        %add3A_775 = arith.constant 3 : i32
        %add3A_776 = arith.addi %mul3A_298, %add3A_775 : i32
        %swap3A_777 = arith.index_cast %add3A_776 : i32 to index
        %swap3A_778 = arith.constant 64 : index
        %swap3A_779 = tpu.vector_load %arg15[%swap3A_777, %swap3A_778] {strides = array<i32>} : memref<96x128xf32, #tpu.memory_space<vmem>>, vector<1x16xf32>,
        %swap3A_780 = vector.shape_cast %swap3A_779 : vector<1x16xf32> to vector<16xf32>
        %swap3A_781 = vector.shape_cast %mul3A_774 : vector<16xf32> to vector<1x16xf32>
        tpu.vector_store %arg15[%swap3A_777, %swap3A_778], %swap3A_781 {strides = array<i32>} : memref<96x128xf32, #tpu.memory_space<vmem>>, vector<1x16xf32>,
        %mul3A_782 = arith.mulf %mul3A_737, %get3A_734 : vector<16xf32>
        %mul3A_783 = arith.mulf %mul3A_782, %get3A_746 : vector<16xf32>
        %add3A_784 = arith.constant 4 : i32
        %add3A_785 = arith.addi %mul3A_298, %add3A_784 : i32
        %swap3A_786 = arith.index_cast %add3A_785 : i32 to index
        %swap3A_787 = arith.constant 64 : index
        %swap3A_788 = tpu.vector_load %arg15[%swap3A_786, %swap3A_787] {strides = array<i32>} : memref<96x128xf32, #tpu.memory_space<vmem>>, vector<1x16xf32>,
        %swap3A_789 = vector.shape_cast %swap3A_788 : vector<1x16xf32> to vector<16xf32>
        %swap3A_790 = vector.shape_cast %mul3A_783 : vector<16xf32> to vector<1x16xf32>
        tpu.vector_store %arg15[%swap3A_786, %swap3A_787], %swap3A_790 {strides = array<i32>} : memref<96x128xf32, #tpu.memory_space<vmem>>, vector<1x16xf32>,
        %mul3A_791 = arith.mulf %mul3A_738, %get3A_746 : vector<16xf32>
        %add3A_792 = arith.constant 5 : i32
        %add3A_793 = arith.addi %mul3A_298, %add3A_792 : i32
        %swap3A_794 = arith.index_cast %add3A_793 : i32 to index
        %swap3A_795 = arith.constant 64 : index
        %swap3A_796 = tpu.vector_load %arg15[%swap3A_794, %swap3A_795] {strides = array<i32>} : memref<96x128xf32, #tpu.memory_space<vmem>>, vector<1x16xf32>,
        %swap3A_797 = vector.shape_cast %swap3A_796 : vector<1x16xf32> to vector<16xf32>
        %swap3A_798 = vector.shape_cast %mul3A_791 : vector<16xf32> to vector<1x16xf32>
        tpu.vector_store %arg15[%swap3A_794, %swap3A_795], %swap3A_798 {strides = array<i32>} : memref<96x128xf32, #tpu.memory_space<vmem>>, vector<1x16xf32>,
        %add3A_799 = arith.constant 0 : i32
        %add3A_800 = arith.addi %mul3A_298, %add3A_799 : i32
        %get3A_801 = arith.index_cast %add3A_800 : i32 to index
        %get3A_802 = arith.constant 80 : index
        %get3A_803 = tpu.vector_load %arg13[%get3A_801, %get3A_802] {strides = array<i32>} : memref<96x128xf32, #tpu.memory_space<vmem>>, vector<1x16xf32>,
        %get3A_804 = vector.shape_cast %get3A_803 : vector<1x16xf32> to vector<16xf32>
        %add3A_805 = arith.constant 1 : i32
        %add3A_806 = arith.addi %mul3A_298, %add3A_805 : i32
        %get3A_807 = arith.index_cast %add3A_806 : i32 to index
        %get3A_808 = arith.constant 80 : index
        %get3A_809 = tpu.vector_load %arg13[%get3A_807, %get3A_808] {strides = array<i32>} : memref<96x128xf32, #tpu.memory_space<vmem>>, vector<1x16xf32>,
        %get3A_810 = vector.shape_cast %get3A_809 : vector<1x16xf32> to vector<16xf32>
        %add3A_811 = arith.constant 2 : i32
        %add3A_812 = arith.addi %mul3A_298, %add3A_811 : i32
        %get3A_813 = arith.index_cast %add3A_812 : i32 to index
        %get3A_814 = arith.constant 80 : index
        %get3A_815 = tpu.vector_load %arg13[%get3A_813, %get3A_814] {strides = array<i32>} : memref<96x128xf32, #tpu.memory_space<vmem>>, vector<1x16xf32>,
        %get3A_816 = vector.shape_cast %get3A_815 : vector<1x16xf32> to vector<16xf32>
        %add3A_817 = arith.constant 3 : i32
        %add3A_818 = arith.addi %mul3A_298, %add3A_817 : i32
        %get3A_819 = arith.index_cast %add3A_818 : i32 to index
        %get3A_820 = arith.constant 80 : index
        %get3A_821 = tpu.vector_load %arg13[%get3A_819, %get3A_820] {strides = array<i32>} : memref<96x128xf32, #tpu.memory_space<vmem>>, vector<1x16xf32>,
        %get3A_822 = vector.shape_cast %get3A_821 : vector<1x16xf32> to vector<16xf32>
        %add3A_823 = arith.constant 4 : i32
        %add3A_824 = arith.addi %mul3A_298, %add3A_823 : i32
        %get3A_825 = arith.index_cast %add3A_824 : i32 to index
        %get3A_826 = arith.constant 80 : index
        %get3A_827 = tpu.vector_load %arg13[%get3A_825, %get3A_826] {strides = array<i32>} : memref<96x128xf32, #tpu.memory_space<vmem>>, vector<1x16xf32>,
        %get3A_828 = vector.shape_cast %get3A_827 : vector<1x16xf32> to vector<16xf32>
        %add3A_829 = arith.constant 5 : i32
        %add3A_830 = arith.addi %mul3A_298, %add3A_829 : i32
        %get3A_831 = arith.index_cast %add3A_830 : i32 to index
        %get3A_832 = arith.constant 80 : index
        %get3A_833 = tpu.vector_load %arg13[%get3A_831, %get3A_832] {strides = array<i32>} : memref<96x128xf32, #tpu.memory_space<vmem>>, vector<1x16xf32>,
        %get3A_834 = vector.shape_cast %get3A_833 : vector<1x16xf32> to vector<16xf32>
        %mul3A_835 = arith.mulf %get3A_804, %get3A_810 : vector<16xf32>
        %mul3A_836 = arith.mulf %mul3A_835, %get3A_816 : vector<16xf32>
        %mul3A_837 = arith.mulf %mul3A_836, %get3A_822 : vector<16xf32>
        %mul3A_838 = arith.mulf %mul3A_837, %get3A_828 : vector<16xf32>
        %mul3A_839 = arith.mulf %get3A_834, %get3A_828 : vector<16xf32>
        %mul3A_840 = arith.mulf %mul3A_839, %get3A_822 : vector<16xf32>
        %mul3A_841 = arith.mulf %mul3A_840, %get3A_816 : vector<16xf32>
        %mul3A_842 = arith.mulf %mul3A_841, %get3A_810 : vector<16xf32>
        %get3A_843 = arith.index_cast %mul3A_296 : i32 to index
        %get3A_844 = arith.constant 80 : index
        %get3A_845 = tpu.vector_load %arg16[%get3A_843, %get3A_844] {strides = array<i32>} : memref<16x128xf32, #tpu.memory_space<vmem>>, vector<1x16xf32>,
        %get3A_846 = vector.shape_cast %get3A_845 : vector<1x16xf32> to vector<16xf32>
        %mul3A_847 = arith.mulf %mul3A_842, %get3A_846 : vector<16xf32>
        %add3A_848 = arith.constant 0 : i32
        %add3A_849 = arith.addi %mul3A_298, %add3A_848 : i32
        %swap3A_850 = arith.index_cast %add3A_849 : i32 to index
        %swap3A_851 = arith.constant 80 : index
        %swap3A_852 = tpu.vector_load %arg15[%swap3A_850, %swap3A_851] {strides = array<i32>} : memref<96x128xf32, #tpu.memory_space<vmem>>, vector<1x16xf32>,
        %swap3A_853 = vector.shape_cast %swap3A_852 : vector<1x16xf32> to vector<16xf32>
        %swap3A_854 = vector.shape_cast %mul3A_847 : vector<16xf32> to vector<1x16xf32>
        tpu.vector_store %arg15[%swap3A_850, %swap3A_851], %swap3A_854 {strides = array<i32>} : memref<96x128xf32, #tpu.memory_space<vmem>>, vector<1x16xf32>,
        %mul3A_855 = arith.mulf %get3A_804, %mul3A_841 : vector<16xf32>
        %mul3A_856 = arith.mulf %mul3A_855, %get3A_846 : vector<16xf32>
        %add3A_857 = arith.constant 1 : i32
        %add3A_858 = arith.addi %mul3A_298, %add3A_857 : i32
        %swap3A_859 = arith.index_cast %add3A_858 : i32 to index
        %swap3A_860 = arith.constant 80 : index
        %swap3A_861 = tpu.vector_load %arg15[%swap3A_859, %swap3A_860] {strides = array<i32>} : memref<96x128xf32, #tpu.memory_space<vmem>>, vector<1x16xf32>,
        %swap3A_862 = vector.shape_cast %swap3A_861 : vector<1x16xf32> to vector<16xf32>
        %swap3A_863 = vector.shape_cast %mul3A_856 : vector<16xf32> to vector<1x16xf32>
        tpu.vector_store %arg15[%swap3A_859, %swap3A_860], %swap3A_863 {strides = array<i32>} : memref<96x128xf32, #tpu.memory_space<vmem>>, vector<1x16xf32>,
        %mul3A_864 = arith.mulf %mul3A_835, %mul3A_840 : vector<16xf32>
        %mul3A_865 = arith.mulf %mul3A_864, %get3A_846 : vector<16xf32>
        %add3A_866 = arith.constant 2 : i32
        %add3A_867 = arith.addi %mul3A_298, %add3A_866 : i32
        %swap3A_868 = arith.index_cast %add3A_867 : i32 to index
        %swap3A_869 = arith.constant 80 : index
        %swap3A_870 = tpu.vector_load %arg15[%swap3A_868, %swap3A_869] {strides = array<i32>} : memref<96x128xf32, #tpu.memory_space<vmem>>, vector<1x16xf32>,
        %swap3A_871 = vector.shape_cast %swap3A_870 : vector<1x16xf32> to vector<16xf32>
        %swap3A_872 = vector.shape_cast %mul3A_865 : vector<16xf32> to vector<1x16xf32>
        tpu.vector_store %arg15[%swap3A_868, %swap3A_869], %swap3A_872 {strides = array<i32>} : memref<96x128xf32, #tpu.memory_space<vmem>>, vector<1x16xf32>,
        %mul3A_873 = arith.mulf %mul3A_836, %mul3A_839 : vector<16xf32>
        %mul3A_874 = arith.mulf %mul3A_873, %get3A_846 : vector<16xf32>
        %add3A_875 = arith.constant 3 : i32
        %add3A_876 = arith.addi %mul3A_298, %add3A_875 : i32
        %swap3A_877 = arith.index_cast %add3A_876 : i32 to index
        %swap3A_878 = arith.constant 80 : index
        %swap3A_879 = tpu.vector_load %arg15[%swap3A_877, %swap3A_878] {strides = array<i32>} : memref<96x128xf32, #tpu.memory_space<vmem>>, vector<1x16xf32>,
        %swap3A_880 = vector.shape_cast %swap3A_879 : vector<1x16xf32> to vector<16xf32>
        %swap3A_881 = vector.shape_cast %mul3A_874 : vector<16xf32> to vector<1x16xf32>
        tpu.vector_store %arg15[%swap3A_877, %swap3A_878], %swap3A_881 {strides = array<i32>} : memref<96x128xf32, #tpu.memory_space<vmem>>, vector<1x16xf32>,
        %mul3A_882 = arith.mulf %mul3A_837, %get3A_834 : vector<16xf32>
        %mul3A_883 = arith.mulf %mul3A_882, %get3A_846 : vector<16xf32>
        %add3A_884 = arith.constant 4 : i32
        %add3A_885 = arith.addi %mul3A_298, %add3A_884 : i32
        %swap3A_886 = arith.index_cast %add3A_885 : i32 to index
        %swap3A_887 = arith.constant 80 : index
        %swap3A_888 = tpu.vector_load %arg15[%swap3A_886, %swap3A_887] {strides = array<i32>} : memref<96x128xf32, #tpu.memory_space<vmem>>, vector<1x16xf32>,
        %swap3A_889 = vector.shape_cast %swap3A_888 : vector<1x16xf32> to vector<16xf32>
        %swap3A_890 = vector.shape_cast %mul3A_883 : vector<16xf32> to vector<1x16xf32>
        tpu.vector_store %arg15[%swap3A_886, %swap3A_887], %swap3A_890 {strides = array<i32>} : memref<96x128xf32, #tpu.memory_space<vmem>>, vector<1x16xf32>,
        %mul3A_891 = arith.mulf %mul3A_838, %get3A_846 : vector<16xf32>
        %add3A_892 = arith.constant 5 : i32
        %add3A_893 = arith.addi %mul3A_298, %add3A_892 : i32
        %swap3A_894 = arith.index_cast %add3A_893 : i32 to index
        %swap3A_895 = arith.constant 80 : index
        %swap3A_896 = tpu.vector_load %arg15[%swap3A_894, %swap3A_895] {strides = array<i32>} : memref<96x128xf32, #tpu.memory_space<vmem>>, vector<1x16xf32>,
        %swap3A_897 = vector.shape_cast %swap3A_896 : vector<1x16xf32> to vector<16xf32>
        %swap3A_898 = vector.shape_cast %mul3A_891 : vector<16xf32> to vector<1x16xf32>
        tpu.vector_store %arg15[%swap3A_894, %swap3A_895], %swap3A_898 {strides = array<i32>} : memref<96x128xf32, #tpu.memory_space<vmem>>, vector<1x16xf32>,
        %add3A_899 = arith.constant 0 : i32
        %add3A_900 = arith.addi %mul3A_298, %add3A_899 : i32
        %get3A_901 = arith.index_cast %add3A_900 : i32 to index
        %get3A_902 = arith.constant 96 : index
        %get3A_903 = tpu.vector_load %arg13[%get3A_901, %get3A_902] {strides = array<i32>} : memref<96x128xf32, #tpu.memory_space<vmem>>, vector<1x16xf32>,
        %get3A_904 = vector.shape_cast %get3A_903 : vector<1x16xf32> to vector<16xf32>
        %add3A_905 = arith.constant 1 : i32
        %add3A_906 = arith.addi %mul3A_298, %add3A_905 : i32
        %get3A_907 = arith.index_cast %add3A_906 : i32 to index
        %get3A_908 = arith.constant 96 : index
        %get3A_909 = tpu.vector_load %arg13[%get3A_907, %get3A_908] {strides = array<i32>} : memref<96x128xf32, #tpu.memory_space<vmem>>, vector<1x16xf32>,
        %get3A_910 = vector.shape_cast %get3A_909 : vector<1x16xf32> to vector<16xf32>
        %add3A_911 = arith.constant 2 : i32
        %add3A_912 = arith.addi %mul3A_298, %add3A_911 : i32
        %get3A_913 = arith.index_cast %add3A_912 : i32 to index
        %get3A_914 = arith.constant 96 : index
        %get3A_915 = tpu.vector_load %arg13[%get3A_913, %get3A_914] {strides = array<i32>} : memref<96x128xf32, #tpu.memory_space<vmem>>, vector<1x16xf32>,
        %get3A_916 = vector.shape_cast %get3A_915 : vector<1x16xf32> to vector<16xf32>
        %add3A_917 = arith.constant 3 : i32
        %add3A_918 = arith.addi %mul3A_298, %add3A_917 : i32
        %get3A_919 = arith.index_cast %add3A_918 : i32 to index
        %get3A_920 = arith.constant 96 : index
        %get3A_921 = tpu.vector_load %arg13[%get3A_919, %get3A_920] {strides = array<i32>} : memref<96x128xf32, #tpu.memory_space<vmem>>, vector<1x16xf32>,
        %get3A_922 = vector.shape_cast %get3A_921 : vector<1x16xf32> to vector<16xf32>
        %add3A_923 = arith.constant 4 : i32
        %add3A_924 = arith.addi %mul3A_298, %add3A_923 : i32
        %get3A_925 = arith.index_cast %add3A_924 : i32 to index
        %get3A_926 = arith.constant 96 : index
        %get3A_927 = tpu.vector_load %arg13[%get3A_925, %get3A_926] {strides = array<i32>} : memref<96x128xf32, #tpu.memory_space<vmem>>, vector<1x16xf32>,
        %get3A_928 = vector.shape_cast %get3A_927 : vector<1x16xf32> to vector<16xf32>
        %add3A_929 = arith.constant 5 : i32
        %add3A_930 = arith.addi %mul3A_298, %add3A_929 : i32
        %get3A_931 = arith.index_cast %add3A_930 : i32 to index
        %get3A_932 = arith.constant 96 : index
        %get3A_933 = tpu.vector_load %arg13[%get3A_931, %get3A_932] {strides = array<i32>} : memref<96x128xf32, #tpu.memory_space<vmem>>, vector<1x16xf32>,
        %get3A_934 = vector.shape_cast %get3A_933 : vector<1x16xf32> to vector<16xf32>
        %mul3A_935 = arith.mulf %get3A_904, %get3A_910 : vector<16xf32>
        %mul3A_936 = arith.mulf %mul3A_935, %get3A_916 : vector<16xf32>
        %mul3A_937 = arith.mulf %mul3A_936, %get3A_922 : vector<16xf32>
        %mul3A_938 = arith.mulf %mul3A_937, %get3A_928 : vector<16xf32>
        %mul3A_939 = arith.mulf %get3A_934, %get3A_928 : vector<16xf32>
        %mul3A_940 = arith.mulf %mul3A_939, %get3A_922 : vector<16xf32>
        %mul3A_941 = arith.mulf %mul3A_940, %get3A_916 : vector<16xf32>
        %mul3A_942 = arith.mulf %mul3A_941, %get3A_910 : vector<16xf32>
        %get3A_943 = arith.index_cast %mul3A_296 : i32 to index
        %get3A_944 = arith.constant 96 : index
        %get3A_945 = tpu.vector_load %arg16[%get3A_943, %get3A_944] {strides = array<i32>} : memref<16x128xf32, #tpu.memory_space<vmem>>, vector<1x16xf32>,
        %get3A_946 = vector.shape_cast %get3A_945 : vector<1x16xf32> to vector<16xf32>
        %mul3A_947 = arith.mulf %mul3A_942, %get3A_946 : vector<16xf32>
        %add3A_948 = arith.constant 0 : i32
        %add3A_949 = arith.addi %mul3A_298, %add3A_948 : i32
        %swap3A_950 = arith.index_cast %add3A_949 : i32 to index
        %swap3A_951 = arith.constant 96 : index
        %swap3A_952 = tpu.vector_load %arg15[%swap3A_950, %swap3A_951] {strides = array<i32>} : memref<96x128xf32, #tpu.memory_space<vmem>>, vector<1x16xf32>,
        %swap3A_953 = vector.shape_cast %swap3A_952 : vector<1x16xf32> to vector<16xf32>
        %swap3A_954 = vector.shape_cast %mul3A_947 : vector<16xf32> to vector<1x16xf32>
        tpu.vector_store %arg15[%swap3A_950, %swap3A_951], %swap3A_954 {strides = array<i32>} : memref<96x128xf32, #tpu.memory_space<vmem>>, vector<1x16xf32>,
        %mul3A_955 = arith.mulf %get3A_904, %mul3A_941 : vector<16xf32>
        %mul3A_956 = arith.mulf %mul3A_955, %get3A_946 : vector<16xf32>
        %add3A_957 = arith.constant 1 : i32
        %add3A_958 = arith.addi %mul3A_298, %add3A_957 : i32
        %swap3A_959 = arith.index_cast %add3A_958 : i32 to index
        %swap3A_960 = arith.constant 96 : index
        %swap3A_961 = tpu.vector_load %arg15[%swap3A_959, %swap3A_960] {strides = array<i32>} : memref<96x128xf32, #tpu.memory_space<vmem>>, vector<1x16xf32>,
        %swap3A_962 = vector.shape_cast %swap3A_961 : vector<1x16xf32> to vector<16xf32>
        %swap3A_963 = vector.shape_cast %mul3A_956 : vector<16xf32> to vector<1x16xf32>
        tpu.vector_store %arg15[%swap3A_959, %swap3A_960], %swap3A_963 {strides = array<i32>} : memref<96x128xf32, #tpu.memory_space<vmem>>, vector<1x16xf32>,
        %mul3A_964 = arith.mulf %mul3A_935, %mul3A_940 : vector<16xf32>
        %mul3A_965 = arith.mulf %mul3A_964, %get3A_946 : vector<16xf32>
        %add3A_966 = arith.constant 2 : i32
        %add3A_967 = arith.addi %mul3A_298, %add3A_966 : i32
        %swap3A_968 = arith.index_cast %add3A_967 : i32 to index
        %swap3A_969 = arith.constant 96 : index
        %swap3A_970 = tpu.vector_load %arg15[%swap3A_968, %swap3A_969] {strides = array<i32>} : memref<96x128xf32, #tpu.memory_space<vmem>>, vector<1x16xf32>,
        %swap3A_971 = vector.shape_cast %swap3A_970 : vector<1x16xf32> to vector<16xf32>
        %swap3A_972 = vector.shape_cast %mul3A_965 : vector<16xf32> to vector<1x16xf32>
        tpu.vector_store %arg15[%swap3A_968, %swap3A_969], %swap3A_972 {strides = array<i32>} : memref<96x128xf32, #tpu.memory_space<vmem>>, vector<1x16xf32>,
        %mul3A_973 = arith.mulf %mul3A_936, %mul3A_939 : vector<16xf32>
        %mul3A_974 = arith.mulf %mul3A_973, %get3A_946 : vector<16xf32>
        %add3A_975 = arith.constant 3 : i32
        %add3A_976 = arith.addi %mul3A_298, %add3A_975 : i32
        %swap3A_977 = arith.index_cast %add3A_976 : i32 to index
        %swap3A_978 = arith.constant 96 : index
        %swap3A_979 = tpu.vector_load %arg15[%swap3A_977, %swap3A_978] {strides = array<i32>} : memref<96x128xf32, #tpu.memory_space<vmem>>, vector<1x16xf32>,
        %swap3A_980 = vector.shape_cast %swap3A_979 : vector<1x16xf32> to vector<16xf32>
        %swap3A_981 = vector.shape_cast %mul3A_974 : vector<16xf32> to vector<1x16xf32>
        tpu.vector_store %arg15[%swap3A_977, %swap3A_978], %swap3A_981 {strides = array<i32>} : memref<96x128xf32, #tpu.memory_space<vmem>>, vector<1x16xf32>,
        %mul3A_982 = arith.mulf %mul3A_937, %get3A_934 : vector<16xf32>
        %mul3A_983 = arith.mulf %mul3A_982, %get3A_946 : vector<16xf32>
        %add3A_984 = arith.constant 4 : i32
        %add3A_985 = arith.addi %mul3A_298, %add3A_984 : i32
        %swap3A_986 = arith.index_cast %add3A_985 : i32 to index
        %swap3A_987 = arith.constant 96 : index
        %swap3A_988 = tpu.vector_load %arg15[%swap3A_986, %swap3A_987] {strides = array<i32>} : memref<96x128xf32, #tpu.memory_space<vmem>>, vector<1x16xf32>,
        %swap3A_989 = vector.shape_cast %swap3A_988 : vector<1x16xf32> to vector<16xf32>
        %swap3A_990 = vector.shape_cast %mul3A_983 : vector<16xf32> to vector<1x16xf32>
        tpu.vector_store %arg15[%swap3A_986, %swap3A_987], %swap3A_990 {strides = array<i32>} : memref<96x128xf32, #tpu.memory_space<vmem>>, vector<1x16xf32>,
        %mul3A_991 = arith.mulf %mul3A_938, %get3A_946 : vector<16xf32>
        %add3A_992 = arith.constant 5 : i32
        %add3A_993 = arith.addi %mul3A_298, %add3A_992 : i32
        %swap3A_994 = arith.index_cast %add3A_993 : i32 to index
        %swap3A_995 = arith.constant 96 : index
        %swap3A_996 = tpu.vector_load %arg15[%swap3A_994, %swap3A_995] {strides = array<i32>} : memref<96x128xf32, #tpu.memory_space<vmem>>, vector<1x16xf32>,
        %swap3A_997 = vector.shape_cast %swap3A_996 : vector<1x16xf32> to vector<16xf32>
        %swap3A_998 = vector.shape_cast %mul3A_991 : vector<16xf32> to vector<1x16xf32>
        tpu.vector_store %arg15[%swap3A_994, %swap3A_995], %swap3A_998 {strides = array<i32>} : memref<96x128xf32, #tpu.memory_space<vmem>>, vector<1x16xf32>,
        %add3A_999 = arith.constant 0 : i32
        %add3A_1000 = arith.addi %mul3A_298, %add3A_999 : i32
        %get3A_1001 = arith.index_cast %add3A_1000 : i32 to index
        %get3A_1002 = arith.constant 112 : index
        %get3A_1003 = tpu.vector_load %arg13[%get3A_1001, %get3A_1002] {strides = array<i32>} : memref<96x128xf32, #tpu.memory_space<vmem>>, vector<1x16xf32>,
        %get3A_1004 = vector.shape_cast %get3A_1003 : vector<1x16xf32> to vector<16xf32>
        %add3A_1005 = arith.constant 1 : i32
        %add3A_1006 = arith.addi %mul3A_298, %add3A_1005 : i32
        %get3A_1007 = arith.index_cast %add3A_1006 : i32 to index
        %get3A_1008 = arith.constant 112 : index
        %get3A_1009 = tpu.vector_load %arg13[%get3A_1007, %get3A_1008] {strides = array<i32>} : memref<96x128xf32, #tpu.memory_space<vmem>>, vector<1x16xf32>,
        %get3A_1010 = vector.shape_cast %get3A_1009 : vector<1x16xf32> to vector<16xf32>
        %add3A_1011 = arith.constant 2 : i32
        %add3A_1012 = arith.addi %mul3A_298, %add3A_1011 : i32
        %get3A_1013 = arith.index_cast %add3A_1012 : i32 to index
        %get3A_1014 = arith.constant 112 : index
        %get3A_1015 = tpu.vector_load %arg13[%get3A_1013, %get3A_1014] {strides = array<i32>} : memref<96x128xf32, #tpu.memory_space<vmem>>, vector<1x16xf32>,
        %get3A_1016 = vector.shape_cast %get3A_1015 : vector<1x16xf32> to vector<16xf32>
        %add3A_1017 = arith.constant 3 : i32
        %add3A_1018 = arith.addi %mul3A_298, %add3A_1017 : i32
        %get3A_1019 = arith.index_cast %add3A_1018 : i32 to index
        %get3A_1020 = arith.constant 112 : index
        %get3A_1021 = tpu.vector_load %arg13[%get3A_1019, %get3A_1020] {strides = array<i32>} : memref<96x128xf32, #tpu.memory_space<vmem>>, vector<1x16xf32>,
        %get3A_1022 = vector.shape_cast %get3A_1021 : vector<1x16xf32> to vector<16xf32>
        %add3A_1023 = arith.constant 4 : i32
        %add3A_1024 = arith.addi %mul3A_298, %add3A_1023 : i32
        %get3A_1025 = arith.index_cast %add3A_1024 : i32 to index
        %get3A_1026 = arith.constant 112 : index
        %get3A_1027 = tpu.vector_load %arg13[%get3A_1025, %get3A_1026] {strides = array<i32>} : memref<96x128xf32, #tpu.memory_space<vmem>>, vector<1x16xf32>,
        %get3A_1028 = vector.shape_cast %get3A_1027 : vector<1x16xf32> to vector<16xf32>
        %add3A_1029 = arith.constant 5 : i32
        %add3A_1030 = arith.addi %mul3A_298, %add3A_1029 : i32
        %get3A_1031 = arith.index_cast %add3A_1030 : i32 to index
        %get3A_1032 = arith.constant 112 : index
        %get3A_1033 = tpu.vector_load %arg13[%get3A_1031, %get3A_1032] {strides = array<i32>} : memref<96x128xf32, #tpu.memory_space<vmem>>, vector<1x16xf32>,
        %get3A_1034 = vector.shape_cast %get3A_1033 : vector<1x16xf32> to vector<16xf32>
        %mul3A_1035 = arith.mulf %get3A_1004, %get3A_1010 : vector<16xf32>
        %mul3A_1036 = arith.mulf %mul3A_1035, %get3A_1016 : vector<16xf32>
        %mul3A_1037 = arith.mulf %mul3A_1036, %get3A_1022 : vector<16xf32>
        %mul3A_1038 = arith.mulf %mul3A_1037, %get3A_1028 : vector<16xf32>
        %mul3A_1039 = arith.mulf %get3A_1034, %get3A_1028 : vector<16xf32>
        %mul3A_1040 = arith.mulf %mul3A_1039, %get3A_1022 : vector<16xf32>
        %mul3A_1041 = arith.mulf %mul3A_1040, %get3A_1016 : vector<16xf32>
        %mul3A_1042 = arith.mulf %mul3A_1041, %get3A_1010 : vector<16xf32>
        %get3A_1043 = arith.index_cast %mul3A_296 : i32 to index
        %get3A_1044 = arith.constant 112 : index
        %get3A_1045 = tpu.vector_load %arg16[%get3A_1043, %get3A_1044] {strides = array<i32>} : memref<16x128xf32, #tpu.memory_space<vmem>>, vector<1x16xf32>,
        %get3A_1046 = vector.shape_cast %get3A_1045 : vector<1x16xf32> to vector<16xf32>
        %mul3A_1047 = arith.mulf %mul3A_1042, %get3A_1046 : vector<16xf32>
        %add3A_1048 = arith.constant 0 : i32
        %add3A_1049 = arith.addi %mul3A_298, %add3A_1048 : i32
        %swap3A_1050 = arith.index_cast %add3A_1049 : i32 to index
        %swap3A_1051 = arith.constant 112 : index
        %swap3A_1052 = tpu.vector_load %arg15[%swap3A_1050, %swap3A_1051] {strides = array<i32>} : memref<96x128xf32, #tpu.memory_space<vmem>>, vector<1x16xf32>,
        %swap3A_1053 = vector.shape_cast %swap3A_1052 : vector<1x16xf32> to vector<16xf32>
        %swap3A_1054 = vector.shape_cast %mul3A_1047 : vector<16xf32> to vector<1x16xf32>
        tpu.vector_store %arg15[%swap3A_1050, %swap3A_1051], %swap3A_1054 {strides = array<i32>} : memref<96x128xf32, #tpu.memory_space<vmem>>, vector<1x16xf32>,
        %mul3A_1055 = arith.mulf %get3A_1004, %mul3A_1041 : vector<16xf32>
        %mul3A_1056 = arith.mulf %mul3A_1055, %get3A_1046 : vector<16xf32>
        %add3A_1057 = arith.constant 1 : i32
        %add3A_1058 = arith.addi %mul3A_298, %add3A_1057 : i32
        %swap3A_1059 = arith.index_cast %add3A_1058 : i32 to index
        %swap3A_1060 = arith.constant 112 : index
        %swap3A_1061 = tpu.vector_load %arg15[%swap3A_1059, %swap3A_1060] {strides = array<i32>} : memref<96x128xf32, #tpu.memory_space<vmem>>, vector<1x16xf32>,
        %swap3A_1062 = vector.shape_cast %swap3A_1061 : vector<1x16xf32> to vector<16xf32>
        %swap3A_1063 = vector.shape_cast %mul3A_1056 : vector<16xf32> to vector<1x16xf32>
        tpu.vector_store %arg15[%swap3A_1059, %swap3A_1060], %swap3A_1063 {strides = array<i32>} : memref<96x128xf32, #tpu.memory_space<vmem>>, vector<1x16xf32>,
        %mul3A_1064 = arith.mulf %mul3A_1035, %mul3A_1040 : vector<16xf32>
        %mul3A_1065 = arith.mulf %mul3A_1064, %get3A_1046 : vector<16xf32>
        %add3A_1066 = arith.constant 2 : i32
        %add3A_1067 = arith.addi %mul3A_298, %add3A_1066 : i32
        %swap3A_1068 = arith.index_cast %add3A_1067 : i32 to index
        %swap3A_1069 = arith.constant 112 : index
        %swap3A_1070 = tpu.vector_load %arg15[%swap3A_1068, %swap3A_1069] {strides = array<i32>} : memref<96x128xf32, #tpu.memory_space<vmem>>, vector<1x16xf32>,
        %swap3A_1071 = vector.shape_cast %swap3A_1070 : vector<1x16xf32> to vector<16xf32>
        %swap3A_1072 = vector.shape_cast %mul3A_1065 : vector<16xf32> to vector<1x16xf32>
        tpu.vector_store %arg15[%swap3A_1068, %swap3A_1069], %swap3A_1072 {strides = array<i32>} : memref<96x128xf32, #tpu.memory_space<vmem>>, vector<1x16xf32>,
        %mul3A_1073 = arith.mulf %mul3A_1036, %mul3A_1039 : vector<16xf32>
        %mul3A_1074 = arith.mulf %mul3A_1073, %get3A_1046 : vector<16xf32>
        %add3A_1075 = arith.constant 3 : i32
        %add3A_1076 = arith.addi %mul3A_298, %add3A_1075 : i32
        %swap3A_1077 = arith.index_cast %add3A_1076 : i32 to index
        %swap3A_1078 = arith.constant 112 : index
        %swap3A_1079 = tpu.vector_load %arg15[%swap3A_1077, %swap3A_1078] {strides = array<i32>} : memref<96x128xf32, #tpu.memory_space<vmem>>, vector<1x16xf32>,
        %swap3A_1080 = vector.shape_cast %swap3A_1079 : vector<1x16xf32> to vector<16xf32>
        %swap3A_1081 = vector.shape_cast %mul3A_1074 : vector<16xf32> to vector<1x16xf32>
        tpu.vector_store %arg15[%swap3A_1077, %swap3A_1078], %swap3A_1081 {strides = array<i32>} : memref<96x128xf32, #tpu.memory_space<vmem>>, vector<1x16xf32>,
        %mul3A_1082 = arith.mulf %mul3A_1037, %get3A_1034 : vector<16xf32>
        %mul3A_1083 = arith.mulf %mul3A_1082, %get3A_1046 : vector<16xf32>
        %add3A_1084 = arith.constant 4 : i32
        %add3A_1085 = arith.addi %mul3A_298, %add3A_1084 : i32
        %swap3A_1086 = arith.index_cast %add3A_1085 : i32 to index
        %swap3A_1087 = arith.constant 112 : index
        %swap3A_1088 = tpu.vector_load %arg15[%swap3A_1086, %swap3A_1087] {strides = array<i32>} : memref<96x128xf32, #tpu.memory_space<vmem>>, vector<1x16xf32>,
        %swap3A_1089 = vector.shape_cast %swap3A_1088 : vector<1x16xf32> to vector<16xf32>
        %swap3A_1090 = vector.shape_cast %mul3A_1083 : vector<16xf32> to vector<1x16xf32>
        tpu.vector_store %arg15[%swap3A_1086, %swap3A_1087], %swap3A_1090 {strides = array<i32>} : memref<96x128xf32, #tpu.memory_space<vmem>>, vector<1x16xf32>,
        %mul3A_1091 = arith.mulf %mul3A_1038, %get3A_1046 : vector<16xf32>
        %add3A_1092 = arith.constant 5 : i32
        %add3A_1093 = arith.addi %mul3A_298, %add3A_1092 : i32
        %swap3A_1094 = arith.index_cast %add3A_1093 : i32 to index
        %swap3A_1095 = arith.constant 112 : index
        %swap3A_1096 = tpu.vector_load %arg15[%swap3A_1094, %swap3A_1095] {strides = array<i32>} : memref<96x128xf32, #tpu.memory_space<vmem>>, vector<1x16xf32>,
        %swap3A_1097 = vector.shape_cast %swap3A_1096 : vector<1x16xf32> to vector<16xf32>
        %swap3A_1098 = vector.shape_cast %mul3A_1091 : vector<16xf32> to vector<1x16xf32>
        tpu.vector_store %arg15[%swap3A_1094, %swap3A_1095], %swap3A_1098 {strides = array<i32>} : memref<96x128xf32, #tpu.memory_space<vmem>>, vector<1x16xf32>,
        %mul3A_1099 = arith.constant 2 : i32
        %mul3A_1100 = arith.muli %mul3A_1099, %scan3A_293 : i32
        %add3A_1101 = arith.constant 1 : i32
        %add3A_1102 = arith.addi %mul3A_1100, %add3A_1101 : i32
        %mul3A_1103 = arith.constant 6 : i32
        %mul3A_1104 = arith.muli %add3A_1102, %mul3A_1103 : i32
        %add3A_1105 = arith.constant 0 : i32
        %add3A_1106 = arith.addi %mul3A_1104, %add3A_1105 : i32
        %get3A_1107 = arith.index_cast %add3A_1106 : i32 to index
        %get3A_1108 = arith.constant 0 : index
        %get3A_1109 = tpu.vector_load %arg13[%get3A_1107, %get3A_1108] {strides = array<i32>} : memref<96x128xf32, #tpu.memory_space<vmem>>, vector<1x16xf32>,
        %get3A_1110 = vector.shape_cast %get3A_1109 : vector<1x16xf32> to vector<16xf32>
        %add3A_1111 = arith.constant 1 : i32
        %add3A_1112 = arith.addi %mul3A_1104, %add3A_1111 : i32
        %get3A_1113 = arith.index_cast %add3A_1112 : i32 to index
        %get3A_1114 = arith.constant 0 : index
        %get3A_1115 = tpu.vector_load %arg13[%get3A_1113, %get3A_1114] {strides = array<i32>} : memref<96x128xf32, #tpu.memory_space<vmem>>, vector<1x16xf32>,
        %get3A_1116 = vector.shape_cast %get3A_1115 : vector<1x16xf32> to vector<16xf32>
        %add3A_1117 = arith.constant 2 : i32
        %add3A_1118 = arith.addi %mul3A_1104, %add3A_1117 : i32
        %get3A_1119 = arith.index_cast %add3A_1118 : i32 to index
        %get3A_1120 = arith.constant 0 : index
        %get3A_1121 = tpu.vector_load %arg13[%get3A_1119, %get3A_1120] {strides = array<i32>} : memref<96x128xf32, #tpu.memory_space<vmem>>, vector<1x16xf32>,
        %get3A_1122 = vector.shape_cast %get3A_1121 : vector<1x16xf32> to vector<16xf32>
        %add3A_1123 = arith.constant 3 : i32
        %add3A_1124 = arith.addi %mul3A_1104, %add3A_1123 : i32
        %get3A_1125 = arith.index_cast %add3A_1124 : i32 to index
        %get3A_1126 = arith.constant 0 : index
        %get3A_1127 = tpu.vector_load %arg13[%get3A_1125, %get3A_1126] {strides = array<i32>} : memref<96x128xf32, #tpu.memory_space<vmem>>, vector<1x16xf32>,
        %get3A_1128 = vector.shape_cast %get3A_1127 : vector<1x16xf32> to vector<16xf32>
        %add3A_1129 = arith.constant 4 : i32
        %add3A_1130 = arith.addi %mul3A_1104, %add3A_1129 : i32
        %get3A_1131 = arith.index_cast %add3A_1130 : i32 to index
        %get3A_1132 = arith.constant 0 : index
        %get3A_1133 = tpu.vector_load %arg13[%get3A_1131, %get3A_1132] {strides = array<i32>} : memref<96x128xf32, #tpu.memory_space<vmem>>, vector<1x16xf32>,
        %get3A_1134 = vector.shape_cast %get3A_1133 : vector<1x16xf32> to vector<16xf32>
        %add3A_1135 = arith.constant 5 : i32
        %add3A_1136 = arith.addi %mul3A_1104, %add3A_1135 : i32
        %get3A_1137 = arith.index_cast %add3A_1136 : i32 to index
        %get3A_1138 = arith.constant 0 : index
        %get3A_1139 = tpu.vector_load %arg13[%get3A_1137, %get3A_1138] {strides = array<i32>} : memref<96x128xf32, #tpu.memory_space<vmem>>, vector<1x16xf32>,
        %get3A_1140 = vector.shape_cast %get3A_1139 : vector<1x16xf32> to vector<16xf32>
        %mul3A_1141 = arith.mulf %get3A_1110, %get3A_1116 : vector<16xf32>
        %mul3A_1142 = arith.mulf %mul3A_1141, %get3A_1122 : vector<16xf32>
        %mul3A_1143 = arith.mulf %mul3A_1142, %get3A_1128 : vector<16xf32>
        %mul3A_1144 = arith.mulf %mul3A_1143, %get3A_1134 : vector<16xf32>
        %mul3A_1145 = arith.mulf %get3A_1140, %get3A_1134 : vector<16xf32>
        %mul3A_1146 = arith.mulf %mul3A_1145, %get3A_1128 : vector<16xf32>
        %mul3A_1147 = arith.mulf %mul3A_1146, %get3A_1122 : vector<16xf32>
        %mul3A_1148 = arith.mulf %mul3A_1147, %get3A_1116 : vector<16xf32>
        %get3A_1149 = arith.index_cast %add3A_1102 : i32 to index
        %get3A_1150 = arith.constant 0 : index
        %get3A_1151 = tpu.vector_load %arg16[%get3A_1149, %get3A_1150] {strides = array<i32>} : memref<16x128xf32, #tpu.memory_space<vmem>>, vector<1x16xf32>,
        %get3A_1152 = vector.shape_cast %get3A_1151 : vector<1x16xf32> to vector<16xf32>
        %mul3A_1153 = arith.mulf %mul3A_1148, %get3A_1152 : vector<16xf32>
        %add3A_1154 = arith.constant 0 : i32
        %add3A_1155 = arith.addi %mul3A_1104, %add3A_1154 : i32
        %swap3A_1156 = arith.index_cast %add3A_1155 : i32 to index
        %swap3A_1157 = arith.constant 0 : index
        %swap3A_1158 = tpu.vector_load %arg15[%swap3A_1156, %swap3A_1157] {strides = array<i32>} : memref<96x128xf32, #tpu.memory_space<vmem>>, vector<1x16xf32>,
        %swap3A_1159 = vector.shape_cast %swap3A_1158 : vector<1x16xf32> to vector<16xf32>
        %swap3A_1160 = vector.shape_cast %mul3A_1153 : vector<16xf32> to vector<1x16xf32>
        tpu.vector_store %arg15[%swap3A_1156, %swap3A_1157], %swap3A_1160 {strides = array<i32>} : memref<96x128xf32, #tpu.memory_space<vmem>>, vector<1x16xf32>,
        %mul3A_1161 = arith.mulf %get3A_1110, %mul3A_1147 : vector<16xf32>
        %mul3A_1162 = arith.mulf %mul3A_1161, %get3A_1152 : vector<16xf32>
        %add3A_1163 = arith.constant 1 : i32
        %add3A_1164 = arith.addi %mul3A_1104, %add3A_1163 : i32
        %swap3A_1165 = arith.index_cast %add3A_1164 : i32 to index
        %swap3A_1166 = arith.constant 0 : index
        %swap3A_1167 = tpu.vector_load %arg15[%swap3A_1165, %swap3A_1166] {strides = array<i32>} : memref<96x128xf32, #tpu.memory_space<vmem>>, vector<1x16xf32>,
        %swap3A_1168 = vector.shape_cast %swap3A_1167 : vector<1x16xf32> to vector<16xf32>
        %swap3A_1169 = vector.shape_cast %mul3A_1162 : vector<16xf32> to vector<1x16xf32>
        tpu.vector_store %arg15[%swap3A_1165, %swap3A_1166], %swap3A_1169 {strides = array<i32>} : memref<96x128xf32, #tpu.memory_space<vmem>>, vector<1x16xf32>,
        %mul3A_1170 = arith.mulf %mul3A_1141, %mul3A_1146 : vector<16xf32>
        %mul3A_1171 = arith.mulf %mul3A_1170, %get3A_1152 : vector<16xf32>
        %add3A_1172 = arith.constant 2 : i32
        %add3A_1173 = arith.addi %mul3A_1104, %add3A_1172 : i32
        %swap3A_1174 = arith.index_cast %add3A_1173 : i32 to index
        %swap3A_1175 = arith.constant 0 : index
        %swap3A_1176 = tpu.vector_load %arg15[%swap3A_1174, %swap3A_1175] {strides = array<i32>} : memref<96x128xf32, #tpu.memory_space<vmem>>, vector<1x16xf32>,
        %swap3A_1177 = vector.shape_cast %swap3A_1176 : vector<1x16xf32> to vector<16xf32>
        %swap3A_1178 = vector.shape_cast %mul3A_1171 : vector<16xf32> to vector<1x16xf32>
        tpu.vector_store %arg15[%swap3A_1174, %swap3A_1175], %swap3A_1178 {strides = array<i32>} : memref<96x128xf32, #tpu.memory_space<vmem>>, vector<1x16xf32>,
        %mul3A_1179 = arith.mulf %mul3A_1142, %mul3A_1145 : vector<16xf32>
        %mul3A_1180 = arith.mulf %mul3A_1179, %get3A_1152 : vector<16xf32>
        %add3A_1181 = arith.constant 3 : i32
        %add3A_1182 = arith.addi %mul3A_1104, %add3A_1181 : i32
        %swap3A_1183 = arith.index_cast %add3A_1182 : i32 to index
        %swap3A_1184 = arith.constant 0 : index
        %swap3A_1185 = tpu.vector_load %arg15[%swap3A_1183, %swap3A_1184] {strides = array<i32>} : memref<96x128xf32, #tpu.memory_space<vmem>>, vector<1x16xf32>,
        %swap3A_1186 = vector.shape_cast %swap3A_1185 : vector<1x16xf32> to vector<16xf32>
        %swap3A_1187 = vector.shape_cast %mul3A_1180 : vector<16xf32> to vector<1x16xf32>
        tpu.vector_store %arg15[%swap3A_1183, %swap3A_1184], %swap3A_1187 {strides = array<i32>} : memref<96x128xf32, #tpu.memory_space<vmem>>, vector<1x16xf32>,
        %mul3A_1188 = arith.mulf %mul3A_1143, %get3A_1140 : vector<16xf32>
        %mul3A_1189 = arith.mulf %mul3A_1188, %get3A_1152 : vector<16xf32>
        %add3A_1190 = arith.constant 4 : i32
        %add3A_1191 = arith.addi %mul3A_1104, %add3A_1190 : i32
        %swap3A_1192 = arith.index_cast %add3A_1191 : i32 to index
        %swap3A_1193 = arith.constant 0 : index
        %swap3A_1194 = tpu.vector_load %arg15[%swap3A_1192, %swap3A_1193] {strides = array<i32>} : memref<96x128xf32, #tpu.memory_space<vmem>>, vector<1x16xf32>,
        %swap3A_1195 = vector.shape_cast %swap3A_1194 : vector<1x16xf32> to vector<16xf32>
        %swap3A_1196 = vector.shape_cast %mul3A_1189 : vector<16xf32> to vector<1x16xf32>
        tpu.vector_store %arg15[%swap3A_1192, %swap3A_1193], %swap3A_1196 {strides = array<i32>} : memref<96x128xf32, #tpu.memory_space<vmem>>, vector<1x16xf32>,
        %mul3A_1197 = arith.mulf %mul3A_1144, %get3A_1152 : vector<16xf32>
        %add3A_1198 = arith.constant 5 : i32
        %add3A_1199 = arith.addi %mul3A_1104, %add3A_1198 : i32
        %swap3A_1200 = arith.index_cast %add3A_1199 : i32 to index
        %swap3A_1201 = arith.constant 0 : index
        %swap3A_1202 = tpu.vector_load %arg15[%swap3A_1200, %swap3A_1201] {strides = array<i32>} : memref<96x128xf32, #tpu.memory_space<vmem>>, vector<1x16xf32>,
        %swap3A_1203 = vector.shape_cast %swap3A_1202 : vector<1x16xf32> to vector<16xf32>
        %swap3A_1204 = vector.shape_cast %mul3A_1197 : vector<16xf32> to vector<1x16xf32>
        tpu.vector_store %arg15[%swap3A_1200, %swap3A_1201], %swap3A_1204 {strides = array<i32>} : memref<96x128xf32, #tpu.memory_space<vmem>>, vector<1x16xf32>,
        %add3A_1205 = arith.constant 0 : i32
        %add3A_1206 = arith.addi %mul3A_1104, %add3A_1205 : i32
        %get3A_1207 = arith.index_cast %add3A_1206 : i32 to index
        %get3A_1208 = arith.constant 16 : index
        %get3A_1209 = tpu.vector_load %arg13[%get3A_1207, %get3A_1208] {strides = array<i32>} : memref<96x128xf32, #tpu.memory_space<vmem>>, vector<1x16xf32>,
        %get3A_1210 = vector.shape_cast %get3A_1209 : vector<1x16xf32> to vector<16xf32>
        %add3A_1211 = arith.constant 1 : i32
        %add3A_1212 = arith.addi %mul3A_1104, %add3A_1211 : i32
        %get3A_1213 = arith.index_cast %add3A_1212 : i32 to index
        %get3A_1214 = arith.constant 16 : index
        %get3A_1215 = tpu.vector_load %arg13[%get3A_1213, %get3A_1214] {strides = array<i32>} : memref<96x128xf32, #tpu.memory_space<vmem>>, vector<1x16xf32>,
        %get3A_1216 = vector.shape_cast %get3A_1215 : vector<1x16xf32> to vector<16xf32>
        %add3A_1217 = arith.constant 2 : i32
        %add3A_1218 = arith.addi %mul3A_1104, %add3A_1217 : i32
        %get3A_1219 = arith.index_cast %add3A_1218 : i32 to index
        %get3A_1220 = arith.constant 16 : index
        %get3A_1221 = tpu.vector_load %arg13[%get3A_1219, %get3A_1220] {strides = array<i32>} : memref<96x128xf32, #tpu.memory_space<vmem>>, vector<1x16xf32>,
        %get3A_1222 = vector.shape_cast %get3A_1221 : vector<1x16xf32> to vector<16xf32>
        %add3A_1223 = arith.constant 3 : i32
        %add3A_1224 = arith.addi %mul3A_1104, %add3A_1223 : i32
        %get3A_1225 = arith.index_cast %add3A_1224 : i32 to index
        %get3A_1226 = arith.constant 16 : index
        %get3A_1227 = tpu.vector_load %arg13[%get3A_1225, %get3A_1226] {strides = array<i32>} : memref<96x128xf32, #tpu.memory_space<vmem>>, vector<1x16xf32>,
        %get3A_1228 = vector.shape_cast %get3A_1227 : vector<1x16xf32> to vector<16xf32>
        %add3A_1229 = arith.constant 4 : i32
        %add3A_1230 = arith.addi %mul3A_1104, %add3A_1229 : i32
        %get3A_1231 = arith.index_cast %add3A_1230 : i32 to index
        %get3A_1232 = arith.constant 16 : index
        %get3A_1233 = tpu.vector_load %arg13[%get3A_1231, %get3A_1232] {strides = array<i32>} : memref<96x128xf32, #tpu.memory_space<vmem>>, vector<1x16xf32>,
        %get3A_1234 = vector.shape_cast %get3A_1233 : vector<1x16xf32> to vector<16xf32>
        %add3A_1235 = arith.constant 5 : i32
        %add3A_1236 = arith.addi %mul3A_1104, %add3A_1235 : i32
        %get3A_1237 = arith.index_cast %add3A_1236 : i32 to index
        %get3A_1238 = arith.constant 16 : index
        %get3A_1239 = tpu.vector_load %arg13[%get3A_1237, %get3A_1238] {strides = array<i32>} : memref<96x128xf32, #tpu.memory_space<vmem>>, vector<1x16xf32>,
        %get3A_1240 = vector.shape_cast %get3A_1239 : vector<1x16xf32> to vector<16xf32>
        %mul3A_1241 = arith.mulf %get3A_1210, %get3A_1216 : vector<16xf32>
        %mul3A_1242 = arith.mulf %mul3A_1241, %get3A_1222 : vector<16xf32>
        %mul3A_1243 = arith.mulf %mul3A_1242, %get3A_1228 : vector<16xf32>
        %mul3A_1244 = arith.mulf %mul3A_1243, %get3A_1234 : vector<16xf32>
        %mul3A_1245 = arith.mulf %get3A_1240, %get3A_1234 : vector<16xf32>
        %mul3A_1246 = arith.mulf %mul3A_1245, %get3A_1228 : vector<16xf32>
        %mul3A_1247 = arith.mulf %mul3A_1246, %get3A_1222 : vector<16xf32>
        %mul3A_1248 = arith.mulf %mul3A_1247, %get3A_1216 : vector<16xf32>
        %get3A_1249 = arith.index_cast %add3A_1102 : i32 to index
        %get3A_1250 = arith.constant 16 : index
        %get3A_1251 = tpu.vector_load %arg16[%get3A_1249, %get3A_1250] {strides = array<i32>} : memref<16x128xf32, #tpu.memory_space<vmem>>, vector<1x16xf32>,
        %get3A_1252 = vector.shape_cast %get3A_1251 : vector<1x16xf32> to vector<16xf32>
        %mul3A_1253 = arith.mulf %mul3A_1248, %get3A_1252 : vector<16xf32>
        %add3A_1254 = arith.constant 0 : i32
        %add3A_1255 = arith.addi %mul3A_1104, %add3A_1254 : i32
        %swap3A_1256 = arith.index_cast %add3A_1255 : i32 to index
        %swap3A_1257 = arith.constant 16 : index
        %swap3A_1258 = tpu.vector_load %arg15[%swap3A_1256, %swap3A_1257] {strides = array<i32>} : memref<96x128xf32, #tpu.memory_space<vmem>>, vector<1x16xf32>,
        %swap3A_1259 = vector.shape_cast %swap3A_1258 : vector<1x16xf32> to vector<16xf32>
        %swap3A_1260 = vector.shape_cast %mul3A_1253 : vector<16xf32> to vector<1x16xf32>
        tpu.vector_store %arg15[%swap3A_1256, %swap3A_1257], %swap3A_1260 {strides = array<i32>} : memref<96x128xf32, #tpu.memory_space<vmem>>, vector<1x16xf32>,
        %mul3A_1261 = arith.mulf %get3A_1210, %mul3A_1247 : vector<16xf32>
        %mul3A_1262 = arith.mulf %mul3A_1261, %get3A_1252 : vector<16xf32>
        %add3A_1263 = arith.constant 1 : i32
        %add3A_1264 = arith.addi %mul3A_1104, %add3A_1263 : i32
        %swap3A_1265 = arith.index_cast %add3A_1264 : i32 to index
        %swap3A_1266 = arith.constant 16 : index
        %swap3A_1267 = tpu.vector_load %arg15[%swap3A_1265, %swap3A_1266] {strides = array<i32>} : memref<96x128xf32, #tpu.memory_space<vmem>>, vector<1x16xf32>,
        %swap3A_1268 = vector.shape_cast %swap3A_1267 : vector<1x16xf32> to vector<16xf32>
        %swap3A_1269 = vector.shape_cast %mul3A_1262 : vector<16xf32> to vector<1x16xf32>
        tpu.vector_store %arg15[%swap3A_1265, %swap3A_1266], %swap3A_1269 {strides = array<i32>} : memref<96x128xf32, #tpu.memory_space<vmem>>, vector<1x16xf32>,
        %mul3A_1270 = arith.mulf %mul3A_1241, %mul3A_1246 : vector<16xf32>
        %mul3A_1271 = arith.mulf %mul3A_1270, %get3A_1252 : vector<16xf32>
        %add3A_1272 = arith.constant 2 : i32
        %add3A_1273 = arith.addi %mul3A_1104, %add3A_1272 : i32
        %swap3A_1274 = arith.index_cast %add3A_1273 : i32 to index
        %swap3A_1275 = arith.constant 16 : index
        %swap3A_1276 = tpu.vector_load %arg15[%swap3A_1274, %swap3A_1275] {strides = array<i32>} : memref<96x128xf32, #tpu.memory_space<vmem>>, vector<1x16xf32>,
        %swap3A_1277 = vector.shape_cast %swap3A_1276 : vector<1x16xf32> to vector<16xf32>
        %swap3A_1278 = vector.shape_cast %mul3A_1271 : vector<16xf32> to vector<1x16xf32>
        tpu.vector_store %arg15[%swap3A_1274, %swap3A_1275], %swap3A_1278 {strides = array<i32>} : memref<96x128xf32, #tpu.memory_space<vmem>>, vector<1x16xf32>,
        %mul3A_1279 = arith.mulf %mul3A_1242, %mul3A_1245 : vector<16xf32>
        %mul3A_1280 = arith.mulf %mul3A_1279, %get3A_1252 : vector<16xf32>
        %add3A_1281 = arith.constant 3 : i32
        %add3A_1282 = arith.addi %mul3A_1104, %add3A_1281 : i32
        %swap3A_1283 = arith.index_cast %add3A_1282 : i32 to index
        %swap3A_1284 = arith.constant 16 : index
        %swap3A_1285 = tpu.vector_load %arg15[%swap3A_1283, %swap3A_1284] {strides = array<i32>} : memref<96x128xf32, #tpu.memory_space<vmem>>, vector<1x16xf32>,
        %swap3A_1286 = vector.shape_cast %swap3A_1285 : vector<1x16xf32> to vector<16xf32>
        %swap3A_1287 = vector.shape_cast %mul3A_1280 : vector<16xf32> to vector<1x16xf32>
        tpu.vector_store %arg15[%swap3A_1283, %swap3A_1284], %swap3A_1287 {strides = array<i32>} : memref<96x128xf32, #tpu.memory_space<vmem>>, vector<1x16xf32>,
        %mul3A_1288 = arith.mulf %mul3A_1243, %get3A_1240 : vector<16xf32>
        %mul3A_1289 = arith.mulf %mul3A_1288, %get3A_1252 : vector<16xf32>
        %add3A_1290 = arith.constant 4 : i32
        %add3A_1291 = arith.addi %mul3A_1104, %add3A_1290 : i32
        %swap3A_1292 = arith.index_cast %add3A_1291 : i32 to index
        %swap3A_1293 = arith.constant 16 : index
        %swap3A_1294 = tpu.vector_load %arg15[%swap3A_1292, %swap3A_1293] {strides = array<i32>} : memref<96x128xf32, #tpu.memory_space<vmem>>, vector<1x16xf32>,
        %swap3A_1295 = vector.shape_cast %swap3A_1294 : vector<1x16xf32> to vector<16xf32>
        %swap3A_1296 = vector.shape_cast %mul3A_1289 : vector<16xf32> to vector<1x16xf32>
        tpu.vector_store %arg15[%swap3A_1292, %swap3A_1293], %swap3A_1296 {strides = array<i32>} : memref<96x128xf32, #tpu.memory_space<vmem>>, vector<1x16xf32>,
        %mul3A_1297 = arith.mulf %mul3A_1244, %get3A_1252 : vector<16xf32>
        %add3A_1298 = arith.constant 5 : i32
        %add3A_1299 = arith.addi %mul3A_1104, %add3A_1298 : i32
        %swap3A_1300 = arith.index_cast %add3A_1299 : i32 to index
        %swap3A_1301 = arith.constant 16 : index
        %swap3A_1302 = tpu.vector_load %arg15[%swap3A_1300, %swap3A_1301] {strides = array<i32>} : memref<96x128xf32, #tpu.memory_space<vmem>>, vector<1x16xf32>,
        %swap3A_1303 = vector.shape_cast %swap3A_1302 : vector<1x16xf32> to vector<16xf32>
        %swap3A_1304 = vector.shape_cast %mul3A_1297 : vector<16xf32> to vector<1x16xf32>
        tpu.vector_store %arg15[%swap3A_1300, %swap3A_1301], %swap3A_1304 {strides = array<i32>} : memref<96x128xf32, #tpu.memory_space<vmem>>, vector<1x16xf32>,
        %add3A_1305 = arith.constant 0 : i32
        %add3A_1306 = arith.addi %mul3A_1104, %add3A_1305 : i32
        %get3A_1307 = arith.index_cast %add3A_1306 : i32 to index
        %get3A_1308 = arith.constant 32 : index
        %get3A_1309 = tpu.vector_load %arg13[%get3A_1307, %get3A_1308] {strides = array<i32>} : memref<96x128xf32, #tpu.memory_space<vmem>>, vector<1x16xf32>,
        %get3A_1310 = vector.shape_cast %get3A_1309 : vector<1x16xf32> to vector<16xf32>
        %add3A_1311 = arith.constant 1 : i32
        %add3A_1312 = arith.addi %mul3A_1104, %add3A_1311 : i32
        %get3A_1313 = arith.index_cast %add3A_1312 : i32 to index
        %get3A_1314 = arith.constant 32 : index
        %get3A_1315 = tpu.vector_load %arg13[%get3A_1313, %get3A_1314] {strides = array<i32>} : memref<96x128xf32, #tpu.memory_space<vmem>>, vector<1x16xf32>,
        %get3A_1316 = vector.shape_cast %get3A_1315 : vector<1x16xf32> to vector<16xf32>
        %add3A_1317 = arith.constant 2 : i32
        %add3A_1318 = arith.addi %mul3A_1104, %add3A_1317 : i32
        %get3A_1319 = arith.index_cast %add3A_1318 : i32 to index
        %get3A_1320 = arith.constant 32 : index
        %get3A_1321 = tpu.vector_load %arg13[%get3A_1319, %get3A_1320] {strides = array<i32>} : memref<96x128xf32, #tpu.memory_space<vmem>>, vector<1x16xf32>,
        %get3A_1322 = vector.shape_cast %get3A_1321 : vector<1x16xf32> to vector<16xf32>
        %add3A_1323 = arith.constant 3 : i32
        %add3A_1324 = arith.addi %mul3A_1104, %add3A_1323 : i32
        %get3A_1325 = arith.index_cast %add3A_1324 : i32 to index
        %get3A_1326 = arith.constant 32 : index
        %get3A_1327 = tpu.vector_load %arg13[%get3A_1325, %get3A_1326] {strides = array<i32>} : memref<96x128xf32, #tpu.memory_space<vmem>>, vector<1x16xf32>,
        %get3A_1328 = vector.shape_cast %get3A_1327 : vector<1x16xf32> to vector<16xf32>
        %add3A_1329 = arith.constant 4 : i32
        %add3A_1330 = arith.addi %mul3A_1104, %add3A_1329 : i32
        %get3A_1331 = arith.index_cast %add3A_1330 : i32 to index
        %get3A_1332 = arith.constant 32 : index
        %get3A_1333 = tpu.vector_load %arg13[%get3A_1331, %get3A_1332] {strides = array<i32>} : memref<96x128xf32, #tpu.memory_space<vmem>>, vector<1x16xf32>,
        %get3A_1334 = vector.shape_cast %get3A_1333 : vector<1x16xf32> to vector<16xf32>
        %add3A_1335 = arith.constant 5 : i32
        %add3A_1336 = arith.addi %mul3A_1104, %add3A_1335 : i32
        %get3A_1337 = arith.index_cast %add3A_1336 : i32 to index
        %get3A_1338 = arith.constant 32 : index
        %get3A_1339 = tpu.vector_load %arg13[%get3A_1337, %get3A_1338] {strides = array<i32>} : memref<96x128xf32, #tpu.memory_space<vmem>>, vector<1x16xf32>,
        %get3A_1340 = vector.shape_cast %get3A_1339 : vector<1x16xf32> to vector<16xf32>
        %mul3A_1341 = arith.mulf %get3A_1310, %get3A_1316 : vector<16xf32>
        %mul3A_1342 = arith.mulf %mul3A_1341, %get3A_1322 : vector<16xf32>
        %mul3A_1343 = arith.mulf %mul3A_1342, %get3A_1328 : vector<16xf32>
        %mul3A_1344 = arith.mulf %mul3A_1343, %get3A_1334 : vector<16xf32>
        %mul3A_1345 = arith.mulf %get3A_1340, %get3A_1334 : vector<16xf32>
        %mul3A_1346 = arith.mulf %mul3A_1345, %get3A_1328 : vector<16xf32>
        %mul3A_1347 = arith.mulf %mul3A_1346, %get3A_1322 : vector<16xf32>
        %mul3A_1348 = arith.mulf %mul3A_1347, %get3A_1316 : vector<16xf32>
        %get3A_1349 = arith.index_cast %add3A_1102 : i32 to index
        %get3A_1350 = arith.constant 32 : index
        %get3A_1351 = tpu.vector_load %arg16[%get3A_1349, %get3A_1350] {strides = array<i32>} : memref<16x128xf32, #tpu.memory_space<vmem>>, vector<1x16xf32>,
        %get3A_1352 = vector.shape_cast %get3A_1351 : vector<1x16xf32> to vector<16xf32>
        %mul3A_1353 = arith.mulf %mul3A_1348, %get3A_1352 : vector<16xf32>
        %add3A_1354 = arith.constant 0 : i32
        %add3A_1355 = arith.addi %mul3A_1104, %add3A_1354 : i32
        %swap3A_1356 = arith.index_cast %add3A_1355 : i32 to index
        %swap3A_1357 = arith.constant 32 : index
        %swap3A_1358 = tpu.vector_load %arg15[%swap3A_1356, %swap3A_1357] {strides = array<i32>} : memref<96x128xf32, #tpu.memory_space<vmem>>, vector<1x16xf32>,
        %swap3A_1359 = vector.shape_cast %swap3A_1358 : vector<1x16xf32> to vector<16xf32>
        %swap3A_1360 = vector.shape_cast %mul3A_1353 : vector<16xf32> to vector<1x16xf32>
        tpu.vector_store %arg15[%swap3A_1356, %swap3A_1357], %swap3A_1360 {strides = array<i32>} : memref<96x128xf32, #tpu.memory_space<vmem>>, vector<1x16xf32>,
        %mul3A_1361 = arith.mulf %get3A_1310, %mul3A_1347 : vector<16xf32>
        %mul3A_1362 = arith.mulf %mul3A_1361, %get3A_1352 : vector<16xf32>
        %add3A_1363 = arith.constant 1 : i32
        %add3A_1364 = arith.addi %mul3A_1104, %add3A_1363 : i32
        %swap3A_1365 = arith.index_cast %add3A_1364 : i32 to index
        %swap3A_1366 = arith.constant 32 : index
        %swap3A_1367 = tpu.vector_load %arg15[%swap3A_1365, %swap3A_1366] {strides = array<i32>} : memref<96x128xf32, #tpu.memory_space<vmem>>, vector<1x16xf32>,
        %swap3A_1368 = vector.shape_cast %swap3A_1367 : vector<1x16xf32> to vector<16xf32>
        %swap3A_1369 = vector.shape_cast %mul3A_1362 : vector<16xf32> to vector<1x16xf32>
        tpu.vector_store %arg15[%swap3A_1365, %swap3A_1366], %swap3A_1369 {strides = array<i32>} : memref<96x128xf32, #tpu.memory_space<vmem>>, vector<1x16xf32>,
        %mul3A_1370 = arith.mulf %mul3A_1341, %mul3A_1346 : vector<16xf32>
        %mul3A_1371 = arith.mulf %mul3A_1370, %get3A_1352 : vector<16xf32>
        %add3A_1372 = arith.constant 2 : i32
        %add3A_1373 = arith.addi %mul3A_1104, %add3A_1372 : i32
        %swap3A_1374 = arith.index_cast %add3A_1373 : i32 to index
        %swap3A_1375 = arith.constant 32 : index
        %swap3A_1376 = tpu.vector_load %arg15[%swap3A_1374, %swap3A_1375] {strides = array<i32>} : memref<96x128xf32, #tpu.memory_space<vmem>>, vector<1x16xf32>,
        %swap3A_1377 = vector.shape_cast %swap3A_1376 : vector<1x16xf32> to vector<16xf32>
        %swap3A_1378 = vector.shape_cast %mul3A_1371 : vector<16xf32> to vector<1x16xf32>
        tpu.vector_store %arg15[%swap3A_1374, %swap3A_1375], %swap3A_1378 {strides = array<i32>} : memref<96x128xf32, #tpu.memory_space<vmem>>, vector<1x16xf32>,
        %mul3A_1379 = arith.mulf %mul3A_1342, %mul3A_1345 : vector<16xf32>
        %mul3A_1380 = arith.mulf %mul3A_1379, %get3A_1352 : vector<16xf32>
        %add3A_1381 = arith.constant 3 : i32
        %add3A_1382 = arith.addi %mul3A_1104, %add3A_1381 : i32
        %swap3A_1383 = arith.index_cast %add3A_1382 : i32 to index
        %swap3A_1384 = arith.constant 32 : index
        %swap3A_1385 = tpu.vector_load %arg15[%swap3A_1383, %swap3A_1384] {strides = array<i32>} : memref<96x128xf32, #tpu.memory_space<vmem>>, vector<1x16xf32>,
        %swap3A_1386 = vector.shape_cast %swap3A_1385 : vector<1x16xf32> to vector<16xf32>
        %swap3A_1387 = vector.shape_cast %mul3A_1380 : vector<16xf32> to vector<1x16xf32>
        tpu.vector_store %arg15[%swap3A_1383, %swap3A_1384], %swap3A_1387 {strides = array<i32>} : memref<96x128xf32, #tpu.memory_space<vmem>>, vector<1x16xf32>,
        %mul3A_1388 = arith.mulf %mul3A_1343, %get3A_1340 : vector<16xf32>
        %mul3A_1389 = arith.mulf %mul3A_1388, %get3A_1352 : vector<16xf32>
        %add3A_1390 = arith.constant 4 : i32
        %add3A_1391 = arith.addi %mul3A_1104, %add3A_1390 : i32
        %swap3A_1392 = arith.index_cast %add3A_1391 : i32 to index
        %swap3A_1393 = arith.constant 32 : index
        %swap3A_1394 = tpu.vector_load %arg15[%swap3A_1392, %swap3A_1393] {strides = array<i32>} : memref<96x128xf32, #tpu.memory_space<vmem>>, vector<1x16xf32>,
        %swap3A_1395 = vector.shape_cast %swap3A_1394 : vector<1x16xf32> to vector<16xf32>
        %swap3A_1396 = vector.shape_cast %mul3A_1389 : vector<16xf32> to vector<1x16xf32>
        tpu.vector_store %arg15[%swap3A_1392, %swap3A_1393], %swap3A_1396 {strides = array<i32>} : memref<96x128xf32, #tpu.memory_space<vmem>>, vector<1x16xf32>,
        %mul3A_1397 = arith.mulf %mul3A_1344, %get3A_1352 : vector<16xf32>
        %add3A_1398 = arith.constant 5 : i32
        %add3A_1399 = arith.addi %mul3A_1104, %add3A_1398 : i32
        %swap3A_1400 = arith.index_cast %add3A_1399 : i32 to index
        %swap3A_1401 = arith.constant 32 : index
        %swap3A_1402 = tpu.vector_load %arg15[%swap3A_1400, %swap3A_1401] {strides = array<i32>} : memref<96x128xf32, #tpu.memory_space<vmem>>, vector<1x16xf32>,
        %swap3A_1403 = vector.shape_cast %swap3A_1402 : vector<1x16xf32> to vector<16xf32>
        %swap3A_1404 = vector.shape_cast %mul3A_1397 : vector<16xf32> to vector<1x16xf32>
        tpu.vector_store %arg15[%swap3A_1400, %swap3A_1401], %swap3A_1404 {strides = array<i32>} : memref<96x128xf32, #tpu.memory_space<vmem>>, vector<1x16xf32>,
        %add3A_1405 = arith.constant 0 : i32
        %add3A_1406 = arith.addi %mul3A_1104, %add3A_1405 : i32
        %get3A_1407 = arith.index_cast %add3A_1406 : i32 to index
        %get3A_1408 = arith.constant 48 : index
        %get3A_1409 = tpu.vector_load %arg13[%get3A_1407, %get3A_1408] {strides = array<i32>} : memref<96x128xf32, #tpu.memory_space<vmem>>, vector<1x16xf32>,
        %get3A_1410 = vector.shape_cast %get3A_1409 : vector<1x16xf32> to vector<16xf32>
        %add3A_1411 = arith.constant 1 : i32
        %add3A_1412 = arith.addi %mul3A_1104, %add3A_1411 : i32
        %get3A_1413 = arith.index_cast %add3A_1412 : i32 to index
        %get3A_1414 = arith.constant 48 : index
        %get3A_1415 = tpu.vector_load %arg13[%get3A_1413, %get3A_1414] {strides = array<i32>} : memref<96x128xf32, #tpu.memory_space<vmem>>, vector<1x16xf32>,
        %get3A_1416 = vector.shape_cast %get3A_1415 : vector<1x16xf32> to vector<16xf32>
        %add3A_1417 = arith.constant 2 : i32
        %add3A_1418 = arith.addi %mul3A_1104, %add3A_1417 : i32
        %get3A_1419 = arith.index_cast %add3A_1418 : i32 to index
        %get3A_1420 = arith.constant 48 : index
        %get3A_1421 = tpu.vector_load %arg13[%get3A_1419, %get3A_1420] {strides = array<i32>} : memref<96x128xf32, #tpu.memory_space<vmem>>, vector<1x16xf32>,
        %get3A_1422 = vector.shape_cast %get3A_1421 : vector<1x16xf32> to vector<16xf32>
        %add3A_1423 = arith.constant 3 : i32
        %add3A_1424 = arith.addi %mul3A_1104, %add3A_1423 : i32
        %get3A_1425 = arith.index_cast %add3A_1424 : i32 to index
        %get3A_1426 = arith.constant 48 : index
        %get3A_1427 = tpu.vector_load %arg13[%get3A_1425, %get3A_1426] {strides = array<i32>} : memref<96x128xf32, #tpu.memory_space<vmem>>, vector<1x16xf32>,
        %get3A_1428 = vector.shape_cast %get3A_1427 : vector<1x16xf32> to vector<16xf32>
        %add3A_1429 = arith.constant 4 : i32
        %add3A_1430 = arith.addi %mul3A_1104, %add3A_1429 : i32
        %get3A_1431 = arith.index_cast %add3A_1430 : i32 to index
        %get3A_1432 = arith.constant 48 : index
        %get3A_1433 = tpu.vector_load %arg13[%get3A_1431, %get3A_1432] {strides = array<i32>} : memref<96x128xf32, #tpu.memory_space<vmem>>, vector<1x16xf32>,
        %get3A_1434 = vector.shape_cast %get3A_1433 : vector<1x16xf32> to vector<16xf32>
        %add3A_1435 = arith.constant 5 : i32
        %add3A_1436 = arith.addi %mul3A_1104, %add3A_1435 : i32
        %get3A_1437 = arith.index_cast %add3A_1436 : i32 to index
        %get3A_1438 = arith.constant 48 : index
        %get3A_1439 = tpu.vector_load %arg13[%get3A_1437, %get3A_1438] {strides = array<i32>} : memref<96x128xf32, #tpu.memory_space<vmem>>, vector<1x16xf32>,
        %get3A_1440 = vector.shape_cast %get3A_1439 : vector<1x16xf32> to vector<16xf32>
        %mul3A_1441 = arith.mulf %get3A_1410, %get3A_1416 : vector<16xf32>
        %mul3A_1442 = arith.mulf %mul3A_1441, %get3A_1422 : vector<16xf32>
        %mul3A_1443 = arith.mulf %mul3A_1442, %get3A_1428 : vector<16xf32>
        %mul3A_1444 = arith.mulf %mul3A_1443, %get3A_1434 : vector<16xf32>
        %mul3A_1445 = arith.mulf %get3A_1440, %get3A_1434 : vector<16xf32>
        %mul3A_1446 = arith.mulf %mul3A_1445, %get3A_1428 : vector<16xf32>
        %mul3A_1447 = arith.mulf %mul3A_1446, %get3A_1422 : vector<16xf32>
        %mul3A_1448 = arith.mulf %mul3A_1447, %get3A_1416 : vector<16xf32>
        %get3A_1449 = arith.index_cast %add3A_1102 : i32 to index
        %get3A_1450 = arith.constant 48 : index
        %get3A_1451 = tpu.vector_load %arg16[%get3A_1449, %get3A_1450] {strides = array<i32>} : memref<16x128xf32, #tpu.memory_space<vmem>>, vector<1x16xf32>,
        %get3A_1452 = vector.shape_cast %get3A_1451 : vector<1x16xf32> to vector<16xf32>
        %mul3A_1453 = arith.mulf %mul3A_1448, %get3A_1452 : vector<16xf32>
        %add3A_1454 = arith.constant 0 : i32
        %add3A_1455 = arith.addi %mul3A_1104, %add3A_1454 : i32
        %swap3A_1456 = arith.index_cast %add3A_1455 : i32 to index
        %swap3A_1457 = arith.constant 48 : index
        %swap3A_1458 = tpu.vector_load %arg15[%swap3A_1456, %swap3A_1457] {strides = array<i32>} : memref<96x128xf32, #tpu.memory_space<vmem>>, vector<1x16xf32>,
        %swap3A_1459 = vector.shape_cast %swap3A_1458 : vector<1x16xf32> to vector<16xf32>
        %swap3A_1460 = vector.shape_cast %mul3A_1453 : vector<16xf32> to vector<1x16xf32>
        tpu.vector_store %arg15[%swap3A_1456, %swap3A_1457], %swap3A_1460 {strides = array<i32>} : memref<96x128xf32, #tpu.memory_space<vmem>>, vector<1x16xf32>,
        %mul3A_1461 = arith.mulf %get3A_1410, %mul3A_1447 : vector<16xf32>
        %mul3A_1462 = arith.mulf %mul3A_1461, %get3A_1452 : vector<16xf32>
        %add3A_1463 = arith.constant 1 : i32
        %add3A_1464 = arith.addi %mul3A_1104, %add3A_1463 : i32
        %swap3A_1465 = arith.index_cast %add3A_1464 : i32 to index
        %swap3A_1466 = arith.constant 48 : index
        %swap3A_1467 = tpu.vector_load %arg15[%swap3A_1465, %swap3A_1466] {strides = array<i32>} : memref<96x128xf32, #tpu.memory_space<vmem>>, vector<1x16xf32>,
        %swap3A_1468 = vector.shape_cast %swap3A_1467 : vector<1x16xf32> to vector<16xf32>
        %swap3A_1469 = vector.shape_cast %mul3A_1462 : vector<16xf32> to vector<1x16xf32>
        tpu.vector_store %arg15[%swap3A_1465, %swap3A_1466], %swap3A_1469 {strides = array<i32>} : memref<96x128xf32, #tpu.memory_space<vmem>>, vector<1x16xf32>,
        %mul3A_1470 = arith.mulf %mul3A_1441, %mul3A_1446 : vector<16xf32>
        %mul3A_1471 = arith.mulf %mul3A_1470, %get3A_1452 : vector<16xf32>
        %add3A_1472 = arith.constant 2 : i32
        %add3A_1473 = arith.addi %mul3A_1104, %add3A_1472 : i32
        %swap3A_1474 = arith.index_cast %add3A_1473 : i32 to index
        %swap3A_1475 = arith.constant 48 : index
        %swap3A_1476 = tpu.vector_load %arg15[%swap3A_1474, %swap3A_1475] {strides = array<i32>} : memref<96x128xf32, #tpu.memory_space<vmem>>, vector<1x16xf32>,
        %swap3A_1477 = vector.shape_cast %swap3A_1476 : vector<1x16xf32> to vector<16xf32>
        %swap3A_1478 = vector.shape_cast %mul3A_1471 : vector<16xf32> to vector<1x16xf32>
        tpu.vector_store %arg15[%swap3A_1474, %swap3A_1475], %swap3A_1478 {strides = array<i32>} : memref<96x128xf32, #tpu.memory_space<vmem>>, vector<1x16xf32>,
        %mul3A_1479 = arith.mulf %mul3A_1442, %mul3A_1445 : vector<16xf32>
        %mul3A_1480 = arith.mulf %mul3A_1479, %get3A_1452 : vector<16xf32>
        %add3A_1481 = arith.constant 3 : i32
        %add3A_1482 = arith.addi %mul3A_1104, %add3A_1481 : i32
        %swap3A_1483 = arith.index_cast %add3A_1482 : i32 to index
        %swap3A_1484 = arith.constant 48 : index
        %swap3A_1485 = tpu.vector_load %arg15[%swap3A_1483, %swap3A_1484] {strides = array<i32>} : memref<96x128xf32, #tpu.memory_space<vmem>>, vector<1x16xf32>,
        %swap3A_1486 = vector.shape_cast %swap3A_1485 : vector<1x16xf32> to vector<16xf32>
        %swap3A_1487 = vector.shape_cast %mul3A_1480 : vector<16xf32> to vector<1x16xf32>
        tpu.vector_store %arg15[%swap3A_1483, %swap3A_1484], %swap3A_1487 {strides = array<i32>} : memref<96x128xf32, #tpu.memory_space<vmem>>, vector<1x16xf32>,
        %mul3A_1488 = arith.mulf %mul3A_1443, %get3A_1440 : vector<16xf32>
        %mul3A_1489 = arith.mulf %mul3A_1488, %get3A_1452 : vector<16xf32>
        %add3A_1490 = arith.constant 4 : i32
        %add3A_1491 = arith.addi %mul3A_1104, %add3A_1490 : i32
        %swap3A_1492 = arith.index_cast %add3A_1491 : i32 to index
        %swap3A_1493 = arith.constant 48 : index
        %swap3A_1494 = tpu.vector_load %arg15[%swap3A_1492, %swap3A_1493] {strides = array<i32>} : memref<96x128xf32, #tpu.memory_space<vmem>>, vector<1x16xf32>,
        %swap3A_1495 = vector.shape_cast %swap3A_1494 : vector<1x16xf32> to vector<16xf32>
        %swap3A_1496 = vector.shape_cast %mul3A_1489 : vector<16xf32> to vector<1x16xf32>
        tpu.vector_store %arg15[%swap3A_1492, %swap3A_1493], %swap3A_1496 {strides = array<i32>} : memref<96x128xf32, #tpu.memory_space<vmem>>, vector<1x16xf32>,
        %mul3A_1497 = arith.mulf %mul3A_1444, %get3A_1452 : vector<16xf32>
        %add3A_1498 = arith.constant 5 : i32
        %add3A_1499 = arith.addi %mul3A_1104, %add3A_1498 : i32
        %swap3A_1500 = arith.index_cast %add3A_1499 : i32 to index
        %swap3A_1501 = arith.constant 48 : index
        %swap3A_1502 = tpu.vector_load %arg15[%swap3A_1500, %swap3A_1501] {strides = array<i32>} : memref<96x128xf32, #tpu.memory_space<vmem>>, vector<1x16xf32>,
        %swap3A_1503 = vector.shape_cast %swap3A_1502 : vector<1x16xf32> to vector<16xf32>
        %swap3A_1504 = vector.shape_cast %mul3A_1497 : vector<16xf32> to vector<1x16xf32>
        tpu.vector_store %arg15[%swap3A_1500, %swap3A_1501], %swap3A_1504 {strides = array<i32>} : memref<96x128xf32, #tpu.memory_space<vmem>>, vector<1x16xf32>,
        %add3A_1505 = arith.constant 0 : i32
        %add3A_1506 = arith.addi %mul3A_1104, %add3A_1505 : i32
        %get3A_1507 = arith.index_cast %add3A_1506 : i32 to index
        %get3A_1508 = arith.constant 64 : index
        %get3A_1509 = tpu.vector_load %arg13[%get3A_1507, %get3A_1508] {strides = array<i32>} : memref<96x128xf32, #tpu.memory_space<vmem>>, vector<1x16xf32>,
        %get3A_1510 = vector.shape_cast %get3A_1509 : vector<1x16xf32> to vector<16xf32>
        %add3A_1511 = arith.constant 1 : i32
        %add3A_1512 = arith.addi %mul3A_1104, %add3A_1511 : i32
        %get3A_1513 = arith.index_cast %add3A_1512 : i32 to index
        %get3A_1514 = arith.constant 64 : index
        %get3A_1515 = tpu.vector_load %arg13[%get3A_1513, %get3A_1514] {strides = array<i32>} : memref<96x128xf32, #tpu.memory_space<vmem>>, vector<1x16xf32>,
        %get3A_1516 = vector.shape_cast %get3A_1515 : vector<1x16xf32> to vector<16xf32>
        %add3A_1517 = arith.constant 2 : i32
        %add3A_1518 = arith.addi %mul3A_1104, %add3A_1517 : i32
        %get3A_1519 = arith.index_cast %add3A_1518 : i32 to index
        %get3A_1520 = arith.constant 64 : index
        %get3A_1521 = tpu.vector_load %arg13[%get3A_1519, %get3A_1520] {strides = array<i32>} : memref<96x128xf32, #tpu.memory_space<vmem>>, vector<1x16xf32>,
        %get3A_1522 = vector.shape_cast %get3A_1521 : vector<1x16xf32> to vector<16xf32>
        %add3A_1523 = arith.constant 3 : i32
        %add3A_1524 = arith.addi %mul3A_1104, %add3A_1523 : i32
        %get3A_1525 = arith.index_cast %add3A_1524 : i32 to index
        %get3A_1526 = arith.constant 64 : index
        %get3A_1527 = tpu.vector_load %arg13[%get3A_1525, %get3A_1526] {strides = array<i32>} : memref<96x128xf32, #tpu.memory_space<vmem>>, vector<1x16xf32>,
        %get3A_1528 = vector.shape_cast %get3A_1527 : vector<1x16xf32> to vector<16xf32>
        %add3A_1529 = arith.constant 4 : i32
        %add3A_1530 = arith.addi %mul3A_1104, %add3A_1529 : i32
        %get3A_1531 = arith.index_cast %add3A_1530 : i32 to index
        %get3A_1532 = arith.constant 64 : index
        %get3A_1533 = tpu.vector_load %arg13[%get3A_1531, %get3A_1532] {strides = array<i32>} : memref<96x128xf32, #tpu.memory_space<vmem>>, vector<1x16xf32>,
        %get3A_1534 = vector.shape_cast %get3A_1533 : vector<1x16xf32> to vector<16xf32>
        %add3A_1535 = arith.constant 5 : i32
        %add3A_1536 = arith.addi %mul3A_1104, %add3A_1535 : i32
        %get3A_1537 = arith.index_cast %add3A_1536 : i32 to index
        %get3A_1538 = arith.constant 64 : index
        %get3A_1539 = tpu.vector_load %arg13[%get3A_1537, %get3A_1538] {strides = array<i32>} : memref<96x128xf32, #tpu.memory_space<vmem>>, vector<1x16xf32>,
        %get3A_1540 = vector.shape_cast %get3A_1539 : vector<1x16xf32> to vector<16xf32>
        %mul3A_1541 = arith.mulf %get3A_1510, %get3A_1516 : vector<16xf32>
        %mul3A_1542 = arith.mulf %mul3A_1541, %get3A_1522 : vector<16xf32>
        %mul3A_1543 = arith.mulf %mul3A_1542, %get3A_1528 : vector<16xf32>
        %mul3A_1544 = arith.mulf %mul3A_1543, %get3A_1534 : vector<16xf32>
        %mul3A_1545 = arith.mulf %get3A_1540, %get3A_1534 : vector<16xf32>
        %mul3A_1546 = arith.mulf %mul3A_1545, %get3A_1528 : vector<16xf32>
        %mul3A_1547 = arith.mulf %mul3A_1546, %get3A_1522 : vector<16xf32>
        %mul3A_1548 = arith.mulf %mul3A_1547, %get3A_1516 : vector<16xf32>
        %get3A_1549 = arith.index_cast %add3A_1102 : i32 to index
        %get3A_1550 = arith.constant 64 : index
        %get3A_1551 = tpu.vector_load %arg16[%get3A_1549, %get3A_1550] {strides = array<i32>} : memref<16x128xf32, #tpu.memory_space<vmem>>, vector<1x16xf32>,
        %get3A_1552 = vector.shape_cast %get3A_1551 : vector<1x16xf32> to vector<16xf32>
        %mul3A_1553 = arith.mulf %mul3A_1548, %get3A_1552 : vector<16xf32>
        %add3A_1554 = arith.constant 0 : i32
        %add3A_1555 = arith.addi %mul3A_1104, %add3A_1554 : i32
        %swap3A_1556 = arith.index_cast %add3A_1555 : i32 to index
        %swap3A_1557 = arith.constant 64 : index
        %swap3A_1558 = tpu.vector_load %arg15[%swap3A_1556, %swap3A_1557] {strides = array<i32>} : memref<96x128xf32, #tpu.memory_space<vmem>>, vector<1x16xf32>,
        %swap3A_1559 = vector.shape_cast %swap3A_1558 : vector<1x16xf32> to vector<16xf32>
        %swap3A_1560 = vector.shape_cast %mul3A_1553 : vector<16xf32> to vector<1x16xf32>
        tpu.vector_store %arg15[%swap3A_1556, %swap3A_1557], %swap3A_1560 {strides = array<i32>} : memref<96x128xf32, #tpu.memory_space<vmem>>, vector<1x16xf32>,
        %mul3A_1561 = arith.mulf %get3A_1510, %mul3A_1547 : vector<16xf32>
        %mul3A_1562 = arith.mulf %mul3A_1561, %get3A_1552 : vector<16xf32>
        %add3A_1563 = arith.constant 1 : i32
        %add3A_1564 = arith.addi %mul3A_1104, %add3A_1563 : i32
        %swap3A_1565 = arith.index_cast %add3A_1564 : i32 to index
        %swap3A_1566 = arith.constant 64 : index
        %swap3A_1567 = tpu.vector_load %arg15[%swap3A_1565, %swap3A_1566] {strides = array<i32>} : memref<96x128xf32, #tpu.memory_space<vmem>>, vector<1x16xf32>,
        %swap3A_1568 = vector.shape_cast %swap3A_1567 : vector<1x16xf32> to vector<16xf32>
        %swap3A_1569 = vector.shape_cast %mul3A_1562 : vector<16xf32> to vector<1x16xf32>
        tpu.vector_store %arg15[%swap3A_1565, %swap3A_1566], %swap3A_1569 {strides = array<i32>} : memref<96x128xf32, #tpu.memory_space<vmem>>, vector<1x16xf32>,
        %mul3A_1570 = arith.mulf %mul3A_1541, %mul3A_1546 : vector<16xf32>
        %mul3A_1571 = arith.mulf %mul3A_1570, %get3A_1552 : vector<16xf32>
        %add3A_1572 = arith.constant 2 : i32
        %add3A_1573 = arith.addi %mul3A_1104, %add3A_1572 : i32
        %swap3A_1574 = arith.index_cast %add3A_1573 : i32 to index
        %swap3A_1575 = arith.constant 64 : index
        %swap3A_1576 = tpu.vector_load %arg15[%swap3A_1574, %swap3A_1575] {strides = array<i32>} : memref<96x128xf32, #tpu.memory_space<vmem>>, vector<1x16xf32>,
        %swap3A_1577 = vector.shape_cast %swap3A_1576 : vector<1x16xf32> to vector<16xf32>
        %swap3A_1578 = vector.shape_cast %mul3A_1571 : vector<16xf32> to vector<1x16xf32>
        tpu.vector_store %arg15[%swap3A_1574, %swap3A_1575], %swap3A_1578 {strides = array<i32>} : memref<96x128xf32, #tpu.memory_space<vmem>>, vector<1x16xf32>,
        %mul3A_1579 = arith.mulf %mul3A_1542, %mul3A_1545 : vector<16xf32>
        %mul3A_1580 = arith.mulf %mul3A_1579, %get3A_1552 : vector<16xf32>
        %add3A_1581 = arith.constant 3 : i32
        %add3A_1582 = arith.addi %mul3A_1104, %add3A_1581 : i32
        %swap3A_1583 = arith.index_cast %add3A_1582 : i32 to index
        %swap3A_1584 = arith.constant 64 : index
        %swap3A_1585 = tpu.vector_load %arg15[%swap3A_1583, %swap3A_1584] {strides = array<i32>} : memref<96x128xf32, #tpu.memory_space<vmem>>, vector<1x16xf32>,
        %swap3A_1586 = vector.shape_cast %swap3A_1585 : vector<1x16xf32> to vector<16xf32>
        %swap3A_1587 = vector.shape_cast %mul3A_1580 : vector<16xf32> to vector<1x16xf32>
        tpu.vector_store %arg15[%swap3A_1583, %swap3A_1584], %swap3A_1587 {strides = array<i32>} : memref<96x128xf32, #tpu.memory_space<vmem>>, vector<1x16xf32>,
        %mul3A_1588 = arith.mulf %mul3A_1543, %get3A_1540 : vector<16xf32>
        %mul3A_1589 = arith.mulf %mul3A_1588, %get3A_1552 : vector<16xf32>
        %add3A_1590 = arith.constant 4 : i32
        %add3A_1591 = arith.addi %mul3A_1104, %add3A_1590 : i32
        %swap3A_1592 = arith.index_cast %add3A_1591 : i32 to index
        %swap3A_1593 = arith.constant 64 : index
        %swap3A_1594 = tpu.vector_load %arg15[%swap3A_1592, %swap3A_1593] {strides = array<i32>} : memref<96x128xf32, #tpu.memory_space<vmem>>, vector<1x16xf32>,
        %swap3A_1595 = vector.shape_cast %swap3A_1594 : vector<1x16xf32> to vector<16xf32>
        %swap3A_1596 = vector.shape_cast %mul3A_1589 : vector<16xf32> to vector<1x16xf32>
        tpu.vector_store %arg15[%swap3A_1592, %swap3A_1593], %swap3A_1596 {strides = array<i32>} : memref<96x128xf32, #tpu.memory_space<vmem>>, vector<1x16xf32>,
        %mul3A_1597 = arith.mulf %mul3A_1544, %get3A_1552 : vector<16xf32>
        %add3A_1598 = arith.constant 5 : i32
        %add3A_1599 = arith.addi %mul3A_1104, %add3A_1598 : i32
        %swap3A_1600 = arith.index_cast %add3A_1599 : i32 to index
        %swap3A_1601 = arith.constant 64 : index
        %swap3A_1602 = tpu.vector_load %arg15[%swap3A_1600, %swap3A_1601] {strides = array<i32>} : memref<96x128xf32, #tpu.memory_space<vmem>>, vector<1x16xf32>,
        %swap3A_1603 = vector.shape_cast %swap3A_1602 : vector<1x16xf32> to vector<16xf32>
        %swap3A_1604 = vector.shape_cast %mul3A_1597 : vector<16xf32> to vector<1x16xf32>
        tpu.vector_store %arg15[%swap3A_1600, %swap3A_1601], %swap3A_1604 {strides = array<i32>} : memref<96x128xf32, #tpu.memory_space<vmem>>, vector<1x16xf32>,
        %add3A_1605 = arith.constant 0 : i32
        %add3A_1606 = arith.addi %mul3A_1104, %add3A_1605 : i32
        %get3A_1607 = arith.index_cast %add3A_1606 : i32 to index
        %get3A_1608 = arith.constant 80 : index
        %get3A_1609 = tpu.vector_load %arg13[%get3A_1607, %get3A_1608] {strides = array<i32>} : memref<96x128xf32, #tpu.memory_space<vmem>>, vector<1x16xf32>,
        %get3A_1610 = vector.shape_cast %get3A_1609 : vector<1x16xf32> to vector<16xf32>
        %add3A_1611 = arith.constant 1 : i32
        %add3A_1612 = arith.addi %mul3A_1104, %add3A_1611 : i32
        %get3A_1613 = arith.index_cast %add3A_1612 : i32 to index
        %get3A_1614 = arith.constant 80 : index
        %get3A_1615 = tpu.vector_load %arg13[%get3A_1613, %get3A_1614] {strides = array<i32>} : memref<96x128xf32, #tpu.memory_space<vmem>>, vector<1x16xf32>,
        %get3A_1616 = vector.shape_cast %get3A_1615 : vector<1x16xf32> to vector<16xf32>
        %add3A_1617 = arith.constant 2 : i32
        %add3A_1618 = arith.addi %mul3A_1104, %add3A_1617 : i32
        %get3A_1619 = arith.index_cast %add3A_1618 : i32 to index
        %get3A_1620 = arith.constant 80 : index
        %get3A_1621 = tpu.vector_load %arg13[%get3A_1619, %get3A_1620] {strides = array<i32>} : memref<96x128xf32, #tpu.memory_space<vmem>>, vector<1x16xf32>,
        %get3A_1622 = vector.shape_cast %get3A_1621 : vector<1x16xf32> to vector<16xf32>
        %add3A_1623 = arith.constant 3 : i32
        %add3A_1624 = arith.addi %mul3A_1104, %add3A_1623 : i32
        %get3A_1625 = arith.index_cast %add3A_1624 : i32 to index
        %get3A_1626 = arith.constant 80 : index
        %get3A_1627 = tpu.vector_load %arg13[%get3A_1625, %get3A_1626] {strides = array<i32>} : memref<96x128xf32, #tpu.memory_space<vmem>>, vector<1x16xf32>,
        %get3A_1628 = vector.shape_cast %get3A_1627 : vector<1x16xf32> to vector<16xf32>
        %add3A_1629 = arith.constant 4 : i32
        %add3A_1630 = arith.addi %mul3A_1104, %add3A_1629 : i32
        %get3A_1631 = arith.index_cast %add3A_1630 : i32 to index
        %get3A_1632 = arith.constant 80 : index
        %get3A_1633 = tpu.vector_load %arg13[%get3A_1631, %get3A_1632] {strides = array<i32>} : memref<96x128xf32, #tpu.memory_space<vmem>>, vector<1x16xf32>,
        %get3A_1634 = vector.shape_cast %get3A_1633 : vector<1x16xf32> to vector<16xf32>
        %add3A_1635 = arith.constant 5 : i32
        %add3A_1636 = arith.addi %mul3A_1104, %add3A_1635 : i32
        %get3A_1637 = arith.index_cast %add3A_1636 : i32 to index
        %get3A_1638 = arith.constant 80 : index
        %get3A_1639 = tpu.vector_load %arg13[%get3A_1637, %get3A_1638] {strides = array<i32>} : memref<96x128xf32, #tpu.memory_space<vmem>>, vector<1x16xf32>,
        %get3A_1640 = vector.shape_cast %get3A_1639 : vector<1x16xf32> to vector<16xf32>
        %mul3A_1641 = arith.mulf %get3A_1610, %get3A_1616 : vector<16xf32>
        %mul3A_1642 = arith.mulf %mul3A_1641, %get3A_1622 : vector<16xf32>
        %mul3A_1643 = arith.mulf %mul3A_1642, %get3A_1628 : vector<16xf32>
        %mul3A_1644 = arith.mulf %mul3A_1643, %get3A_1634 : vector<16xf32>
        %mul3A_1645 = arith.mulf %get3A_1640, %get3A_1634 : vector<16xf32>
        %mul3A_1646 = arith.mulf %mul3A_1645, %get3A_1628 : vector<16xf32>
        %mul3A_1647 = arith.mulf %mul3A_1646, %get3A_1622 : vector<16xf32>
        %mul3A_1648 = arith.mulf %mul3A_1647, %get3A_1616 : vector<16xf32>
        %get3A_1649 = arith.index_cast %add3A_1102 : i32 to index
        %get3A_1650 = arith.constant 80 : index
        %get3A_1651 = tpu.vector_load %arg16[%get3A_1649, %get3A_1650] {strides = array<i32>} : memref<16x128xf32, #tpu.memory_space<vmem>>, vector<1x16xf32>,
        %get3A_1652 = vector.shape_cast %get3A_1651 : vector<1x16xf32> to vector<16xf32>
        %mul3A_1653 = arith.mulf %mul3A_1648, %get3A_1652 : vector<16xf32>
        %add3A_1654 = arith.constant 0 : i32
        %add3A_1655 = arith.addi %mul3A_1104, %add3A_1654 : i32
        %swap3A_1656 = arith.index_cast %add3A_1655 : i32 to index
        %swap3A_1657 = arith.constant 80 : index
        %swap3A_1658 = tpu.vector_load %arg15[%swap3A_1656, %swap3A_1657] {strides = array<i32>} : memref<96x128xf32, #tpu.memory_space<vmem>>, vector<1x16xf32>,
        %swap3A_1659 = vector.shape_cast %swap3A_1658 : vector<1x16xf32> to vector<16xf32>
        %swap3A_1660 = vector.shape_cast %mul3A_1653 : vector<16xf32> to vector<1x16xf32>
        tpu.vector_store %arg15[%swap3A_1656, %swap3A_1657], %swap3A_1660 {strides = array<i32>} : memref<96x128xf32, #tpu.memory_space<vmem>>, vector<1x16xf32>,
        %mul3A_1661 = arith.mulf %get3A_1610, %mul3A_1647 : vector<16xf32>
        %mul3A_1662 = arith.mulf %mul3A_1661, %get3A_1652 : vector<16xf32>
        %add3A_1663 = arith.constant 1 : i32
        %add3A_1664 = arith.addi %mul3A_1104, %add3A_1663 : i32
        %swap3A_1665 = arith.index_cast %add3A_1664 : i32 to index
        %swap3A_1666 = arith.constant 80 : index
        %swap3A_1667 = tpu.vector_load %arg15[%swap3A_1665, %swap3A_1666] {strides = array<i32>} : memref<96x128xf32, #tpu.memory_space<vmem>>, vector<1x16xf32>,
        %swap3A_1668 = vector.shape_cast %swap3A_1667 : vector<1x16xf32> to vector<16xf32>
        %swap3A_1669 = vector.shape_cast %mul3A_1662 : vector<16xf32> to vector<1x16xf32>
        tpu.vector_store %arg15[%swap3A_1665, %swap3A_1666], %swap3A_1669 {strides = array<i32>} : memref<96x128xf32, #tpu.memory_space<vmem>>, vector<1x16xf32>,
        %mul3A_1670 = arith.mulf %mul3A_1641, %mul3A_1646 : vector<16xf32>
        %mul3A_1671 = arith.mulf %mul3A_1670, %get3A_1652 : vector<16xf32>
        %add3A_1672 = arith.constant 2 : i32
        %add3A_1673 = arith.addi %mul3A_1104, %add3A_1672 : i32
        %swap3A_1674 = arith.index_cast %add3A_1673 : i32 to index
        %swap3A_1675 = arith.constant 80 : index
        %swap3A_1676 = tpu.vector_load %arg15[%swap3A_1674, %swap3A_1675] {strides = array<i32>} : memref<96x128xf32, #tpu.memory_space<vmem>>, vector<1x16xf32>,
        %swap3A_1677 = vector.shape_cast %swap3A_1676 : vector<1x16xf32> to vector<16xf32>
        %swap3A_1678 = vector.shape_cast %mul3A_1671 : vector<16xf32> to vector<1x16xf32>
        tpu.vector_store %arg15[%swap3A_1674, %swap3A_1675], %swap3A_1678 {strides = array<i32>} : memref<96x128xf32, #tpu.memory_space<vmem>>, vector<1x16xf32>,
        %mul3A_1679 = arith.mulf %mul3A_1642, %mul3A_1645 : vector<16xf32>
        %mul3A_1680 = arith.mulf %mul3A_1679, %get3A_1652 : vector<16xf32>
        %add3A_1681 = arith.constant 3 : i32
        %add3A_1682 = arith.addi %mul3A_1104, %add3A_1681 : i32
        %swap3A_1683 = arith.index_cast %add3A_1682 : i32 to index
        %swap3A_1684 = arith.constant 80 : index
        %swap3A_1685 = tpu.vector_load %arg15[%swap3A_1683, %swap3A_1684] {strides = array<i32>} : memref<96x128xf32, #tpu.memory_space<vmem>>, vector<1x16xf32>,
        %swap3A_1686 = vector.shape_cast %swap3A_1685 : vector<1x16xf32> to vector<16xf32>
        %swap3A_1687 = vector.shape_cast %mul3A_1680 : vector<16xf32> to vector<1x16xf32>
        tpu.vector_store %arg15[%swap3A_1683, %swap3A_1684], %swap3A_1687 {strides = array<i32>} : memref<96x128xf32, #tpu.memory_space<vmem>>, vector<1x16xf32>,
        %mul3A_1688 = arith.mulf %mul3A_1643, %get3A_1640 : vector<16xf32>
        %mul3A_1689 = arith.mulf %mul3A_1688, %get3A_1652 : vector<16xf32>
        %add3A_1690 = arith.constant 4 : i32
        %add3A_1691 = arith.addi %mul3A_1104, %add3A_1690 : i32
        %swap3A_1692 = arith.index_cast %add3A_1691 : i32 to index
        %swap3A_1693 = arith.constant 80 : index
        %swap3A_1694 = tpu.vector_load %arg15[%swap3A_1692, %swap3A_1693] {strides = array<i32>} : memref<96x128xf32, #tpu.memory_space<vmem>>, vector<1x16xf32>,
        %swap3A_1695 = vector.shape_cast %swap3A_1694 : vector<1x16xf32> to vector<16xf32>
        %swap3A_1696 = vector.shape_cast %mul3A_1689 : vector<16xf32> to vector<1x16xf32>
        tpu.vector_store %arg15[%swap3A_1692, %swap3A_1693], %swap3A_1696 {strides = array<i32>} : memref<96x128xf32, #tpu.memory_space<vmem>>, vector<1x16xf32>,
        %mul3A_1697 = arith.mulf %mul3A_1644, %get3A_1652 : vector<16xf32>
        %add3A_1698 = arith.constant 5 : i32
        %add3A_1699 = arith.addi %mul3A_1104, %add3A_1698 : i32
        %swap3A_1700 = arith.index_cast %add3A_1699 : i32 to index
        %swap3A_1701 = arith.constant 80 : index
        %swap3A_1702 = tpu.vector_load %arg15[%swap3A_1700, %swap3A_1701] {strides = array<i32>} : memref<96x128xf32, #tpu.memory_space<vmem>>, vector<1x16xf32>,
        %swap3A_1703 = vector.shape_cast %swap3A_1702 : vector<1x16xf32> to vector<16xf32>
        %swap3A_1704 = vector.shape_cast %mul3A_1697 : vector<16xf32> to vector<1x16xf32>
        tpu.vector_store %arg15[%swap3A_1700, %swap3A_1701], %swap3A_1704 {strides = array<i32>} : memref<96x128xf32, #tpu.memory_space<vmem>>, vector<1x16xf32>,
        %add3A_1705 = arith.constant 0 : i32
        %add3A_1706 = arith.addi %mul3A_1104, %add3A_1705 : i32
        %get3A_1707 = arith.index_cast %add3A_1706 : i32 to index
        %get3A_1708 = arith.constant 96 : index
        %get3A_1709 = tpu.vector_load %arg13[%get3A_1707, %get3A_1708] {strides = array<i32>} : memref<96x128xf32, #tpu.memory_space<vmem>>, vector<1x16xf32>,
        %get3A_1710 = vector.shape_cast %get3A_1709 : vector<1x16xf32> to vector<16xf32>
        %add3A_1711 = arith.constant 1 : i32
        %add3A_1712 = arith.addi %mul3A_1104, %add3A_1711 : i32
        %get3A_1713 = arith.index_cast %add3A_1712 : i32 to index
        %get3A_1714 = arith.constant 96 : index
        %get3A_1715 = tpu.vector_load %arg13[%get3A_1713, %get3A_1714] {strides = array<i32>} : memref<96x128xf32, #tpu.memory_space<vmem>>, vector<1x16xf32>,
        %get3A_1716 = vector.shape_cast %get3A_1715 : vector<1x16xf32> to vector<16xf32>
        %add3A_1717 = arith.constant 2 : i32
        %add3A_1718 = arith.addi %mul3A_1104, %add3A_1717 : i32
        %get3A_1719 = arith.index_cast %add3A_1718 : i32 to index
        %get3A_1720 = arith.constant 96 : index
        %get3A_1721 = tpu.vector_load %arg13[%get3A_1719, %get3A_1720] {strides = array<i32>} : memref<96x128xf32, #tpu.memory_space<vmem>>, vector<1x16xf32>,
        %get3A_1722 = vector.shape_cast %get3A_1721 : vector<1x16xf32> to vector<16xf32>
        %add3A_1723 = arith.constant 3 : i32
        %add3A_1724 = arith.addi %mul3A_1104, %add3A_1723 : i32
        %get3A_1725 = arith.index_cast %add3A_1724 : i32 to index
        %get3A_1726 = arith.constant 96 : index
        %get3A_1727 = tpu.vector_load %arg13[%get3A_1725, %get3A_1726] {strides = array<i32>} : memref<96x128xf32, #tpu.memory_space<vmem>>, vector<1x16xf32>,
        %get3A_1728 = vector.shape_cast %get3A_1727 : vector<1x16xf32> to vector<16xf32>
        %add3A_1729 = arith.constant 4 : i32
        %add3A_1730 = arith.addi %mul3A_1104, %add3A_1729 : i32
        %get3A_1731 = arith.index_cast %add3A_1730 : i32 to index
        %get3A_1732 = arith.constant 96 : index
        %get3A_1733 = tpu.vector_load %arg13[%get3A_1731, %get3A_1732] {strides = array<i32>} : memref<96x128xf32, #tpu.memory_space<vmem>>, vector<1x16xf32>,
        %get3A_1734 = vector.shape_cast %get3A_1733 : vector<1x16xf32> to vector<16xf32>
        %add3A_1735 = arith.constant 5 : i32
        %add3A_1736 = arith.addi %mul3A_1104, %add3A_1735 : i32
        %get3A_1737 = arith.index_cast %add3A_1736 : i32 to index
        %get3A_1738 = arith.constant 96 : index
        %get3A_1739 = tpu.vector_load %arg13[%get3A_1737, %get3A_1738] {strides = array<i32>} : memref<96x128xf32, #tpu.memory_space<vmem>>, vector<1x16xf32>,
        %get3A_1740 = vector.shape_cast %get3A_1739 : vector<1x16xf32> to vector<16xf32>
        %mul3A_1741 = arith.mulf %get3A_1710, %get3A_1716 : vector<16xf32>
        %mul3A_1742 = arith.mulf %mul3A_1741, %get3A_1722 : vector<16xf32>
        %mul3A_1743 = arith.mulf %mul3A_1742, %get3A_1728 : vector<16xf32>
        %mul3A_1744 = arith.mulf %mul3A_1743, %get3A_1734 : vector<16xf32>
        %mul3A_1745 = arith.mulf %get3A_1740, %get3A_1734 : vector<16xf32>
        %mul3A_1746 = arith.mulf %mul3A_1745, %get3A_1728 : vector<16xf32>
        %mul3A_1747 = arith.mulf %mul3A_1746, %get3A_1722 : vector<16xf32>
        %mul3A_1748 = arith.mulf %mul3A_1747, %get3A_1716 : vector<16xf32>
        %get3A_1749 = arith.index_cast %add3A_1102 : i32 to index
        %get3A_1750 = arith.constant 96 : index
        %get3A_1751 = tpu.vector_load %arg16[%get3A_1749, %get3A_1750] {strides = array<i32>} : memref<16x128xf32, #tpu.memory_space<vmem>>, vector<1x16xf32>,
        %get3A_1752 = vector.shape_cast %get3A_1751 : vector<1x16xf32> to vector<16xf32>
        %mul3A_1753 = arith.mulf %mul3A_1748, %get3A_1752 : vector<16xf32>
        %add3A_1754 = arith.constant 0 : i32
        %add3A_1755 = arith.addi %mul3A_1104, %add3A_1754 : i32
        %swap3A_1756 = arith.index_cast %add3A_1755 : i32 to index
        %swap3A_1757 = arith.constant 96 : index
        %swap3A_1758 = tpu.vector_load %arg15[%swap3A_1756, %swap3A_1757] {strides = array<i32>} : memref<96x128xf32, #tpu.memory_space<vmem>>, vector<1x16xf32>,
        %swap3A_1759 = vector.shape_cast %swap3A_1758 : vector<1x16xf32> to vector<16xf32>
        %swap3A_1760 = vector.shape_cast %mul3A_1753 : vector<16xf32> to vector<1x16xf32>
        tpu.vector_store %arg15[%swap3A_1756, %swap3A_1757], %swap3A_1760 {strides = array<i32>} : memref<96x128xf32, #tpu.memory_space<vmem>>, vector<1x16xf32>,
        %mul3A_1761 = arith.mulf %get3A_1710, %mul3A_1747 : vector<16xf32>
        %mul3A_1762 = arith.mulf %mul3A_1761, %get3A_1752 : vector<16xf32>
        %add3A_1763 = arith.constant 1 : i32
        %add3A_1764 = arith.addi %mul3A_1104, %add3A_1763 : i32
        %swap3A_1765 = arith.index_cast %add3A_1764 : i32 to index
        %swap3A_1766 = arith.constant 96 : index
        %swap3A_1767 = tpu.vector_load %arg15[%swap3A_1765, %swap3A_1766] {strides = array<i32>} : memref<96x128xf32, #tpu.memory_space<vmem>>, vector<1x16xf32>,
        %swap3A_1768 = vector.shape_cast %swap3A_1767 : vector<1x16xf32> to vector<16xf32>
        %swap3A_1769 = vector.shape_cast %mul3A_1762 : vector<16xf32> to vector<1x16xf32>
        tpu.vector_store %arg15[%swap3A_1765, %swap3A_1766], %swap3A_1769 {strides = array<i32>} : memref<96x128xf32, #tpu.memory_space<vmem>>, vector<1x16xf32>,
        %mul3A_1770 = arith.mulf %mul3A_1741, %mul3A_1746 : vector<16xf32>
        %mul3A_1771 = arith.mulf %mul3A_1770, %get3A_1752 : vector<16xf32>
        %add3A_1772 = arith.constant 2 : i32
        %add3A_1773 = arith.addi %mul3A_1104, %add3A_1772 : i32
        %swap3A_1774 = arith.index_cast %add3A_1773 : i32 to index
        %swap3A_1775 = arith.constant 96 : index
        %swap3A_1776 = tpu.vector_load %arg15[%swap3A_1774, %swap3A_1775] {strides = array<i32>} : memref<96x128xf32, #tpu.memory_space<vmem>>, vector<1x16xf32>,
        %swap3A_1777 = vector.shape_cast %swap3A_1776 : vector<1x16xf32> to vector<16xf32>
        %swap3A_1778 = vector.shape_cast %mul3A_1771 : vector<16xf32> to vector<1x16xf32>
        tpu.vector_store %arg15[%swap3A_1774, %swap3A_1775], %swap3A_1778 {strides = array<i32>} : memref<96x128xf32, #tpu.memory_space<vmem>>, vector<1x16xf32>,
        %mul3A_1779 = arith.mulf %mul3A_1742, %mul3A_1745 : vector<16xf32>
        %mul3A_1780 = arith.mulf %mul3A_1779, %get3A_1752 : vector<16xf32>
        %add3A_1781 = arith.constant 3 : i32
        %add3A_1782 = arith.addi %mul3A_1104, %add3A_1781 : i32
        %swap3A_1783 = arith.index_cast %add3A_1782 : i32 to index
        %swap3A_1784 = arith.constant 96 : index
        %swap3A_1785 = tpu.vector_load %arg15[%swap3A_1783, %swap3A_1784] {strides = array<i32>} : memref<96x128xf32, #tpu.memory_space<vmem>>, vector<1x16xf32>,
        %swap3A_1786 = vector.shape_cast %swap3A_1785 : vector<1x16xf32> to vector<16xf32>
        %swap3A_1787 = vector.shape_cast %mul3A_1780 : vector<16xf32> to vector<1x16xf32>
        tpu.vector_store %arg15[%swap3A_1783, %swap3A_1784], %swap3A_1787 {strides = array<i32>} : memref<96x128xf32, #tpu.memory_space<vmem>>, vector<1x16xf32>,
        %mul3A_1788 = arith.mulf %mul3A_1743, %get3A_1740 : vector<16xf32>
        %mul3A_1789 = arith.mulf %mul3A_1788, %get3A_1752 : vector<16xf32>
        %add3A_1790 = arith.constant 4 : i32
        %add3A_1791 = arith.addi %mul3A_1104, %add3A_1790 : i32
        %swap3A_1792 = arith.index_cast %add3A_1791 : i32 to index
        %swap3A_1793 = arith.constant 96 : index
        %swap3A_1794 = tpu.vector_load %arg15[%swap3A_1792, %swap3A_1793] {strides = array<i32>} : memref<96x128xf32, #tpu.memory_space<vmem>>, vector<1x16xf32>,
        %swap3A_1795 = vector.shape_cast %swap3A_1794 : vector<1x16xf32> to vector<16xf32>
        %swap3A_1796 = vector.shape_cast %mul3A_1789 : vector<16xf32> to vector<1x16xf32>
        tpu.vector_store %arg15[%swap3A_1792, %swap3A_1793], %swap3A_1796 {strides = array<i32>} : memref<96x128xf32, #tpu.memory_space<vmem>>, vector<1x16xf32>,
        %mul3A_1797 = arith.mulf %mul3A_1744, %get3A_1752 : vector<16xf32>
        %add3A_1798 = arith.constant 5 : i32
        %add3A_1799 = arith.addi %mul3A_1104, %add3A_1798 : i32
        %swap3A_1800 = arith.index_cast %add3A_1799 : i32 to index
        %swap3A_1801 = arith.constant 96 : index
        %swap3A_1802 = tpu.vector_load %arg15[%swap3A_1800, %swap3A_1801] {strides = array<i32>} : memref<96x128xf32, #tpu.memory_space<vmem>>, vector<1x16xf32>,
        %swap3A_1803 = vector.shape_cast %swap3A_1802 : vector<1x16xf32> to vector<16xf32>
        %swap3A_1804 = vector.shape_cast %mul3A_1797 : vector<16xf32> to vector<1x16xf32>
        tpu.vector_store %arg15[%swap3A_1800, %swap3A_1801], %swap3A_1804 {strides = array<i32>} : memref<96x128xf32, #tpu.memory_space<vmem>>, vector<1x16xf32>,
        %add3A_1805 = arith.constant 0 : i32
        %add3A_1806 = arith.addi %mul3A_1104, %add3A_1805 : i32
        %get3A_1807 = arith.index_cast %add3A_1806 : i32 to index
        %get3A_1808 = arith.constant 112 : index
        %get3A_1809 = tpu.vector_load %arg13[%get3A_1807, %get3A_1808] {strides = array<i32>} : memref<96x128xf32, #tpu.memory_space<vmem>>, vector<1x16xf32>,
        %get3A_1810 = vector.shape_cast %get3A_1809 : vector<1x16xf32> to vector<16xf32>
        %add3A_1811 = arith.constant 1 : i32
        %add3A_1812 = arith.addi %mul3A_1104, %add3A_1811 : i32
        %get3A_1813 = arith.index_cast %add3A_1812 : i32 to index
        %get3A_1814 = arith.constant 112 : index
        %get3A_1815 = tpu.vector_load %arg13[%get3A_1813, %get3A_1814] {strides = array<i32>} : memref<96x128xf32, #tpu.memory_space<vmem>>, vector<1x16xf32>,
        %get3A_1816 = vector.shape_cast %get3A_1815 : vector<1x16xf32> to vector<16xf32>
        %add3A_1817 = arith.constant 2 : i32
        %add3A_1818 = arith.addi %mul3A_1104, %add3A_1817 : i32
        %get3A_1819 = arith.index_cast %add3A_1818 : i32 to index
        %get3A_1820 = arith.constant 112 : index
        %get3A_1821 = tpu.vector_load %arg13[%get3A_1819, %get3A_1820] {strides = array<i32>} : memref<96x128xf32, #tpu.memory_space<vmem>>, vector<1x16xf32>,
        %get3A_1822 = vector.shape_cast %get3A_1821 : vector<1x16xf32> to vector<16xf32>
        %add3A_1823 = arith.constant 3 : i32
        %add3A_1824 = arith.addi %mul3A_1104, %add3A_1823 : i32
        %get3A_1825 = arith.index_cast %add3A_1824 : i32 to index
        %get3A_1826 = arith.constant 112 : index
        %get3A_1827 = tpu.vector_load %arg13[%get3A_1825, %get3A_1826] {strides = array<i32>} : memref<96x128xf32, #tpu.memory_space<vmem>>, vector<1x16xf32>,
        %get3A_1828 = vector.shape_cast %get3A_1827 : vector<1x16xf32> to vector<16xf32>
        %add3A_1829 = arith.constant 4 : i32
        %add3A_1830 = arith.addi %mul3A_1104, %add3A_1829 : i32
        %get3A_1831 = arith.index_cast %add3A_1830 : i32 to index
        %get3A_1832 = arith.constant 112 : index
        %get3A_1833 = tpu.vector_load %arg13[%get3A_1831, %get3A_1832] {strides = array<i32>} : memref<96x128xf32, #tpu.memory_space<vmem>>, vector<1x16xf32>,
        %get3A_1834 = vector.shape_cast %get3A_1833 : vector<1x16xf32> to vector<16xf32>
        %add3A_1835 = arith.constant 5 : i32
        %add3A_1836 = arith.addi %mul3A_1104, %add3A_1835 : i32
        %get3A_1837 = arith.index_cast %add3A_1836 : i32 to index
        %get3A_1838 = arith.constant 112 : index
        %get3A_1839 = tpu.vector_load %arg13[%get3A_1837, %get3A_1838] {strides = array<i32>} : memref<96x128xf32, #tpu.memory_space<vmem>>, vector<1x16xf32>,
        %get3A_1840 = vector.shape_cast %get3A_1839 : vector<1x16xf32> to vector<16xf32>
        %mul3A_1841 = arith.mulf %get3A_1810, %get3A_1816 : vector<16xf32>
        %mul3A_1842 = arith.mulf %mul3A_1841, %get3A_1822 : vector<16xf32>
        %mul3A_1843 = arith.mulf %mul3A_1842, %get3A_1828 : vector<16xf32>
        %mul3A_1844 = arith.mulf %mul3A_1843, %get3A_1834 : vector<16xf32>
        %mul3A_1845 = arith.mulf %get3A_1840, %get3A_1834 : vector<16xf32>
        %mul3A_1846 = arith.mulf %mul3A_1845, %get3A_1828 : vector<16xf32>
        %mul3A_1847 = arith.mulf %mul3A_1846, %get3A_1822 : vector<16xf32>
        %mul3A_1848 = arith.mulf %mul3A_1847, %get3A_1816 : vector<16xf32>
        %get3A_1849 = arith.index_cast %add3A_1102 : i32 to index
        %get3A_1850 = arith.constant 112 : index
        %get3A_1851 = tpu.vector_load %arg16[%get3A_1849, %get3A_1850] {strides = array<i32>} : memref<16x128xf32, #tpu.memory_space<vmem>>, vector<1x16xf32>,
        %get3A_1852 = vector.shape_cast %get3A_1851 : vector<1x16xf32> to vector<16xf32>
        %mul3A_1853 = arith.mulf %mul3A_1848, %get3A_1852 : vector<16xf32>
        %add3A_1854 = arith.constant 0 : i32
        %add3A_1855 = arith.addi %mul3A_1104, %add3A_1854 : i32
        %swap3A_1856 = arith.index_cast %add3A_1855 : i32 to index
        %swap3A_1857 = arith.constant 112 : index
        %swap3A_1858 = tpu.vector_load %arg15[%swap3A_1856, %swap3A_1857] {strides = array<i32>} : memref<96x128xf32, #tpu.memory_space<vmem>>, vector<1x16xf32>,
        %swap3A_1859 = vector.shape_cast %swap3A_1858 : vector<1x16xf32> to vector<16xf32>
        %swap3A_1860 = vector.shape_cast %mul3A_1853 : vector<16xf32> to vector<1x16xf32>
        tpu.vector_store %arg15[%swap3A_1856, %swap3A_1857], %swap3A_1860 {strides = array<i32>} : memref<96x128xf32, #tpu.memory_space<vmem>>, vector<1x16xf32>,
        %mul3A_1861 = arith.mulf %get3A_1810, %mul3A_1847 : vector<16xf32>
        %mul3A_1862 = arith.mulf %mul3A_1861, %get3A_1852 : vector<16xf32>
        %add3A_1863 = arith.constant 1 : i32
        %add3A_1864 = arith.addi %mul3A_1104, %add3A_1863 : i32
        %swap3A_1865 = arith.index_cast %add3A_1864 : i32 to index
        %swap3A_1866 = arith.constant 112 : index
        %swap3A_1867 = tpu.vector_load %arg15[%swap3A_1865, %swap3A_1866] {strides = array<i32>} : memref<96x128xf32, #tpu.memory_space<vmem>>, vector<1x16xf32>,
        %swap3A_1868 = vector.shape_cast %swap3A_1867 : vector<1x16xf32> to vector<16xf32>
        %swap3A_1869 = vector.shape_cast %mul3A_1862 : vector<16xf32> to vector<1x16xf32>
        tpu.vector_store %arg15[%swap3A_1865, %swap3A_1866], %swap3A_1869 {strides = array<i32>} : memref<96x128xf32, #tpu.memory_space<vmem>>, vector<1x16xf32>,
        %mul3A_1870 = arith.mulf %mul3A_1841, %mul3A_1846 : vector<16xf32>
        %mul3A_1871 = arith.mulf %mul3A_1870, %get3A_1852 : vector<16xf32>
        %add3A_1872 = arith.constant 2 : i32
        %add3A_1873 = arith.addi %mul3A_1104, %add3A_1872 : i32
        %swap3A_1874 = arith.index_cast %add3A_1873 : i32 to index
        %swap3A_1875 = arith.constant 112 : index
        %swap3A_1876 = tpu.vector_load %arg15[%swap3A_1874, %swap3A_1875] {strides = array<i32>} : memref<96x128xf32, #tpu.memory_space<vmem>>, vector<1x16xf32>,
        %swap3A_1877 = vector.shape_cast %swap3A_1876 : vector<1x16xf32> to vector<16xf32>
        %swap3A_1878 = vector.shape_cast %mul3A_1871 : vector<16xf32> to vector<1x16xf32>
        tpu.vector_store %arg15[%swap3A_1874, %swap3A_1875], %swap3A_1878 {strides = array<i32>} : memref<96x128xf32, #tpu.memory_space<vmem>>, vector<1x16xf32>,
        %mul3A_1879 = arith.mulf %mul3A_1842, %mul3A_1845 : vector<16xf32>
        %mul3A_1880 = arith.mulf %mul3A_1879, %get3A_1852 : vector<16xf32>
        %add3A_1881 = arith.constant 3 : i32
        %add3A_1882 = arith.addi %mul3A_1104, %add3A_1881 : i32
        %swap3A_1883 = arith.index_cast %add3A_1882 : i32 to index
        %swap3A_1884 = arith.constant 112 : index
        %swap3A_1885 = tpu.vector_load %arg15[%swap3A_1883, %swap3A_1884] {strides = array<i32>} : memref<96x128xf32, #tpu.memory_space<vmem>>, vector<1x16xf32>,
        %swap3A_1886 = vector.shape_cast %swap3A_1885 : vector<1x16xf32> to vector<16xf32>
        %swap3A_1887 = vector.shape_cast %mul3A_1880 : vector<16xf32> to vector<1x16xf32>
        tpu.vector_store %arg15[%swap3A_1883, %swap3A_1884], %swap3A_1887 {strides = array<i32>} : memref<96x128xf32, #tpu.memory_space<vmem>>, vector<1x16xf32>,
        %mul3A_1888 = arith.mulf %mul3A_1843, %get3A_1840 : vector<16xf32>
        %mul3A_1889 = arith.mulf %mul3A_1888, %get3A_1852 : vector<16xf32>
        %add3A_1890 = arith.constant 4 : i32
        %add3A_1891 = arith.addi %mul3A_1104, %add3A_1890 : i32
        %swap3A_1892 = arith.index_cast %add3A_1891 : i32 to index
        %swap3A_1893 = arith.constant 112 : index
        %swap3A_1894 = tpu.vector_load %arg15[%swap3A_1892, %swap3A_1893] {strides = array<i32>} : memref<96x128xf32, #tpu.memory_space<vmem>>, vector<1x16xf32>,
        %swap3A_1895 = vector.shape_cast %swap3A_1894 : vector<1x16xf32> to vector<16xf32>
        %swap3A_1896 = vector.shape_cast %mul3A_1889 : vector<16xf32> to vector<1x16xf32>
        tpu.vector_store %arg15[%swap3A_1892, %swap3A_1893], %swap3A_1896 {strides = array<i32>} : memref<96x128xf32, #tpu.memory_space<vmem>>, vector<1x16xf32>,
        %mul3A_1897 = arith.mulf %mul3A_1844, %get3A_1852 : vector<16xf32>
        %add3A_1898 = arith.constant 5 : i32
        %add3A_1899 = arith.addi %mul3A_1104, %add3A_1898 : i32
        %swap3A_1900 = arith.index_cast %add3A_1899 : i32 to index
        %swap3A_1901 = arith.constant 112 : index
        %swap3A_1902 = tpu.vector_load %arg15[%swap3A_1900, %swap3A_1901] {strides = array<i32>} : memref<96x128xf32, #tpu.memory_space<vmem>>, vector<1x16xf32>,
        %swap3A_1903 = vector.shape_cast %swap3A_1902 : vector<1x16xf32> to vector<16xf32>
        %swap3A_1904 = vector.shape_cast %mul3A_1897 : vector<16xf32> to vector<1x16xf32>
        tpu.vector_store %arg15[%swap3A_1900, %swap3A_1901], %swap3A_1904 {strides = array<i32>} : memref<96x128xf32, #tpu.memory_space<vmem>>, vector<1x16xf32>,
        %scan3A_1905 = arith.constant 0 : i32
        scf.yield %scan3A_1905 : i32
      }
      %scan3A_169 = arith.constant 8 : i32
      %add3A_170 = arith.constant 2 : i32
      %add3A_171 = arith.addi %add3A_71, %add3A_170 : i32
      %lt3A_172 = arith.constant 196 : i32
      %lt3A_173 = arith.cmpi slt, %add3A_171, %lt3A_172 : i32
      %convert_element_type3A_174 = arith.extui %lt3A_173 : i1 to i32
      %cond3A_175 = arith.constant 0 : i32
      %cond3A_176 = arith.cmpi ne, %convert_element_type3A_174, %cond3A_175 : i32
      scf.if %cond3A_176 {
        %add3A_293 = arith.constant 2 : i32
        %add3A_294 = arith.addi %add3A_71, %add3A_293 : i32
        %mul3A_295 = arith.constant 16 : i32
        %mul3A_296 = arith.muli %add3A_294, %mul3A_295 : i32
        %add3A_297 = arith.addi %mul3A_2, %mul3A_296 : i32
        %dma_start3A_298 = tpu.memref_slice %arg4[%add3A_297] : memref<100352xi32, #tpu.memory_space<hbm>> -> memref<16xi32, #tpu.memory_space<hbm>>
        %dma_start3A_299 = tpu.memref_slice %arg4[%add3A_297] : memref<100352xi32, #tpu.memory_space<hbm>> -> memref<16xi32, #tpu.memory_space<hbm>>
        tpu.enqueue_dma source(%dma_start3A_299 : memref<16xi32, #tpu.memory_space<hbm>>) target(%arg11 : memref<16xi32, #tpu.memory_space<vmem>>) target_semaphore(%arg21 : memref<!tpu.dma_semaphore, #tpu.memory_space<semaphore_mem>>)
      } else {
      }
      %dma_start3A_177 = arith.constant 0 : i32
      %dma_start3A_178 = arith.constant 0 : i32
      %dma_start3A_179 = tpu.memref_slice %arg28[%dma_start3A_177, %dma_start3A_178] : memref<10000x128xf32, #tpu.memory_space<vmem_shared>> -> memref<10000x128xf32, #tpu.memory_space<vmem_shared>>
      tpu.enqueue_indirect_dma source(%arg15 : memref<96x128xf32, #tpu.memory_space<vmem>>) target(%dma_start3A_179 : memref<10000x128xf32, #tpu.memory_space<vmem_shared>>) offsets(%arg10 : memref<96xi32, #tpu.memory_space<vmem>>) semaphore(%arg27 : memref<!tpu.dma_semaphore, #tpu.memory_space<semaphore_mem>>) {add = true}
      %mul3A_180 = arith.constant 2 : i32
      %mul3A_181 = arith.muli %mul3A_180, %scan3A_66 : i32
      %add3A_182 = arith.constant 1 : i32
      %add3A_183 = arith.addi %mul3A_181, %add3A_182 : i32
      %add3A_184 = arith.constant 1 : i32
      %add3A_185 = arith.addi %add3A_183, %add3A_184 : i32
      %lt3A_186 = arith.constant 196 : i32
      %lt3A_187 = arith.cmpi slt, %add3A_185, %lt3A_186 : i32
      %convert_element_type3A_188 = arith.extui %lt3A_187 : i1 to i32
      %cond3A_189 = arith.constant 0 : i32
      %cond3A_190 = arith.cmpi ne, %convert_element_type3A_188, %cond3A_189 : i32
      scf.if %cond3A_190 {
        %dma_wait3A_293 = arith.constant 0 : i32
        %dma_wait3A_294 = tpu.memref_slice %arg3[%dma_wait3A_293] : memref<602112xi32, #tpu.memory_space<hbm>> -> memref<96xi32, #tpu.memory_space<hbm>>
        %dma_wait3A_295 = arith.constant 0 : i32
        %dma_wait3A_296 = tpu.memref_slice %arg3[%dma_wait3A_295] : memref<602112xi32, #tpu.memory_space<hbm>> -> memref<96xi32, #tpu.memory_space<hbm>>
        tpu.wait_dma2 semaphore(%arg19 : memref<!tpu.dma_semaphore, #tpu.memory_space<semaphore_mem>>) src(%dma_wait3A_296 : memref<96xi32, #tpu.memory_space<hbm>>) dst(%arg8 : memref<96xi32, #tpu.memory_space<vmem>>)
        %dma_wait3A_297 = arith.constant 0 : i32
        %dma_wait3A_298 = tpu.memref_slice %arg4[%dma_wait3A_297] : memref<100352xi32, #tpu.memory_space<hbm>> -> memref<16xi32, #tpu.memory_space<hbm>>
        %dma_wait3A_299 = arith.constant 0 : i32
        %dma_wait3A_300 = tpu.memref_slice %arg4[%dma_wait3A_299] : memref<100352xi32, #tpu.memory_space<hbm>> -> memref<16xi32, #tpu.memory_space<hbm>>
        tpu.wait_dma2 semaphore(%arg21 : memref<!tpu.dma_semaphore, #tpu.memory_space<semaphore_mem>>) src(%dma_wait3A_300 : memref<16xi32, #tpu.memory_space<hbm>>) dst(%arg11 : memref<16xi32, #tpu.memory_space<vmem>>)
        %dma_start3A_301 = arith.constant 0 : i32
        %dma_start3A_302 = arith.constant 0 : i32
        %dma_start3A_303 = tpu.memref_slice %arg2[%dma_start3A_301, %dma_start3A_302] : memref<60000x128xf32, #tpu.memory_space<hbm>> -> memref<60000x128xf32, #tpu.memory_space<hbm>>
        tpu.enqueue_indirect_dma source(%dma_start3A_303 : memref<60000x128xf32, #tpu.memory_space<hbm>>) target(%arg13 : memref<96x128xf32, #tpu.memory_space<vmem>>) offsets(%arg8 : memref<96xi32, #tpu.memory_space<vmem>>) semaphore(%arg23 : memref<!tpu.dma_semaphore, #tpu.memory_space<semaphore_mem>>)
        %dma_start3A_304 = arith.constant 0 : i32
        %dma_start3A_305 = arith.constant 0 : i32
        %dma_start3A_306 = tpu.memref_slice %arg5[%dma_start3A_304, %dma_start3A_305] : memref<50x128xf32, #tpu.memory_space<hbm>> -> memref<50x128xf32, #tpu.memory_space<hbm>>
        tpu.enqueue_indirect_dma source(%dma_start3A_306 : memref<50x128xf32, #tpu.memory_space<hbm>>) target(%arg16 : memref<16x128xf32, #tpu.memory_space<vmem>>) offsets(%arg11 : memref<16xi32, #tpu.memory_space<vmem>>) semaphore(%arg25 : memref<!tpu.dma_semaphore, #tpu.memory_space<semaphore_mem>>)
      } else {
      }
      %dma_wait3A_191 = arith.constant 0 : i32
      %dma_wait3A_192 = arith.constant 0 : i32
      %dma_wait3A_193 = tpu.memref_slice %arg2[%dma_wait3A_191, %dma_wait3A_192] : memref<60000x128xf32, #tpu.memory_space<hbm>> -> memref<60000x128xf32, #tpu.memory_space<hbm>>
      tpu.wait_indirect_dma semaphore(%arg24 : memref<!tpu.dma_semaphore, #tpu.memory_space<semaphore_mem>>) src(%dma_wait3A_193 : memref<60000x128xf32, #tpu.memory_space<hbm>>) dst(%arg14 : memref<96x128xf32, #tpu.memory_space<vmem>>)
      %ge3A_194 = arith.constant 1 : i32
      %ge3A_195 = arith.cmpi sge, %add3A_183, %ge3A_194 : i32
      %convert_element_type3A_196 = arith.extui %ge3A_195 : i1 to i32
      %cond3A_197 = arith.constant 0 : i32
      %cond3A_198 = arith.cmpi ne, %convert_element_type3A_196, %cond3A_197 : i32
      scf.if %cond3A_198 {
        %dma_wait3A_293 = arith.constant 0 : i32
        %dma_wait3A_294 = arith.constant 0 : i32
        %dma_wait3A_295 = tpu.memref_slice %arg28[%dma_wait3A_293, %dma_wait3A_294] : memref<10000x128xf32, #tpu.memory_space<vmem_shared>> -> memref<10000x128xf32, #tpu.memory_space<vmem_shared>>
        tpu.wait_indirect_dma semaphore(%arg27 : memref<!tpu.dma_semaphore, #tpu.memory_space<semaphore_mem>>) src(%arg15 : memref<96x128xf32, #tpu.memory_space<vmem>>) dst(%dma_wait3A_295 : memref<10000x128xf32, #tpu.memory_space<vmem_shared>>)
      } else {
      }
      %get3A_199 = arith.constant 0 : index
      %get3A_200 = tpu.vector_load %arg9[%get3A_199] {strides = array<i32>} : memref<96xi32, #tpu.memory_space<vmem>>, vector<16xi32>,
      %get3A_201 = vector.shape_cast %get3A_200 : vector<16xi32> to vector<16xi32>
      %get3A_202 = arith.constant 0 : index
      %get3A_203 = tpu.vector_load %arg18[%get3A_202] {strides = array<i32>} : memref<96xi32, #tpu.memory_space<vmem>>, vector<16xi32>,
      %get3A_204 = vector.shape_cast %get3A_203 : vector<16xi32> to vector<16xi32>
      %sub3A_205 = arith.subi %get3A_201, %get3A_204 : vector<16xi32>
      %swap3A_206 = arith.constant 0 : index
      %swap3A_207 = tpu.vector_load %arg10[%swap3A_206] {strides = array<i32>} : memref<96xi32, #tpu.memory_space<vmem>>, vector<16xi32>,
      %swap3A_208 = vector.shape_cast %swap3A_207 : vector<16xi32> to vector<16xi32>
      %swap3A_209 = vector.shape_cast %sub3A_205 : vector<16xi32> to vector<16xi32>
      tpu.vector_store %arg10[%swap3A_206], %swap3A_209 {strides = array<i32>} : memref<96xi32, #tpu.memory_space<vmem>>, vector<16xi32>,
      %get3A_210 = arith.constant 16 : index
      %get3A_211 = tpu.vector_load %arg9[%get3A_210] {strides = array<i32>} : memref<96xi32, #tpu.memory_space<vmem>>, vector<16xi32>,
      %get3A_212 = vector.shape_cast %get3A_211 : vector<16xi32> to vector<16xi32>
      %get3A_213 = arith.constant 16 : index
      %get3A_214 = tpu.vector_load %arg18[%get3A_213] {strides = array<i32>} : memref<96xi32, #tpu.memory_space<vmem>>, vector<16xi32>,
      %get3A_215 = vector.shape_cast %get3A_214 : vector<16xi32> to vector<16xi32>
      %sub3A_216 = arith.subi %get3A_212, %get3A_215 : vector<16xi32>
      %swap3A_217 = arith.constant 16 : index
      %swap3A_218 = tpu.vector_load %arg10[%swap3A_217] {strides = array<i32>} : memref<96xi32, #tpu.memory_space<vmem>>, vector<16xi32>,
      %swap3A_219 = vector.shape_cast %swap3A_218 : vector<16xi32> to vector<16xi32>
      %swap3A_220 = vector.shape_cast %sub3A_216 : vector<16xi32> to vector<16xi32>
      tpu.vector_store %arg10[%swap3A_217], %swap3A_220 {strides = array<i32>} : memref<96xi32, #tpu.memory_space<vmem>>, vector<16xi32>,
      %get3A_221 = arith.constant 32 : index
      %get3A_222 = tpu.vector_load %arg9[%get3A_221] {strides = array<i32>} : memref<96xi32, #tpu.memory_space<vmem>>, vector<16xi32>,
      %get3A_223 = vector.shape_cast %get3A_222 : vector<16xi32> to vector<16xi32>
      %get3A_224 = arith.constant 32 : index
      %get3A_225 = tpu.vector_load %arg18[%get3A_224] {strides = array<i32>} : memref<96xi32, #tpu.memory_space<vmem>>, vector<16xi32>,
      %get3A_226 = vector.shape_cast %get3A_225 : vector<16xi32> to vector<16xi32>
      %sub3A_227 = arith.subi %get3A_223, %get3A_226 : vector<16xi32>
      %swap3A_228 = arith.constant 32 : index
      %swap3A_229 = tpu.vector_load %arg10[%swap3A_228] {strides = array<i32>} : memref<96xi32, #tpu.memory_space<vmem>>, vector<16xi32>,
      %swap3A_230 = vector.shape_cast %swap3A_229 : vector<16xi32> to vector<16xi32>
      %swap3A_231 = vector.shape_cast %sub3A_227 : vector<16xi32> to vector<16xi32>
      tpu.vector_store %arg10[%swap3A_228], %swap3A_231 {strides = array<i32>} : memref<96xi32, #tpu.memory_space<vmem>>, vector<16xi32>,
      %get3A_232 = arith.constant 48 : index
      %get3A_233 = tpu.vector_load %arg9[%get3A_232] {strides = array<i32>} : memref<96xi32, #tpu.memory_space<vmem>>, vector<16xi32>,
      %get3A_234 = vector.shape_cast %get3A_233 : vector<16xi32> to vector<16xi32>
      %get3A_235 = arith.constant 48 : index
      %get3A_236 = tpu.vector_load %arg18[%get3A_235] {strides = array<i32>} : memref<96xi32, #tpu.memory_space<vmem>>, vector<16xi32>,
      %get3A_237 = vector.shape_cast %get3A_236 : vector<16xi32> to vector<16xi32>
      %sub3A_238 = arith.subi %get3A_234, %get3A_237 : vector<16xi32>
      %swap3A_239 = arith.constant 48 : index
      %swap3A_240 = tpu.vector_load %arg10[%swap3A_239] {strides = array<i32>} : memref<96xi32, #tpu.memory_space<vmem>>, vector<16xi32>,
      %swap3A_241 = vector.shape_cast %swap3A_240 : vector<16xi32> to vector<16xi32>
      %swap3A_242 = vector.shape_cast %sub3A_238 : vector<16xi32> to vector<16xi32>
      tpu.vector_store %arg10[%swap3A_239], %swap3A_242 {strides = array<i32>} : memref<96xi32, #tpu.memory_space<vmem>>, vector<16xi32>,
      %get3A_243 = arith.constant 64 : index
      %get3A_244 = tpu.vector_load %arg9[%get3A_243] {strides = array<i32>} : memref<96xi32, #tpu.memory_space<vmem>>, vector<16xi32>,
      %get3A_245 = vector.shape_cast %get3A_244 : vector<16xi32> to vector<16xi32>
      %get3A_246 = arith.constant 64 : index
      %get3A_247 = tpu.vector_load %arg18[%get3A_246] {strides = array<i32>} : memref<96xi32, #tpu.memory_space<vmem>>, vector<16xi32>,
      %get3A_248 = vector.shape_cast %get3A_247 : vector<16xi32> to vector<16xi32>
      %sub3A_249 = arith.subi %get3A_245, %get3A_248 : vector<16xi32>
      %swap3A_250 = arith.constant 64 : index
      %swap3A_251 = tpu.vector_load %arg10[%swap3A_250] {strides = array<i32>} : memref<96xi32, #tpu.memory_space<vmem>>, vector<16xi32>,
      %swap3A_252 = vector.shape_cast %swap3A_251 : vector<16xi32> to vector<16xi32>
      %swap3A_253 = vector.shape_cast %sub3A_249 : vector<16xi32> to vector<16xi32>
      tpu.vector_store %arg10[%swap3A_250], %swap3A_253 {strides = array<i32>} : memref<96xi32, #tpu.memory_space<vmem>>, vector<16xi32>,
      %get3A_254 = arith.constant 80 : index
      %get3A_255 = tpu.vector_load %arg9[%get3A_254] {strides = array<i32>} : memref<96xi32, #tpu.memory_space<vmem>>, vector<16xi32>,
      %get3A_256 = vector.shape_cast %get3A_255 : vector<16xi32> to vector<16xi32>
      %get3A_257 = arith.constant 80 : index
      %get3A_258 = tpu.vector_load %arg18[%get3A_257] {strides = array<i32>} : memref<96xi32, #tpu.memory_space<vmem>>, vector<16xi32>,
      %get3A_259 = vector.shape_cast %get3A_258 : vector<16xi32> to vector<16xi32>
      %sub3A_260 = arith.subi %get3A_256, %get3A_259 : vector<16xi32>
      %swap3A_261 = arith.constant 80 : index
      %swap3A_262 = tpu.vector_load %arg10[%swap3A_261] {strides = array<i32>} : memref<96xi32, #tpu.memory_space<vmem>>, vector<16xi32>,
      %swap3A_263 = vector.shape_cast %swap3A_262 : vector<16xi32> to vector<16xi32>
      %swap3A_264 = vector.shape_cast %sub3A_260 : vector<16xi32> to vector<16xi32>
      tpu.vector_store %arg10[%swap3A_261], %swap3A_264 {strides = array<i32>} : memref<96xi32, #tpu.memory_space<vmem>>, vector<16xi32>,
      %add3A_265 = arith.constant 2 : i32
      %add3A_266 = arith.addi %add3A_183, %add3A_265 : i32
      %lt3A_267 = arith.constant 196 : i32
      %lt3A_268 = arith.cmpi slt, %add3A_266, %lt3A_267 : i32
      %convert_element_type3A_269 = arith.extui %lt3A_268 : i1 to i32
      %cond3A_270 = arith.constant 0 : i32
      %cond3A_271 = arith.cmpi ne, %convert_element_type3A_269, %cond3A_270 : i32
      scf.if %cond3A_271 {
        %add3A_293 = arith.constant 2 : i32
        %add3A_294 = arith.addi %add3A_183, %add3A_293 : i32
        %mul3A_295 = arith.constant 16 : i32
        %mul3A_296 = arith.muli %add3A_294, %mul3A_295 : i32
        %add3A_297 = arith.addi %mul3A_2, %mul3A_296 : i32
        %mul3A_298 = arith.constant 6 : i32
        %mul3A_299 = arith.muli %add3A_297, %mul3A_298 : i32
        %dma_start3A_300 = tpu.memref_slice %arg3[%mul3A_299] : memref<602112xi32, #tpu.memory_space<hbm>> -> memref<96xi32, #tpu.memory_space<hbm>>
        %dma_start3A_301 = tpu.memref_slice %arg3[%mul3A_299] : memref<602112xi32, #tpu.memory_space<hbm>> -> memref<96xi32, #tpu.memory_space<hbm>>
        tpu.enqueue_dma source(%dma_start3A_301 : memref<96xi32, #tpu.memory_space<hbm>>) target(%arg9 : memref<96xi32, #tpu.memory_space<vmem>>) target_semaphore(%arg20 : memref<!tpu.dma_semaphore, #tpu.memory_space<semaphore_mem>>)
      } else {
      }
      %dma_wait3A_272 = arith.constant 0 : i32
      %dma_wait3A_273 = arith.constant 0 : i32
      %dma_wait3A_274 = tpu.memref_slice %arg5[%dma_wait3A_272, %dma_wait3A_273] : memref<50x128xf32, #tpu.memory_space<hbm>> -> memref<50x128xf32, #tpu.memory_space<hbm>>
      tpu.wait_indirect_dma semaphore(%arg26 : memref<!tpu.dma_semaphore, #tpu.memory_space<semaphore_mem>>) src(%dma_wait3A_274 : memref<50x128xf32, #tpu.memory_space<hbm>>) dst(%arg17 : memref<16x128xf32, #tpu.memory_space<vmem>>)
      %scan3A_275 = arith.constant 0 : i32
      %scan3A_276 = arith.constant 0 : i32
      %scan3A_277 = arith.constant 8 : i32
      %scan3A_278 = arith.addi %scan3A_276, %scan3A_277 : i32
      %scan3A_279 = arith.constant 1 : i32
      %scan3A_280 = scf.for %scan3A_293 = %scan3A_276 to %scan3A_278 step %scan3A_279 iter_args(%scan3A_294 = %scan3A_275) -> (i32)  : i32 {
        %mul3A_295 = arith.constant 2 : i32
        %mul3A_296 = arith.muli %mul3A_295, %scan3A_293 : i32
        %mul3A_297 = arith.constant 6 : i32
        %mul3A_298 = arith.muli %mul3A_296, %mul3A_297 : i32
        %add3A_299 = arith.constant 0 : i32
        %add3A_300 = arith.addi %mul3A_298, %add3A_299 : i32
        %get3A_301 = arith.index_cast %add3A_300 : i32 to index
        %get3A_302 = arith.constant 0 : index
        %get3A_303 = tpu.vector_load %arg14[%get3A_301, %get3A_302] {strides = array<i32>} : memref<96x128xf32, #tpu.memory_space<vmem>>, vector<1x16xf32>,
        %get3A_304 = vector.shape_cast %get3A_303 : vector<1x16xf32> to vector<16xf32>
        %add3A_305 = arith.constant 1 : i32
        %add3A_306 = arith.addi %mul3A_298, %add3A_305 : i32
        %get3A_307 = arith.index_cast %add3A_306 : i32 to index
        %get3A_308 = arith.constant 0 : index
        %get3A_309 = tpu.vector_load %arg14[%get3A_307, %get3A_308] {strides = array<i32>} : memref<96x128xf32, #tpu.memory_space<vmem>>, vector<1x16xf32>,
        %get3A_310 = vector.shape_cast %get3A_309 : vector<1x16xf32> to vector<16xf32>
        %add3A_311 = arith.constant 2 : i32
        %add3A_312 = arith.addi %mul3A_298, %add3A_311 : i32
        %get3A_313 = arith.index_cast %add3A_312 : i32 to index
        %get3A_314 = arith.constant 0 : index
        %get3A_315 = tpu.vector_load %arg14[%get3A_313, %get3A_314] {strides = array<i32>} : memref<96x128xf32, #tpu.memory_space<vmem>>, vector<1x16xf32>,
        %get3A_316 = vector.shape_cast %get3A_315 : vector<1x16xf32> to vector<16xf32>
        %add3A_317 = arith.constant 3 : i32
        %add3A_318 = arith.addi %mul3A_298, %add3A_317 : i32
        %get3A_319 = arith.index_cast %add3A_318 : i32 to index
        %get3A_320 = arith.constant 0 : index
        %get3A_321 = tpu.vector_load %arg14[%get3A_319, %get3A_320] {strides = array<i32>} : memref<96x128xf32, #tpu.memory_space<vmem>>, vector<1x16xf32>,
        %get3A_322 = vector.shape_cast %get3A_321 : vector<1x16xf32> to vector<16xf32>
        %add3A_323 = arith.constant 4 : i32
        %add3A_324 = arith.addi %mul3A_298, %add3A_323 : i32
        %get3A_325 = arith.index_cast %add3A_324 : i32 to index
        %get3A_326 = arith.constant 0 : index
        %get3A_327 = tpu.vector_load %arg14[%get3A_325, %get3A_326] {strides = array<i32>} : memref<96x128xf32, #tpu.memory_space<vmem>>, vector<1x16xf32>,
        %get3A_328 = vector.shape_cast %get3A_327 : vector<1x16xf32> to vector<16xf32>
        %add3A_329 = arith.constant 5 : i32
        %add3A_330 = arith.addi %mul3A_298, %add3A_329 : i32
        %get3A_331 = arith.index_cast %add3A_330 : i32 to index
        %get3A_332 = arith.constant 0 : index
        %get3A_333 = tpu.vector_load %arg14[%get3A_331, %get3A_332] {strides = array<i32>} : memref<96x128xf32, #tpu.memory_space<vmem>>, vector<1x16xf32>,
        %get3A_334 = vector.shape_cast %get3A_333 : vector<1x16xf32> to vector<16xf32>
        %mul3A_335 = arith.mulf %get3A_304, %get3A_310 : vector<16xf32>
        %mul3A_336 = arith.mulf %mul3A_335, %get3A_316 : vector<16xf32>
        %mul3A_337 = arith.mulf %mul3A_336, %get3A_322 : vector<16xf32>
        %mul3A_338 = arith.mulf %mul3A_337, %get3A_328 : vector<16xf32>
        %mul3A_339 = arith.mulf %get3A_334, %get3A_328 : vector<16xf32>
        %mul3A_340 = arith.mulf %mul3A_339, %get3A_322 : vector<16xf32>
        %mul3A_341 = arith.mulf %mul3A_340, %get3A_316 : vector<16xf32>
        %mul3A_342 = arith.mulf %mul3A_341, %get3A_310 : vector<16xf32>
        %get3A_343 = arith.index_cast %mul3A_296 : i32 to index
        %get3A_344 = arith.constant 0 : index
        %get3A_345 = tpu.vector_load %arg17[%get3A_343, %get3A_344] {strides = array<i32>} : memref<16x128xf32, #tpu.memory_space<vmem>>, vector<1x16xf32>,
        %get3A_346 = vector.shape_cast %get3A_345 : vector<1x16xf32> to vector<16xf32>
        %mul3A_347 = arith.mulf %mul3A_342, %get3A_346 : vector<16xf32>
        %add3A_348 = arith.constant 0 : i32
        %add3A_349 = arith.addi %mul3A_298, %add3A_348 : i32
        %swap3A_350 = arith.index_cast %add3A_349 : i32 to index
        %swap3A_351 = arith.constant 0 : index
        %swap3A_352 = tpu.vector_load %arg15[%swap3A_350, %swap3A_351] {strides = array<i32>} : memref<96x128xf32, #tpu.memory_space<vmem>>, vector<1x16xf32>,
        %swap3A_353 = vector.shape_cast %swap3A_352 : vector<1x16xf32> to vector<16xf32>
        %swap3A_354 = vector.shape_cast %mul3A_347 : vector<16xf32> to vector<1x16xf32>
        tpu.vector_store %arg15[%swap3A_350, %swap3A_351], %swap3A_354 {strides = array<i32>} : memref<96x128xf32, #tpu.memory_space<vmem>>, vector<1x16xf32>,
        %mul3A_355 = arith.mulf %get3A_304, %mul3A_341 : vector<16xf32>
        %mul3A_356 = arith.mulf %mul3A_355, %get3A_346 : vector<16xf32>
        %add3A_357 = arith.constant 1 : i32
        %add3A_358 = arith.addi %mul3A_298, %add3A_357 : i32
        %swap3A_359 = arith.index_cast %add3A_358 : i32 to index
        %swap3A_360 = arith.constant 0 : index
        %swap3A_361 = tpu.vector_load %arg15[%swap3A_359, %swap3A_360] {strides = array<i32>} : memref<96x128xf32, #tpu.memory_space<vmem>>, vector<1x16xf32>,
        %swap3A_362 = vector.shape_cast %swap3A_361 : vector<1x16xf32> to vector<16xf32>
        %swap3A_363 = vector.shape_cast %mul3A_356 : vector<16xf32> to vector<1x16xf32>
        tpu.vector_store %arg15[%swap3A_359, %swap3A_360], %swap3A_363 {strides = array<i32>} : memref<96x128xf32, #tpu.memory_space<vmem>>, vector<1x16xf32>,
        %mul3A_364 = arith.mulf %mul3A_335, %mul3A_340 : vector<16xf32>
        %mul3A_365 = arith.mulf %mul3A_364, %get3A_346 : vector<16xf32>
        %add3A_366 = arith.constant 2 : i32
        %add3A_367 = arith.addi %mul3A_298, %add3A_366 : i32
        %swap3A_368 = arith.index_cast %add3A_367 : i32 to index
        %swap3A_369 = arith.constant 0 : index
        %swap3A_370 = tpu.vector_load %arg15[%swap3A_368, %swap3A_369] {strides = array<i32>} : memref<96x128xf32, #tpu.memory_space<vmem>>, vector<1x16xf32>,
        %swap3A_371 = vector.shape_cast %swap3A_370 : vector<1x16xf32> to vector<16xf32>
        %swap3A_372 = vector.shape_cast %mul3A_365 : vector<16xf32> to vector<1x16xf32>
        tpu.vector_store %arg15[%swap3A_368, %swap3A_369], %swap3A_372 {strides = array<i32>} : memref<96x128xf32, #tpu.memory_space<vmem>>, vector<1x16xf32>,
        %mul3A_373 = arith.mulf %mul3A_336, %mul3A_339 : vector<16xf32>
        %mul3A_374 = arith.mulf %mul3A_373, %get3A_346 : vector<16xf32>
        %add3A_375 = arith.constant 3 : i32
        %add3A_376 = arith.addi %mul3A_298, %add3A_375 : i32
        %swap3A_377 = arith.index_cast %add3A_376 : i32 to index
        %swap3A_378 = arith.constant 0 : index
        %swap3A_379 = tpu.vector_load %arg15[%swap3A_377, %swap3A_378] {strides = array<i32>} : memref<96x128xf32, #tpu.memory_space<vmem>>, vector<1x16xf32>,
        %swap3A_380 = vector.shape_cast %swap3A_379 : vector<1x16xf32> to vector<16xf32>
        %swap3A_381 = vector.shape_cast %mul3A_374 : vector<16xf32> to vector<1x16xf32>
        tpu.vector_store %arg15[%swap3A_377, %swap3A_378], %swap3A_381 {strides = array<i32>} : memref<96x128xf32, #tpu.memory_space<vmem>>, vector<1x16xf32>,
        %mul3A_382 = arith.mulf %mul3A_337, %get3A_334 : vector<16xf32>
        %mul3A_383 = arith.mulf %mul3A_382, %get3A_346 : vector<16xf32>
        %add3A_384 = arith.constant 4 : i32
        %add3A_385 = arith.addi %mul3A_298, %add3A_384 : i32
        %swap3A_386 = arith.index_cast %add3A_385 : i32 to index
        %swap3A_387 = arith.constant 0 : index
        %swap3A_388 = tpu.vector_load %arg15[%swap3A_386, %swap3A_387] {strides = array<i32>} : memref<96x128xf32, #tpu.memory_space<vmem>>, vector<1x16xf32>,
        %swap3A_389 = vector.shape_cast %swap3A_388 : vector<1x16xf32> to vector<16xf32>
        %swap3A_390 = vector.shape_cast %mul3A_383 : vector<16xf32> to vector<1x16xf32>
        tpu.vector_store %arg15[%swap3A_386, %swap3A_387], %swap3A_390 {strides = array<i32>} : memref<96x128xf32, #tpu.memory_space<vmem>>, vector<1x16xf32>,
        %mul3A_391 = arith.mulf %mul3A_338, %get3A_346 : vector<16xf32>
        %add3A_392 = arith.constant 5 : i32
        %add3A_393 = arith.addi %mul3A_298, %add3A_392 : i32
        %swap3A_394 = arith.index_cast %add3A_393 : i32 to index
        %swap3A_395 = arith.constant 0 : index
        %swap3A_396 = tpu.vector_load %arg15[%swap3A_394, %swap3A_395] {strides = array<i32>} : memref<96x128xf32, #tpu.memory_space<vmem>>, vector<1x16xf32>,
        %swap3A_397 = vector.shape_cast %swap3A_396 : vector<1x16xf32> to vector<16xf32>
        %swap3A_398 = vector.shape_cast %mul3A_391 : vector<16xf32> to vector<1x16xf32>
        tpu.vector_store %arg15[%swap3A_394, %swap3A_395], %swap3A_398 {strides = array<i32>} : memref<96x128xf32, #tpu.memory_space<vmem>>, vector<1x16xf32>,
        %add3A_399 = arith.constant 0 : i32
        %add3A_400 = arith.addi %mul3A_298, %add3A_399 : i32
        %get3A_401 = arith.index_cast %add3A_400 : i32 to index
        %get3A_402 = arith.constant 16 : index
        %get3A_403 = tpu.vector_load %arg14[%get3A_401, %get3A_402] {strides = array<i32>} : memref<96x128xf32, #tpu.memory_space<vmem>>, vector<1x16xf32>,
        %get3A_404 = vector.shape_cast %get3A_403 : vector<1x16xf32> to vector<16xf32>
        %add3A_405 = arith.constant 1 : i32
        %add3A_406 = arith.addi %mul3A_298, %add3A_405 : i32
        %get3A_407 = arith.index_cast %add3A_406 : i32 to index
        %get3A_408 = arith.constant 16 : index
        %get3A_409 = tpu.vector_load %arg14[%get3A_407, %get3A_408] {strides = array<i32>} : memref<96x128xf32, #tpu.memory_space<vmem>>, vector<1x16xf32>,
        %get3A_410 = vector.shape_cast %get3A_409 : vector<1x16xf32> to vector<16xf32>
        %add3A_411 = arith.constant 2 : i32
        %add3A_412 = arith.addi %mul3A_298, %add3A_411 : i32
        %get3A_413 = arith.index_cast %add3A_412 : i32 to index
        %get3A_414 = arith.constant 16 : index
        %get3A_415 = tpu.vector_load %arg14[%get3A_413, %get3A_414] {strides = array<i32>} : memref<96x128xf32, #tpu.memory_space<vmem>>, vector<1x16xf32>,
        %get3A_416 = vector.shape_cast %get3A_415 : vector<1x16xf32> to vector<16xf32>
        %add3A_417 = arith.constant 3 : i32
        %add3A_418 = arith.addi %mul3A_298, %add3A_417 : i32
        %get3A_419 = arith.index_cast %add3A_418 : i32 to index
        %get3A_420 = arith.constant 16 : index
        %get3A_421 = tpu.vector_load %arg14[%get3A_419, %get3A_420] {strides = array<i32>} : memref<96x128xf32, #tpu.memory_space<vmem>>, vector<1x16xf32>,
        %get3A_422 = vector.shape_cast %get3A_421 : vector<1x16xf32> to vector<16xf32>
        %add3A_423 = arith.constant 4 : i32
        %add3A_424 = arith.addi %mul3A_298, %add3A_423 : i32
        %get3A_425 = arith.index_cast %add3A_424 : i32 to index
        %get3A_426 = arith.constant 16 : index
        %get3A_427 = tpu.vector_load %arg14[%get3A_425, %get3A_426] {strides = array<i32>} : memref<96x128xf32, #tpu.memory_space<vmem>>, vector<1x16xf32>,
        %get3A_428 = vector.shape_cast %get3A_427 : vector<1x16xf32> to vector<16xf32>
        %add3A_429 = arith.constant 5 : i32
        %add3A_430 = arith.addi %mul3A_298, %add3A_429 : i32
        %get3A_431 = arith.index_cast %add3A_430 : i32 to index
        %get3A_432 = arith.constant 16 : index
        %get3A_433 = tpu.vector_load %arg14[%get3A_431, %get3A_432] {strides = array<i32>} : memref<96x128xf32, #tpu.memory_space<vmem>>, vector<1x16xf32>,
        %get3A_434 = vector.shape_cast %get3A_433 : vector<1x16xf32> to vector<16xf32>
        %mul3A_435 = arith.mulf %get3A_404, %get3A_410 : vector<16xf32>
        %mul3A_436 = arith.mulf %mul3A_435, %get3A_416 : vector<16xf32>
        %mul3A_437 = arith.mulf %mul3A_436, %get3A_422 : vector<16xf32>
        %mul3A_438 = arith.mulf %mul3A_437, %get3A_428 : vector<16xf32>
        %mul3A_439 = arith.mulf %get3A_434, %get3A_428 : vector<16xf32>
        %mul3A_440 = arith.mulf %mul3A_439, %get3A_422 : vector<16xf32>
        %mul3A_441 = arith.mulf %mul3A_440, %get3A_416 : vector<16xf32>
        %mul3A_442 = arith.mulf %mul3A_441, %get3A_410 : vector<16xf32>
        %get3A_443 = arith.index_cast %mul3A_296 : i32 to index
        %get3A_444 = arith.constant 16 : index
        %get3A_445 = tpu.vector_load %arg17[%get3A_443, %get3A_444] {strides = array<i32>} : memref<16x128xf32, #tpu.memory_space<vmem>>, vector<1x16xf32>,
        %get3A_446 = vector.shape_cast %get3A_445 : vector<1x16xf32> to vector<16xf32>
        %mul3A_447 = arith.mulf %mul3A_442, %get3A_446 : vector<16xf32>
        %add3A_448 = arith.constant 0 : i32
        %add3A_449 = arith.addi %mul3A_298, %add3A_448 : i32
        %swap3A_450 = arith.index_cast %add3A_449 : i32 to index
        %swap3A_451 = arith.constant 16 : index
        %swap3A_452 = tpu.vector_load %arg15[%swap3A_450, %swap3A_451] {strides = array<i32>} : memref<96x128xf32, #tpu.memory_space<vmem>>, vector<1x16xf32>,
        %swap3A_453 = vector.shape_cast %swap3A_452 : vector<1x16xf32> to vector<16xf32>
        %swap3A_454 = vector.shape_cast %mul3A_447 : vector<16xf32> to vector<1x16xf32>
        tpu.vector_store %arg15[%swap3A_450, %swap3A_451], %swap3A_454 {strides = array<i32>} : memref<96x128xf32, #tpu.memory_space<vmem>>, vector<1x16xf32>,
        %mul3A_455 = arith.mulf %get3A_404, %mul3A_441 : vector<16xf32>
        %mul3A_456 = arith.mulf %mul3A_455, %get3A_446 : vector<16xf32>
        %add3A_457 = arith.constant 1 : i32
        %add3A_458 = arith.addi %mul3A_298, %add3A_457 : i32
        %swap3A_459 = arith.index_cast %add3A_458 : i32 to index
        %swap3A_460 = arith.constant 16 : index
        %swap3A_461 = tpu.vector_load %arg15[%swap3A_459, %swap3A_460] {strides = array<i32>} : memref<96x128xf32, #tpu.memory_space<vmem>>, vector<1x16xf32>,
        %swap3A_462 = vector.shape_cast %swap3A_461 : vector<1x16xf32> to vector<16xf32>
        %swap3A_463 = vector.shape_cast %mul3A_456 : vector<16xf32> to vector<1x16xf32>
        tpu.vector_store %arg15[%swap3A_459, %swap3A_460], %swap3A_463 {strides = array<i32>} : memref<96x128xf32, #tpu.memory_space<vmem>>, vector<1x16xf32>,
        %mul3A_464 = arith.mulf %mul3A_435, %mul3A_440 : vector<16xf32>
        %mul3A_465 = arith.mulf %mul3A_464, %get3A_446 : vector<16xf32>
        %add3A_466 = arith.constant 2 : i32
        %add3A_467 = arith.addi %mul3A_298, %add3A_466 : i32
        %swap3A_468 = arith.index_cast %add3A_467 : i32 to index
        %swap3A_469 = arith.constant 16 : index
        %swap3A_470 = tpu.vector_load %arg15[%swap3A_468, %swap3A_469] {strides = array<i32>} : memref<96x128xf32, #tpu.memory_space<vmem>>, vector<1x16xf32>,
        %swap3A_471 = vector.shape_cast %swap3A_470 : vector<1x16xf32> to vector<16xf32>
        %swap3A_472 = vector.shape_cast %mul3A_465 : vector<16xf32> to vector<1x16xf32>
        tpu.vector_store %arg15[%swap3A_468, %swap3A_469], %swap3A_472 {strides = array<i32>} : memref<96x128xf32, #tpu.memory_space<vmem>>, vector<1x16xf32>,
        %mul3A_473 = arith.mulf %mul3A_436, %mul3A_439 : vector<16xf32>
        %mul3A_474 = arith.mulf %mul3A_473, %get3A_446 : vector<16xf32>
        %add3A_475 = arith.constant 3 : i32
        %add3A_476 = arith.addi %mul3A_298, %add3A_475 : i32
        %swap3A_477 = arith.index_cast %add3A_476 : i32 to index
        %swap3A_478 = arith.constant 16 : index
        %swap3A_479 = tpu.vector_load %arg15[%swap3A_477, %swap3A_478] {strides = array<i32>} : memref<96x128xf32, #tpu.memory_space<vmem>>, vector<1x16xf32>,
        %swap3A_480 = vector.shape_cast %swap3A_479 : vector<1x16xf32> to vector<16xf32>
        %swap3A_481 = vector.shape_cast %mul3A_474 : vector<16xf32> to vector<1x16xf32>
        tpu.vector_store %arg15[%swap3A_477, %swap3A_478], %swap3A_481 {strides = array<i32>} : memref<96x128xf32, #tpu.memory_space<vmem>>, vector<1x16xf32>,
        %mul3A_482 = arith.mulf %mul3A_437, %get3A_434 : vector<16xf32>
        %mul3A_483 = arith.mulf %mul3A_482, %get3A_446 : vector<16xf32>
        %add3A_484 = arith.constant 4 : i32
        %add3A_485 = arith.addi %mul3A_298, %add3A_484 : i32
        %swap3A_486 = arith.index_cast %add3A_485 : i32 to index
        %swap3A_487 = arith.constant 16 : index
        %swap3A_488 = tpu.vector_load %arg15[%swap3A_486, %swap3A_487] {strides = array<i32>} : memref<96x128xf32, #tpu.memory_space<vmem>>, vector<1x16xf32>,
        %swap3A_489 = vector.shape_cast %swap3A_488 : vector<1x16xf32> to vector<16xf32>
        %swap3A_490 = vector.shape_cast %mul3A_483 : vector<16xf32> to vector<1x16xf32>
        tpu.vector_store %arg15[%swap3A_486, %swap3A_487], %swap3A_490 {strides = array<i32>} : memref<96x128xf32, #tpu.memory_space<vmem>>, vector<1x16xf32>,
        %mul3A_491 = arith.mulf %mul3A_438, %get3A_446 : vector<16xf32>
        %add3A_492 = arith.constant 5 : i32
        %add3A_493 = arith.addi %mul3A_298, %add3A_492 : i32
        %swap3A_494 = arith.index_cast %add3A_493 : i32 to index
        %swap3A_495 = arith.constant 16 : index
        %swap3A_496 = tpu.vector_load %arg15[%swap3A_494, %swap3A_495] {strides = array<i32>} : memref<96x128xf32, #tpu.memory_space<vmem>>, vector<1x16xf32>,
        %swap3A_497 = vector.shape_cast %swap3A_496 : vector<1x16xf32> to vector<16xf32>
        %swap3A_498 = vector.shape_cast %mul3A_491 : vector<16xf32> to vector<1x16xf32>
        tpu.vector_store %arg15[%swap3A_494, %swap3A_495], %swap3A_498 {strides = array<i32>} : memref<96x128xf32, #tpu.memory_space<vmem>>, vector<1x16xf32>,
        %add3A_499 = arith.constant 0 : i32
        %add3A_500 = arith.addi %mul3A_298, %add3A_499 : i32
        %get3A_501 = arith.index_cast %add3A_500 : i32 to index
        %get3A_502 = arith.constant 32 : index
        %get3A_503 = tpu.vector_load %arg14[%get3A_501, %get3A_502] {strides = array<i32>} : memref<96x128xf32, #tpu.memory_space<vmem>>, vector<1x16xf32>,
        %get3A_504 = vector.shape_cast %get3A_503 : vector<1x16xf32> to vector<16xf32>
        %add3A_505 = arith.constant 1 : i32
        %add3A_506 = arith.addi %mul3A_298, %add3A_505 : i32
        %get3A_507 = arith.index_cast %add3A_506 : i32 to index
        %get3A_508 = arith.constant 32 : index
        %get3A_509 = tpu.vector_load %arg14[%get3A_507, %get3A_508] {strides = array<i32>} : memref<96x128xf32, #tpu.memory_space<vmem>>, vector<1x16xf32>,
        %get3A_510 = vector.shape_cast %get3A_509 : vector<1x16xf32> to vector<16xf32>
        %add3A_511 = arith.constant 2 : i32
        %add3A_512 = arith.addi %mul3A_298, %add3A_511 : i32
        %get3A_513 = arith.index_cast %add3A_512 : i32 to index
        %get3A_514 = arith.constant 32 : index
        %get3A_515 = tpu.vector_load %arg14[%get3A_513, %get3A_514] {strides = array<i32>} : memref<96x128xf32, #tpu.memory_space<vmem>>, vector<1x16xf32>,
        %get3A_516 = vector.shape_cast %get3A_515 : vector<1x16xf32> to vector<16xf32>
        %add3A_517 = arith.constant 3 : i32
        %add3A_518 = arith.addi %mul3A_298, %add3A_517 : i32
        %get3A_519 = arith.index_cast %add3A_518 : i32 to index
        %get3A_520 = arith.constant 32 : index
        %get3A_521 = tpu.vector_load %arg14[%get3A_519, %get3A_520] {strides = array<i32>} : memref<96x128xf32, #tpu.memory_space<vmem>>, vector<1x16xf32>,
        %get3A_522 = vector.shape_cast %get3A_521 : vector<1x16xf32> to vector<16xf32>
        %add3A_523 = arith.constant 4 : i32
        %add3A_524 = arith.addi %mul3A_298, %add3A_523 : i32
        %get3A_525 = arith.index_cast %add3A_524 : i32 to index
        %get3A_526 = arith.constant 32 : index
        %get3A_527 = tpu.vector_load %arg14[%get3A_525, %get3A_526] {strides = array<i32>} : memref<96x128xf32, #tpu.memory_space<vmem>>, vector<1x16xf32>,
        %get3A_528 = vector.shape_cast %get3A_527 : vector<1x16xf32> to vector<16xf32>
        %add3A_529 = arith.constant 5 : i32
        %add3A_530 = arith.addi %mul3A_298, %add3A_529 : i32
        %get3A_531 = arith.index_cast %add3A_530 : i32 to index
        %get3A_532 = arith.constant 32 : index
        %get3A_533 = tpu.vector_load %arg14[%get3A_531, %get3A_532] {strides = array<i32>} : memref<96x128xf32, #tpu.memory_space<vmem>>, vector<1x16xf32>,
        %get3A_534 = vector.shape_cast %get3A_533 : vector<1x16xf32> to vector<16xf32>
        %mul3A_535 = arith.mulf %get3A_504, %get3A_510 : vector<16xf32>
        %mul3A_536 = arith.mulf %mul3A_535, %get3A_516 : vector<16xf32>
        %mul3A_537 = arith.mulf %mul3A_536, %get3A_522 : vector<16xf32>
        %mul3A_538 = arith.mulf %mul3A_537, %get3A_528 : vector<16xf32>
        %mul3A_539 = arith.mulf %get3A_534, %get3A_528 : vector<16xf32>
        %mul3A_540 = arith.mulf %mul3A_539, %get3A_522 : vector<16xf32>
        %mul3A_541 = arith.mulf %mul3A_540, %get3A_516 : vector<16xf32>
        %mul3A_542 = arith.mulf %mul3A_541, %get3A_510 : vector<16xf32>
        %get3A_543 = arith.index_cast %mul3A_296 : i32 to index
        %get3A_544 = arith.constant 32 : index
        %get3A_545 = tpu.vector_load %arg17[%get3A_543, %get3A_544] {strides = array<i32>} : memref<16x128xf32, #tpu.memory_space<vmem>>, vector<1x16xf32>,
        %get3A_546 = vector.shape_cast %get3A_545 : vector<1x16xf32> to vector<16xf32>
        %mul3A_547 = arith.mulf %mul3A_542, %get3A_546 : vector<16xf32>
        %add3A_548 = arith.constant 0 : i32
        %add3A_549 = arith.addi %mul3A_298, %add3A_548 : i32
        %swap3A_550 = arith.index_cast %add3A_549 : i32 to index
        %swap3A_551 = arith.constant 32 : index
        %swap3A_552 = tpu.vector_load %arg15[%swap3A_550, %swap3A_551] {strides = array<i32>} : memref<96x128xf32, #tpu.memory_space<vmem>>, vector<1x16xf32>,
        %swap3A_553 = vector.shape_cast %swap3A_552 : vector<1x16xf32> to vector<16xf32>
        %swap3A_554 = vector.shape_cast %mul3A_547 : vector<16xf32> to vector<1x16xf32>
        tpu.vector_store %arg15[%swap3A_550, %swap3A_551], %swap3A_554 {strides = array<i32>} : memref<96x128xf32, #tpu.memory_space<vmem>>, vector<1x16xf32>,
        %mul3A_555 = arith.mulf %get3A_504, %mul3A_541 : vector<16xf32>
        %mul3A_556 = arith.mulf %mul3A_555, %get3A_546 : vector<16xf32>
        %add3A_557 = arith.constant 1 : i32
        %add3A_558 = arith.addi %mul3A_298, %add3A_557 : i32
        %swap3A_559 = arith.index_cast %add3A_558 : i32 to index
        %swap3A_560 = arith.constant 32 : index
        %swap3A_561 = tpu.vector_load %arg15[%swap3A_559, %swap3A_560] {strides = array<i32>} : memref<96x128xf32, #tpu.memory_space<vmem>>, vector<1x16xf32>,
        %swap3A_562 = vector.shape_cast %swap3A_561 : vector<1x16xf32> to vector<16xf32>
        %swap3A_563 = vector.shape_cast %mul3A_556 : vector<16xf32> to vector<1x16xf32>
        tpu.vector_store %arg15[%swap3A_559, %swap3A_560], %swap3A_563 {strides = array<i32>} : memref<96x128xf32, #tpu.memory_space<vmem>>, vector<1x16xf32>,
        %mul3A_564 = arith.mulf %mul3A_535, %mul3A_540 : vector<16xf32>
        %mul3A_565 = arith.mulf %mul3A_564, %get3A_546 : vector<16xf32>
        %add3A_566 = arith.constant 2 : i32
        %add3A_567 = arith.addi %mul3A_298, %add3A_566 : i32
        %swap3A_568 = arith.index_cast %add3A_567 : i32 to index
        %swap3A_569 = arith.constant 32 : index
        %swap3A_570 = tpu.vector_load %arg15[%swap3A_568, %swap3A_569] {strides = array<i32>} : memref<96x128xf32, #tpu.memory_space<vmem>>, vector<1x16xf32>,
        %swap3A_571 = vector.shape_cast %swap3A_570 : vector<1x16xf32> to vector<16xf32>
        %swap3A_572 = vector.shape_cast %mul3A_565 : vector<16xf32> to vector<1x16xf32>
        tpu.vector_store %arg15[%swap3A_568, %swap3A_569], %swap3A_572 {strides = array<i32>} : memref<96x128xf32, #tpu.memory_space<vmem>>, vector<1x16xf32>,
        %mul3A_573 = arith.mulf %mul3A_536, %mul3A_539 : vector<16xf32>
        %mul3A_574 = arith.mulf %mul3A_573, %get3A_546 : vector<16xf32>
        %add3A_575 = arith.constant 3 : i32
        %add3A_576 = arith.addi %mul3A_298, %add3A_575 : i32
        %swap3A_577 = arith.index_cast %add3A_576 : i32 to index
        %swap3A_578 = arith.constant 32 : index
        %swap3A_579 = tpu.vector_load %arg15[%swap3A_577, %swap3A_578] {strides = array<i32>} : memref<96x128xf32, #tpu.memory_space<vmem>>, vector<1x16xf32>,
        %swap3A_580 = vector.shape_cast %swap3A_579 : vector<1x16xf32> to vector<16xf32>
        %swap3A_581 = vector.shape_cast %mul3A_574 : vector<16xf32> to vector<1x16xf32>
        tpu.vector_store %arg15[%swap3A_577, %swap3A_578], %swap3A_581 {strides = array<i32>} : memref<96x128xf32, #tpu.memory_space<vmem>>, vector<1x16xf32>,
        %mul3A_582 = arith.mulf %mul3A_537, %get3A_534 : vector<16xf32>
        %mul3A_583 = arith.mulf %mul3A_582, %get3A_546 : vector<16xf32>
        %add3A_584 = arith.constant 4 : i32
        %add3A_585 = arith.addi %mul3A_298, %add3A_584 : i32
        %swap3A_586 = arith.index_cast %add3A_585 : i32 to index
        %swap3A_587 = arith.constant 32 : index
        %swap3A_588 = tpu.vector_load %arg15[%swap3A_586, %swap3A_587] {strides = array<i32>} : memref<96x128xf32, #tpu.memory_space<vmem>>, vector<1x16xf32>,
        %swap3A_589 = vector.shape_cast %swap3A_588 : vector<1x16xf32> to vector<16xf32>
        %swap3A_590 = vector.shape_cast %mul3A_583 : vector<16xf32> to vector<1x16xf32>
        tpu.vector_store %arg15[%swap3A_586, %swap3A_587], %swap3A_590 {strides = array<i32>} : memref<96x128xf32, #tpu.memory_space<vmem>>, vector<1x16xf32>,
        %mul3A_591 = arith.mulf %mul3A_538, %get3A_546 : vector<16xf32>
        %add3A_592 = arith.constant 5 : i32
        %add3A_593 = arith.addi %mul3A_298, %add3A_592 : i32
        %swap3A_594 = arith.index_cast %add3A_593 : i32 to index
        %swap3A_595 = arith.constant 32 : index
        %swap3A_596 = tpu.vector_load %arg15[%swap3A_594, %swap3A_595] {strides = array<i32>} : memref<96x128xf32, #tpu.memory_space<vmem>>, vector<1x16xf32>,
        %swap3A_597 = vector.shape_cast %swap3A_596 : vector<1x16xf32> to vector<16xf32>
        %swap3A_598 = vector.shape_cast %mul3A_591 : vector<16xf32> to vector<1x16xf32>
        tpu.vector_store %arg15[%swap3A_594, %swap3A_595], %swap3A_598 {strides = array<i32>} : memref<96x128xf32, #tpu.memory_space<vmem>>, vector<1x16xf32>,
        %add3A_599 = arith.constant 0 : i32
        %add3A_600 = arith.addi %mul3A_298, %add3A_599 : i32
        %get3A_601 = arith.index_cast %add3A_600 : i32 to index
        %get3A_602 = arith.constant 48 : index
        %get3A_603 = tpu.vector_load %arg14[%get3A_601, %get3A_602] {strides = array<i32>} : memref<96x128xf32, #tpu.memory_space<vmem>>, vector<1x16xf32>,
        %get3A_604 = vector.shape_cast %get3A_603 : vector<1x16xf32> to vector<16xf32>
        %add3A_605 = arith.constant 1 : i32
        %add3A_606 = arith.addi %mul3A_298, %add3A_605 : i32
        %get3A_607 = arith.index_cast %add3A_606 : i32 to index
        %get3A_608 = arith.constant 48 : index
        %get3A_609 = tpu.vector_load %arg14[%get3A_607, %get3A_608] {strides = array<i32>} : memref<96x128xf32, #tpu.memory_space<vmem>>, vector<1x16xf32>,
        %get3A_610 = vector.shape_cast %get3A_609 : vector<1x16xf32> to vector<16xf32>
        %add3A_611 = arith.constant 2 : i32
        %add3A_612 = arith.addi %mul3A_298, %add3A_611 : i32
        %get3A_613 = arith.index_cast %add3A_612 : i32 to index
        %get3A_614 = arith.constant 48 : index
        %get3A_615 = tpu.vector_load %arg14[%get3A_613, %get3A_614] {strides = array<i32>} : memref<96x128xf32, #tpu.memory_space<vmem>>, vector<1x16xf32>,
        %get3A_616 = vector.shape_cast %get3A_615 : vector<1x16xf32> to vector<16xf32>
        %add3A_617 = arith.constant 3 : i32
        %add3A_618 = arith.addi %mul3A_298, %add3A_617 : i32
        %get3A_619 = arith.index_cast %add3A_618 : i32 to index
        %get3A_620 = arith.constant 48 : index
        %get3A_621 = tpu.vector_load %arg14[%get3A_619, %get3A_620] {strides = array<i32>} : memref<96x128xf32, #tpu.memory_space<vmem>>, vector<1x16xf32>,
        %get3A_622 = vector.shape_cast %get3A_621 : vector<1x16xf32> to vector<16xf32>
        %add3A_623 = arith.constant 4 : i32
        %add3A_624 = arith.addi %mul3A_298, %add3A_623 : i32
        %get3A_625 = arith.index_cast %add3A_624 : i32 to index
        %get3A_626 = arith.constant 48 : index
        %get3A_627 = tpu.vector_load %arg14[%get3A_625, %get3A_626] {strides = array<i32>} : memref<96x128xf32, #tpu.memory_space<vmem>>, vector<1x16xf32>,
        %get3A_628 = vector.shape_cast %get3A_627 : vector<1x16xf32> to vector<16xf32>
        %add3A_629 = arith.constant 5 : i32
        %add3A_630 = arith.addi %mul3A_298, %add3A_629 : i32
        %get3A_631 = arith.index_cast %add3A_630 : i32 to index
        %get3A_632 = arith.constant 48 : index
        %get3A_633 = tpu.vector_load %arg14[%get3A_631, %get3A_632] {strides = array<i32>} : memref<96x128xf32, #tpu.memory_space<vmem>>, vector<1x16xf32>,
        %get3A_634 = vector.shape_cast %get3A_633 : vector<1x16xf32> to vector<16xf32>
        %mul3A_635 = arith.mulf %get3A_604, %get3A_610 : vector<16xf32>
        %mul3A_636 = arith.mulf %mul3A_635, %get3A_616 : vector<16xf32>
        %mul3A_637 = arith.mulf %mul3A_636, %get3A_622 : vector<16xf32>
        %mul3A_638 = arith.mulf %mul3A_637, %get3A_628 : vector<16xf32>
        %mul3A_639 = arith.mulf %get3A_634, %get3A_628 : vector<16xf32>
        %mul3A_640 = arith.mulf %mul3A_639, %get3A_622 : vector<16xf32>
        %mul3A_641 = arith.mulf %mul3A_640, %get3A_616 : vector<16xf32>
        %mul3A_642 = arith.mulf %mul3A_641, %get3A_610 : vector<16xf32>
        %get3A_643 = arith.index_cast %mul3A_296 : i32 to index
        %get3A_644 = arith.constant 48 : index
        %get3A_645 = tpu.vector_load %arg17[%get3A_643, %get3A_644] {strides = array<i32>} : memref<16x128xf32, #tpu.memory_space<vmem>>, vector<1x16xf32>,
        %get3A_646 = vector.shape_cast %get3A_645 : vector<1x16xf32> to vector<16xf32>
        %mul3A_647 = arith.mulf %mul3A_642, %get3A_646 : vector<16xf32>
        %add3A_648 = arith.constant 0 : i32
        %add3A_649 = arith.addi %mul3A_298, %add3A_648 : i32
        %swap3A_650 = arith.index_cast %add3A_649 : i32 to index
        %swap3A_651 = arith.constant 48 : index
        %swap3A_652 = tpu.vector_load %arg15[%swap3A_650, %swap3A_651] {strides = array<i32>} : memref<96x128xf32, #tpu.memory_space<vmem>>, vector<1x16xf32>,
        %swap3A_653 = vector.shape_cast %swap3A_652 : vector<1x16xf32> to vector<16xf32>
        %swap3A_654 = vector.shape_cast %mul3A_647 : vector<16xf32> to vector<1x16xf32>
        tpu.vector_store %arg15[%swap3A_650, %swap3A_651], %swap3A_654 {strides = array<i32>} : memref<96x128xf32, #tpu.memory_space<vmem>>, vector<1x16xf32>,
        %mul3A_655 = arith.mulf %get3A_604, %mul3A_641 : vector<16xf32>
        %mul3A_656 = arith.mulf %mul3A_655, %get3A_646 : vector<16xf32>
        %add3A_657 = arith.constant 1 : i32
        %add3A_658 = arith.addi %mul3A_298, %add3A_657 : i32
        %swap3A_659 = arith.index_cast %add3A_658 : i32 to index
        %swap3A_660 = arith.constant 48 : index
        %swap3A_661 = tpu.vector_load %arg15[%swap3A_659, %swap3A_660] {strides = array<i32>} : memref<96x128xf32, #tpu.memory_space<vmem>>, vector<1x16xf32>,
        %swap3A_662 = vector.shape_cast %swap3A_661 : vector<1x16xf32> to vector<16xf32>
        %swap3A_663 = vector.shape_cast %mul3A_656 : vector<16xf32> to vector<1x16xf32>
        tpu.vector_store %arg15[%swap3A_659, %swap3A_660], %swap3A_663 {strides = array<i32>} : memref<96x128xf32, #tpu.memory_space<vmem>>, vector<1x16xf32>,
        %mul3A_664 = arith.mulf %mul3A_635, %mul3A_640 : vector<16xf32>
        %mul3A_665 = arith.mulf %mul3A_664, %get3A_646 : vector<16xf32>
        %add3A_666 = arith.constant 2 : i32
        %add3A_667 = arith.addi %mul3A_298, %add3A_666 : i32
        %swap3A_668 = arith.index_cast %add3A_667 : i32 to index
        %swap3A_669 = arith.constant 48 : index
        %swap3A_670 = tpu.vector_load %arg15[%swap3A_668, %swap3A_669] {strides = array<i32>} : memref<96x128xf32, #tpu.memory_space<vmem>>, vector<1x16xf32>,
        %swap3A_671 = vector.shape_cast %swap3A_670 : vector<1x16xf32> to vector<16xf32>
        %swap3A_672 = vector.shape_cast %mul3A_665 : vector<16xf32> to vector<1x16xf32>
        tpu.vector_store %arg15[%swap3A_668, %swap3A_669], %swap3A_672 {strides = array<i32>} : memref<96x128xf32, #tpu.memory_space<vmem>>, vector<1x16xf32>,
        %mul3A_673 = arith.mulf %mul3A_636, %mul3A_639 : vector<16xf32>
        %mul3A_674 = arith.mulf %mul3A_673, %get3A_646 : vector<16xf32>
        %add3A_675 = arith.constant 3 : i32
        %add3A_676 = arith.addi %mul3A_298, %add3A_675 : i32
        %swap3A_677 = arith.index_cast %add3A_676 : i32 to index
        %swap3A_678 = arith.constant 48 : index
        %swap3A_679 = tpu.vector_load %arg15[%swap3A_677, %swap3A_678] {strides = array<i32>} : memref<96x128xf32, #tpu.memory_space<vmem>>, vector<1x16xf32>,
        %swap3A_680 = vector.shape_cast %swap3A_679 : vector<1x16xf32> to vector<16xf32>
        %swap3A_681 = vector.shape_cast %mul3A_674 : vector<16xf32> to vector<1x16xf32>
        tpu.vector_store %arg15[%swap3A_677, %swap3A_678], %swap3A_681 {strides = array<i32>} : memref<96x128xf32, #tpu.memory_space<vmem>>, vector<1x16xf32>,
        %mul3A_682 = arith.mulf %mul3A_637, %get3A_634 : vector<16xf32>
        %mul3A_683 = arith.mulf %mul3A_682, %get3A_646 : vector<16xf32>
        %add3A_684 = arith.constant 4 : i32
        %add3A_685 = arith.addi %mul3A_298, %add3A_684 : i32
        %swap3A_686 = arith.index_cast %add3A_685 : i32 to index
        %swap3A_687 = arith.constant 48 : index
        %swap3A_688 = tpu.vector_load %arg15[%swap3A_686, %swap3A_687] {strides = array<i32>} : memref<96x128xf32, #tpu.memory_space<vmem>>, vector<1x16xf32>,
        %swap3A_689 = vector.shape_cast %swap3A_688 : vector<1x16xf32> to vector<16xf32>
        %swap3A_690 = vector.shape_cast %mul3A_683 : vector<16xf32> to vector<1x16xf32>
        tpu.vector_store %arg15[%swap3A_686, %swap3A_687], %swap3A_690 {strides = array<i32>} : memref<96x128xf32, #tpu.memory_space<vmem>>, vector<1x16xf32>,
        %mul3A_691 = arith.mulf %mul3A_638, %get3A_646 : vector<16xf32>
        %add3A_692 = arith.constant 5 : i32
        %add3A_693 = arith.addi %mul3A_298, %add3A_692 : i32
        %swap3A_694 = arith.index_cast %add3A_693 : i32 to index
        %swap3A_695 = arith.constant 48 : index
        %swap3A_696 = tpu.vector_load %arg15[%swap3A_694, %swap3A_695] {strides = array<i32>} : memref<96x128xf32, #tpu.memory_space<vmem>>, vector<1x16xf32>,
        %swap3A_697 = vector.shape_cast %swap3A_696 : vector<1x16xf32> to vector<16xf32>
        %swap3A_698 = vector.shape_cast %mul3A_691 : vector<16xf32> to vector<1x16xf32>
        tpu.vector_store %arg15[%swap3A_694, %swap3A_695], %swap3A_698 {strides = array<i32>} : memref<96x128xf32, #tpu.memory_space<vmem>>, vector<1x16xf32>,
        %add3A_699 = arith.constant 0 : i32
        %add3A_700 = arith.addi %mul3A_298, %add3A_699 : i32
        %get3A_701 = arith.index_cast %add3A_700 : i32 to index
        %get3A_702 = arith.constant 64 : index
        %get3A_703 = tpu.vector_load %arg14[%get3A_701, %get3A_702] {strides = array<i32>} : memref<96x128xf32, #tpu.memory_space<vmem>>, vector<1x16xf32>,
        %get3A_704 = vector.shape_cast %get3A_703 : vector<1x16xf32> to vector<16xf32>
        %add3A_705 = arith.constant 1 : i32
        %add3A_706 = arith.addi %mul3A_298, %add3A_705 : i32
        %get3A_707 = arith.index_cast %add3A_706 : i32 to index
        %get3A_708 = arith.constant 64 : index
        %get3A_709 = tpu.vector_load %arg14[%get3A_707, %get3A_708] {strides = array<i32>} : memref<96x128xf32, #tpu.memory_space<vmem>>, vector<1x16xf32>,
        %get3A_710 = vector.shape_cast %get3A_709 : vector<1x16xf32> to vector<16xf32>
        %add3A_711 = arith.constant 2 : i32
        %add3A_712 = arith.addi %mul3A_298, %add3A_711 : i32
        %get3A_713 = arith.index_cast %add3A_712 : i32 to index
        %get3A_714 = arith.constant 64 : index
        %get3A_715 = tpu.vector_load %arg14[%get3A_713, %get3A_714] {strides = array<i32>} : memref<96x128xf32, #tpu.memory_space<vmem>>, vector<1x16xf32>,
        %get3A_716 = vector.shape_cast %get3A_715 : vector<1x16xf32> to vector<16xf32>
        %add3A_717 = arith.constant 3 : i32
        %add3A_718 = arith.addi %mul3A_298, %add3A_717 : i32
        %get3A_719 = arith.index_cast %add3A_718 : i32 to index
        %get3A_720 = arith.constant 64 : index
        %get3A_721 = tpu.vector_load %arg14[%get3A_719, %get3A_720] {strides = array<i32>} : memref<96x128xf32, #tpu.memory_space<vmem>>, vector<1x16xf32>,
        %get3A_722 = vector.shape_cast %get3A_721 : vector<1x16xf32> to vector<16xf32>
        %add3A_723 = arith.constant 4 : i32
        %add3A_724 = arith.addi %mul3A_298, %add3A_723 : i32
        %get3A_725 = arith.index_cast %add3A_724 : i32 to index
        %get3A_726 = arith.constant 64 : index
        %get3A_727 = tpu.vector_load %arg14[%get3A_725, %get3A_726] {strides = array<i32>} : memref<96x128xf32, #tpu.memory_space<vmem>>, vector<1x16xf32>,
        %get3A_728 = vector.shape_cast %get3A_727 : vector<1x16xf32> to vector<16xf32>
        %add3A_729 = arith.constant 5 : i32
        %add3A_730 = arith.addi %mul3A_298, %add3A_729 : i32
        %get3A_731 = arith.index_cast %add3A_730 : i32 to index
        %get3A_732 = arith.constant 64 : index
        %get3A_733 = tpu.vector_load %arg14[%get3A_731, %get3A_732] {strides = array<i32>} : memref<96x128xf32, #tpu.memory_space<vmem>>, vector<1x16xf32>,
        %get3A_734 = vector.shape_cast %get3A_733 : vector<1x16xf32> to vector<16xf32>
        %mul3A_735 = arith.mulf %get3A_704, %get3A_710 : vector<16xf32>
        %mul3A_736 = arith.mulf %mul3A_735, %get3A_716 : vector<16xf32>
        %mul3A_737 = arith.mulf %mul3A_736, %get3A_722 : vector<16xf32>
        %mul3A_738 = arith.mulf %mul3A_737, %get3A_728 : vector<16xf32>
        %mul3A_739 = arith.mulf %get3A_734, %get3A_728 : vector<16xf32>
        %mul3A_740 = arith.mulf %mul3A_739, %get3A_722 : vector<16xf32>
        %mul3A_741 = arith.mulf %mul3A_740, %get3A_716 : vector<16xf32>
        %mul3A_742 = arith.mulf %mul3A_741, %get3A_710 : vector<16xf32>
        %get3A_743 = arith.index_cast %mul3A_296 : i32 to index
        %get3A_744 = arith.constant 64 : index
        %get3A_745 = tpu.vector_load %arg17[%get3A_743, %get3A_744] {strides = array<i32>} : memref<16x128xf32, #tpu.memory_space<vmem>>, vector<1x16xf32>,
        %get3A_746 = vector.shape_cast %get3A_745 : vector<1x16xf32> to vector<16xf32>
        %mul3A_747 = arith.mulf %mul3A_742, %get3A_746 : vector<16xf32>
        %add3A_748 = arith.constant 0 : i32
        %add3A_749 = arith.addi %mul3A_298, %add3A_748 : i32
        %swap3A_750 = arith.index_cast %add3A_749 : i32 to index
        %swap3A_751 = arith.constant 64 : index
        %swap3A_752 = tpu.vector_load %arg15[%swap3A_750, %swap3A_751] {strides = array<i32>} : memref<96x128xf32, #tpu.memory_space<vmem>>, vector<1x16xf32>,
        %swap3A_753 = vector.shape_cast %swap3A_752 : vector<1x16xf32> to vector<16xf32>
        %swap3A_754 = vector.shape_cast %mul3A_747 : vector<16xf32> to vector<1x16xf32>
        tpu.vector_store %arg15[%swap3A_750, %swap3A_751], %swap3A_754 {strides = array<i32>} : memref<96x128xf32, #tpu.memory_space<vmem>>, vector<1x16xf32>,
        %mul3A_755 = arith.mulf %get3A_704, %mul3A_741 : vector<16xf32>
        %mul3A_756 = arith.mulf %mul3A_755, %get3A_746 : vector<16xf32>
        %add3A_757 = arith.constant 1 : i32
        %add3A_758 = arith.addi %mul3A_298, %add3A_757 : i32
        %swap3A_759 = arith.index_cast %add3A_758 : i32 to index
        %swap3A_760 = arith.constant 64 : index
        %swap3A_761 = tpu.vector_load %arg15[%swap3A_759, %swap3A_760] {strides = array<i32>} : memref<96x128xf32, #tpu.memory_space<vmem>>, vector<1x16xf32>,
        %swap3A_762 = vector.shape_cast %swap3A_761 : vector<1x16xf32> to vector<16xf32>
        %swap3A_763 = vector.shape_cast %mul3A_756 : vector<16xf32> to vector<1x16xf32>
        tpu.vector_store %arg15[%swap3A_759, %swap3A_760], %swap3A_763 {strides = array<i32>} : memref<96x128xf32, #tpu.memory_space<vmem>>, vector<1x16xf32>,
        %mul3A_764 = arith.mulf %mul3A_735, %mul3A_740 : vector<16xf32>
        %mul3A_765 = arith.mulf %mul3A_764, %get3A_746 : vector<16xf32>
        %add3A_766 = arith.constant 2 : i32
        %add3A_767 = arith.addi %mul3A_298, %add3A_766 : i32
        %swap3A_768 = arith.index_cast %add3A_767 : i32 to index
        %swap3A_769 = arith.constant 64 : index
        %swap3A_770 = tpu.vector_load %arg15[%swap3A_768, %swap3A_769] {strides = array<i32>} : memref<96x128xf32, #tpu.memory_space<vmem>>, vector<1x16xf32>,
        %swap3A_771 = vector.shape_cast %swap3A_770 : vector<1x16xf32> to vector<16xf32>
        %swap3A_772 = vector.shape_cast %mul3A_765 : vector<16xf32> to vector<1x16xf32>
        tpu.vector_store %arg15[%swap3A_768, %swap3A_769], %swap3A_772 {strides = array<i32>} : memref<96x128xf32, #tpu.memory_space<vmem>>, vector<1x16xf32>,
        %mul3A_773 = arith.mulf %mul3A_736, %mul3A_739 : vector<16xf32>
        %mul3A_774 = arith.mulf %mul3A_773, %get3A_746 : vector<16xf32>
        %add3A_775 = arith.constant 3 : i32
        %add3A_776 = arith.addi %mul3A_298, %add3A_775 : i32
        %swap3A_777 = arith.index_cast %add3A_776 : i32 to index
        %swap3A_778 = arith.constant 64 : index
        %swap3A_779 = tpu.vector_load %arg15[%swap3A_777, %swap3A_778] {strides = array<i32>} : memref<96x128xf32, #tpu.memory_space<vmem>>, vector<1x16xf32>,
        %swap3A_780 = vector.shape_cast %swap3A_779 : vector<1x16xf32> to vector<16xf32>
        %swap3A_781 = vector.shape_cast %mul3A_774 : vector<16xf32> to vector<1x16xf32>
        tpu.vector_store %arg15[%swap3A_777, %swap3A_778], %swap3A_781 {strides = array<i32>} : memref<96x128xf32, #tpu.memory_space<vmem>>, vector<1x16xf32>,
        %mul3A_782 = arith.mulf %mul3A_737, %get3A_734 : vector<16xf32>
        %mul3A_783 = arith.mulf %mul3A_782, %get3A_746 : vector<16xf32>
        %add3A_784 = arith.constant 4 : i32
        %add3A_785 = arith.addi %mul3A_298, %add3A_784 : i32
        %swap3A_786 = arith.index_cast %add3A_785 : i32 to index
        %swap3A_787 = arith.constant 64 : index
        %swap3A_788 = tpu.vector_load %arg15[%swap3A_786, %swap3A_787] {strides = array<i32>} : memref<96x128xf32, #tpu.memory_space<vmem>>, vector<1x16xf32>,
        %swap3A_789 = vector.shape_cast %swap3A_788 : vector<1x16xf32> to vector<16xf32>
        %swap3A_790 = vector.shape_cast %mul3A_783 : vector<16xf32> to vector<1x16xf32>
        tpu.vector_store %arg15[%swap3A_786, %swap3A_787], %swap3A_790 {strides = array<i32>} : memref<96x128xf32, #tpu.memory_space<vmem>>, vector<1x16xf32>,
        %mul3A_791 = arith.mulf %mul3A_738, %get3A_746 : vector<16xf32>
        %add3A_792 = arith.constant 5 : i32
        %add3A_793 = arith.addi %mul3A_298, %add3A_792 : i32
        %swap3A_794 = arith.index_cast %add3A_793 : i32 to index
        %swap3A_795 = arith.constant 64 : index
        %swap3A_796 = tpu.vector_load %arg15[%swap3A_794, %swap3A_795] {strides = array<i32>} : memref<96x128xf32, #tpu.memory_space<vmem>>, vector<1x16xf32>,
        %swap3A_797 = vector.shape_cast %swap3A_796 : vector<1x16xf32> to vector<16xf32>
        %swap3A_798 = vector.shape_cast %mul3A_791 : vector<16xf32> to vector<1x16xf32>
        tpu.vector_store %arg15[%swap3A_794, %swap3A_795], %swap3A_798 {strides = array<i32>} : memref<96x128xf32, #tpu.memory_space<vmem>>, vector<1x16xf32>,
        %add3A_799 = arith.constant 0 : i32
        %add3A_800 = arith.addi %mul3A_298, %add3A_799 : i32
        %get3A_801 = arith.index_cast %add3A_800 : i32 to index
        %get3A_802 = arith.constant 80 : index
        %get3A_803 = tpu.vector_load %arg14[%get3A_801, %get3A_802] {strides = array<i32>} : memref<96x128xf32, #tpu.memory_space<vmem>>, vector<1x16xf32>,
        %get3A_804 = vector.shape_cast %get3A_803 : vector<1x16xf32> to vector<16xf32>
        %add3A_805 = arith.constant 1 : i32
        %add3A_806 = arith.addi %mul3A_298, %add3A_805 : i32
        %get3A_807 = arith.index_cast %add3A_806 : i32 to index
        %get3A_808 = arith.constant 80 : index
        %get3A_809 = tpu.vector_load %arg14[%get3A_807, %get3A_808] {strides = array<i32>} : memref<96x128xf32, #tpu.memory_space<vmem>>, vector<1x16xf32>,
        %get3A_810 = vector.shape_cast %get3A_809 : vector<1x16xf32> to vector<16xf32>
        %add3A_811 = arith.constant 2 : i32
        %add3A_812 = arith.addi %mul3A_298, %add3A_811 : i32
        %get3A_813 = arith.index_cast %add3A_812 : i32 to index
        %get3A_814 = arith.constant 80 : index
        %get3A_815 = tpu.vector_load %arg14[%get3A_813, %get3A_814] {strides = array<i32>} : memref<96x128xf32, #tpu.memory_space<vmem>>, vector<1x16xf32>,
        %get3A_816 = vector.shape_cast %get3A_815 : vector<1x16xf32> to vector<16xf32>
        %add3A_817 = arith.constant 3 : i32
        %add3A_818 = arith.addi %mul3A_298, %add3A_817 : i32
        %get3A_819 = arith.index_cast %add3A_818 : i32 to index
        %get3A_820 = arith.constant 80 : index
        %get3A_821 = tpu.vector_load %arg14[%get3A_819, %get3A_820] {strides = array<i32>} : memref<96x128xf32, #tpu.memory_space<vmem>>, vector<1x16xf32>,
        %get3A_822 = vector.shape_cast %get3A_821 : vector<1x16xf32> to vector<16xf32>
        %add3A_823 = arith.constant 4 : i32
        %add3A_824 = arith.addi %mul3A_298, %add3A_823 : i32
        %get3A_825 = arith.index_cast %add3A_824 : i32 to index
        %get3A_826 = arith.constant 80 : index
        %get3A_827 = tpu.vector_load %arg14[%get3A_825, %get3A_826] {strides = array<i32>} : memref<96x128xf32, #tpu.memory_space<vmem>>, vector<1x16xf32>,
        %get3A_828 = vector.shape_cast %get3A_827 : vector<1x16xf32> to vector<16xf32>
        %add3A_829 = arith.constant 5 : i32
        %add3A_830 = arith.addi %mul3A_298, %add3A_829 : i32
        %get3A_831 = arith.index_cast %add3A_830 : i32 to index
        %get3A_832 = arith.constant 80 : index
        %get3A_833 = tpu.vector_load %arg14[%get3A_831, %get3A_832] {strides = array<i32>} : memref<96x128xf32, #tpu.memory_space<vmem>>, vector<1x16xf32>,
        %get3A_834 = vector.shape_cast %get3A_833 : vector<1x16xf32> to vector<16xf32>
        %mul3A_835 = arith.mulf %get3A_804, %get3A_810 : vector<16xf32>
        %mul3A_836 = arith.mulf %mul3A_835, %get3A_816 : vector<16xf32>
        %mul3A_837 = arith.mulf %mul3A_836, %get3A_822 : vector<16xf32>
        %mul3A_838 = arith.mulf %mul3A_837, %get3A_828 : vector<16xf32>
        %mul3A_839 = arith.mulf %get3A_834, %get3A_828 : vector<16xf32>
        %mul3A_840 = arith.mulf %mul3A_839, %get3A_822 : vector<16xf32>
        %mul3A_841 = arith.mulf %mul3A_840, %get3A_816 : vector<16xf32>
        %mul3A_842 = arith.mulf %mul3A_841, %get3A_810 : vector<16xf32>
        %get3A_843 = arith.index_cast %mul3A_296 : i32 to index
        %get3A_844 = arith.constant 80 : index
        %get3A_845 = tpu.vector_load %arg17[%get3A_843, %get3A_844] {strides = array<i32>} : memref<16x128xf32, #tpu.memory_space<vmem>>, vector<1x16xf32>,
        %get3A_846 = vector.shape_cast %get3A_845 : vector<1x16xf32> to vector<16xf32>
        %mul3A_847 = arith.mulf %mul3A_842, %get3A_846 : vector<16xf32>
        %add3A_848 = arith.constant 0 : i32
        %add3A_849 = arith.addi %mul3A_298, %add3A_848 : i32
        %swap3A_850 = arith.index_cast %add3A_849 : i32 to index
        %swap3A_851 = arith.constant 80 : index
        %swap3A_852 = tpu.vector_load %arg15[%swap3A_850, %swap3A_851] {strides = array<i32>} : memref<96x128xf32, #tpu.memory_space<vmem>>, vector<1x16xf32>,
        %swap3A_853 = vector.shape_cast %swap3A_852 : vector<1x16xf32> to vector<16xf32>
        %swap3A_854 = vector.shape_cast %mul3A_847 : vector<16xf32> to vector<1x16xf32>
        tpu.vector_store %arg15[%swap3A_850, %swap3A_851], %swap3A_854 {strides = array<i32>} : memref<96x128xf32, #tpu.memory_space<vmem>>, vector<1x16xf32>,
        %mul3A_855 = arith.mulf %get3A_804, %mul3A_841 : vector<16xf32>
        %mul3A_856 = arith.mulf %mul3A_855, %get3A_846 : vector<16xf32>
        %add3A_857 = arith.constant 1 : i32
        %add3A_858 = arith.addi %mul3A_298, %add3A_857 : i32
        %swap3A_859 = arith.index_cast %add3A_858 : i32 to index
        %swap3A_860 = arith.constant 80 : index
        %swap3A_861 = tpu.vector_load %arg15[%swap3A_859, %swap3A_860] {strides = array<i32>} : memref<96x128xf32, #tpu.memory_space<vmem>>, vector<1x16xf32>,
        %swap3A_862 = vector.shape_cast %swap3A_861 : vector<1x16xf32> to vector<16xf32>
        %swap3A_863 = vector.shape_cast %mul3A_856 : vector<16xf32> to vector<1x16xf32>
        tpu.vector_store %arg15[%swap3A_859, %swap3A_860], %swap3A_863 {strides = array<i32>} : memref<96x128xf32, #tpu.memory_space<vmem>>, vector<1x16xf32>,
        %mul3A_864 = arith.mulf %mul3A_835, %mul3A_840 : vector<16xf32>
        %mul3A_865 = arith.mulf %mul3A_864, %get3A_846 : vector<16xf32>
        %add3A_866 = arith.constant 2 : i32
        %add3A_867 = arith.addi %mul3A_298, %add3A_866 : i32
        %swap3A_868 = arith.index_cast %add3A_867 : i32 to index
        %swap3A_869 = arith.constant 80 : index
        %swap3A_870 = tpu.vector_load %arg15[%swap3A_868, %swap3A_869] {strides = array<i32>} : memref<96x128xf32, #tpu.memory_space<vmem>>, vector<1x16xf32>,
        %swap3A_871 = vector.shape_cast %swap3A_870 : vector<1x16xf32> to vector<16xf32>
        %swap3A_872 = vector.shape_cast %mul3A_865 : vector<16xf32> to vector<1x16xf32>
        tpu.vector_store %arg15[%swap3A_868, %swap3A_869], %swap3A_872 {strides = array<i32>} : memref<96x128xf32, #tpu.memory_space<vmem>>, vector<1x16xf32>,
        %mul3A_873 = arith.mulf %mul3A_836, %mul3A_839 : vector<16xf32>
        %mul3A_874 = arith.mulf %mul3A_873, %get3A_846 : vector<16xf32>
        %add3A_875 = arith.constant 3 : i32
        %add3A_876 = arith.addi %mul3A_298, %add3A_875 : i32
        %swap3A_877 = arith.index_cast %add3A_876 : i32 to index
        %swap3A_878 = arith.constant 80 : index
        %swap3A_879 = tpu.vector_load %arg15[%swap3A_877, %swap3A_878] {strides = array<i32>} : memref<96x128xf32, #tpu.memory_space<vmem>>, vector<1x16xf32>,
        %swap3A_880 = vector.shape_cast %swap3A_879 : vector<1x16xf32> to vector<16xf32>
        %swap3A_881 = vector.shape_cast %mul3A_874 : vector<16xf32> to vector<1x16xf32>
        tpu.vector_store %arg15[%swap3A_877, %swap3A_878], %swap3A_881 {strides = array<i32>} : memref<96x128xf32, #tpu.memory_space<vmem>>, vector<1x16xf32>,
        %mul3A_882 = arith.mulf %mul3A_837, %get3A_834 : vector<16xf32>
        %mul3A_883 = arith.mulf %mul3A_882, %get3A_846 : vector<16xf32>
        %add3A_884 = arith.constant 4 : i32
        %add3A_885 = arith.addi %mul3A_298, %add3A_884 : i32
        %swap3A_886 = arith.index_cast %add3A_885 : i32 to index
        %swap3A_887 = arith.constant 80 : index
        %swap3A_888 = tpu.vector_load %arg15[%swap3A_886, %swap3A_887] {strides = array<i32>} : memref<96x128xf32, #tpu.memory_space<vmem>>, vector<1x16xf32>,
        %swap3A_889 = vector.shape_cast %swap3A_888 : vector<1x16xf32> to vector<16xf32>
        %swap3A_890 = vector.shape_cast %mul3A_883 : vector<16xf32> to vector<1x16xf32>
        tpu.vector_store %arg15[%swap3A_886, %swap3A_887], %swap3A_890 {strides = array<i32>} : memref<96x128xf32, #tpu.memory_space<vmem>>, vector<1x16xf32>,
        %mul3A_891 = arith.mulf %mul3A_838, %get3A_846 : vector<16xf32>
        %add3A_892 = arith.constant 5 : i32
        %add3A_893 = arith.addi %mul3A_298, %add3A_892 : i32
        %swap3A_894 = arith.index_cast %add3A_893 : i32 to index
        %swap3A_895 = arith.constant 80 : index
        %swap3A_896 = tpu.vector_load %arg15[%swap3A_894, %swap3A_895] {strides = array<i32>} : memref<96x128xf32, #tpu.memory_space<vmem>>, vector<1x16xf32>,
        %swap3A_897 = vector.shape_cast %swap3A_896 : vector<1x16xf32> to vector<16xf32>
        %swap3A_898 = vector.shape_cast %mul3A_891 : vector<16xf32> to vector<1x16xf32>
        tpu.vector_store %arg15[%swap3A_894, %swap3A_895], %swap3A_898 {strides = array<i32>} : memref<96x128xf32, #tpu.memory_space<vmem>>, vector<1x16xf32>,
        %add3A_899 = arith.constant 0 : i32
        %add3A_900 = arith.addi %mul3A_298, %add3A_899 : i32
        %get3A_901 = arith.index_cast %add3A_900 : i32 to index
        %get3A_902 = arith.constant 96 : index
        %get3A_903 = tpu.vector_load %arg14[%get3A_901, %get3A_902] {strides = array<i32>} : memref<96x128xf32, #tpu.memory_space<vmem>>, vector<1x16xf32>,
        %get3A_904 = vector.shape_cast %get3A_903 : vector<1x16xf32> to vector<16xf32>
        %add3A_905 = arith.constant 1 : i32
        %add3A_906 = arith.addi %mul3A_298, %add3A_905 : i32
        %get3A_907 = arith.index_cast %add3A_906 : i32 to index
        %get3A_908 = arith.constant 96 : index
        %get3A_909 = tpu.vector_load %arg14[%get3A_907, %get3A_908] {strides = array<i32>} : memref<96x128xf32, #tpu.memory_space<vmem>>, vector<1x16xf32>,
        %get3A_910 = vector.shape_cast %get3A_909 : vector<1x16xf32> to vector<16xf32>
        %add3A_911 = arith.constant 2 : i32
        %add3A_912 = arith.addi %mul3A_298, %add3A_911 : i32
        %get3A_913 = arith.index_cast %add3A_912 : i32 to index
        %get3A_914 = arith.constant 96 : index
        %get3A_915 = tpu.vector_load %arg14[%get3A_913, %get3A_914] {strides = array<i32>} : memref<96x128xf32, #tpu.memory_space<vmem>>, vector<1x16xf32>,
        %get3A_916 = vector.shape_cast %get3A_915 : vector<1x16xf32> to vector<16xf32>
        %add3A_917 = arith.constant 3 : i32
        %add3A_918 = arith.addi %mul3A_298, %add3A_917 : i32
        %get3A_919 = arith.index_cast %add3A_918 : i32 to index
        %get3A_920 = arith.constant 96 : index
        %get3A_921 = tpu.vector_load %arg14[%get3A_919, %get3A_920] {strides = array<i32>} : memref<96x128xf32, #tpu.memory_space<vmem>>, vector<1x16xf32>,
        %get3A_922 = vector.shape_cast %get3A_921 : vector<1x16xf32> to vector<16xf32>
        %add3A_923 = arith.constant 4 : i32
        %add3A_924 = arith.addi %mul3A_298, %add3A_923 : i32
        %get3A_925 = arith.index_cast %add3A_924 : i32 to index
        %get3A_926 = arith.constant 96 : index
        %get3A_927 = tpu.vector_load %arg14[%get3A_925, %get3A_926] {strides = array<i32>} : memref<96x128xf32, #tpu.memory_space<vmem>>, vector<1x16xf32>,
        %get3A_928 = vector.shape_cast %get3A_927 : vector<1x16xf32> to vector<16xf32>
        %add3A_929 = arith.constant 5 : i32
        %add3A_930 = arith.addi %mul3A_298, %add3A_929 : i32
        %get3A_931 = arith.index_cast %add3A_930 : i32 to index
        %get3A_932 = arith.constant 96 : index
        %get3A_933 = tpu.vector_load %arg14[%get3A_931, %get3A_932] {strides = array<i32>} : memref<96x128xf32, #tpu.memory_space<vmem>>, vector<1x16xf32>,
        %get3A_934 = vector.shape_cast %get3A_933 : vector<1x16xf32> to vector<16xf32>
        %mul3A_935 = arith.mulf %get3A_904, %get3A_910 : vector<16xf32>
        %mul3A_936 = arith.mulf %mul3A_935, %get3A_916 : vector<16xf32>
        %mul3A_937 = arith.mulf %mul3A_936, %get3A_922 : vector<16xf32>
        %mul3A_938 = arith.mulf %mul3A_937, %get3A_928 : vector<16xf32>
        %mul3A_939 = arith.mulf %get3A_934, %get3A_928 : vector<16xf32>
        %mul3A_940 = arith.mulf %mul3A_939, %get3A_922 : vector<16xf32>
        %mul3A_941 = arith.mulf %mul3A_940, %get3A_916 : vector<16xf32>
        %mul3A_942 = arith.mulf %mul3A_941, %get3A_910 : vector<16xf32>
        %get3A_943 = arith.index_cast %mul3A_296 : i32 to index
        %get3A_944 = arith.constant 96 : index
        %get3A_945 = tpu.vector_load %arg17[%get3A_943, %get3A_944] {strides = array<i32>} : memref<16x128xf32, #tpu.memory_space<vmem>>, vector<1x16xf32>,
        %get3A_946 = vector.shape_cast %get3A_945 : vector<1x16xf32> to vector<16xf32>
        %mul3A_947 = arith.mulf %mul3A_942, %get3A_946 : vector<16xf32>
        %add3A_948 = arith.constant 0 : i32
        %add3A_949 = arith.addi %mul3A_298, %add3A_948 : i32
        %swap3A_950 = arith.index_cast %add3A_949 : i32 to index
        %swap3A_951 = arith.constant 96 : index
        %swap3A_952 = tpu.vector_load %arg15[%swap3A_950, %swap3A_951] {strides = array<i32>} : memref<96x128xf32, #tpu.memory_space<vmem>>, vector<1x16xf32>,
        %swap3A_953 = vector.shape_cast %swap3A_952 : vector<1x16xf32> to vector<16xf32>
        %swap3A_954 = vector.shape_cast %mul3A_947 : vector<16xf32> to vector<1x16xf32>
        tpu.vector_store %arg15[%swap3A_950, %swap3A_951], %swap3A_954 {strides = array<i32>} : memref<96x128xf32, #tpu.memory_space<vmem>>, vector<1x16xf32>,
        %mul3A_955 = arith.mulf %get3A_904, %mul3A_941 : vector<16xf32>
        %mul3A_956 = arith.mulf %mul3A_955, %get3A_946 : vector<16xf32>
        %add3A_957 = arith.constant 1 : i32
        %add3A_958 = arith.addi %mul3A_298, %add3A_957 : i32
        %swap3A_959 = arith.index_cast %add3A_958 : i32 to index
        %swap3A_960 = arith.constant 96 : index
        %swap3A_961 = tpu.vector_load %arg15[%swap3A_959, %swap3A_960] {strides = array<i32>} : memref<96x128xf32, #tpu.memory_space<vmem>>, vector<1x16xf32>,
        %swap3A_962 = vector.shape_cast %swap3A_961 : vector<1x16xf32> to vector<16xf32>
        %swap3A_963 = vector.shape_cast %mul3A_956 : vector<16xf32> to vector<1x16xf32>
        tpu.vector_store %arg15[%swap3A_959, %swap3A_960], %swap3A_963 {strides = array<i32>} : memref<96x128xf32, #tpu.memory_space<vmem>>, vector<1x16xf32>,
        %mul3A_964 = arith.mulf %mul3A_935, %mul3A_940 : vector<16xf32>
        %mul3A_965 = arith.mulf %mul3A_964, %get3A_946 : vector<16xf32>
        %add3A_966 = arith.constant 2 : i32
        %add3A_967 = arith.addi %mul3A_298, %add3A_966 : i32
        %swap3A_968 = arith.index_cast %add3A_967 : i32 to index
        %swap3A_969 = arith.constant 96 : index
        %swap3A_970 = tpu.vector_load %arg15[%swap3A_968, %swap3A_969] {strides = array<i32>} : memref<96x128xf32, #tpu.memory_space<vmem>>, vector<1x16xf32>,
        %swap3A_971 = vector.shape_cast %swap3A_970 : vector<1x16xf32> to vector<16xf32>
        %swap3A_972 = vector.shape_cast %mul3A_965 : vector<16xf32> to vector<1x16xf32>
        tpu.vector_store %arg15[%swap3A_968, %swap3A_969], %swap3A_972 {strides = array<i32>} : memref<96x128xf32, #tpu.memory_space<vmem>>, vector<1x16xf32>,
        %mul3A_973 = arith.mulf %mul3A_936, %mul3A_939 : vector<16xf32>
        %mul3A_974 = arith.mulf %mul3A_973, %get3A_946 : vector<16xf32>
        %add3A_975 = arith.constant 3 : i32
        %add3A_976 = arith.addi %mul3A_298, %add3A_975 : i32
        %swap3A_977 = arith.index_cast %add3A_976 : i32 to index
        %swap3A_978 = arith.constant 96 : index
        %swap3A_979 = tpu.vector_load %arg15[%swap3A_977, %swap3A_978] {strides = array<i32>} : memref<96x128xf32, #tpu.memory_space<vmem>>, vector<1x16xf32>,
        %swap3A_980 = vector.shape_cast %swap3A_979 : vector<1x16xf32> to vector<16xf32>
        %swap3A_981 = vector.shape_cast %mul3A_974 : vector<16xf32> to vector<1x16xf32>
        tpu.vector_store %arg15[%swap3A_977, %swap3A_978], %swap3A_981 {strides = array<i32>} : memref<96x128xf32, #tpu.memory_space<vmem>>, vector<1x16xf32>,
        %mul3A_982 = arith.mulf %mul3A_937, %get3A_934 : vector<16xf32>
        %mul3A_983 = arith.mulf %mul3A_982, %get3A_946 : vector<16xf32>
        %add3A_984 = arith.constant 4 : i32
        %add3A_985 = arith.addi %mul3A_298, %add3A_984 : i32
        %swap3A_986 = arith.index_cast %add3A_985 : i32 to index
        %swap3A_987 = arith.constant 96 : index
        %swap3A_988 = tpu.vector_load %arg15[%swap3A_986, %swap3A_987] {strides = array<i32>} : memref<96x128xf32, #tpu.memory_space<vmem>>, vector<1x16xf32>,
        %swap3A_989 = vector.shape_cast %swap3A_988 : vector<1x16xf32> to vector<16xf32>
        %swap3A_990 = vector.shape_cast %mul3A_983 : vector<16xf32> to vector<1x16xf32>
        tpu.vector_store %arg15[%swap3A_986, %swap3A_987], %swap3A_990 {strides = array<i32>} : memref<96x128xf32, #tpu.memory_space<vmem>>, vector<1x16xf32>,
        %mul3A_991 = arith.mulf %mul3A_938, %get3A_946 : vector<16xf32>
        %add3A_992 = arith.constant 5 : i32
        %add3A_993 = arith.addi %mul3A_298, %add3A_992 : i32
        %swap3A_994 = arith.index_cast %add3A_993 : i32 to index
        %swap3A_995 = arith.constant 96 : index
        %swap3A_996 = tpu.vector_load %arg15[%swap3A_994, %swap3A_995] {strides = array<i32>} : memref<96x128xf32, #tpu.memory_space<vmem>>, vector<1x16xf32>,
        %swap3A_997 = vector.shape_cast %swap3A_996 : vector<1x16xf32> to vector<16xf32>
        %swap3A_998 = vector.shape_cast %mul3A_991 : vector<16xf32> to vector<1x16xf32>
        tpu.vector_store %arg15[%swap3A_994, %swap3A_995], %swap3A_998 {strides = array<i32>} : memref<96x128xf32, #tpu.memory_space<vmem>>, vector<1x16xf32>,
        %add3A_999 = arith.constant 0 : i32
        %add3A_1000 = arith.addi %mul3A_298, %add3A_999 : i32
        %get3A_1001 = arith.index_cast %add3A_1000 : i32 to index
        %get3A_1002 = arith.constant 112 : index
        %get3A_1003 = tpu.vector_load %arg14[%get3A_1001, %get3A_1002] {strides = array<i32>} : memref<96x128xf32, #tpu.memory_space<vmem>>, vector<1x16xf32>,
        %get3A_1004 = vector.shape_cast %get3A_1003 : vector<1x16xf32> to vector<16xf32>
        %add3A_1005 = arith.constant 1 : i32
        %add3A_1006 = arith.addi %mul3A_298, %add3A_1005 : i32
        %get3A_1007 = arith.index_cast %add3A_1006 : i32 to index
        %get3A_1008 = arith.constant 112 : index
        %get3A_1009 = tpu.vector_load %arg14[%get3A_1007, %get3A_1008] {strides = array<i32>} : memref<96x128xf32, #tpu.memory_space<vmem>>, vector<1x16xf32>,
        %get3A_1010 = vector.shape_cast %get3A_1009 : vector<1x16xf32> to vector<16xf32>
        %add3A_1011 = arith.constant 2 : i32
        %add3A_1012 = arith.addi %mul3A_298, %add3A_1011 : i32
        %get3A_1013 = arith.index_cast %add3A_1012 : i32 to index
        %get3A_1014 = arith.constant 112 : index
        %get3A_1015 = tpu.vector_load %arg14[%get3A_1013, %get3A_1014] {strides = array<i32>} : memref<96x128xf32, #tpu.memory_space<vmem>>, vector<1x16xf32>,
        %get3A_1016 = vector.shape_cast %get3A_1015 : vector<1x16xf32> to vector<16xf32>
        %add3A_1017 = arith.constant 3 : i32
        %add3A_1018 = arith.addi %mul3A_298, %add3A_1017 : i32
        %get3A_1019 = arith.index_cast %add3A_1018 : i32 to index
        %get3A_1020 = arith.constant 112 : index
        %get3A_1021 = tpu.vector_load %arg14[%get3A_1019, %get3A_1020] {strides = array<i32>} : memref<96x128xf32, #tpu.memory_space<vmem>>, vector<1x16xf32>,
        %get3A_1022 = vector.shape_cast %get3A_1021 : vector<1x16xf32> to vector<16xf32>
        %add3A_1023 = arith.constant 4 : i32
        %add3A_1024 = arith.addi %mul3A_298, %add3A_1023 : i32
        %get3A_1025 = arith.index_cast %add3A_1024 : i32 to index
        %get3A_1026 = arith.constant 112 : index
        %get3A_1027 = tpu.vector_load %arg14[%get3A_1025, %get3A_1026] {strides = array<i32>} : memref<96x128xf32, #tpu.memory_space<vmem>>, vector<1x16xf32>,
        %get3A_1028 = vector.shape_cast %get3A_1027 : vector<1x16xf32> to vector<16xf32>
        %add3A_1029 = arith.constant 5 : i32
        %add3A_1030 = arith.addi %mul3A_298, %add3A_1029 : i32
        %get3A_1031 = arith.index_cast %add3A_1030 : i32 to index
        %get3A_1032 = arith.constant 112 : index
        %get3A_1033 = tpu.vector_load %arg14[%get3A_1031, %get3A_1032] {strides = array<i32>} : memref<96x128xf32, #tpu.memory_space<vmem>>, vector<1x16xf32>,
        %get3A_1034 = vector.shape_cast %get3A_1033 : vector<1x16xf32> to vector<16xf32>
        %mul3A_1035 = arith.mulf %get3A_1004, %get3A_1010 : vector<16xf32>
        %mul3A_1036 = arith.mulf %mul3A_1035, %get3A_1016 : vector<16xf32>
        %mul3A_1037 = arith.mulf %mul3A_1036, %get3A_1022 : vector<16xf32>
        %mul3A_1038 = arith.mulf %mul3A_1037, %get3A_1028 : vector<16xf32>
        %mul3A_1039 = arith.mulf %get3A_1034, %get3A_1028 : vector<16xf32>
        %mul3A_1040 = arith.mulf %mul3A_1039, %get3A_1022 : vector<16xf32>
        %mul3A_1041 = arith.mulf %mul3A_1040, %get3A_1016 : vector<16xf32>
        %mul3A_1042 = arith.mulf %mul3A_1041, %get3A_1010 : vector<16xf32>
        %get3A_1043 = arith.index_cast %mul3A_296 : i32 to index
        %get3A_1044 = arith.constant 112 : index
        %get3A_1045 = tpu.vector_load %arg17[%get3A_1043, %get3A_1044] {strides = array<i32>} : memref<16x128xf32, #tpu.memory_space<vmem>>, vector<1x16xf32>,
        %get3A_1046 = vector.shape_cast %get3A_1045 : vector<1x16xf32> to vector<16xf32>
        %mul3A_1047 = arith.mulf %mul3A_1042, %get3A_1046 : vector<16xf32>
        %add3A_1048 = arith.constant 0 : i32
        %add3A_1049 = arith.addi %mul3A_298, %add3A_1048 : i32
        %swap3A_1050 = arith.index_cast %add3A_1049 : i32 to index
        %swap3A_1051 = arith.constant 112 : index
        %swap3A_1052 = tpu.vector_load %arg15[%swap3A_1050, %swap3A_1051] {strides = array<i32>} : memref<96x128xf32, #tpu.memory_space<vmem>>, vector<1x16xf32>,
        %swap3A_1053 = vector.shape_cast %swap3A_1052 : vector<1x16xf32> to vector<16xf32>
        %swap3A_1054 = vector.shape_cast %mul3A_1047 : vector<16xf32> to vector<1x16xf32>
        tpu.vector_store %arg15[%swap3A_1050, %swap3A_1051], %swap3A_1054 {strides = array<i32>} : memref<96x128xf32, #tpu.memory_space<vmem>>, vector<1x16xf32>,
        %mul3A_1055 = arith.mulf %get3A_1004, %mul3A_1041 : vector<16xf32>
        %mul3A_1056 = arith.mulf %mul3A_1055, %get3A_1046 : vector<16xf32>
        %add3A_1057 = arith.constant 1 : i32
        %add3A_1058 = arith.addi %mul3A_298, %add3A_1057 : i32
        %swap3A_1059 = arith.index_cast %add3A_1058 : i32 to index
        %swap3A_1060 = arith.constant 112 : index
        %swap3A_1061 = tpu.vector_load %arg15[%swap3A_1059, %swap3A_1060] {strides = array<i32>} : memref<96x128xf32, #tpu.memory_space<vmem>>, vector<1x16xf32>,
        %swap3A_1062 = vector.shape_cast %swap3A_1061 : vector<1x16xf32> to vector<16xf32>
        %swap3A_1063 = vector.shape_cast %mul3A_1056 : vector<16xf32> to vector<1x16xf32>
        tpu.vector_store %arg15[%swap3A_1059, %swap3A_1060], %swap3A_1063 {strides = array<i32>} : memref<96x128xf32, #tpu.memory_space<vmem>>, vector<1x16xf32>,
        %mul3A_1064 = arith.mulf %mul3A_1035, %mul3A_1040 : vector<16xf32>
        %mul3A_1065 = arith.mulf %mul3A_1064, %get3A_1046 : vector<16xf32>
        %add3A_1066 = arith.constant 2 : i32
        %add3A_1067 = arith.addi %mul3A_298, %add3A_1066 : i32
        %swap3A_1068 = arith.index_cast %add3A_1067 : i32 to index
        %swap3A_1069 = arith.constant 112 : index
        %swap3A_1070 = tpu.vector_load %arg15[%swap3A_1068, %swap3A_1069] {strides = array<i32>} : memref<96x128xf32, #tpu.memory_space<vmem>>, vector<1x16xf32>,
        %swap3A_1071 = vector.shape_cast %swap3A_1070 : vector<1x16xf32> to vector<16xf32>
        %swap3A_1072 = vector.shape_cast %mul3A_1065 : vector<16xf32> to vector<1x16xf32>
        tpu.vector_store %arg15[%swap3A_1068, %swap3A_1069], %swap3A_1072 {strides = array<i32>} : memref<96x128xf32, #tpu.memory_space<vmem>>, vector<1x16xf32>,
        %mul3A_1073 = arith.mulf %mul3A_1036, %mul3A_1039 : vector<16xf32>
        %mul3A_1074 = arith.mulf %mul3A_1073, %get3A_1046 : vector<16xf32>
        %add3A_1075 = arith.constant 3 : i32
        %add3A_1076 = arith.addi %mul3A_298, %add3A_1075 : i32
        %swap3A_1077 = arith.index_cast %add3A_1076 : i32 to index
        %swap3A_1078 = arith.constant 112 : index
        %swap3A_1079 = tpu.vector_load %arg15[%swap3A_1077, %swap3A_1078] {strides = array<i32>} : memref<96x128xf32, #tpu.memory_space<vmem>>, vector<1x16xf32>,
        %swap3A_1080 = vector.shape_cast %swap3A_1079 : vector<1x16xf32> to vector<16xf32>
        %swap3A_1081 = vector.shape_cast %mul3A_1074 : vector<16xf32> to vector<1x16xf32>
        tpu.vector_store %arg15[%swap3A_1077, %swap3A_1078], %swap3A_1081 {strides = array<i32>} : memref<96x128xf32, #tpu.memory_space<vmem>>, vector<1x16xf32>,
        %mul3A_1082 = arith.mulf %mul3A_1037, %get3A_1034 : vector<16xf32>
        %mul3A_1083 = arith.mulf %mul3A_1082, %get3A_1046 : vector<16xf32>
        %add3A_1084 = arith.constant 4 : i32
        %add3A_1085 = arith.addi %mul3A_298, %add3A_1084 : i32
        %swap3A_1086 = arith.index_cast %add3A_1085 : i32 to index
        %swap3A_1087 = arith.constant 112 : index
        %swap3A_1088 = tpu.vector_load %arg15[%swap3A_1086, %swap3A_1087] {strides = array<i32>} : memref<96x128xf32, #tpu.memory_space<vmem>>, vector<1x16xf32>,
        %swap3A_1089 = vector.shape_cast %swap3A_1088 : vector<1x16xf32> to vector<16xf32>
        %swap3A_1090 = vector.shape_cast %mul3A_1083 : vector<16xf32> to vector<1x16xf32>
        tpu.vector_store %arg15[%swap3A_1086, %swap3A_1087], %swap3A_1090 {strides = array<i32>} : memref<96x128xf32, #tpu.memory_space<vmem>>, vector<1x16xf32>,
        %mul3A_1091 = arith.mulf %mul3A_1038, %get3A_1046 : vector<16xf32>
        %add3A_1092 = arith.constant 5 : i32
        %add3A_1093 = arith.addi %mul3A_298, %add3A_1092 : i32
        %swap3A_1094 = arith.index_cast %add3A_1093 : i32 to index
        %swap3A_1095 = arith.constant 112 : index
        %swap3A_1096 = tpu.vector_load %arg15[%swap3A_1094, %swap3A_1095] {strides = array<i32>} : memref<96x128xf32, #tpu.memory_space<vmem>>, vector<1x16xf32>,
        %swap3A_1097 = vector.shape_cast %swap3A_1096 : vector<1x16xf32> to vector<16xf32>
        %swap3A_1098 = vector.shape_cast %mul3A_1091 : vector<16xf32> to vector<1x16xf32>
        tpu.vector_store %arg15[%swap3A_1094, %swap3A_1095], %swap3A_1098 {strides = array<i32>} : memref<96x128xf32, #tpu.memory_space<vmem>>, vector<1x16xf32>,
        %mul3A_1099 = arith.constant 2 : i32
        %mul3A_1100 = arith.muli %mul3A_1099, %scan3A_293 : i32
        %add3A_1101 = arith.constant 1 : i32
        %add3A_1102 = arith.addi %mul3A_1100, %add3A_1101 : i32
        %mul3A_1103 = arith.constant 6 : i32
        %mul3A_1104 = arith.muli %add3A_1102, %mul3A_1103 : i32
        %add3A_1105 = arith.constant 0 : i32
        %add3A_1106 = arith.addi %mul3A_1104, %add3A_1105 : i32
        %get3A_1107 = arith.index_cast %add3A_1106 : i32 to index
        %get3A_1108 = arith.constant 0 : index
        %get3A_1109 = tpu.vector_load %arg14[%get3A_1107, %get3A_1108] {strides = array<i32>} : memref<96x128xf32, #tpu.memory_space<vmem>>, vector<1x16xf32>,
        %get3A_1110 = vector.shape_cast %get3A_1109 : vector<1x16xf32> to vector<16xf32>
        %add3A_1111 = arith.constant 1 : i32
        %add3A_1112 = arith.addi %mul3A_1104, %add3A_1111 : i32
        %get3A_1113 = arith.index_cast %add3A_1112 : i32 to index
        %get3A_1114 = arith.constant 0 : index
        %get3A_1115 = tpu.vector_load %arg14[%get3A_1113, %get3A_1114] {strides = array<i32>} : memref<96x128xf32, #tpu.memory_space<vmem>>, vector<1x16xf32>,
        %get3A_1116 = vector.shape_cast %get3A_1115 : vector<1x16xf32> to vector<16xf32>
        %add3A_1117 = arith.constant 2 : i32
        %add3A_1118 = arith.addi %mul3A_1104, %add3A_1117 : i32
        %get3A_1119 = arith.index_cast %add3A_1118 : i32 to index
        %get3A_1120 = arith.constant 0 : index
        %get3A_1121 = tpu.vector_load %arg14[%get3A_1119, %get3A_1120] {strides = array<i32>} : memref<96x128xf32, #tpu.memory_space<vmem>>, vector<1x16xf32>,
        %get3A_1122 = vector.shape_cast %get3A_1121 : vector<1x16xf32> to vector<16xf32>
        %add3A_1123 = arith.constant 3 : i32
        %add3A_1124 = arith.addi %mul3A_1104, %add3A_1123 : i32
        %get3A_1125 = arith.index_cast %add3A_1124 : i32 to index
        %get3A_1126 = arith.constant 0 : index
        %get3A_1127 = tpu.vector_load %arg14[%get3A_1125, %get3A_1126] {strides = array<i32>} : memref<96x128xf32, #tpu.memory_space<vmem>>, vector<1x16xf32>,
        %get3A_1128 = vector.shape_cast %get3A_1127 : vector<1x16xf32> to vector<16xf32>
        %add3A_1129 = arith.constant 4 : i32
        %add3A_1130 = arith.addi %mul3A_1104, %add3A_1129 : i32
        %get3A_1131 = arith.index_cast %add3A_1130 : i32 to index
        %get3A_1132 = arith.constant 0 : index
        %get3A_1133 = tpu.vector_load %arg14[%get3A_1131, %get3A_1132] {strides = array<i32>} : memref<96x128xf32, #tpu.memory_space<vmem>>, vector<1x16xf32>,
        %get3A_1134 = vector.shape_cast %get3A_1133 : vector<1x16xf32> to vector<16xf32>
        %add3A_1135 = arith.constant 5 : i32
        %add3A_1136 = arith.addi %mul3A_1104, %add3A_1135 : i32
        %get3A_1137 = arith.index_cast %add3A_1136 : i32 to index
        %get3A_1138 = arith.constant 0 : index
        %get3A_1139 = tpu.vector_load %arg14[%get3A_1137, %get3A_1138] {strides = array<i32>} : memref<96x128xf32, #tpu.memory_space<vmem>>, vector<1x16xf32>,
        %get3A_1140 = vector.shape_cast %get3A_1139 : vector<1x16xf32> to vector<16xf32>
        %mul3A_1141 = arith.mulf %get3A_1110, %get3A_1116 : vector<16xf32>
        %mul3A_1142 = arith.mulf %mul3A_1141, %get3A_1122 : vector<16xf32>
        %mul3A_1143 = arith.mulf %mul3A_1142, %get3A_1128 : vector<16xf32>
        %mul3A_1144 = arith.mulf %mul3A_1143, %get3A_1134 : vector<16xf32>
        %mul3A_1145 = arith.mulf %get3A_1140, %get3A_1134 : vector<16xf32>
        %mul3A_1146 = arith.mulf %mul3A_1145, %get3A_1128 : vector<16xf32>
        %mul3A_1147 = arith.mulf %mul3A_1146, %get3A_1122 : vector<16xf32>
        %mul3A_1148 = arith.mulf %mul3A_1147, %get3A_1116 : vector<16xf32>
        %get3A_1149 = arith.index_cast %add3A_1102 : i32 to index
        %get3A_1150 = arith.constant 0 : index
        %get3A_1151 = tpu.vector_load %arg17[%get3A_1149, %get3A_1150] {strides = array<i32>} : memref<16x128xf32, #tpu.memory_space<vmem>>, vector<1x16xf32>,
        %get3A_1152 = vector.shape_cast %get3A_1151 : vector<1x16xf32> to vector<16xf32>
        %mul3A_1153 = arith.mulf %mul3A_1148, %get3A_1152 : vector<16xf32>
        %add3A_1154 = arith.constant 0 : i32
        %add3A_1155 = arith.addi %mul3A_1104, %add3A_1154 : i32
        %swap3A_1156 = arith.index_cast %add3A_1155 : i32 to index
        %swap3A_1157 = arith.constant 0 : index
        %swap3A_1158 = tpu.vector_load %arg15[%swap3A_1156, %swap3A_1157] {strides = array<i32>} : memref<96x128xf32, #tpu.memory_space<vmem>>, vector<1x16xf32>,
        %swap3A_1159 = vector.shape_cast %swap3A_1158 : vector<1x16xf32> to vector<16xf32>
        %swap3A_1160 = vector.shape_cast %mul3A_1153 : vector<16xf32> to vector<1x16xf32>
        tpu.vector_store %arg15[%swap3A_1156, %swap3A_1157], %swap3A_1160 {strides = array<i32>} : memref<96x128xf32, #tpu.memory_space<vmem>>, vector<1x16xf32>,
        %mul3A_1161 = arith.mulf %get3A_1110, %mul3A_1147 : vector<16xf32>
        %mul3A_1162 = arith.mulf %mul3A_1161, %get3A_1152 : vector<16xf32>
        %add3A_1163 = arith.constant 1 : i32
        %add3A_1164 = arith.addi %mul3A_1104, %add3A_1163 : i32
        %swap3A_1165 = arith.index_cast %add3A_1164 : i32 to index
        %swap3A_1166 = arith.constant 0 : index
        %swap3A_1167 = tpu.vector_load %arg15[%swap3A_1165, %swap3A_1166] {strides = array<i32>} : memref<96x128xf32, #tpu.memory_space<vmem>>, vector<1x16xf32>,
        %swap3A_1168 = vector.shape_cast %swap3A_1167 : vector<1x16xf32> to vector<16xf32>
        %swap3A_1169 = vector.shape_cast %mul3A_1162 : vector<16xf32> to vector<1x16xf32>
        tpu.vector_store %arg15[%swap3A_1165, %swap3A_1166], %swap3A_1169 {strides = array<i32>} : memref<96x128xf32, #tpu.memory_space<vmem>>, vector<1x16xf32>,
        %mul3A_1170 = arith.mulf %mul3A_1141, %mul3A_1146 : vector<16xf32>
        %mul3A_1171 = arith.mulf %mul3A_1170, %get3A_1152 : vector<16xf32>
        %add3A_1172 = arith.constant 2 : i32
        %add3A_1173 = arith.addi %mul3A_1104, %add3A_1172 : i32
        %swap3A_1174 = arith.index_cast %add3A_1173 : i32 to index
        %swap3A_1175 = arith.constant 0 : index
        %swap3A_1176 = tpu.vector_load %arg15[%swap3A_1174, %swap3A_1175] {strides = array<i32>} : memref<96x128xf32, #tpu.memory_space<vmem>>, vector<1x16xf32>,
        %swap3A_1177 = vector.shape_cast %swap3A_1176 : vector<1x16xf32> to vector<16xf32>
        %swap3A_1178 = vector.shape_cast %mul3A_1171 : vector<16xf32> to vector<1x16xf32>
        tpu.vector_store %arg15[%swap3A_1174, %swap3A_1175], %swap3A_1178 {strides = array<i32>} : memref<96x128xf32, #tpu.memory_space<vmem>>, vector<1x16xf32>,
        %mul3A_1179 = arith.mulf %mul3A_1142, %mul3A_1145 : vector<16xf32>
        %mul3A_1180 = arith.mulf %mul3A_1179, %get3A_1152 : vector<16xf32>
        %add3A_1181 = arith.constant 3 : i32
        %add3A_1182 = arith.addi %mul3A_1104, %add3A_1181 : i32
        %swap3A_1183 = arith.index_cast %add3A_1182 : i32 to index
        %swap3A_1184 = arith.constant 0 : index
        %swap3A_1185 = tpu.vector_load %arg15[%swap3A_1183, %swap3A_1184] {strides = array<i32>} : memref<96x128xf32, #tpu.memory_space<vmem>>, vector<1x16xf32>,
        %swap3A_1186 = vector.shape_cast %swap3A_1185 : vector<1x16xf32> to vector<16xf32>
        %swap3A_1187 = vector.shape_cast %mul3A_1180 : vector<16xf32> to vector<1x16xf32>
        tpu.vector_store %arg15[%swap3A_1183, %swap3A_1184], %swap3A_1187 {strides = array<i32>} : memref<96x128xf32, #tpu.memory_space<vmem>>, vector<1x16xf32>,
        %mul3A_1188 = arith.mulf %mul3A_1143, %get3A_1140 : vector<16xf32>
        %mul3A_1189 = arith.mulf %mul3A_1188, %get3A_1152 : vector<16xf32>
        %add3A_1190 = arith.constant 4 : i32
        %add3A_1191 = arith.addi %mul3A_1104, %add3A_1190 : i32
        %swap3A_1192 = arith.index_cast %add3A_1191 : i32 to index
        %swap3A_1193 = arith.constant 0 : index
        %swap3A_1194 = tpu.vector_load %arg15[%swap3A_1192, %swap3A_1193] {strides = array<i32>} : memref<96x128xf32, #tpu.memory_space<vmem>>, vector<1x16xf32>,
        %swap3A_1195 = vector.shape_cast %swap3A_1194 : vector<1x16xf32> to vector<16xf32>
        %swap3A_1196 = vector.shape_cast %mul3A_1189 : vector<16xf32> to vector<1x16xf32>
        tpu.vector_store %arg15[%swap3A_1192, %swap3A_1193], %swap3A_1196 {strides = array<i32>} : memref<96x128xf32, #tpu.memory_space<vmem>>, vector<1x16xf32>,
        %mul3A_1197 = arith.mulf %mul3A_1144, %get3A_1152 : vector<16xf32>
        %add3A_1198 = arith.constant 5 : i32
        %add3A_1199 = arith.addi %mul3A_1104, %add3A_1198 : i32
        %swap3A_1200 = arith.index_cast %add3A_1199 : i32 to index
        %swap3A_1201 = arith.constant 0 : index
        %swap3A_1202 = tpu.vector_load %arg15[%swap3A_1200, %swap3A_1201] {strides = array<i32>} : memref<96x128xf32, #tpu.memory_space<vmem>>, vector<1x16xf32>,
        %swap3A_1203 = vector.shape_cast %swap3A_1202 : vector<1x16xf32> to vector<16xf32>
        %swap3A_1204 = vector.shape_cast %mul3A_1197 : vector<16xf32> to vector<1x16xf32>
        tpu.vector_store %arg15[%swap3A_1200, %swap3A_1201], %swap3A_1204 {strides = array<i32>} : memref<96x128xf32, #tpu.memory_space<vmem>>, vector<1x16xf32>,
        %add3A_1205 = arith.constant 0 : i32
        %add3A_1206 = arith.addi %mul3A_1104, %add3A_1205 : i32
        %get3A_1207 = arith.index_cast %add3A_1206 : i32 to index
        %get3A_1208 = arith.constant 16 : index
        %get3A_1209 = tpu.vector_load %arg14[%get3A_1207, %get3A_1208] {strides = array<i32>} : memref<96x128xf32, #tpu.memory_space<vmem>>, vector<1x16xf32>,
        %get3A_1210 = vector.shape_cast %get3A_1209 : vector<1x16xf32> to vector<16xf32>
        %add3A_1211 = arith.constant 1 : i32
        %add3A_1212 = arith.addi %mul3A_1104, %add3A_1211 : i32
        %get3A_1213 = arith.index_cast %add3A_1212 : i32 to index
        %get3A_1214 = arith.constant 16 : index
        %get3A_1215 = tpu.vector_load %arg14[%get3A_1213, %get3A_1214] {strides = array<i32>} : memref<96x128xf32, #tpu.memory_space<vmem>>, vector<1x16xf32>,
        %get3A_1216 = vector.shape_cast %get3A_1215 : vector<1x16xf32> to vector<16xf32>
        %add3A_1217 = arith.constant 2 : i32
        %add3A_1218 = arith.addi %mul3A_1104, %add3A_1217 : i32
        %get3A_1219 = arith.index_cast %add3A_1218 : i32 to index
        %get3A_1220 = arith.constant 16 : index
        %get3A_1221 = tpu.vector_load %arg14[%get3A_1219, %get3A_1220] {strides = array<i32>} : memref<96x128xf32, #tpu.memory_space<vmem>>, vector<1x16xf32>,
        %get3A_1222 = vector.shape_cast %get3A_1221 : vector<1x16xf32> to vector<16xf32>
        %add3A_1223 = arith.constant 3 : i32
        %add3A_1224 = arith.addi %mul3A_1104, %add3A_1223 : i32
        %get3A_1225 = arith.index_cast %add3A_1224 : i32 to index
        %get3A_1226 = arith.constant 16 : index
        %get3A_1227 = tpu.vector_load %arg14[%get3A_1225, %get3A_1226] {strides = array<i32>} : memref<96x128xf32, #tpu.memory_space<vmem>>, vector<1x16xf32>,
        %get3A_1228 = vector.shape_cast %get3A_1227 : vector<1x16xf32> to vector<16xf32>
        %add3A_1229 = arith.constant 4 : i32
        %add3A_1230 = arith.addi %mul3A_1104, %add3A_1229 : i32
        %get3A_1231 = arith.index_cast %add3A_1230 : i32 to index
        %get3A_1232 = arith.constant 16 : index
        %get3A_1233 = tpu.vector_load %arg14[%get3A_1231, %get3A_1232] {strides = array<i32>} : memref<96x128xf32, #tpu.memory_space<vmem>>, vector<1x16xf32>,
        %get3A_1234 = vector.shape_cast %get3A_1233 : vector<1x16xf32> to vector<16xf32>
        %add3A_1235 = arith.constant 5 : i32
        %add3A_1236 = arith.addi %mul3A_1104, %add3A_1235 : i32
        %get3A_1237 = arith.index_cast %add3A_1236 : i32 to index
        %get3A_1238 = arith.constant 16 : index
        %get3A_1239 = tpu.vector_load %arg14[%get3A_1237, %get3A_1238] {strides = array<i32>} : memref<96x128xf32, #tpu.memory_space<vmem>>, vector<1x16xf32>,
        %get3A_1240 = vector.shape_cast %get3A_1239 : vector<1x16xf32> to vector<16xf32>
        %mul3A_1241 = arith.mulf %get3A_1210, %get3A_1216 : vector<16xf32>
        %mul3A_1242 = arith.mulf %mul3A_1241, %get3A_1222 : vector<16xf32>
        %mul3A_1243 = arith.mulf %mul3A_1242, %get3A_1228 : vector<16xf32>
        %mul3A_1244 = arith.mulf %mul3A_1243, %get3A_1234 : vector<16xf32>
        %mul3A_1245 = arith.mulf %get3A_1240, %get3A_1234 : vector<16xf32>
        %mul3A_1246 = arith.mulf %mul3A_1245, %get3A_1228 : vector<16xf32>
        %mul3A_1247 = arith.mulf %mul3A_1246, %get3A_1222 : vector<16xf32>
        %mul3A_1248 = arith.mulf %mul3A_1247, %get3A_1216 : vector<16xf32>
        %get3A_1249 = arith.index_cast %add3A_1102 : i32 to index
        %get3A_1250 = arith.constant 16 : index
        %get3A_1251 = tpu.vector_load %arg17[%get3A_1249, %get3A_1250] {strides = array<i32>} : memref<16x128xf32, #tpu.memory_space<vmem>>, vector<1x16xf32>,
        %get3A_1252 = vector.shape_cast %get3A_1251 : vector<1x16xf32> to vector<16xf32>
        %mul3A_1253 = arith.mulf %mul3A_1248, %get3A_1252 : vector<16xf32>
        %add3A_1254 = arith.constant 0 : i32
        %add3A_1255 = arith.addi %mul3A_1104, %add3A_1254 : i32
        %swap3A_1256 = arith.index_cast %add3A_1255 : i32 to index
        %swap3A_1257 = arith.constant 16 : index
        %swap3A_1258 = tpu.vector_load %arg15[%swap3A_1256, %swap3A_1257] {strides = array<i32>} : memref<96x128xf32, #tpu.memory_space<vmem>>, vector<1x16xf32>,
        %swap3A_1259 = vector.shape_cast %swap3A_1258 : vector<1x16xf32> to vector<16xf32>
        %swap3A_1260 = vector.shape_cast %mul3A_1253 : vector<16xf32> to vector<1x16xf32>
        tpu.vector_store %arg15[%swap3A_1256, %swap3A_1257], %swap3A_1260 {strides = array<i32>} : memref<96x128xf32, #tpu.memory_space<vmem>>, vector<1x16xf32>,
        %mul3A_1261 = arith.mulf %get3A_1210, %mul3A_1247 : vector<16xf32>
        %mul3A_1262 = arith.mulf %mul3A_1261, %get3A_1252 : vector<16xf32>
        %add3A_1263 = arith.constant 1 : i32
        %add3A_1264 = arith.addi %mul3A_1104, %add3A_1263 : i32
        %swap3A_1265 = arith.index_cast %add3A_1264 : i32 to index
        %swap3A_1266 = arith.constant 16 : index
        %swap3A_1267 = tpu.vector_load %arg15[%swap3A_1265, %swap3A_1266] {strides = array<i32>} : memref<96x128xf32, #tpu.memory_space<vmem>>, vector<1x16xf32>,
        %swap3A_1268 = vector.shape_cast %swap3A_1267 : vector<1x16xf32> to vector<16xf32>
        %swap3A_1269 = vector.shape_cast %mul3A_1262 : vector<16xf32> to vector<1x16xf32>
        tpu.vector_store %arg15[%swap3A_1265, %swap3A_1266], %swap3A_1269 {strides = array<i32>} : memref<96x128xf32, #tpu.memory_space<vmem>>, vector<1x16xf32>,
        %mul3A_1270 = arith.mulf %mul3A_1241, %mul3A_1246 : vector<16xf32>
        %mul3A_1271 = arith.mulf %mul3A_1270, %get3A_1252 : vector<16xf32>
        %add3A_1272 = arith.constant 2 : i32
        %add3A_1273 = arith.addi %mul3A_1104, %add3A_1272 : i32
        %swap3A_1274 = arith.index_cast %add3A_1273 : i32 to index
        %swap3A_1275 = arith.constant 16 : index
        %swap3A_1276 = tpu.vector_load %arg15[%swap3A_1274, %swap3A_1275] {strides = array<i32>} : memref<96x128xf32, #tpu.memory_space<vmem>>, vector<1x16xf32>,
        %swap3A_1277 = vector.shape_cast %swap3A_1276 : vector<1x16xf32> to vector<16xf32>
        %swap3A_1278 = vector.shape_cast %mul3A_1271 : vector<16xf32> to vector<1x16xf32>
        tpu.vector_store %arg15[%swap3A_1274, %swap3A_1275], %swap3A_1278 {strides = array<i32>} : memref<96x128xf32, #tpu.memory_space<vmem>>, vector<1x16xf32>,
        %mul3A_1279 = arith.mulf %mul3A_1242, %mul3A_1245 : vector<16xf32>
        %mul3A_1280 = arith.mulf %mul3A_1279, %get3A_1252 : vector<16xf32>
        %add3A_1281 = arith.constant 3 : i32
        %add3A_1282 = arith.addi %mul3A_1104, %add3A_1281 : i32
        %swap3A_1283 = arith.index_cast %add3A_1282 : i32 to index
        %swap3A_1284 = arith.constant 16 : index
        %swap3A_1285 = tpu.vector_load %arg15[%swap3A_1283, %swap3A_1284] {strides = array<i32>} : memref<96x128xf32, #tpu.memory_space<vmem>>, vector<1x16xf32>,
        %swap3A_1286 = vector.shape_cast %swap3A_1285 : vector<1x16xf32> to vector<16xf32>
        %swap3A_1287 = vector.shape_cast %mul3A_1280 : vector<16xf32> to vector<1x16xf32>
        tpu.vector_store %arg15[%swap3A_1283, %swap3A_1284], %swap3A_1287 {strides = array<i32>} : memref<96x128xf32, #tpu.memory_space<vmem>>, vector<1x16xf32>,
        %mul3A_1288 = arith.mulf %mul3A_1243, %get3A_1240 : vector<16xf32>
        %mul3A_1289 = arith.mulf %mul3A_1288, %get3A_1252 : vector<16xf32>
        %add3A_1290 = arith.constant 4 : i32
        %add3A_1291 = arith.addi %mul3A_1104, %add3A_1290 : i32
        %swap3A_1292 = arith.index_cast %add3A_1291 : i32 to index
        %swap3A_1293 = arith.constant 16 : index
        %swap3A_1294 = tpu.vector_load %arg15[%swap3A_1292, %swap3A_1293] {strides = array<i32>} : memref<96x128xf32, #tpu.memory_space<vmem>>, vector<1x16xf32>,
        %swap3A_1295 = vector.shape_cast %swap3A_1294 : vector<1x16xf32> to vector<16xf32>
        %swap3A_1296 = vector.shape_cast %mul3A_1289 : vector<16xf32> to vector<1x16xf32>
        tpu.vector_store %arg15[%swap3A_1292, %swap3A_1293], %swap3A_1296 {strides = array<i32>} : memref<96x128xf32, #tpu.memory_space<vmem>>, vector<1x16xf32>,
        %mul3A_1297 = arith.mulf %mul3A_1244, %get3A_1252 : vector<16xf32>
        %add3A_1298 = arith.constant 5 : i32
        %add3A_1299 = arith.addi %mul3A_1104, %add3A_1298 : i32
        %swap3A_1300 = arith.index_cast %add3A_1299 : i32 to index
        %swap3A_1301 = arith.constant 16 : index
        %swap3A_1302 = tpu.vector_load %arg15[%swap3A_1300, %swap3A_1301] {strides = array<i32>} : memref<96x128xf32, #tpu.memory_space<vmem>>, vector<1x16xf32>,
        %swap3A_1303 = vector.shape_cast %swap3A_1302 : vector<1x16xf32> to vector<16xf32>
        %swap3A_1304 = vector.shape_cast %mul3A_1297 : vector<16xf32> to vector<1x16xf32>
        tpu.vector_store %arg15[%swap3A_1300, %swap3A_1301], %swap3A_1304 {strides = array<i32>} : memref<96x128xf32, #tpu.memory_space<vmem>>, vector<1x16xf32>,
        %add3A_1305 = arith.constant 0 : i32
        %add3A_1306 = arith.addi %mul3A_1104, %add3A_1305 : i32
        %get3A_1307 = arith.index_cast %add3A_1306 : i32 to index
        %get3A_1308 = arith.constant 32 : index
        %get3A_1309 = tpu.vector_load %arg14[%get3A_1307, %get3A_1308] {strides = array<i32>} : memref<96x128xf32, #tpu.memory_space<vmem>>, vector<1x16xf32>,
        %get3A_1310 = vector.shape_cast %get3A_1309 : vector<1x16xf32> to vector<16xf32>
        %add3A_1311 = arith.constant 1 : i32
        %add3A_1312 = arith.addi %mul3A_1104, %add3A_1311 : i32
        %get3A_1313 = arith.index_cast %add3A_1312 : i32 to index
        %get3A_1314 = arith.constant 32 : index
        %get3A_1315 = tpu.vector_load %arg14[%get3A_1313, %get3A_1314] {strides = array<i32>} : memref<96x128xf32, #tpu.memory_space<vmem>>, vector<1x16xf32>,
        %get3A_1316 = vector.shape_cast %get3A_1315 : vector<1x16xf32> to vector<16xf32>
        %add3A_1317 = arith.constant 2 : i32
        %add3A_1318 = arith.addi %mul3A_1104, %add3A_1317 : i32
        %get3A_1319 = arith.index_cast %add3A_1318 : i32 to index
        %get3A_1320 = arith.constant 32 : index
        %get3A_1321 = tpu.vector_load %arg14[%get3A_1319, %get3A_1320] {strides = array<i32>} : memref<96x128xf32, #tpu.memory_space<vmem>>, vector<1x16xf32>,
        %get3A_1322 = vector.shape_cast %get3A_1321 : vector<1x16xf32> to vector<16xf32>
        %add3A_1323 = arith.constant 3 : i32
        %add3A_1324 = arith.addi %mul3A_1104, %add3A_1323 : i32
        %get3A_1325 = arith.index_cast %add3A_1324 : i32 to index
        %get3A_1326 = arith.constant 32 : index
        %get3A_1327 = tpu.vector_load %arg14[%get3A_1325, %get3A_1326] {strides = array<i32>} : memref<96x128xf32, #tpu.memory_space<vmem>>, vector<1x16xf32>,
        %get3A_1328 = vector.shape_cast %get3A_1327 : vector<1x16xf32> to vector<16xf32>
        %add3A_1329 = arith.constant 4 : i32
        %add3A_1330 = arith.addi %mul3A_1104, %add3A_1329 : i32
        %get3A_1331 = arith.index_cast %add3A_1330 : i32 to index
        %get3A_1332 = arith.constant 32 : index
        %get3A_1333 = tpu.vector_load %arg14[%get3A_1331, %get3A_1332] {strides = array<i32>} : memref<96x128xf32, #tpu.memory_space<vmem>>, vector<1x16xf32>,
        %get3A_1334 = vector.shape_cast %get3A_1333 : vector<1x16xf32> to vector<16xf32>
        %add3A_1335 = arith.constant 5 : i32
        %add3A_1336 = arith.addi %mul3A_1104, %add3A_1335 : i32
        %get3A_1337 = arith.index_cast %add3A_1336 : i32 to index
        %get3A_1338 = arith.constant 32 : index
        %get3A_1339 = tpu.vector_load %arg14[%get3A_1337, %get3A_1338] {strides = array<i32>} : memref<96x128xf32, #tpu.memory_space<vmem>>, vector<1x16xf32>,
        %get3A_1340 = vector.shape_cast %get3A_1339 : vector<1x16xf32> to vector<16xf32>
        %mul3A_1341 = arith.mulf %get3A_1310, %get3A_1316 : vector<16xf32>
        %mul3A_1342 = arith.mulf %mul3A_1341, %get3A_1322 : vector<16xf32>
        %mul3A_1343 = arith.mulf %mul3A_1342, %get3A_1328 : vector<16xf32>
        %mul3A_1344 = arith.mulf %mul3A_1343, %get3A_1334 : vector<16xf32>
        %mul3A_1345 = arith.mulf %get3A_1340, %get3A_1334 : vector<16xf32>
        %mul3A_1346 = arith.mulf %mul3A_1345, %get3A_1328 : vector<16xf32>
        %mul3A_1347 = arith.mulf %mul3A_1346, %get3A_1322 : vector<16xf32>
        %mul3A_1348 = arith.mulf %mul3A_1347, %get3A_1316 : vector<16xf32>
        %get3A_1349 = arith.index_cast %add3A_1102 : i32 to index
        %get3A_1350 = arith.constant 32 : index
        %get3A_1351 = tpu.vector_load %arg17[%get3A_1349, %get3A_1350] {strides = array<i32>} : memref<16x128xf32, #tpu.memory_space<vmem>>, vector<1x16xf32>,
        %get3A_1352 = vector.shape_cast %get3A_1351 : vector<1x16xf32> to vector<16xf32>
        %mul3A_1353 = arith.mulf %mul3A_1348, %get3A_1352 : vector<16xf32>
        %add3A_1354 = arith.constant 0 : i32
        %add3A_1355 = arith.addi %mul3A_1104, %add3A_1354 : i32
        %swap3A_1356 = arith.index_cast %add3A_1355 : i32 to index
        %swap3A_1357 = arith.constant 32 : index
        %swap3A_1358 = tpu.vector_load %arg15[%swap3A_1356, %swap3A_1357] {strides = array<i32>} : memref<96x128xf32, #tpu.memory_space<vmem>>, vector<1x16xf32>,
        %swap3A_1359 = vector.shape_cast %swap3A_1358 : vector<1x16xf32> to vector<16xf32>
        %swap3A_1360 = vector.shape_cast %mul3A_1353 : vector<16xf32> to vector<1x16xf32>
        tpu.vector_store %arg15[%swap3A_1356, %swap3A_1357], %swap3A_1360 {strides = array<i32>} : memref<96x128xf32, #tpu.memory_space<vmem>>, vector<1x16xf32>,
        %mul3A_1361 = arith.mulf %get3A_1310, %mul3A_1347 : vector<16xf32>
        %mul3A_1362 = arith.mulf %mul3A_1361, %get3A_1352 : vector<16xf32>
        %add3A_1363 = arith.constant 1 : i32
        %add3A_1364 = arith.addi %mul3A_1104, %add3A_1363 : i32
        %swap3A_1365 = arith.index_cast %add3A_1364 : i32 to index
        %swap3A_1366 = arith.constant 32 : index
        %swap3A_1367 = tpu.vector_load %arg15[%swap3A_1365, %swap3A_1366] {strides = array<i32>} : memref<96x128xf32, #tpu.memory_space<vmem>>, vector<1x16xf32>,
        %swap3A_1368 = vector.shape_cast %swap3A_1367 : vector<1x16xf32> to vector<16xf32>
        %swap3A_1369 = vector.shape_cast %mul3A_1362 : vector<16xf32> to vector<1x16xf32>
        tpu.vector_store %arg15[%swap3A_1365, %swap3A_1366], %swap3A_1369 {strides = array<i32>} : memref<96x128xf32, #tpu.memory_space<vmem>>, vector<1x16xf32>,
        %mul3A_1370 = arith.mulf %mul3A_1341, %mul3A_1346 : vector<16xf32>
        %mul3A_1371 = arith.mulf %mul3A_1370, %get3A_1352 : vector<16xf32>
        %add3A_1372 = arith.constant 2 : i32
        %add3A_1373 = arith.addi %mul3A_1104, %add3A_1372 : i32
        %swap3A_1374 = arith.index_cast %add3A_1373 : i32 to index
        %swap3A_1375 = arith.constant 32 : index
        %swap3A_1376 = tpu.vector_load %arg15[%swap3A_1374, %swap3A_1375] {strides = array<i32>} : memref<96x128xf32, #tpu.memory_space<vmem>>, vector<1x16xf32>,
        %swap3A_1377 = vector.shape_cast %swap3A_1376 : vector<1x16xf32> to vector<16xf32>
        %swap3A_1378 = vector.shape_cast %mul3A_1371 : vector<16xf32> to vector<1x16xf32>
        tpu.vector_store %arg15[%swap3A_1374, %swap3A_1375], %swap3A_1378 {strides = array<i32>} : memref<96x128xf32, #tpu.memory_space<vmem>>, vector<1x16xf32>,
        %mul3A_1379 = arith.mulf %mul3A_1342, %mul3A_1345 : vector<16xf32>
        %mul3A_1380 = arith.mulf %mul3A_1379, %get3A_1352 : vector<16xf32>
        %add3A_1381 = arith.constant 3 : i32
        %add3A_1382 = arith.addi %mul3A_1104, %add3A_1381 : i32
        %swap3A_1383 = arith.index_cast %add3A_1382 : i32 to index
        %swap3A_1384 = arith.constant 32 : index
        %swap3A_1385 = tpu.vector_load %arg15[%swap3A_1383, %swap3A_1384] {strides = array<i32>} : memref<96x128xf32, #tpu.memory_space<vmem>>, vector<1x16xf32>,
        %swap3A_1386 = vector.shape_cast %swap3A_1385 : vector<1x16xf32> to vector<16xf32>
        %swap3A_1387 = vector.shape_cast %mul3A_1380 : vector<16xf32> to vector<1x16xf32>
        tpu.vector_store %arg15[%swap3A_1383, %swap3A_1384], %swap3A_1387 {strides = array<i32>} : memref<96x128xf32, #tpu.memory_space<vmem>>, vector<1x16xf32>,
        %mul3A_1388 = arith.mulf %mul3A_1343, %get3A_1340 : vector<16xf32>
        %mul3A_1389 = arith.mulf %mul3A_1388, %get3A_1352 : vector<16xf32>
        %add3A_1390 = arith.constant 4 : i32
        %add3A_1391 = arith.addi %mul3A_1104, %add3A_1390 : i32
        %swap3A_1392 = arith.index_cast %add3A_1391 : i32 to index
        %swap3A_1393 = arith.constant 32 : index
        %swap3A_1394 = tpu.vector_load %arg15[%swap3A_1392, %swap3A_1393] {strides = array<i32>} : memref<96x128xf32, #tpu.memory_space<vmem>>, vector<1x16xf32>,
        %swap3A_1395 = vector.shape_cast %swap3A_1394 : vector<1x16xf32> to vector<16xf32>
        %swap3A_1396 = vector.shape_cast %mul3A_1389 : vector<16xf32> to vector<1x16xf32>
        tpu.vector_store %arg15[%swap3A_1392, %swap3A_1393], %swap3A_1396 {strides = array<i32>} : memref<96x128xf32, #tpu.memory_space<vmem>>, vector<1x16xf32>,
        %mul3A_1397 = arith.mulf %mul3A_1344, %get3A_1352 : vector<16xf32>
        %add3A_1398 = arith.constant 5 : i32
        %add3A_1399 = arith.addi %mul3A_1104, %add3A_1398 : i32
        %swap3A_1400 = arith.index_cast %add3A_1399 : i32 to index
        %swap3A_1401 = arith.constant 32 : index
        %swap3A_1402 = tpu.vector_load %arg15[%swap3A_1400, %swap3A_1401] {strides = array<i32>} : memref<96x128xf32, #tpu.memory_space<vmem>>, vector<1x16xf32>,
        %swap3A_1403 = vector.shape_cast %swap3A_1402 : vector<1x16xf32> to vector<16xf32>
        %swap3A_1404 = vector.shape_cast %mul3A_1397 : vector<16xf32> to vector<1x16xf32>
        tpu.vector_store %arg15[%swap3A_1400, %swap3A_1401], %swap3A_1404 {strides = array<i32>} : memref<96x128xf32, #tpu.memory_space<vmem>>, vector<1x16xf32>,
        %add3A_1405 = arith.constant 0 : i32
        %add3A_1406 = arith.addi %mul3A_1104, %add3A_1405 : i32
        %get3A_1407 = arith.index_cast %add3A_1406 : i32 to index
        %get3A_1408 = arith.constant 48 : index
        %get3A_1409 = tpu.vector_load %arg14[%get3A_1407, %get3A_1408] {strides = array<i32>} : memref<96x128xf32, #tpu.memory_space<vmem>>, vector<1x16xf32>,
        %get3A_1410 = vector.shape_cast %get3A_1409 : vector<1x16xf32> to vector<16xf32>
        %add3A_1411 = arith.constant 1 : i32
        %add3A_1412 = arith.addi %mul3A_1104, %add3A_1411 : i32
        %get3A_1413 = arith.index_cast %add3A_1412 : i32 to index
        %get3A_1414 = arith.constant 48 : index
        %get3A_1415 = tpu.vector_load %arg14[%get3A_1413, %get3A_1414] {strides = array<i32>} : memref<96x128xf32, #tpu.memory_space<vmem>>, vector<1x16xf32>,
        %get3A_1416 = vector.shape_cast %get3A_1415 : vector<1x16xf32> to vector<16xf32>
        %add3A_1417 = arith.constant 2 : i32
        %add3A_1418 = arith.addi %mul3A_1104, %add3A_1417 : i32
        %get3A_1419 = arith.index_cast %add3A_1418 : i32 to index
        %get3A_1420 = arith.constant 48 : index
        %get3A_1421 = tpu.vector_load %arg14[%get3A_1419, %get3A_1420] {strides = array<i32>} : memref<96x128xf32, #tpu.memory_space<vmem>>, vector<1x16xf32>,
        %get3A_1422 = vector.shape_cast %get3A_1421 : vector<1x16xf32> to vector<16xf32>
        %add3A_1423 = arith.constant 3 : i32
        %add3A_1424 = arith.addi %mul3A_1104, %add3A_1423 : i32
        %get3A_1425 = arith.index_cast %add3A_1424 : i32 to index
        %get3A_1426 = arith.constant 48 : index
        %get3A_1427 = tpu.vector_load %arg14[%get3A_1425, %get3A_1426] {strides = array<i32>} : memref<96x128xf32, #tpu.memory_space<vmem>>, vector<1x16xf32>,
        %get3A_1428 = vector.shape_cast %get3A_1427 : vector<1x16xf32> to vector<16xf32>
        %add3A_1429 = arith.constant 4 : i32
        %add3A_1430 = arith.addi %mul3A_1104, %add3A_1429 : i32
        %get3A_1431 = arith.index_cast %add3A_1430 : i32 to index
        %get3A_1432 = arith.constant 48 : index
        %get3A_1433 = tpu.vector_load %arg14[%get3A_1431, %get3A_1432] {strides = array<i32>} : memref<96x128xf32, #tpu.memory_space<vmem>>, vector<1x16xf32>,
        %get3A_1434 = vector.shape_cast %get3A_1433 : vector<1x16xf32> to vector<16xf32>
        %add3A_1435 = arith.constant 5 : i32
        %add3A_1436 = arith.addi %mul3A_1104, %add3A_1435 : i32
        %get3A_1437 = arith.index_cast %add3A_1436 : i32 to index
        %get3A_1438 = arith.constant 48 : index
        %get3A_1439 = tpu.vector_load %arg14[%get3A_1437, %get3A_1438] {strides = array<i32>} : memref<96x128xf32, #tpu.memory_space<vmem>>, vector<1x16xf32>,
        %get3A_1440 = vector.shape_cast %get3A_1439 : vector<1x16xf32> to vector<16xf32>
        %mul3A_1441 = arith.mulf %get3A_1410, %get3A_1416 : vector<16xf32>
        %mul3A_1442 = arith.mulf %mul3A_1441, %get3A_1422 : vector<16xf32>
        %mul3A_1443 = arith.mulf %mul3A_1442, %get3A_1428 : vector<16xf32>
        %mul3A_1444 = arith.mulf %mul3A_1443, %get3A_1434 : vector<16xf32>
        %mul3A_1445 = arith.mulf %get3A_1440, %get3A_1434 : vector<16xf32>
        %mul3A_1446 = arith.mulf %mul3A_1445, %get3A_1428 : vector<16xf32>
        %mul3A_1447 = arith.mulf %mul3A_1446, %get3A_1422 : vector<16xf32>
        %mul3A_1448 = arith.mulf %mul3A_1447, %get3A_1416 : vector<16xf32>
        %get3A_1449 = arith.index_cast %add3A_1102 : i32 to index
        %get3A_1450 = arith.constant 48 : index
        %get3A_1451 = tpu.vector_load %arg17[%get3A_1449, %get3A_1450] {strides = array<i32>} : memref<16x128xf32, #tpu.memory_space<vmem>>, vector<1x16xf32>,
        %get3A_1452 = vector.shape_cast %get3A_1451 : vector<1x16xf32> to vector<16xf32>
        %mul3A_1453 = arith.mulf %mul3A_1448, %get3A_1452 : vector<16xf32>
        %add3A_1454 = arith.constant 0 : i32
        %add3A_1455 = arith.addi %mul3A_1104, %add3A_1454 : i32
        %swap3A_1456 = arith.index_cast %add3A_1455 : i32 to index
        %swap3A_1457 = arith.constant 48 : index
        %swap3A_1458 = tpu.vector_load %arg15[%swap3A_1456, %swap3A_1457] {strides = array<i32>} : memref<96x128xf32, #tpu.memory_space<vmem>>, vector<1x16xf32>,
        %swap3A_1459 = vector.shape_cast %swap3A_1458 : vector<1x16xf32> to vector<16xf32>
        %swap3A_1460 = vector.shape_cast %mul3A_1453 : vector<16xf32> to vector<1x16xf32>
        tpu.vector_store %arg15[%swap3A_1456, %swap3A_1457], %swap3A_1460 {strides = array<i32>} : memref<96x128xf32, #tpu.memory_space<vmem>>, vector<1x16xf32>,
        %mul3A_1461 = arith.mulf %get3A_1410, %mul3A_1447 : vector<16xf32>
        %mul3A_1462 = arith.mulf %mul3A_1461, %get3A_1452 : vector<16xf32>
        %add3A_1463 = arith.constant 1 : i32
        %add3A_1464 = arith.addi %mul3A_1104, %add3A_1463 : i32
        %swap3A_1465 = arith.index_cast %add3A_1464 : i32 to index
        %swap3A_1466 = arith.constant 48 : index
        %swap3A_1467 = tpu.vector_load %arg15[%swap3A_1465, %swap3A_1466] {strides = array<i32>} : memref<96x128xf32, #tpu.memory_space<vmem>>, vector<1x16xf32>,
        %swap3A_1468 = vector.shape_cast %swap3A_1467 : vector<1x16xf32> to vector<16xf32>
        %swap3A_1469 = vector.shape_cast %mul3A_1462 : vector<16xf32> to vector<1x16xf32>
        tpu.vector_store %arg15[%swap3A_1465, %swap3A_1466], %swap3A_1469 {strides = array<i32>} : memref<96x128xf32, #tpu.memory_space<vmem>>, vector<1x16xf32>,
        %mul3A_1470 = arith.mulf %mul3A_1441, %mul3A_1446 : vector<16xf32>
        %mul3A_1471 = arith.mulf %mul3A_1470, %get3A_1452 : vector<16xf32>
        %add3A_1472 = arith.constant 2 : i32
        %add3A_1473 = arith.addi %mul3A_1104, %add3A_1472 : i32
        %swap3A_1474 = arith.index_cast %add3A_1473 : i32 to index
        %swap3A_1475 = arith.constant 48 : index
        %swap3A_1476 = tpu.vector_load %arg15[%swap3A_1474, %swap3A_1475] {strides = array<i32>} : memref<96x128xf32, #tpu.memory_space<vmem>>, vector<1x16xf32>,
        %swap3A_1477 = vector.shape_cast %swap3A_1476 : vector<1x16xf32> to vector<16xf32>
        %swap3A_1478 = vector.shape_cast %mul3A_1471 : vector<16xf32> to vector<1x16xf32>
        tpu.vector_store %arg15[%swap3A_1474, %swap3A_1475], %swap3A_1478 {strides = array<i32>} : memref<96x128xf32, #tpu.memory_space<vmem>>, vector<1x16xf32>,
        %mul3A_1479 = arith.mulf %mul3A_1442, %mul3A_1445 : vector<16xf32>
        %mul3A_1480 = arith.mulf %mul3A_1479, %get3A_1452 : vector<16xf32>
        %add3A_1481 = arith.constant 3 : i32
        %add3A_1482 = arith.addi %mul3A_1104, %add3A_1481 : i32
        %swap3A_1483 = arith.index_cast %add3A_1482 : i32 to index
        %swap3A_1484 = arith.constant 48 : index
        %swap3A_1485 = tpu.vector_load %arg15[%swap3A_1483, %swap3A_1484] {strides = array<i32>} : memref<96x128xf32, #tpu.memory_space<vmem>>, vector<1x16xf32>,
        %swap3A_1486 = vector.shape_cast %swap3A_1485 : vector<1x16xf32> to vector<16xf32>
        %swap3A_1487 = vector.shape_cast %mul3A_1480 : vector<16xf32> to vector<1x16xf32>
        tpu.vector_store %arg15[%swap3A_1483, %swap3A_1484], %swap3A_1487 {strides = array<i32>} : memref<96x128xf32, #tpu.memory_space<vmem>>, vector<1x16xf32>,
        %mul3A_1488 = arith.mulf %mul3A_1443, %get3A_1440 : vector<16xf32>
        %mul3A_1489 = arith.mulf %mul3A_1488, %get3A_1452 : vector<16xf32>
        %add3A_1490 = arith.constant 4 : i32
        %add3A_1491 = arith.addi %mul3A_1104, %add3A_1490 : i32
        %swap3A_1492 = arith.index_cast %add3A_1491 : i32 to index
        %swap3A_1493 = arith.constant 48 : index
        %swap3A_1494 = tpu.vector_load %arg15[%swap3A_1492, %swap3A_1493] {strides = array<i32>} : memref<96x128xf32, #tpu.memory_space<vmem>>, vector<1x16xf32>,
        %swap3A_1495 = vector.shape_cast %swap3A_1494 : vector<1x16xf32> to vector<16xf32>
        %swap3A_1496 = vector.shape_cast %mul3A_1489 : vector<16xf32> to vector<1x16xf32>
        tpu.vector_store %arg15[%swap3A_1492, %swap3A_1493], %swap3A_1496 {strides = array<i32>} : memref<96x128xf32, #tpu.memory_space<vmem>>, vector<1x16xf32>,
        %mul3A_1497 = arith.mulf %mul3A_1444, %get3A_1452 : vector<16xf32>
        %add3A_1498 = arith.constant 5 : i32
        %add3A_1499 = arith.addi %mul3A_1104, %add3A_1498 : i32
        %swap3A_1500 = arith.index_cast %add3A_1499 : i32 to index
        %swap3A_1501 = arith.constant 48 : index
        %swap3A_1502 = tpu.vector_load %arg15[%swap3A_1500, %swap3A_1501] {strides = array<i32>} : memref<96x128xf32, #tpu.memory_space<vmem>>, vector<1x16xf32>,
        %swap3A_1503 = vector.shape_cast %swap3A_1502 : vector<1x16xf32> to vector<16xf32>
        %swap3A_1504 = vector.shape_cast %mul3A_1497 : vector<16xf32> to vector<1x16xf32>
        tpu.vector_store %arg15[%swap3A_1500, %swap3A_1501], %swap3A_1504 {strides = array<i32>} : memref<96x128xf32, #tpu.memory_space<vmem>>, vector<1x16xf32>,
        %add3A_1505 = arith.constant 0 : i32
        %add3A_1506 = arith.addi %mul3A_1104, %add3A_1505 : i32
        %get3A_1507 = arith.index_cast %add3A_1506 : i32 to index
        %get3A_1508 = arith.constant 64 : index
        %get3A_1509 = tpu.vector_load %arg14[%get3A_1507, %get3A_1508] {strides = array<i32>} : memref<96x128xf32, #tpu.memory_space<vmem>>, vector<1x16xf32>,
        %get3A_1510 = vector.shape_cast %get3A_1509 : vector<1x16xf32> to vector<16xf32>
        %add3A_1511 = arith.constant 1 : i32
        %add3A_1512 = arith.addi %mul3A_1104, %add3A_1511 : i32
        %get3A_1513 = arith.index_cast %add3A_1512 : i32 to index
        %get3A_1514 = arith.constant 64 : index
        %get3A_1515 = tpu.vector_load %arg14[%get3A_1513, %get3A_1514] {strides = array<i32>} : memref<96x128xf32, #tpu.memory_space<vmem>>, vector<1x16xf32>,
        %get3A_1516 = vector.shape_cast %get3A_1515 : vector<1x16xf32> to vector<16xf32>
        %add3A_1517 = arith.constant 2 : i32
        %add3A_1518 = arith.addi %mul3A_1104, %add3A_1517 : i32
        %get3A_1519 = arith.index_cast %add3A_1518 : i32 to index
        %get3A_1520 = arith.constant 64 : index
        %get3A_1521 = tpu.vector_load %arg14[%get3A_1519, %get3A_1520] {strides = array<i32>} : memref<96x128xf32, #tpu.memory_space<vmem>>, vector<1x16xf32>,
        %get3A_1522 = vector.shape_cast %get3A_1521 : vector<1x16xf32> to vector<16xf32>
        %add3A_1523 = arith.constant 3 : i32
        %add3A_1524 = arith.addi %mul3A_1104, %add3A_1523 : i32
        %get3A_1525 = arith.index_cast %add3A_1524 : i32 to index
        %get3A_1526 = arith.constant 64 : index
        %get3A_1527 = tpu.vector_load %arg14[%get3A_1525, %get3A_1526] {strides = array<i32>} : memref<96x128xf32, #tpu.memory_space<vmem>>, vector<1x16xf32>,
        %get3A_1528 = vector.shape_cast %get3A_1527 : vector<1x16xf32> to vector<16xf32>
        %add3A_1529 = arith.constant 4 : i32
        %add3A_1530 = arith.addi %mul3A_1104, %add3A_1529 : i32
        %get3A_1531 = arith.index_cast %add3A_1530 : i32 to index
        %get3A_1532 = arith.constant 64 : index
        %get3A_1533 = tpu.vector_load %arg14[%get3A_1531, %get3A_1532] {strides = array<i32>} : memref<96x128xf32, #tpu.memory_space<vmem>>, vector<1x16xf32>,
        %get3A_1534 = vector.shape_cast %get3A_1533 : vector<1x16xf32> to vector<16xf32>
        %add3A_1535 = arith.constant 5 : i32
        %add3A_1536 = arith.addi %mul3A_1104, %add3A_1535 : i32
        %get3A_1537 = arith.index_cast %add3A_1536 : i32 to index
        %get3A_1538 = arith.constant 64 : index
        %get3A_1539 = tpu.vector_load %arg14[%get3A_1537, %get3A_1538] {strides = array<i32>} : memref<96x128xf32, #tpu.memory_space<vmem>>, vector<1x16xf32>,
        %get3A_1540 = vector.shape_cast %get3A_1539 : vector<1x16xf32> to vector<16xf32>
        %mul3A_1541 = arith.mulf %get3A_1510, %get3A_1516 : vector<16xf32>
        %mul3A_1542 = arith.mulf %mul3A_1541, %get3A_1522 : vector<16xf32>
        %mul3A_1543 = arith.mulf %mul3A_1542, %get3A_1528 : vector<16xf32>
        %mul3A_1544 = arith.mulf %mul3A_1543, %get3A_1534 : vector<16xf32>
        %mul3A_1545 = arith.mulf %get3A_1540, %get3A_1534 : vector<16xf32>
        %mul3A_1546 = arith.mulf %mul3A_1545, %get3A_1528 : vector<16xf32>
        %mul3A_1547 = arith.mulf %mul3A_1546, %get3A_1522 : vector<16xf32>
        %mul3A_1548 = arith.mulf %mul3A_1547, %get3A_1516 : vector<16xf32>
        %get3A_1549 = arith.index_cast %add3A_1102 : i32 to index
        %get3A_1550 = arith.constant 64 : index
        %get3A_1551 = tpu.vector_load %arg17[%get3A_1549, %get3A_1550] {strides = array<i32>} : memref<16x128xf32, #tpu.memory_space<vmem>>, vector<1x16xf32>,
        %get3A_1552 = vector.shape_cast %get3A_1551 : vector<1x16xf32> to vector<16xf32>
        %mul3A_1553 = arith.mulf %mul3A_1548, %get3A_1552 : vector<16xf32>
        %add3A_1554 = arith.constant 0 : i32
        %add3A_1555 = arith.addi %mul3A_1104, %add3A_1554 : i32
        %swap3A_1556 = arith.index_cast %add3A_1555 : i32 to index
        %swap3A_1557 = arith.constant 64 : index
        %swap3A_1558 = tpu.vector_load %arg15[%swap3A_1556, %swap3A_1557] {strides = array<i32>} : memref<96x128xf32, #tpu.memory_space<vmem>>, vector<1x16xf32>,
        %swap3A_1559 = vector.shape_cast %swap3A_1558 : vector<1x16xf32> to vector<16xf32>
        %swap3A_1560 = vector.shape_cast %mul3A_1553 : vector<16xf32> to vector<1x16xf32>
        tpu.vector_store %arg15[%swap3A_1556, %swap3A_1557], %swap3A_1560 {strides = array<i32>} : memref<96x128xf32, #tpu.memory_space<vmem>>, vector<1x16xf32>,
        %mul3A_1561 = arith.mulf %get3A_1510, %mul3A_1547 : vector<16xf32>
        %mul3A_1562 = arith.mulf %mul3A_1561, %get3A_1552 : vector<16xf32>
        %add3A_1563 = arith.constant 1 : i32
        %add3A_1564 = arith.addi %mul3A_1104, %add3A_1563 : i32
        %swap3A_1565 = arith.index_cast %add3A_1564 : i32 to index
        %swap3A_1566 = arith.constant 64 : index
        %swap3A_1567 = tpu.vector_load %arg15[%swap3A_1565, %swap3A_1566] {strides = array<i32>} : memref<96x128xf32, #tpu.memory_space<vmem>>, vector<1x16xf32>,
        %swap3A_1568 = vector.shape_cast %swap3A_1567 : vector<1x16xf32> to vector<16xf32>
        %swap3A_1569 = vector.shape_cast %mul3A_1562 : vector<16xf32> to vector<1x16xf32>
        tpu.vector_store %arg15[%swap3A_1565, %swap3A_1566], %swap3A_1569 {strides = array<i32>} : memref<96x128xf32, #tpu.memory_space<vmem>>, vector<1x16xf32>,
        %mul3A_1570 = arith.mulf %mul3A_1541, %mul3A_1546 : vector<16xf32>
        %mul3A_1571 = arith.mulf %mul3A_1570, %get3A_1552 : vector<16xf32>
        %add3A_1572 = arith.constant 2 : i32
        %add3A_1573 = arith.addi %mul3A_1104, %add3A_1572 : i32
        %swap3A_1574 = arith.index_cast %add3A_1573 : i32 to index
        %swap3A_1575 = arith.constant 64 : index
        %swap3A_1576 = tpu.vector_load %arg15[%swap3A_1574, %swap3A_1575] {strides = array<i32>} : memref<96x128xf32, #tpu.memory_space<vmem>>, vector<1x16xf32>,
        %swap3A_1577 = vector.shape_cast %swap3A_1576 : vector<1x16xf32> to vector<16xf32>
        %swap3A_1578 = vector.shape_cast %mul3A_1571 : vector<16xf32> to vector<1x16xf32>
        tpu.vector_store %arg15[%swap3A_1574, %swap3A_1575], %swap3A_1578 {strides = array<i32>} : memref<96x128xf32, #tpu.memory_space<vmem>>, vector<1x16xf32>,
        %mul3A_1579 = arith.mulf %mul3A_1542, %mul3A_1545 : vector<16xf32>
        %mul3A_1580 = arith.mulf %mul3A_1579, %get3A_1552 : vector<16xf32>
        %add3A_1581 = arith.constant 3 : i32
        %add3A_1582 = arith.addi %mul3A_1104, %add3A_1581 : i32
        %swap3A_1583 = arith.index_cast %add3A_1582 : i32 to index
        %swap3A_1584 = arith.constant 64 : index
        %swap3A_1585 = tpu.vector_load %arg15[%swap3A_1583, %swap3A_1584] {strides = array<i32>} : memref<96x128xf32, #tpu.memory_space<vmem>>, vector<1x16xf32>,
        %swap3A_1586 = vector.shape_cast %swap3A_1585 : vector<1x16xf32> to vector<16xf32>
        %swap3A_1587 = vector.shape_cast %mul3A_1580 : vector<16xf32> to vector<1x16xf32>
        tpu.vector_store %arg15[%swap3A_1583, %swap3A_1584], %swap3A_1587 {strides = array<i32>} : memref<96x128xf32, #tpu.memory_space<vmem>>, vector<1x16xf32>,
        %mul3A_1588 = arith.mulf %mul3A_1543, %get3A_1540 : vector<16xf32>
        %mul3A_1589 = arith.mulf %mul3A_1588, %get3A_1552 : vector<16xf32>
        %add3A_1590 = arith.constant 4 : i32
        %add3A_1591 = arith.addi %mul3A_1104, %add3A_1590 : i32
        %swap3A_1592 = arith.index_cast %add3A_1591 : i32 to index
        %swap3A_1593 = arith.constant 64 : index
        %swap3A_1594 = tpu.vector_load %arg15[%swap3A_1592, %swap3A_1593] {strides = array<i32>} : memref<96x128xf32, #tpu.memory_space<vmem>>, vector<1x16xf32>,
        %swap3A_1595 = vector.shape_cast %swap3A_1594 : vector<1x16xf32> to vector<16xf32>
        %swap3A_1596 = vector.shape_cast %mul3A_1589 : vector<16xf32> to vector<1x16xf32>
        tpu.vector_store %arg15[%swap3A_1592, %swap3A_1593], %swap3A_1596 {strides = array<i32>} : memref<96x128xf32, #tpu.memory_space<vmem>>, vector<1x16xf32>,
        %mul3A_1597 = arith.mulf %mul3A_1544, %get3A_1552 : vector<16xf32>
        %add3A_1598 = arith.constant 5 : i32
        %add3A_1599 = arith.addi %mul3A_1104, %add3A_1598 : i32
        %swap3A_1600 = arith.index_cast %add3A_1599 : i32 to index
        %swap3A_1601 = arith.constant 64 : index
        %swap3A_1602 = tpu.vector_load %arg15[%swap3A_1600, %swap3A_1601] {strides = array<i32>} : memref<96x128xf32, #tpu.memory_space<vmem>>, vector<1x16xf32>,
        %swap3A_1603 = vector.shape_cast %swap3A_1602 : vector<1x16xf32> to vector<16xf32>
        %swap3A_1604 = vector.shape_cast %mul3A_1597 : vector<16xf32> to vector<1x16xf32>
        tpu.vector_store %arg15[%swap3A_1600, %swap3A_1601], %swap3A_1604 {strides = array<i32>} : memref<96x128xf32, #tpu.memory_space<vmem>>, vector<1x16xf32>,
        %add3A_1605 = arith.constant 0 : i32
        %add3A_1606 = arith.addi %mul3A_1104, %add3A_1605 : i32
        %get3A_1607 = arith.index_cast %add3A_1606 : i32 to index
        %get3A_1608 = arith.constant 80 : index
        %get3A_1609 = tpu.vector_load %arg14[%get3A_1607, %get3A_1608] {strides = array<i32>} : memref<96x128xf32, #tpu.memory_space<vmem>>, vector<1x16xf32>,
        %get3A_1610 = vector.shape_cast %get3A_1609 : vector<1x16xf32> to vector<16xf32>
        %add3A_1611 = arith.constant 1 : i32
        %add3A_1612 = arith.addi %mul3A_1104, %add3A_1611 : i32
        %get3A_1613 = arith.index_cast %add3A_1612 : i32 to index
        %get3A_1614 = arith.constant 80 : index
        %get3A_1615 = tpu.vector_load %arg14[%get3A_1613, %get3A_1614] {strides = array<i32>} : memref<96x128xf32, #tpu.memory_space<vmem>>, vector<1x16xf32>,
        %get3A_1616 = vector.shape_cast %get3A_1615 : vector<1x16xf32> to vector<16xf32>
        %add3A_1617 = arith.constant 2 : i32
        %add3A_1618 = arith.addi %mul3A_1104, %add3A_1617 : i32
        %get3A_1619 = arith.index_cast %add3A_1618 : i32 to index
        %get3A_1620 = arith.constant 80 : index
        %get3A_1621 = tpu.vector_load %arg14[%get3A_1619, %get3A_1620] {strides = array<i32>} : memref<96x128xf32, #tpu.memory_space<vmem>>, vector<1x16xf32>,
        %get3A_1622 = vector.shape_cast %get3A_1621 : vector<1x16xf32> to vector<16xf32>
        %add3A_1623 = arith.constant 3 : i32
        %add3A_1624 = arith.addi %mul3A_1104, %add3A_1623 : i32
        %get3A_1625 = arith.index_cast %add3A_1624 : i32 to index
        %get3A_1626 = arith.constant 80 : index
        %get3A_1627 = tpu.vector_load %arg14[%get3A_1625, %get3A_1626] {strides = array<i32>} : memref<96x128xf32, #tpu.memory_space<vmem>>, vector<1x16xf32>,
        %get3A_1628 = vector.shape_cast %get3A_1627 : vector<1x16xf32> to vector<16xf32>
        %add3A_1629 = arith.constant 4 : i32
        %add3A_1630 = arith.addi %mul3A_1104, %add3A_1629 : i32
        %get3A_1631 = arith.index_cast %add3A_1630 : i32 to index
        %get3A_1632 = arith.constant 80 : index
        %get3A_1633 = tpu.vector_load %arg14[%get3A_1631, %get3A_1632] {strides = array<i32>} : memref<96x128xf32, #tpu.memory_space<vmem>>, vector<1x16xf32>,
        %get3A_1634 = vector.shape_cast %get3A_1633 : vector<1x16xf32> to vector<16xf32>
        %add3A_1635 = arith.constant 5 : i32
        %add3A_1636 = arith.addi %mul3A_1104, %add3A_1635 : i32
        %get3A_1637 = arith.index_cast %add3A_1636 : i32 to index
        %get3A_1638 = arith.constant 80 : index
        %get3A_1639 = tpu.vector_load %arg14[%get3A_1637, %get3A_1638] {strides = array<i32>} : memref<96x128xf32, #tpu.memory_space<vmem>>, vector<1x16xf32>,
        %get3A_1640 = vector.shape_cast %get3A_1639 : vector<1x16xf32> to vector<16xf32>
        %mul3A_1641 = arith.mulf %get3A_1610, %get3A_1616 : vector<16xf32>
        %mul3A_1642 = arith.mulf %mul3A_1641, %get3A_1622 : vector<16xf32>
        %mul3A_1643 = arith.mulf %mul3A_1642, %get3A_1628 : vector<16xf32>
        %mul3A_1644 = arith.mulf %mul3A_1643, %get3A_1634 : vector<16xf32>
        %mul3A_1645 = arith.mulf %get3A_1640, %get3A_1634 : vector<16xf32>
        %mul3A_1646 = arith.mulf %mul3A_1645, %get3A_1628 : vector<16xf32>
        %mul3A_1647 = arith.mulf %mul3A_1646, %get3A_1622 : vector<16xf32>
        %mul3A_1648 = arith.mulf %mul3A_1647, %get3A_1616 : vector<16xf32>
        %get3A_1649 = arith.index_cast %add3A_1102 : i32 to index
        %get3A_1650 = arith.constant 80 : index
        %get3A_1651 = tpu.vector_load %arg17[%get3A_1649, %get3A_1650] {strides = array<i32>} : memref<16x128xf32, #tpu.memory_space<vmem>>, vector<1x16xf32>,
        %get3A_1652 = vector.shape_cast %get3A_1651 : vector<1x16xf32> to vector<16xf32>
        %mul3A_1653 = arith.mulf %mul3A_1648, %get3A_1652 : vector<16xf32>
        %add3A_1654 = arith.constant 0 : i32
        %add3A_1655 = arith.addi %mul3A_1104, %add3A_1654 : i32
        %swap3A_1656 = arith.index_cast %add3A_1655 : i32 to index
        %swap3A_1657 = arith.constant 80 : index
        %swap3A_1658 = tpu.vector_load %arg15[%swap3A_1656, %swap3A_1657] {strides = array<i32>} : memref<96x128xf32, #tpu.memory_space<vmem>>, vector<1x16xf32>,
        %swap3A_1659 = vector.shape_cast %swap3A_1658 : vector<1x16xf32> to vector<16xf32>
        %swap3A_1660 = vector.shape_cast %mul3A_1653 : vector<16xf32> to vector<1x16xf32>
        tpu.vector_store %arg15[%swap3A_1656, %swap3A_1657], %swap3A_1660 {strides = array<i32>} : memref<96x128xf32, #tpu.memory_space<vmem>>, vector<1x16xf32>,
        %mul3A_1661 = arith.mulf %get3A_1610, %mul3A_1647 : vector<16xf32>
        %mul3A_1662 = arith.mulf %mul3A_1661, %get3A_1652 : vector<16xf32>
        %add3A_1663 = arith.constant 1 : i32
        %add3A_1664 = arith.addi %mul3A_1104, %add3A_1663 : i32
        %swap3A_1665 = arith.index_cast %add3A_1664 : i32 to index
        %swap3A_1666 = arith.constant 80 : index
        %swap3A_1667 = tpu.vector_load %arg15[%swap3A_1665, %swap3A_1666] {strides = array<i32>} : memref<96x128xf32, #tpu.memory_space<vmem>>, vector<1x16xf32>,
        %swap3A_1668 = vector.shape_cast %swap3A_1667 : vector<1x16xf32> to vector<16xf32>
        %swap3A_1669 = vector.shape_cast %mul3A_1662 : vector<16xf32> to vector<1x16xf32>
        tpu.vector_store %arg15[%swap3A_1665, %swap3A_1666], %swap3A_1669 {strides = array<i32>} : memref<96x128xf32, #tpu.memory_space<vmem>>, vector<1x16xf32>,
        %mul3A_1670 = arith.mulf %mul3A_1641, %mul3A_1646 : vector<16xf32>
        %mul3A_1671 = arith.mulf %mul3A_1670, %get3A_1652 : vector<16xf32>
        %add3A_1672 = arith.constant 2 : i32
        %add3A_1673 = arith.addi %mul3A_1104, %add3A_1672 : i32
        %swap3A_1674 = arith.index_cast %add3A_1673 : i32 to index
        %swap3A_1675 = arith.constant 80 : index
        %swap3A_1676 = tpu.vector_load %arg15[%swap3A_1674, %swap3A_1675] {strides = array<i32>} : memref<96x128xf32, #tpu.memory_space<vmem>>, vector<1x16xf32>,
        %swap3A_1677 = vector.shape_cast %swap3A_1676 : vector<1x16xf32> to vector<16xf32>
        %swap3A_1678 = vector.shape_cast %mul3A_1671 : vector<16xf32> to vector<1x16xf32>
        tpu.vector_store %arg15[%swap3A_1674, %swap3A_1675], %swap3A_1678 {strides = array<i32>} : memref<96x128xf32, #tpu.memory_space<vmem>>, vector<1x16xf32>,
        %mul3A_1679 = arith.mulf %mul3A_1642, %mul3A_1645 : vector<16xf32>
        %mul3A_1680 = arith.mulf %mul3A_1679, %get3A_1652 : vector<16xf32>
        %add3A_1681 = arith.constant 3 : i32
        %add3A_1682 = arith.addi %mul3A_1104, %add3A_1681 : i32
        %swap3A_1683 = arith.index_cast %add3A_1682 : i32 to index
        %swap3A_1684 = arith.constant 80 : index
        %swap3A_1685 = tpu.vector_load %arg15[%swap3A_1683, %swap3A_1684] {strides = array<i32>} : memref<96x128xf32, #tpu.memory_space<vmem>>, vector<1x16xf32>,
        %swap3A_1686 = vector.shape_cast %swap3A_1685 : vector<1x16xf32> to vector<16xf32>
        %swap3A_1687 = vector.shape_cast %mul3A_1680 : vector<16xf32> to vector<1x16xf32>
        tpu.vector_store %arg15[%swap3A_1683, %swap3A_1684], %swap3A_1687 {strides = array<i32>} : memref<96x128xf32, #tpu.memory_space<vmem>>, vector<1x16xf32>,
        %mul3A_1688 = arith.mulf %mul3A_1643, %get3A_1640 : vector<16xf32>
        %mul3A_1689 = arith.mulf %mul3A_1688, %get3A_1652 : vector<16xf32>
        %add3A_1690 = arith.constant 4 : i32
        %add3A_1691 = arith.addi %mul3A_1104, %add3A_1690 : i32
        %swap3A_1692 = arith.index_cast %add3A_1691 : i32 to index
        %swap3A_1693 = arith.constant 80 : index
        %swap3A_1694 = tpu.vector_load %arg15[%swap3A_1692, %swap3A_1693] {strides = array<i32>} : memref<96x128xf32, #tpu.memory_space<vmem>>, vector<1x16xf32>,
        %swap3A_1695 = vector.shape_cast %swap3A_1694 : vector<1x16xf32> to vector<16xf32>
        %swap3A_1696 = vector.shape_cast %mul3A_1689 : vector<16xf32> to vector<1x16xf32>
        tpu.vector_store %arg15[%swap3A_1692, %swap3A_1693], %swap3A_1696 {strides = array<i32>} : memref<96x128xf32, #tpu.memory_space<vmem>>, vector<1x16xf32>,
        %mul3A_1697 = arith.mulf %mul3A_1644, %get3A_1652 : vector<16xf32>
        %add3A_1698 = arith.constant 5 : i32
        %add3A_1699 = arith.addi %mul3A_1104, %add3A_1698 : i32
        %swap3A_1700 = arith.index_cast %add3A_1699 : i32 to index
        %swap3A_1701 = arith.constant 80 : index
        %swap3A_1702 = tpu.vector_load %arg15[%swap3A_1700, %swap3A_1701] {strides = array<i32>} : memref<96x128xf32, #tpu.memory_space<vmem>>, vector<1x16xf32>,
        %swap3A_1703 = vector.shape_cast %swap3A_1702 : vector<1x16xf32> to vector<16xf32>
        %swap3A_1704 = vector.shape_cast %mul3A_1697 : vector<16xf32> to vector<1x16xf32>
        tpu.vector_store %arg15[%swap3A_1700, %swap3A_1701], %swap3A_1704 {strides = array<i32>} : memref<96x128xf32, #tpu.memory_space<vmem>>, vector<1x16xf32>,
        %add3A_1705 = arith.constant 0 : i32
        %add3A_1706 = arith.addi %mul3A_1104, %add3A_1705 : i32
        %get3A_1707 = arith.index_cast %add3A_1706 : i32 to index
        %get3A_1708 = arith.constant 96 : index
        %get3A_1709 = tpu.vector_load %arg14[%get3A_1707, %get3A_1708] {strides = array<i32>} : memref<96x128xf32, #tpu.memory_space<vmem>>, vector<1x16xf32>,
        %get3A_1710 = vector.shape_cast %get3A_1709 : vector<1x16xf32> to vector<16xf32>
        %add3A_1711 = arith.constant 1 : i32
        %add3A_1712 = arith.addi %mul3A_1104, %add3A_1711 : i32
        %get3A_1713 = arith.index_cast %add3A_1712 : i32 to index
        %get3A_1714 = arith.constant 96 : index
        %get3A_1715 = tpu.vector_load %arg14[%get3A_1713, %get3A_1714] {strides = array<i32>} : memref<96x128xf32, #tpu.memory_space<vmem>>, vector<1x16xf32>,
        %get3A_1716 = vector.shape_cast %get3A_1715 : vector<1x16xf32> to vector<16xf32>
        %add3A_1717 = arith.constant 2 : i32
        %add3A_1718 = arith.addi %mul3A_1104, %add3A_1717 : i32
        %get3A_1719 = arith.index_cast %add3A_1718 : i32 to index
        %get3A_1720 = arith.constant 96 : index
        %get3A_1721 = tpu.vector_load %arg14[%get3A_1719, %get3A_1720] {strides = array<i32>} : memref<96x128xf32, #tpu.memory_space<vmem>>, vector<1x16xf32>,
        %get3A_1722 = vector.shape_cast %get3A_1721 : vector<1x16xf32> to vector<16xf32>
        %add3A_1723 = arith.constant 3 : i32
        %add3A_1724 = arith.addi %mul3A_1104, %add3A_1723 : i32
        %get3A_1725 = arith.index_cast %add3A_1724 : i32 to index
        %get3A_1726 = arith.constant 96 : index
        %get3A_1727 = tpu.vector_load %arg14[%get3A_1725, %get3A_1726] {strides = array<i32>} : memref<96x128xf32, #tpu.memory_space<vmem>>, vector<1x16xf32>,
        %get3A_1728 = vector.shape_cast %get3A_1727 : vector<1x16xf32> to vector<16xf32>
        %add3A_1729 = arith.constant 4 : i32
        %add3A_1730 = arith.addi %mul3A_1104, %add3A_1729 : i32
        %get3A_1731 = arith.index_cast %add3A_1730 : i32 to index
        %get3A_1732 = arith.constant 96 : index
        %get3A_1733 = tpu.vector_load %arg14[%get3A_1731, %get3A_1732] {strides = array<i32>} : memref<96x128xf32, #tpu.memory_space<vmem>>, vector<1x16xf32>,
        %get3A_1734 = vector.shape_cast %get3A_1733 : vector<1x16xf32> to vector<16xf32>
        %add3A_1735 = arith.constant 5 : i32
        %add3A_1736 = arith.addi %mul3A_1104, %add3A_1735 : i32
        %get3A_1737 = arith.index_cast %add3A_1736 : i32 to index
        %get3A_1738 = arith.constant 96 : index
        %get3A_1739 = tpu.vector_load %arg14[%get3A_1737, %get3A_1738] {strides = array<i32>} : memref<96x128xf32, #tpu.memory_space<vmem>>, vector<1x16xf32>,
        %get3A_1740 = vector.shape_cast %get3A_1739 : vector<1x16xf32> to vector<16xf32>
        %mul3A_1741 = arith.mulf %get3A_1710, %get3A_1716 : vector<16xf32>
        %mul3A_1742 = arith.mulf %mul3A_1741, %get3A_1722 : vector<16xf32>
        %mul3A_1743 = arith.mulf %mul3A_1742, %get3A_1728 : vector<16xf32>
        %mul3A_1744 = arith.mulf %mul3A_1743, %get3A_1734 : vector<16xf32>
        %mul3A_1745 = arith.mulf %get3A_1740, %get3A_1734 : vector<16xf32>
        %mul3A_1746 = arith.mulf %mul3A_1745, %get3A_1728 : vector<16xf32>
        %mul3A_1747 = arith.mulf %mul3A_1746, %get3A_1722 : vector<16xf32>
        %mul3A_1748 = arith.mulf %mul3A_1747, %get3A_1716 : vector<16xf32>
        %get3A_1749 = arith.index_cast %add3A_1102 : i32 to index
        %get3A_1750 = arith.constant 96 : index
        %get3A_1751 = tpu.vector_load %arg17[%get3A_1749, %get3A_1750] {strides = array<i32>} : memref<16x128xf32, #tpu.memory_space<vmem>>, vector<1x16xf32>,
        %get3A_1752 = vector.shape_cast %get3A_1751 : vector<1x16xf32> to vector<16xf32>
        %mul3A_1753 = arith.mulf %mul3A_1748, %get3A_1752 : vector<16xf32>
        %add3A_1754 = arith.constant 0 : i32
        %add3A_1755 = arith.addi %mul3A_1104, %add3A_1754 : i32
        %swap3A_1756 = arith.index_cast %add3A_1755 : i32 to index
        %swap3A_1757 = arith.constant 96 : index
        %swap3A_1758 = tpu.vector_load %arg15[%swap3A_1756, %swap3A_1757] {strides = array<i32>} : memref<96x128xf32, #tpu.memory_space<vmem>>, vector<1x16xf32>,
        %swap3A_1759 = vector.shape_cast %swap3A_1758 : vector<1x16xf32> to vector<16xf32>
        %swap3A_1760 = vector.shape_cast %mul3A_1753 : vector<16xf32> to vector<1x16xf32>
        tpu.vector_store %arg15[%swap3A_1756, %swap3A_1757], %swap3A_1760 {strides = array<i32>} : memref<96x128xf32, #tpu.memory_space<vmem>>, vector<1x16xf32>,
        %mul3A_1761 = arith.mulf %get3A_1710, %mul3A_1747 : vector<16xf32>
        %mul3A_1762 = arith.mulf %mul3A_1761, %get3A_1752 : vector<16xf32>
        %add3A_1763 = arith.constant 1 : i32
        %add3A_1764 = arith.addi %mul3A_1104, %add3A_1763 : i32
        %swap3A_1765 = arith.index_cast %add3A_1764 : i32 to index
        %swap3A_1766 = arith.constant 96 : index
        %swap3A_1767 = tpu.vector_load %arg15[%swap3A_1765, %swap3A_1766] {strides = array<i32>} : memref<96x128xf32, #tpu.memory_space<vmem>>, vector<1x16xf32>,
        %swap3A_1768 = vector.shape_cast %swap3A_1767 : vector<1x16xf32> to vector<16xf32>
        %swap3A_1769 = vector.shape_cast %mul3A_1762 : vector<16xf32> to vector<1x16xf32>
        tpu.vector_store %arg15[%swap3A_1765, %swap3A_1766], %swap3A_1769 {strides = array<i32>} : memref<96x128xf32, #tpu.memory_space<vmem>>, vector<1x16xf32>,
        %mul3A_1770 = arith.mulf %mul3A_1741, %mul3A_1746 : vector<16xf32>
        %mul3A_1771 = arith.mulf %mul3A_1770, %get3A_1752 : vector<16xf32>
        %add3A_1772 = arith.constant 2 : i32
        %add3A_1773 = arith.addi %mul3A_1104, %add3A_1772 : i32
        %swap3A_1774 = arith.index_cast %add3A_1773 : i32 to index
        %swap3A_1775 = arith.constant 96 : index
        %swap3A_1776 = tpu.vector_load %arg15[%swap3A_1774, %swap3A_1775] {strides = array<i32>} : memref<96x128xf32, #tpu.memory_space<vmem>>, vector<1x16xf32>,
        %swap3A_1777 = vector.shape_cast %swap3A_1776 : vector<1x16xf32> to vector<16xf32>
        %swap3A_1778 = vector.shape_cast %mul3A_1771 : vector<16xf32> to vector<1x16xf32>
        tpu.vector_store %arg15[%swap3A_1774, %swap3A_1775], %swap3A_1778 {strides = array<i32>} : memref<96x128xf32, #tpu.memory_space<vmem>>, vector<1x16xf32>,
        %mul3A_1779 = arith.mulf %mul3A_1742, %mul3A_1745 : vector<16xf32>
        %mul3A_1780 = arith.mulf %mul3A_1779, %get3A_1752 : vector<16xf32>
        %add3A_1781 = arith.constant 3 : i32
        %add3A_1782 = arith.addi %mul3A_1104, %add3A_1781 : i32
        %swap3A_1783 = arith.index_cast %add3A_1782 : i32 to index
        %swap3A_1784 = arith.constant 96 : index
        %swap3A_1785 = tpu.vector_load %arg15[%swap3A_1783, %swap3A_1784] {strides = array<i32>} : memref<96x128xf32, #tpu.memory_space<vmem>>, vector<1x16xf32>,
        %swap3A_1786 = vector.shape_cast %swap3A_1785 : vector<1x16xf32> to vector<16xf32>
        %swap3A_1787 = vector.shape_cast %mul3A_1780 : vector<16xf32> to vector<1x16xf32>
        tpu.vector_store %arg15[%swap3A_1783, %swap3A_1784], %swap3A_1787 {strides = array<i32>} : memref<96x128xf32, #tpu.memory_space<vmem>>, vector<1x16xf32>,
        %mul3A_1788 = arith.mulf %mul3A_1743, %get3A_1740 : vector<16xf32>
        %mul3A_1789 = arith.mulf %mul3A_1788, %get3A_1752 : vector<16xf32>
        %add3A_1790 = arith.constant 4 : i32
        %add3A_1791 = arith.addi %mul3A_1104, %add3A_1790 : i32
        %swap3A_1792 = arith.index_cast %add3A_1791 : i32 to index
        %swap3A_1793 = arith.constant 96 : index
        %swap3A_1794 = tpu.vector_load %arg15[%swap3A_1792, %swap3A_1793] {strides = array<i32>} : memref<96x128xf32, #tpu.memory_space<vmem>>, vector<1x16xf32>,
        %swap3A_1795 = vector.shape_cast %swap3A_1794 : vector<1x16xf32> to vector<16xf32>
        %swap3A_1796 = vector.shape_cast %mul3A_1789 : vector<16xf32> to vector<1x16xf32>
        tpu.vector_store %arg15[%swap3A_1792, %swap3A_1793], %swap3A_1796 {strides = array<i32>} : memref<96x128xf32, #tpu.memory_space<vmem>>, vector<1x16xf32>,
        %mul3A_1797 = arith.mulf %mul3A_1744, %get3A_1752 : vector<16xf32>
        %add3A_1798 = arith.constant 5 : i32
        %add3A_1799 = arith.addi %mul3A_1104, %add3A_1798 : i32
        %swap3A_1800 = arith.index_cast %add3A_1799 : i32 to index
        %swap3A_1801 = arith.constant 96 : index
        %swap3A_1802 = tpu.vector_load %arg15[%swap3A_1800, %swap3A_1801] {strides = array<i32>} : memref<96x128xf32, #tpu.memory_space<vmem>>, vector<1x16xf32>,
        %swap3A_1803 = vector.shape_cast %swap3A_1802 : vector<1x16xf32> to vector<16xf32>
        %swap3A_1804 = vector.shape_cast %mul3A_1797 : vector<16xf32> to vector<1x16xf32>
        tpu.vector_store %arg15[%swap3A_1800, %swap3A_1801], %swap3A_1804 {strides = array<i32>} : memref<96x128xf32, #tpu.memory_space<vmem>>, vector<1x16xf32>,
        %add3A_1805 = arith.constant 0 : i32
        %add3A_1806 = arith.addi %mul3A_1104, %add3A_1805 : i32
        %get3A_1807 = arith.index_cast %add3A_1806 : i32 to index
        %get3A_1808 = arith.constant 112 : index
        %get3A_1809 = tpu.vector_load %arg14[%get3A_1807, %get3A_1808] {strides = array<i32>} : memref<96x128xf32, #tpu.memory_space<vmem>>, vector<1x16xf32>,
        %get3A_1810 = vector.shape_cast %get3A_1809 : vector<1x16xf32> to vector<16xf32>
        %add3A_1811 = arith.constant 1 : i32
        %add3A_1812 = arith.addi %mul3A_1104, %add3A_1811 : i32
        %get3A_1813 = arith.index_cast %add3A_1812 : i32 to index
        %get3A_1814 = arith.constant 112 : index
        %get3A_1815 = tpu.vector_load %arg14[%get3A_1813, %get3A_1814] {strides = array<i32>} : memref<96x128xf32, #tpu.memory_space<vmem>>, vector<1x16xf32>,
        %get3A_1816 = vector.shape_cast %get3A_1815 : vector<1x16xf32> to vector<16xf32>
        %add3A_1817 = arith.constant 2 : i32
        %add3A_1818 = arith.addi %mul3A_1104, %add3A_1817 : i32
        %get3A_1819 = arith.index_cast %add3A_1818 : i32 to index
        %get3A_1820 = arith.constant 112 : index
        %get3A_1821 = tpu.vector_load %arg14[%get3A_1819, %get3A_1820] {strides = array<i32>} : memref<96x128xf32, #tpu.memory_space<vmem>>, vector<1x16xf32>,
        %get3A_1822 = vector.shape_cast %get3A_1821 : vector<1x16xf32> to vector<16xf32>
        %add3A_1823 = arith.constant 3 : i32
        %add3A_1824 = arith.addi %mul3A_1104, %add3A_1823 : i32
        %get3A_1825 = arith.index_cast %add3A_1824 : i32 to index
        %get3A_1826 = arith.constant 112 : index
        %get3A_1827 = tpu.vector_load %arg14[%get3A_1825, %get3A_1826] {strides = array<i32>} : memref<96x128xf32, #tpu.memory_space<vmem>>, vector<1x16xf32>,
        %get3A_1828 = vector.shape_cast %get3A_1827 : vector<1x16xf32> to vector<16xf32>
        %add3A_1829 = arith.constant 4 : i32
        %add3A_1830 = arith.addi %mul3A_1104, %add3A_1829 : i32
        %get3A_1831 = arith.index_cast %add3A_1830 : i32 to index
        %get3A_1832 = arith.constant 112 : index
        %get3A_1833 = tpu.vector_load %arg14[%get3A_1831, %get3A_1832] {strides = array<i32>} : memref<96x128xf32, #tpu.memory_space<vmem>>, vector<1x16xf32>,
        %get3A_1834 = vector.shape_cast %get3A_1833 : vector<1x16xf32> to vector<16xf32>
        %add3A_1835 = arith.constant 5 : i32
        %add3A_1836 = arith.addi %mul3A_1104, %add3A_1835 : i32
        %get3A_1837 = arith.index_cast %add3A_1836 : i32 to index
        %get3A_1838 = arith.constant 112 : index
        %get3A_1839 = tpu.vector_load %arg14[%get3A_1837, %get3A_1838] {strides = array<i32>} : memref<96x128xf32, #tpu.memory_space<vmem>>, vector<1x16xf32>,
        %get3A_1840 = vector.shape_cast %get3A_1839 : vector<1x16xf32> to vector<16xf32>
        %mul3A_1841 = arith.mulf %get3A_1810, %get3A_1816 : vector<16xf32>
        %mul3A_1842 = arith.mulf %mul3A_1841, %get3A_1822 : vector<16xf32>
        %mul3A_1843 = arith.mulf %mul3A_1842, %get3A_1828 : vector<16xf32>
        %mul3A_1844 = arith.mulf %mul3A_1843, %get3A_1834 : vector<16xf32>
        %mul3A_1845 = arith.mulf %get3A_1840, %get3A_1834 : vector<16xf32>
        %mul3A_1846 = arith.mulf %mul3A_1845, %get3A_1828 : vector<16xf32>
        %mul3A_1847 = arith.mulf %mul3A_1846, %get3A_1822 : vector<16xf32>
        %mul3A_1848 = arith.mulf %mul3A_1847, %get3A_1816 : vector<16xf32>
        %get3A_1849 = arith.index_cast %add3A_1102 : i32 to index
        %get3A_1850 = arith.constant 112 : index
        %get3A_1851 = tpu.vector_load %arg17[%get3A_1849, %get3A_1850] {strides = array<i32>} : memref<16x128xf32, #tpu.memory_space<vmem>>, vector<1x16xf32>,
        %get3A_1852 = vector.shape_cast %get3A_1851 : vector<1x16xf32> to vector<16xf32>
        %mul3A_1853 = arith.mulf %mul3A_1848, %get3A_1852 : vector<16xf32>
        %add3A_1854 = arith.constant 0 : i32
        %add3A_1855 = arith.addi %mul3A_1104, %add3A_1854 : i32
        %swap3A_1856 = arith.index_cast %add3A_1855 : i32 to index
        %swap3A_1857 = arith.constant 112 : index
        %swap3A_1858 = tpu.vector_load %arg15[%swap3A_1856, %swap3A_1857] {strides = array<i32>} : memref<96x128xf32, #tpu.memory_space<vmem>>, vector<1x16xf32>,
        %swap3A_1859 = vector.shape_cast %swap3A_1858 : vector<1x16xf32> to vector<16xf32>
        %swap3A_1860 = vector.shape_cast %mul3A_1853 : vector<16xf32> to vector<1x16xf32>
        tpu.vector_store %arg15[%swap3A_1856, %swap3A_1857], %swap3A_1860 {strides = array<i32>} : memref<96x128xf32, #tpu.memory_space<vmem>>, vector<1x16xf32>,
        %mul3A_1861 = arith.mulf %get3A_1810, %mul3A_1847 : vector<16xf32>
        %mul3A_1862 = arith.mulf %mul3A_1861, %get3A_1852 : vector<16xf32>
        %add3A_1863 = arith.constant 1 : i32
        %add3A_1864 = arith.addi %mul3A_1104, %add3A_1863 : i32
        %swap3A_1865 = arith.index_cast %add3A_1864 : i32 to index
        %swap3A_1866 = arith.constant 112 : index
        %swap3A_1867 = tpu.vector_load %arg15[%swap3A_1865, %swap3A_1866] {strides = array<i32>} : memref<96x128xf32, #tpu.memory_space<vmem>>, vector<1x16xf32>,
        %swap3A_1868 = vector.shape_cast %swap3A_1867 : vector<1x16xf32> to vector<16xf32>
        %swap3A_1869 = vector.shape_cast %mul3A_1862 : vector<16xf32> to vector<1x16xf32>
        tpu.vector_store %arg15[%swap3A_1865, %swap3A_1866], %swap3A_1869 {strides = array<i32>} : memref<96x128xf32, #tpu.memory_space<vmem>>, vector<1x16xf32>,
        %mul3A_1870 = arith.mulf %mul3A_1841, %mul3A_1846 : vector<16xf32>
        %mul3A_1871 = arith.mulf %mul3A_1870, %get3A_1852 : vector<16xf32>
        %add3A_1872 = arith.constant 2 : i32
        %add3A_1873 = arith.addi %mul3A_1104, %add3A_1872 : i32
        %swap3A_1874 = arith.index_cast %add3A_1873 : i32 to index
        %swap3A_1875 = arith.constant 112 : index
        %swap3A_1876 = tpu.vector_load %arg15[%swap3A_1874, %swap3A_1875] {strides = array<i32>} : memref<96x128xf32, #tpu.memory_space<vmem>>, vector<1x16xf32>,
        %swap3A_1877 = vector.shape_cast %swap3A_1876 : vector<1x16xf32> to vector<16xf32>
        %swap3A_1878 = vector.shape_cast %mul3A_1871 : vector<16xf32> to vector<1x16xf32>
        tpu.vector_store %arg15[%swap3A_1874, %swap3A_1875], %swap3A_1878 {strides = array<i32>} : memref<96x128xf32, #tpu.memory_space<vmem>>, vector<1x16xf32>,
        %mul3A_1879 = arith.mulf %mul3A_1842, %mul3A_1845 : vector<16xf32>
        %mul3A_1880 = arith.mulf %mul3A_1879, %get3A_1852 : vector<16xf32>
        %add3A_1881 = arith.constant 3 : i32
        %add3A_1882 = arith.addi %mul3A_1104, %add3A_1881 : i32
        %swap3A_1883 = arith.index_cast %add3A_1882 : i32 to index
        %swap3A_1884 = arith.constant 112 : index
        %swap3A_1885 = tpu.vector_load %arg15[%swap3A_1883, %swap3A_1884] {strides = array<i32>} : memref<96x128xf32, #tpu.memory_space<vmem>>, vector<1x16xf32>,
        %swap3A_1886 = vector.shape_cast %swap3A_1885 : vector<1x16xf32> to vector<16xf32>
        %swap3A_1887 = vector.shape_cast %mul3A_1880 : vector<16xf32> to vector<1x16xf32>
        tpu.vector_store %arg15[%swap3A_1883, %swap3A_1884], %swap3A_1887 {strides = array<i32>} : memref<96x128xf32, #tpu.memory_space<vmem>>, vector<1x16xf32>,
        %mul3A_1888 = arith.mulf %mul3A_1843, %get3A_1840 : vector<16xf32>
        %mul3A_1889 = arith.mulf %mul3A_1888, %get3A_1852 : vector<16xf32>
        %add3A_1890 = arith.constant 4 : i32
        %add3A_1891 = arith.addi %mul3A_1104, %add3A_1890 : i32
        %swap3A_1892 = arith.index_cast %add3A_1891 : i32 to index
        %swap3A_1893 = arith.constant 112 : index
        %swap3A_1894 = tpu.vector_load %arg15[%swap3A_1892, %swap3A_1893] {strides = array<i32>} : memref<96x128xf32, #tpu.memory_space<vmem>>, vector<1x16xf32>,
        %swap3A_1895 = vector.shape_cast %swap3A_1894 : vector<1x16xf32> to vector<16xf32>
        %swap3A_1896 = vector.shape_cast %mul3A_1889 : vector<16xf32> to vector<1x16xf32>
        tpu.vector_store %arg15[%swap3A_1892, %swap3A_1893], %swap3A_1896 {strides = array<i32>} : memref<96x128xf32, #tpu.memory_space<vmem>>, vector<1x16xf32>,
        %mul3A_1897 = arith.mulf %mul3A_1844, %get3A_1852 : vector<16xf32>
        %add3A_1898 = arith.constant 5 : i32
        %add3A_1899 = arith.addi %mul3A_1104, %add3A_1898 : i32
        %swap3A_1900 = arith.index_cast %add3A_1899 : i32 to index
        %swap3A_1901 = arith.constant 112 : index
        %swap3A_1902 = tpu.vector_load %arg15[%swap3A_1900, %swap3A_1901] {strides = array<i32>} : memref<96x128xf32, #tpu.memory_space<vmem>>, vector<1x16xf32>,
        %swap3A_1903 = vector.shape_cast %swap3A_1902 : vector<1x16xf32> to vector<16xf32>
        %swap3A_1904 = vector.shape_cast %mul3A_1897 : vector<16xf32> to vector<1x16xf32>
        tpu.vector_store %arg15[%swap3A_1900, %swap3A_1901], %swap3A_1904 {strides = array<i32>} : memref<96x128xf32, #tpu.memory_space<vmem>>, vector<1x16xf32>,
        %scan3A_1905 = arith.constant 0 : i32
        scf.yield %scan3A_1905 : i32
      }
      %scan3A_281 = arith.constant 8 : i32
      %add3A_282 = arith.constant 2 : i32
      %add3A_283 = arith.addi %add3A_183, %add3A_282 : i32
      %lt3A_284 = arith.constant 196 : i32
      %lt3A_285 = arith.cmpi slt, %add3A_283, %lt3A_284 : i32
      %convert_element_type3A_286 = arith.extui %lt3A_285 : i1 to i32
      %cond3A_287 = arith.constant 0 : i32
      %cond3A_288 = arith.cmpi ne, %convert_element_type3A_286, %cond3A_287 : i32
      scf.if %cond3A_288 {
        %add3A_293 = arith.constant 2 : i32
        %add3A_294 = arith.addi %add3A_183, %add3A_293 : i32
        %mul3A_295 = arith.constant 16 : i32
        %mul3A_296 = arith.muli %add3A_294, %mul3A_295 : i32
        %add3A_297 = arith.addi %mul3A_2, %mul3A_296 : i32
        %dma_start3A_298 = tpu.memref_slice %arg4[%add3A_297] : memref<100352xi32, #tpu.memory_space<hbm>> -> memref<16xi32, #tpu.memory_space<hbm>>
        %dma_start3A_299 = tpu.memref_slice %arg4[%add3A_297] : memref<100352xi32, #tpu.memory_space<hbm>> -> memref<16xi32, #tpu.memory_space<hbm>>
        tpu.enqueue_dma source(%dma_start3A_299 : memref<16xi32, #tpu.memory_space<hbm>>) target(%arg12 : memref<16xi32, #tpu.memory_space<vmem>>) target_semaphore(%arg22 : memref<!tpu.dma_semaphore, #tpu.memory_space<semaphore_mem>>)
      } else {
      }
      %dma_start3A_289 = arith.constant 0 : i32
      %dma_start3A_290 = arith.constant 0 : i32
      %dma_start3A_291 = tpu.memref_slice %arg28[%dma_start3A_289, %dma_start3A_290] : memref<10000x128xf32, #tpu.memory_space<vmem_shared>> -> memref<10000x128xf32, #tpu.memory_space<vmem_shared>>
      tpu.enqueue_indirect_dma source(%arg15 : memref<96x128xf32, #tpu.memory_space<vmem>>) target(%dma_start3A_291 : memref<10000x128xf32, #tpu.memory_space<vmem_shared>>) offsets(%arg10 : memref<96xi32, #tpu.memory_space<vmem>>) semaphore(%arg27 : memref<!tpu.dma_semaphore, #tpu.memory_space<semaphore_mem>>) {add = true}
      %scan3A_292 = arith.constant 0 : i32
      scf.yield %scan3A_292 : i32
    }
    %scan3A_54 = arith.constant 98 : i32
    %dma_wait3A_55 = arith.constant 0 : i32
    %dma_wait3A_56 = arith.constant 0 : i32
    %dma_wait3A_57 = tpu.memref_slice %arg28[%dma_wait3A_55, %dma_wait3A_56] : memref<10000x128xf32, #tpu.memory_space<vmem_shared>> -> memref<10000x128xf32, #tpu.memory_space<vmem_shared>>
    tpu.wait_indirect_dma semaphore(%arg27 : memref<!tpu.dma_semaphore, #tpu.memory_space<semaphore_mem>>) src(%arg15 : memref<96x128xf32, #tpu.memory_space<vmem>>) dst(%dma_wait3A_57 : memref<10000x128xf32, #tpu.memory_space<vmem_shared>>)
    %barrier3A_58 = arith.constant 0 : index
    tpu.barrier barrier_id(%barrier3A_58)
    %scan3A_59 = arith.constant 0 : i32
    %scan3A_60 = arith.constant 0 : i32
    %scan3A_61 = arith.constant 8 : i32
    %scan3A_62 = arith.addi %scan3A_60, %scan3A_61 : i32
    %scan3A_63 = arith.constant 1 : i32
    %scan3A_64 = scf.for %scan3A_66 = %scan3A_60 to %scan3A_62 step %scan3A_63 iter_args(%scan3A_67 = %scan3A_59) -> (i32)  : i32 {
      %mul3A_68 = arith.constant 16 : i32
      %mul3A_69 = arith.muli %scan3A_66, %mul3A_68 : i32
      %add3A_70 = arith.addi %arg1, %mul3A_69 : i32
      %lt3A = arith.constant 125 : i32
      %lt3A_71 = arith.cmpi slt, %add3A_70, %lt3A : i32
      %convert_element_type3A = arith.extui %lt3A_71 : i1 to i32
      %cond3A = arith.constant 0 : i32
      %cond3A_72 = arith.cmpi ne, %convert_element_type3A, %cond3A : i32
      scf.if %cond3A_72 {
        %mul3A_74 = arith.constant 80 : i32
        %mul3A_75 = arith.muli %add3A_70, %mul3A_74 : i32
        "tpu.region"() ({
          %run_scoped3A = tpu.sem_alloc : memref<!tpu.dma_semaphore, #tpu.memory_space<semaphore_mem>>
          %dma_start3A_76 = arith.constant 0 : i32
          %dma_start3A_77 = tpu.memref_slice %arg7[%arg0, %mul3A_75, %dma_start3A_76] : memref<2x10000x128xf32, #tpu.memory_space<hbm>> -> memref<1x80x128xf32, #tpu.memory_space<hbm>>
          %dma_start3A_78 = tpu.memref_squeeze %dma_start3A_77 : memref<1x80x128xf32, #tpu.memory_space<hbm>> -> memref<80x128xf32, #tpu.memory_space<hbm>>
          %dma_start3A_79 = arith.constant 0 : i32
          %dma_start3A_80 = tpu.memref_slice %arg28[%mul3A_75, %dma_start3A_79] : memref<10000x128xf32, #tpu.memory_space<vmem_shared>> -> memref<80x128xf32, #tpu.memory_space<vmem_shared>>
          tpu.enqueue_dma source(%dma_start3A_80 : memref<80x128xf32, #tpu.memory_space<vmem_shared>>) target(%dma_start3A_78 : memref<80x128xf32, #tpu.memory_space<hbm>>) target_semaphore(%run_scoped3A : memref<!tpu.dma_semaphore, #tpu.memory_space<semaphore_mem>>)
          %dma_wait3A_81 = arith.constant 0 : i32
          %dma_wait3A_82 = tpu.memref_slice %arg7[%arg0, %mul3A_75, %dma_wait3A_81] : memref<2x10000x128xf32, #tpu.memory_space<hbm>> -> memref<1x80x128xf32, #tpu.memory_space<hbm>>
          %dma_wait3A_83 = tpu.memref_squeeze %dma_wait3A_82 : memref<1x80x128xf32, #tpu.memory_space<hbm>> -> memref<80x128xf32, #tpu.memory_space<hbm>>
          %dma_wait3A_84 = arith.constant 0 : i32
          %dma_wait3A_85 = tpu.memref_slice %arg28[%mul3A_75, %dma_wait3A_84] : memref<10000x128xf32, #tpu.memory_space<vmem_shared>> -> memref<80x128xf32, #tpu.memory_space<vmem_shared>>
          tpu.wait_dma2 semaphore(%run_scoped3A : memref<!tpu.dma_semaphore, #tpu.memory_space<semaphore_mem>>) src(%dma_wait3A_85 : memref<80x128xf32, #tpu.memory_space<vmem_shared>>) dst(%dma_wait3A_83 : memref<80x128xf32, #tpu.memory_space<hbm>>)
          tpu.yield
        }) : () -> ()
      } else {
      }
      %scan3A_73 = arith.constant 0 : i32
      scf.yield %scan3A_73 : i32
    }
    %scan3A_65 = arith.constant 8 : i32
    return
  }
}

module attributes {stable_mosaic.version = 14 : i64} {
  func.func @_build_table_kernel(%arg0: i32, %arg1: i32, %arg2: memref<1000x128xf32, #tpu.memory_space<vmem>>, %arg3: memref<7x128xf32, #tpu.memory_space<vmem>>, %arg4: memref<1000x128xf32, #tpu.memory_space<vmem>>) attributes {dimension_semantics = [#tpu.dimension_semantics<arbitrary>, #tpu.dimension_semantics<arbitrary>], iteration_bounds = array<i64: 6, 10>, scalar_prefetch = 0 : i64, scratch_operands = 0 : i64, tpu.core_type = #tpu.core_type<tc>, window_params = [{transform_indices = @transform_0, window_bounds = array<i64: 1000, 128>}, {pipeline_mode = #tpu.pipeline_mode<synchronous>, transform_indices = @transform_1, window_bounds = array<i64: 7, 128>}, {transform_indices = @transform_2, window_bounds = array<i64: 1000, 128>}]} {
    %get3A = arith.constant 0 : index
    %get3A_0 = arith.constant 0 : index
    %get3A_1 = vector.load %arg2[%get3A, %get3A_0] : memref<1000x128xf32, #tpu.memory_space<vmem>>, vector<1000x128xf32>
    %add3A = arith.constant 1 : i32
    %add3A_2 = arith.addi %arg0, %add3A : i32
    %get3A_3 = arith.index_cast %add3A_2 : i32 to index
    %get3A_4 = arith.constant 0 : index
    %get3A_5 = vector.load %arg3[%get3A_3, %get3A_4] : memref<7x128xf32, #tpu.memory_space<vmem>>, vector<1x128xf32>
    %add3A_6 = vector.broadcast %get3A_5 : vector<1x128xf32> to vector<1000x128xf32>
    %add3A_7 = arith.addf %get3A_1, %add3A_6 : vector<1000x128xf32>
    %iota3A = tpu.iota {dimensions = array<i32: 0>} : vector<1000x128xi32>
    %eq3A = arith.constant 0 : i32
    %eq3A_8 = vector.broadcast %eq3A : i32 to vector<1000x128xi32>
    %eq3A_9 = arith.cmpi eq, %iota3A, %eq3A_8 : vector<1000x128xi32>
    %eq3A_10 = arith.constant 0 : i32
    %eq3A_11 = arith.cmpi eq, %arg1, %eq3A_10 : i32
    %and3A = vector.broadcast %eq3A_11 : i1 to vector<1000x128xi1>
    %and3A_12 = arith.andi %eq3A_9, %and3A : vector<1000x128xi1>
    %jit3A = arith.constant 1.000000e+00 : f32
    %broadcast_in_dim3A = vector.broadcast %jit3A : f32 to vector<1000x128xf32>
    %select_n3A = arith.select %and3A_12, %broadcast_in_dim3A, %add3A_7 : vector<1000x128xi1>, vector<1000x128xf32>
    %swap3A = arith.constant 0 : index
    %swap3A_13 = arith.constant 0 : index
    %swap3A_14 = vector.load %arg4[%swap3A, %swap3A_13] : memref<1000x128xf32, #tpu.memory_space<vmem>>, vector<1000x128xf32>
    tpu.vector_store %arg4[%swap3A, %swap3A_13], %select_n3A {strides = array<i32>} : memref<1000x128xf32, #tpu.memory_space<vmem>>, vector<1000x128xf32>,
    return
  }
  func.func @transform_0(%arg0: i32, %arg1: i32) -> (i32, i32) {
    %c0_i32 = arith.constant 0 : i32
    %c0_i32_0 = arith.constant 0 : i32
    return %arg1, %c0_i32 : i32, i32
  }
  func.func @transform_1(%arg0: i32, %arg1: i32) -> (i32, i32) {
    %c0_i32 = arith.constant 0 : i32
    %c0_i32_0 = arith.constant 0 : i32
    %c0_i32_1 = arith.constant 0 : i32
    return %c0_i32, %c0_i32_0 : i32, i32
  }
  func.func @transform_2(%arg0: i32, %arg1: i32) -> (i32, i32) {
    %mul3A = arith.constant 10 : i32
    %mul3A_0 = arith.muli %arg0, %mul3A : i32
    %add3A = arith.addi %mul3A_0, %arg1 : i32
    %c0_i32 = arith.constant 0 : i32
    %c0_i32_1 = arith.constant 0 : i32
    return %add3A, %c0_i32 : i32, i32
  }
}

module attributes {stable_mosaic.version = 14 : i64} {
  func.func @_final_kernel(%arg0: i32, %arg1: memref<2x1000x128xf32, #tpu.memory_space<vmem>>, %arg2: memref<1000x128xf32, #tpu.memory_space<vmem>>, %arg3: memref<128x256xf32, #tpu.memory_space<vmem>>, %arg4: memref<1x128xf32, #tpu.memory_space<vmem>>, %arg5: memref<1x128xf32, #tpu.memory_space<vmem>>, %arg6: memref<1x128xf32, #tpu.memory_space<vmem>>, %arg7: memref<1000x128xf32, #tpu.memory_space<vmem>>) attributes {dimension_semantics = [#tpu.dimension_semantics<arbitrary>], iteration_bounds = array<i64: 10>, scalar_prefetch = 0 : i64, scratch_operands = 0 : i64, tpu.core_type = #tpu.core_type<tc>, window_params = [{transform_indices = @transform_0, window_bounds = array<i64: 2, 1000, 128>}, {transform_indices = @transform_1, window_bounds = array<i64: 1000, 128>}, {pipeline_mode = #tpu.pipeline_mode<synchronous>, transform_indices = @transform_2, window_bounds = array<i64: 128, 256>}, {pipeline_mode = #tpu.pipeline_mode<synchronous>, transform_indices = @transform_3, window_bounds = array<i64: 1, 128>}, {pipeline_mode = #tpu.pipeline_mode<synchronous>, transform_indices = @transform_4, window_bounds = array<i64: 1, 128>}, {pipeline_mode = #tpu.pipeline_mode<synchronous>, transform_indices = @transform_5, window_bounds = array<i64: 1, 128>}, {transform_indices = @transform_6, window_bounds = array<i64: 1000, 128>}]} {
    %get3A = arith.constant 0 : index
    %get3A_0 = arith.constant 0 : index
    %get3A_1 = arith.constant 0 : index
    %get3A_2 = vector.load %arg1[%get3A, %get3A_0, %get3A_1] : memref<2x1000x128xf32, #tpu.memory_space<vmem>>, vector<1x1000x128xf32>
    %get3A_3 = vector.shape_cast %get3A_2 : vector<1x1000x128xf32> to vector<1000x128xf32>
    %get3A_4 = arith.constant 1 : index
    %get3A_5 = arith.constant 0 : index
    %get3A_6 = arith.constant 0 : index
    %get3A_7 = vector.load %arg1[%get3A_4, %get3A_5, %get3A_6] : memref<2x1000x128xf32, #tpu.memory_space<vmem>>, vector<1x1000x128xf32>
    %get3A_8 = vector.shape_cast %get3A_7 : vector<1x1000x128xf32> to vector<1000x128xf32>
    %add3A = arith.addf %get3A_3, %get3A_8 : vector<1000x128xf32>
    %get3A_9 = arith.constant 0 : index
    %get3A_10 = arith.constant 0 : index
    %get3A_11 = vector.load %arg2[%get3A_9, %get3A_10] : memref<1000x128xf32, #tpu.memory_space<vmem>>, vector<1000x128xf32>
    %iota3A = tpu.iota {dimensions = array<i32: 0>} : vector<1000x128xi32>
    %eq3A = arith.constant 0 : i32
    %eq3A_12 = vector.broadcast %eq3A : i32 to vector<1000x128xi32>
    %eq3A_13 = arith.cmpi eq, %iota3A, %eq3A_12 : vector<1000x128xi32>
    %eq3A_14 = arith.constant 0 : i32
    %eq3A_15 = arith.cmpi eq, %arg0, %eq3A_14 : i32
    %and3A = vector.broadcast %eq3A_15 : i1 to vector<1000x128xi1>
    %and3A_16 = arith.andi %eq3A_13, %and3A : vector<1000x128xi1>
    %jit3A = arith.constant 0.000000e+00 : f32
    %broadcast_in_dim3A = vector.broadcast %jit3A : f32 to vector<1000x128xf32>
    %select_n3A = arith.select %and3A_16, %broadcast_in_dim3A, %add3A : vector<1000x128xi1>, vector<1000x128xf32>
    %jit3A_17 = arith.constant 0.000000e+00 : f32
    %broadcast_in_dim3A_18 = vector.broadcast %jit3A_17 : f32 to vector<1000x128xf32>
    %select_n3A_19 = arith.select %and3A_16, %broadcast_in_dim3A_18, %get3A_11 : vector<1000x128xi1>, vector<1000x128xf32>
    %get3A_20 = arith.constant 0 : index
    %get3A_21 = arith.constant 0 : index
    %get3A_22 = vector.load %arg3[%get3A_20, %get3A_21] : memref<128x256xf32, #tpu.memory_space<vmem>>, vector<128x128xf32>
    %get3A_23 = arith.constant 0 : index
    %get3A_24 = arith.constant 128 : index
    %get3A_25 = vector.load %arg3[%get3A_23, %get3A_24] : memref<128x256xf32, #tpu.memory_space<vmem>>, vector<128x128xf32>
    %dot_general3A = arith.constant dense<0.000000e+00> : vector<1000x128xf32>
    %dot_general3A_26 = tpu.matmul %select_n3A, %get3A_22, %dot_general3A {dimension_numbers = #tpu.dot_dimension_numbers<[1], [1], [0], [0], [0, 0, 1, 0], [], []>, transpose_lhs_hint = false} : vector<1000x128xf32>, vector<128x128xf32>, vector<1000x128xf32> -> vector<1000x128xf32>
    %dot_general3A_27 = arith.constant dense<0.000000e+00> : vector<1000x128xf32>
    %dot_general3A_28 = tpu.matmul %select_n3A_19, %get3A_25, %dot_general3A_27 {dimension_numbers = #tpu.dot_dimension_numbers<[1], [1], [0], [0], [0, 0, 1, 0], [], []>, transpose_lhs_hint = false} : vector<1000x128xf32>, vector<128x128xf32>, vector<1000x128xf32> -> vector<1000x128xf32>
    %add3A_29 = arith.addf %dot_general3A_26, %dot_general3A_28 : vector<1000x128xf32>
    %get3A_30 = arith.constant 0 : index
    %get3A_31 = arith.constant 0 : index
    %get3A_32 = vector.load %arg4[%get3A_30, %get3A_31] : memref<1x128xf32, #tpu.memory_space<vmem>>, vector<1x128xf32>
    %add3A_33 = vector.broadcast %get3A_32 : vector<1x128xf32> to vector<1000x128xf32>
    %add3A_34 = arith.addf %add3A_29, %add3A_33 : vector<1000x128xf32>
    %reduce_sum3A = arith.constant dense<0.000000e+00> : vector<1000xf32>
    %reduce_sum3A_35 = vector.multi_reduction <add>, %add3A_34, %reduce_sum3A [1] : vector<1000x128xf32> to vector<1000xf32>
    %broadcast_in_dim3A_36 = vector.shape_cast %reduce_sum3A_35 : vector<1000xf32> to vector<1000x1xf32>
    %div3A = arith.constant 1.280000e+02 : f32
    %div3A_37 = vector.broadcast %div3A : f32 to vector<1000x1xf32>
    %div3A_38 = arith.divf %broadcast_in_dim3A_36, %div3A_37 : vector<1000x1xf32>
    %sub3A = vector.broadcast %div3A_38 : vector<1000x1xf32> to vector<1000x128xf32>
    %sub3A_39 = arith.subf %add3A_34, %sub3A : vector<1000x128xf32>
    %sub3A_40 = vector.broadcast %div3A_38 : vector<1000x1xf32> to vector<1000x128xf32>
    %sub3A_41 = arith.subf %add3A_34, %sub3A_40 : vector<1000x128xf32>
    %mul3A = arith.mulf %sub3A_39, %sub3A_41 : vector<1000x128xf32>
    %reduce_sum3A_42 = arith.constant dense<0.000000e+00> : vector<1000xf32>
    %reduce_sum3A_43 = vector.multi_reduction <add>, %mul3A, %reduce_sum3A_42 [1] : vector<1000x128xf32> to vector<1000xf32>
    %broadcast_in_dim3A_44 = vector.shape_cast %reduce_sum3A_43 : vector<1000xf32> to vector<1000x1xf32>
    %div3A_45 = arith.constant 1.280000e+02 : f32
    %div3A_46 = vector.broadcast %div3A_45 : f32 to vector<1000x1xf32>
    %div3A_47 = arith.divf %broadcast_in_dim3A_44, %div3A_46 : vector<1000x1xf32>
    %sub3A_48 = vector.broadcast %div3A_38 : vector<1000x1xf32> to vector<1000x128xf32>
    %sub3A_49 = arith.subf %add3A_34, %sub3A_48 : vector<1000x128xf32>
    %add3A_50 = arith.constant 9.99999974E-6 : f32
    %add3A_51 = vector.broadcast %add3A_50 : f32 to vector<1000x1xf32>
    %add3A_52 = arith.addf %div3A_47, %add3A_51 : vector<1000x1xf32>
    %rsqrt3A = math.rsqrt %add3A_52 : vector<1000x1xf32>
    %mul3A_53 = vector.broadcast %rsqrt3A : vector<1000x1xf32> to vector<1000x128xf32>
    %mul3A_54 = arith.mulf %sub3A_49, %mul3A_53 : vector<1000x128xf32>
    %get3A_55 = arith.constant 0 : index
    %get3A_56 = arith.constant 0 : index
    %get3A_57 = vector.load %arg5[%get3A_55, %get3A_56] : memref<1x128xf32, #tpu.memory_space<vmem>>, vector<1x128xf32>
    %mul3A_58 = vector.broadcast %get3A_57 : vector<1x128xf32> to vector<1000x128xf32>
    %mul3A_59 = arith.mulf %mul3A_54, %mul3A_58 : vector<1000x128xf32>
    %get3A_60 = arith.constant 0 : index
    %get3A_61 = arith.constant 0 : index
    %get3A_62 = vector.load %arg6[%get3A_60, %get3A_61] : memref<1x128xf32, #tpu.memory_space<vmem>>, vector<1x128xf32>
    %add3A_63 = vector.broadcast %get3A_62 : vector<1x128xf32> to vector<1000x128xf32>
    %add3A_64 = arith.addf %mul3A_59, %add3A_63 : vector<1000x128xf32>
    %swap3A = arith.constant 0 : index
    %swap3A_65 = arith.constant 0 : index
    %swap3A_66 = vector.load %arg7[%swap3A, %swap3A_65] : memref<1000x128xf32, #tpu.memory_space<vmem>>, vector<1000x128xf32>
    tpu.vector_store %arg7[%swap3A, %swap3A_65], %add3A_64 {strides = array<i32>} : memref<1000x128xf32, #tpu.memory_space<vmem>>, vector<1000x128xf32>,
    return
  }
  func.func @transform_0(%arg0: i32) -> (i32, i32, i32) {
    %c0_i32 = arith.constant 0 : i32
    %c0_i32_0 = arith.constant 0 : i32
    %c0_i32_1 = arith.constant 0 : i32
    return %c0_i32, %arg0, %c0_i32_0 : i32, i32, i32
  }
  func.func @transform_1(%arg0: i32) -> (i32, i32) {
    %c0_i32 = arith.constant 0 : i32
    %c0_i32_0 = arith.constant 0 : i32
    return %arg0, %c0_i32 : i32, i32
  }
  func.func @transform_2(%arg0: i32) -> (i32, i32) {
    %c0_i32 = arith.constant 0 : i32
    %c0_i32_0 = arith.constant 0 : i32
    %c0_i32_1 = arith.constant 0 : i32
    return %c0_i32, %c0_i32_0 : i32, i32
  }
  func.func @transform_3(%arg0: i32) -> (i32, i32) {
    %c0_i32 = arith.constant 0 : i32
    %c0_i32_0 = arith.constant 0 : i32
    %c0_i32_1 = arith.constant 0 : i32
    return %c0_i32, %c0_i32_0 : i32, i32
  }
  func.func @transform_4(%arg0: i32) -> (i32, i32) {
    %c0_i32 = arith.constant 0 : i32
    %c0_i32_0 = arith.constant 0 : i32
    %c0_i32_1 = arith.constant 0 : i32
    return %c0_i32, %c0_i32_0 : i32, i32
  }
  func.func @transform_5(%arg0: i32) -> (i32, i32) {
    %c0_i32 = arith.constant 0 : i32
    %c0_i32_0 = arith.constant 0 : i32
    %c0_i32_1 = arith.constant 0 : i32
    return %c0_i32, %c0_i32_0 : i32, i32
  }
  func.func @transform_6(%arg0: i32) -> (i32, i32) {
    %c0_i32 = arith.constant 0 : i32
    %c0_i32_0 = arith.constant 0 : i32
    return %arg0, %c0_i32 : i32, i32
  }
}

</mosaic_0001>

<sc_bundles>
// kernel: kernel.5.cloned.1.call-start
scs
__scs_entry_jumppad:
0x0: {  	(pc) =	sbr.rel $0x88, $3  }
0x1: {  	(tag) =	ssettag $0x0;
	lr =	simm.s32 $0x1  }
0x2: {  	[smem:$0x3F98] =	sst lr;
	_ =	strace $0xD0000000  }
0x3: {  	_ = 	snop  }
0x4: {  	_ = 	snop  }
0x5: {  	_ = 	snop  }
0x6: {  	_ = 	snop  }
0x7: {  	_ = 	snop  }
__scs_overlays_trampoline_lowered:
0x8: {  	[smem:$0x3FA7] =	sst s0  }
0x9: {  	[smem:$0x3FA8] =	sst s1  }
0xa: {  	[smem:$0x3FA9] =	sst s2  }
0xb: {  	[smem:$0x3FAA] =	sst s3  }
0xc: {  	[smem:$0x3FAB] =	sst s4  }
0xd: {  	[smem:$0x3FAC] =	sst s5  }
0xe: {  	[smem:$0x3FAD] =	sst s6  }
0xf: {  	[smem:$0x3FAE] =	sst s7  }
0x10: {  	[smem:$0x3FAF] =	sst s8  }
0x11: {  	[smem:$0x3FB0] =	sst s9;
	s0 =	simm.s32 @!p0 $0x0  }
0x12: {  	s1 =	sld [smem:$0x3F96];
	s0 =	simm.s32 @p0 $0x1  }
0x13: {  	[smem:$0x3FB1] =	sst s0;
	s0 =	simm.s32 @!p1 $0x0  }
0x14: {  	s2 =	sld [smem:$0x3F95];
	s0 =	simm.s32 @p1 $0x1  }
0x15: {  	[smem:$0x3FB2] =	sst s0;
	s0 =	simm.s32 @!p2 $0x0  }
0x16: {  	s3 =	sld [smem:$0x3FDB];
	s0 =	simm.s32 @p2 $0x1  }
0x17: {  	s4 =	simm.s32 $0x1BF5;
	[smem:$0x3FB4] =	sst s0  }
0x18: {  	s0 =	sld [smem:$0x3F97];
	_ =	swait.ge [sflag:s4], $0x0  }
0x19: {  	s7 =	sld [smem:$0x3F98]  }
0x1a: {  	s8 =	sadd.s32 $0xFFFFE003, lr  }
0x1b: {  	s9 =	sadd.s32 $0xFFFFFEF7, lr;
	s5 =	simm.s32 $0xFFFFFFFF;
	p2 =	slt.u32 s8, $0xFFFFF086  }
0x1c: {  	p1 =	slt.u32 s9, $0xF7A;
	s5 =	simm.s32 @!p2 $0x0  }
0x1d: {  	s5 =	simm.s32 @p1 $0x1;
	p0 =	seq.s32 s7, s2  }
0x1e: {  	s7 =	smul.u32 @!p0 $0xF7A, s2;
	p2 =	seq.s32 @!p0 s5, $0x0  }
0x1f: {  	s9 =	smul.u32 $0xF7A, s1;
	s8 =	simm.s32 @!p0 $0x1BF5;
	p2 =	por !p2, p0  }
0x20: {  	[sflag:s8] =	ssyncset.s32 @!p0 $0xFFFFF086;
	s6 =	sadd.s32 @!p0 s3, s7;
	s7 =	simm.s32 @!p0 $0x108  }
0x21: {  	s3 =	sadd.s32 s3, s9;
	s6 =	sadd.s32 @!p0 $0x88, s6;
	s7 =	simm.s32 @p2 $0x1082  }
0x22: {  	[simem:s7], [sflag:s8] =	dma.local @!p0 [hbm:s6], $0xF7A  }
0x23: {  	s9 =	sor.u32 $0xD0000000, s2;
	s6 =	simm.s32 $0x108;
	_ =	swait.ge @!p0 [sflag:s8], $0x0  }
0x24: {  	s3 =	sadd.s32 $0x88, s3;
	s6 =	simm.s32 @!p1 $0x1082;
	[sflag:s4] =	ssyncset.s32 $0xFFFFF086  }
0x25: {  	[simem:s6], [sflag:s4] =	dma.local [hbm:s3], $0xF7A  }
0x26: {  	[smem:$0x3F98] =	sst s1;
	(tag) =	ssettag s2;
	_ =	strace s9  }
0x27: {  	s1 =	sld [smem:$0x3FA8]  }
0x28: {  	s2 =	sld [smem:$0x3FA9]  }
0x29: {  	s4 =	sld [smem:$0x3FAB]  }
0x2a: {  	p0 =	seq.s32 s5, $0x0;
	s5 =	sld [smem:$0x3FAC]  }
0x2b: {  	s6 =	sld [smem:$0x3FAD]  }
0x2c: {  	s7 =	sld [smem:$0x3FAE]  }
0x2d: {  	s3 =	simm.s32 $0x108;
	s8 =	sld [smem:$0x3FAF]  }
0x2e: {  	s3 =	simm.s32 @!p0 $0x1082;
	s9 =	sld [smem:$0x3FB0]  }
0x2f: {  	lr =	sadd.s32 s0, s3;
	s0 =	sld [smem:$0x3FA7]  }
0x30: {  	s3 =	sld [smem:$0x3FAA]  }
0x31: {  	[smem:$0x3FB3] =	sst s10  }
0x32: {  	s10 =	sld [smem:$0x3FB1];
	_ =	sdelay $0x3  }
0x33: {  	p0 =	seq.s32 s10, $0x1;
	s10 =	sld [smem:$0x3FB3];
	_ =	sdelay $0x3  }
0x34: {  	[smem:$0x3FB3] =	sst s10  }
0x35: {  	s10 =	sld [smem:$0x3FB2];
	_ =	sdelay $0x3  }
0x36: {  	p1 =	seq.s32 s10, $0x1;
	s10 =	sld [smem:$0x3FB3];
	_ =	sdelay $0x3  }
0x37: {  	[smem:$0x3FB3] =	sst s10  }
0x38: {  	s10 =	sld [smem:$0x3FB4]  }
0x39: {  	_ = 	snop;
	(pc) =	sbr.ind lr, $3  }
0x3a: {  	_ = 	snop  }
0x3b: {  	_ = 	snop  }
0x3c: {  	p2 =	seq.s32 s10, $0x1;
	s10 =	sld [smem:$0x3FB3]  }
0x3d: {  	_ =	shalt  }
0x3e: {  	_ =	shalt  }
0x3f: {  	_ =	shalt  }
0x40: {  	_ =	shalt  }
0x41: {  	_ =	shalt  }
0x42: {  	_ =	shalt  }
0x43: {  	_ =	shalt  }
0x44: {  	_ =	shalt  }
0x45: {  	_ =	shalt  }
0x46: {  	_ =	shalt  }
0x47: {  	_ =	shalt  }
0x48: {  	_ =	shalt  }
0x49: {  	_ =	shalt  }
0x4a: {  	_ =	shalt  }
0x4b: {  	_ =	shalt  }
0x4c: {  	_ =	shalt  }
0x4d: {  	_ =	shalt  }
0x4e: {  	_ =	shalt  }
0x4f: {  	_ =	shalt  }
0x50: {  	_ =	shalt  }
0x51: {  	_ =	shalt  }
0x52: {  	_ =	shalt  }
0x53: {  	_ =	shalt  }
0x54: {  	_ =	shalt  }
0x55: {  	_ =	shalt  }
0x56: {  	_ =	shalt  }
0x57: {  	_ =	shalt  }
0x58: {  	_ =	shalt  }
0x59: {  	_ =	shalt  }
0x5a: {  	_ =	shalt  }
0x5b: {  	_ =	shalt  }
0x5c: {  	_ =	shalt  }
0x5d: {  	_ =	shalt  }
0x5e: {  	_ =	shalt  }
0x5f: {  	_ =	shalt  }
0x60: {  	_ =	shalt  }
0x61: {  	_ =	shalt  }
0x62: {  	_ =	shalt  }
0x63: {  	_ =	shalt  }
0x64: {  	_ =	shalt  }
0x65: {  	_ =	shalt  }
0x66: {  	_ =	shalt  }
0x67: {  	_ =	shalt  }
0x68: {  	_ =	shalt  }
0x69: {  	_ =	shalt  }
0x6a: {  	_ =	shalt  }
0x6b: {  	_ =	shalt  }
0x6c: {  	_ =	shalt  }
0x6d: {  	_ =	shalt  }
0x6e: {  	_ =	shalt  }
0x6f: {  	_ =	shalt  }
0x70: {  	_ =	shalt  }
0x71: {  	_ =	shalt  }
0x72: {  	_ =	shalt  }
0x73: {  	_ =	shalt  }
0x74: {  	_ =	shalt  }
0x75: {  	_ =	shalt  }
0x76: {  	_ =	shalt  }
0x77: {  	_ =	shalt  }
0x78: {  	_ =	shalt  }
0x79: {  	_ =	shalt  }
0x7a: {  	_ =	shalt  }
0x7b: {  	_ =	shalt  }
0x7c: {  	_ =	shalt  }
0x7d: {  	_ =	shalt  }
0x7e: {  	_ =	shalt  }
0x7f: {  	_ =	shalt  }
0x80: {  	_ =	shalt  }
0x81: {  	_ =	shalt  }
0x82: {  	_ =	shalt  }
0x83: {  	_ =	shalt  }
0x84: {  	_ =	shalt  }
0x85: {  	_ =	shalt  }
0x86: {  	_ =	shalt  }
0x87: {  	_ =	shalt  }
.Lfunc_end0:
.L_simem_size_0:
called_computation_lowered:
.L_overlay_start_0:
0x88: {  	s2 =	sld [smem:$0x3FD9]  }
0x89: {  	s3 =	sld [smem:$0x3FFE];
	_ =	sdelay $0x1  }
0x8a: {  	s1 =	srdreg.scid  }
0x8b: {  	s0 =	sand.u32 $0x1, s1  }
0x8c: {  	s17 =	sshll.u32 s0, $0xA;
	s2 =	sadd.s32 s3, s2  }
0x8d: {  	s2 =	sadd.s32 s2, s17  }
0x8e: {  	[smem:$0x3FBF] =	sst s2  }
0x8f: {  	_ = 	snop  }
0x90: {  	s2 =	sld [smem:$0x3FC4]  }
0x91: {  	s18 =	sld [smem:$0x3FD0];
	(tm) =	ssettm $0x1  }
0x92: {  	s4 =	sld [smem:$0x3FFB];
	_ =	sdelay $0x3  }
0x93: {  	_ =	strace s4  }
0x94: {  	s4 =	sld [smem:$0x3FFC];
	_ =	sdelay $0x3  }
0x95: {  	_ =	strace s4  }
0x96: {  	s4 =	sld [smem:$0x3FFD];
	_ =	sdelay $0x3  }
0x97: {  	_ =	strace s4  }
0x98: {  	_ =	strace $0x8FFFFFFF  }
0x99: {  	s19 =	sld [smem:$0x3FDB];
	_ =	sdelay $0x1  }
0x9a: {  	s5 =	simm.s32 $_scs_section_size  }
0x9b: {  	s6 =	simm.s32 $_size__tile_overlayer_lowered;
	s7 =	simm.s32 $_tile_overlayer_lowered  }
0x9c: {  	s22 =	simm.s32 $0x1BFF;
	s21 =	sshll.u32 s7, $0x1;
	s4 =	sadd.s32 s5, s19  }
0x9d: {  	s8 =	simm.s32 $0x0;
	s20 =	sshll.u32 s6, $0x1;
	s6 =	sadd.s32 s21, s4  }
0x9e: {  	[timem:s8], [sflag:s22] =	dma.local [hbm:s6], s20  }
0x9f: {  	_ =	swait.ge [sflag:s22], s20  }
0xa0: {  	s5 =	ssub.s32 $0x0, s20;
	[sflag:s22] =	ssyncset.done $0x0  }
0xa1: {  	[sflag:s22] =	ssyncadd.s32 s5;
	_ =	sdelay $0x1  }
0xa2: {  	s23 =	simm.s32 $0x1B8B  }
0xa3: {  	_ =	swait.ge [sflag:s23], $0x1  }
0xa4: {  	[sflag:s23] =	ssyncset.done $0x0  }
0xa5: {  	s25 =	simm.s32 $0x1B8E;
	s24 =	sld [smem:$0x3FFE];
	[sflag:s23] =	ssyncadd.s32 $0xFFFFFFFF  }
0xa6: {  	s26 =	simm.s32 $execute0_lowered;
	[smem:$0x3FD2] =	sst s25  }
0xa7: {  	s6 =	sshll.u32 s26, $0x1;
	_ =	strace $0x80000046;
	[dreg:$0x1] =	wrdreg $0xFFFFFFFF  }
0xa8: {  	s28 =	simm.s32 $_size_execute0_lowered;
	s4 =	sadd.s32 s4, s6;
	[dreg:$0x0] =	wrdreg $0x0  }
0xa9: {  	s6 =	sshll.u32 s28, $0x1;
	[dreg:$0x2] =	wrdreg s4  }
0xaa: {  	[dreg:$0x3] =	wrdreg s6  }
0xab: {  	[dreg:$0x4] =	wrdreg $0xC0  }
0xac: {  	_ =	task [dreg:s8], $0x5FFFF  }
0xad: {  	[dreg:$0x1] =	wrdreg $0xFFFFFFFF  }
0xae: {  	[dreg:$0x0] =	wrdreg $0x60  }
0xaf: {  	[dreg:$0x2] =	wrdreg s24  }
0xb0: {  	[dreg:$0x3] =	wrdreg s18  }
0xb1: {  	[dreg:$0x4] =	wrdreg s2  }
0xb2: {  	[dreg:$0x5] =	wrdreg $0xA3000  }
0xb3: {  	[dreg:$0x6] =	wrdreg $0x9  }
0xb4: {  	_ =	task.clear_ibuf [dreg:s8], $0x7FFFF;
	_ =	strace $0x90000046  }
0xb5: {  	s29 =	simm.s32 $0x9;
	_ =	strace $0x80000048  }
0xb6: {  	_ =	swait.ge [sflag:s29], $0x1  }
0xb7: {  	[sflag:s29] =	ssyncadd.s32 $0xFFFFFFFF  }
0xb8: {  	_ =	strace $0x90000048  }
0xb9: {  	_ =	sfence  }
0xba: {  	s30 =	sld [smem:$0x0];
	_ =	sdelay $0x2  }
0xbb: {  	s31 =	sshll.u32 s1, $0xD;
	s1 =	sshrl.u32 s1, $0x2  }
0xbc: {  	s3 =	sand.u32 $0x4000, s31;
	s1 =	sadd.s32 s1, s30  }
0xbd: {  	s0 =	sor.u32 s3, s0;
	s1 =	sshll.u32 s1, $0x11  }
0xbe: {  	s0 =	sor.u32 s1, s0  }
0xbf: {  	s0 =	sadd.s32 $0x8F2B, s0  }
0xc0: {  	[sflag:s0] =	ssyncadd.remote.s32 $0x1  }
0xc1: {  	_ =	sfence.sel $0xFFFF  }
0xc2: {  	[dreg:$0x0] =	wrdreg $0xFFFFFFFF;
	(pc) =	sbr.abs _section_cstart, $3  }
0xc3: {  	[dreg:$0x1] =	wrdreg $0xFFFFFFFF  }
0xc4: {  	_ =	task.clear_ibuf [dreg:s8], $0x2FFFF;
	_ =	strace $0x9FFFFFFF  }
0xc5: {  	(tm) =	ssettm $0x7FFFFFFF  }
tec
execute0_lowered:
.L_overlay_start_1:
0x0: {  	(tag) =	ssettag $0x1  }
0x1: {  	s5 =	srdreg.scid;
	s24 =	stileid.u32  }
0x2: {  	s5 =	sand.u32 $0x1, s5;
	s9 =	smul.u32 $0x2800, s24  }
0x3: {  	s0 =	rddreg [dreg:$0x0];
	s8 =	sor.u32 $0x10, s24;
	s6 =	smul.u32 $0x138800, s5  }
0x4: {  	s1 =	rddreg [dreg:$0x1];
	s11 =	sor.u32 $0x20, s24;
	s12 =	smul.u32 $0x2800, s8  }
0x5: {  	s2 =	rddreg [dreg:$0x2];
	s14 =	sor.u32 $0x30, s24;
	s15 =	smul.u32 $0x2800, s11  }
0x6: {  	s3 =	rddreg [dreg:$0x3];
	s17 =	sor.u32 $0x50, s24;
	s16 =	smul.u32 $0x2800, s14  }
0x7: {  	s4 =	simm.s32 $0x0;
	s19 =	sor.u32 $0x60, s24;
	s20 =	smul.u32 $0x2800, s17  }
0x8: {  	[smem:$0x7FF] =	sst s4;
	s21 =	sor.u32 $0x70, s24;
	s22 =	smul.u32 $0x2800, s19  }
0x9: {  	s7 =	sadd.s32 $0xEF200, s0;
	_ =	strace $0x80000047;
	s23 =	smul.u32 $0x2800, s21  }
0xa: {  	s10 =	ssub.s32 $0x2, s5;
	s5 =	sshll.u32 s5, $0x4;
	s14 =	smul.u32 $0xA000, s14  }
0xb: {  	p0 =	sgt.u32 s21, $0x7C;
	s13 =	sshrl.u32 s10, $0x1;
	s5 =	sor.u32 s24, s5  }
0xc: {  	s10 =	ssub.s32 s10, s13;
	s13 =	sor.u32 $0x40, s24;
	s9 =	sadd.s32 s6, s9  }
0xd: {  	s12 =	sadd.s32 s6, s12;
	s15 =	sadd.s32 s6, s15;
	s16 =	sadd.s32 s6, s16  }
0xe: {  	s20 =	sadd.s32 s6, s20;
	s22 =	sadd.s32 s6, s22;
	s23 =	sadd.s32 s6, s23  }
0xf: {  	s18 =	smul.u32 $0x2800, s13;
	s9 =	sshrl.u32 s9, $0x3;
	s12 =	sshrl.u32 s12, $0x3  }
0x10: {  	s25 =	sshrl.u32 s15, $0x3;
	s26 =	sshrl.u32 s16, $0x3;
	s15 =	sshrl.u32 s20, $0x3  }
0x11: {  	s16 =	sshrl.u32 s22, $0x3;
	s10 =	smax.u32 s10, $0x1;
	s9 =	sadd.s32 s7, s9  }
0x12: {  	s12 =	sadd.s32 s7, s12;
	[dreg:$0x12] =	wrdreg s10;
	s10 =	simm.s32 $0x8  }
0x13: {  	s18 =	sadd.s32 s6, s18;
	s6 =	smul.u32 $0xC40, s5;
	[dreg:$0x5] =	wrdreg s9  }
0x14: {  	s5 =	smul.u32 $0x930, s5;
	[dreg:$0x6] =	wrdreg s12;
	s9 =	sadd.s32 s7, s25  }
0x15: {  	[dreg:$0x7] =	wrdreg s9;
	s31 =	sshrl.u32 s18, $0x3;
	s9 =	sadd.s32 s7, s26  }
0x16: {  	s18 =	sshrl.u32 s23, $0x3;
	[dreg:$0x8] =	wrdreg s9;
	s12 =	sadd.s32 s7, s31  }
0x17: {  	s9 =	sadd.s32 s7, s15;
	s20 =	sor.u32 $0x10, s6;
	s15 =	sadd.s32 $0x4C00, s0  }
0x18: {  	s23 =	sadd.s32 s1, s5;
	s25 =	sshrl.u32 s6, $0x3;
	[dreg:$0x9] =	wrdreg s12  }
0x19: {  	s31 =	smul.u32 $0xA000, s8;
	[dreg:$0xa] =	wrdreg s9;
	s9 =	sadd.s32 s7, s16  }
0x1a: {  	s7 =	sadd.s32 s7, s18;
	s16 =	sadd.s32 $0x1A00, s0;
	s22 =	smul.u32 $0x6, s20  }
0x1b: {  	s0 =	sadd.s32 $0x1800, s0;
	[dreg:$0xe] =	wrdreg s23;
	s12 =	smul.u32 $0xA000, s11  }
0x1c: {  	s8 =	sshrl.u32 s20, $0x3;
	s18 =	smul.u32 $0xA000, s13;
	s20 =	sshrl.u32 s14, $0x2  }
0x1d: {  	s13 =	simm.s32 $0x10;
	s14 =	simm.s32 $0x2;
	[dreg:$0xb] =	wrdreg s9  }
0x1e: {  	s11 =	simm.s32 $0x100;
	[dreg:$0xc] =	wrdreg s7;
	s9 =	smul.u32 $0xA000, s24  }
0x1f: {  	[dreg:$0xd] =	wrdreg s0;
	s0 =	sadd.s32 s16, s25;
	s24 =	smul.u32 $0xA000, s19  }
0x20: {  	s5 =	sshrl.u32 s31, $0x2;
	s23 =	sadd.s32 s20, s3;
	s25 =	smul.u32 $0xA000, s21  }
0x21: {  	s19 =	simm.s32 $0x9A80;
	s20 =	simm.s32 $0x5;
	s21 =	simm.s32 $0x7  }
0x22: {  	[dreg:$0xf] =	wrdreg s0;
	s26 =	sshrl.u32 s22, $0x3;
	s29 =	sadd.s32 s5, s3  }
0x23: {  	s22 =	smul.u32 $0xA000, s17;
	[dreg:$0x16] =	wrdreg s23;
	s5 =	sshrl.u32 s18, $0x2  }
0x24: {  	s17 =	simm.s32 $0x4;
	s18 =	simm.s32 $0x3280;
	s23 =	simm.s32 $0x0  }
0x25: {  	s0 =	sadd.s32 s1, s26;
	s7 =	sshrl.u32 s9, $0x2;
	s5 =	sadd.s32 s5, s3  }
0x26: {  	s31 =	sshrl.u32 s25, $0x2;
	s9 =	simm.s32 $0x200;
	[dreg:$0x14] =	wrdreg s29  }
0x27: {  	[dreg:$0x10] =	wrdreg s0;
	s0 =	sadd.s32 s16, s8;
	s28 =	sadd.s32 s7, s3  }
0x28: {  	[dreg:$0x17] =	wrdreg s5;
	s26 =	sshrl.u32 s22, $0x2;
	s8 =	simm.s32 $0x80  }
0x29: {  	s22 =	simm.s32 $0x6;
	[dreg:$0x11] =	wrdreg s0;
	s0 =	sshrl.u32 s12, $0x2  }
.Ltmp0:
0x2a: {  	s5 =	sadd.s32 s26, s3;
	[dreg:$0x13] =	wrdreg s28;
	(pc) =	sbr.rel .LBB2_1-.Ltmp0, $4  }
0x2b: {  	s30 =	sadd.s32 s0, s3;
	s0 =	sshrl.u32 s24, $0x2;
	[dreg:$0x18] =	wrdreg s5  }
0x2c: {  	s7 =	simm.s32 $0x9;
	s0 =	sadd.s32 s0, s3;
	[dreg:$0x15] =	wrdreg s30  }
0x2d: {  	s12 =	simm.s32 $0x60;
	[dreg:$0x19] =	wrdreg s0;
	s0 =	sadd.s32 s31, s3  }
0x2e: {  	v0 =	vimm.f32 $0.0e+00;
	s5 =	simm.s32 $0x6280;
	[dreg:$0x1a] =	wrdreg s0;
	s0 =	simm.s32 $0xA  }
.LBB2_10:
0x2f: {  	[spmem:s3] =	stream.indirect.scatter.add.f32 [tilespmem:s5], [sflag:$0x9], $0x80, s11, s12, $0xb8;
	[tilespmem:$0x1DB80] =	vst v63  }
0x30: {  	_ =	swait.ge [sflag:s7], $0x3000  }
0x31: {  	[sflag:s7] =	ssyncset.done $0x0  }
0x32: {  	[sflag:s7] =	ssyncadd.s32 $0xFFFFD000  }
0x33: {  	s24 =	stileid.u32;
	[bflag:$0x0] =	sbarrier.arrive $0xFFFF  }
0x34: {  	s24 =	sshll.u32 s24, $0x6;
	s28 =	rddreg [dreg:$0x13]  }
0x35: {  	s24 =	sor.u32 $0x1C0A, s24;
	s26 =	rddreg [dreg:$0x5];
	s25 =	sshrl.u32 s28, $0x3  }
0x36: {  	[hbm:s26], [sflag:s24] =	dma.local [spmem:s25], $0x500  }
0x37: {  	_ =	swait.ge [sflag:s0], $0x500  }
0x38: {  	[sflag:s0] =	ssyncset.done $0x0;
	s29 =	rddreg [dreg:$0x14]  }
0x39: {  	s31 =	rddreg [dreg:$0x6];
	[sflag:s0] =	ssyncadd.s32 $0xFFFFFB00;
	s26 =	sshrl.u32 s29, $0x3  }
0x3a: {  	[hbm:s31], [sflag:s24] =	dma.local [spmem:s26], $0x500  }
0x3b: {  	_ =	swait.ge [sflag:s0], $0x500  }
0x3c: {  	[sflag:s0] =	ssyncset.done $0x0;
	s30 =	rddreg [dreg:$0x15]  }
0x3d: {  	s31 =	rddreg [dreg:$0x7];
	[sflag:s0] =	ssyncadd.s32 $0xFFFFFB00;
	s26 =	sshrl.u32 s30, $0x3  }
0x3e: {  	[hbm:s31], [sflag:s24] =	dma.local [spmem:s26], $0x500  }
0x3f: {  	_ =	swait.ge [sflag:s0], $0x500  }
0x40: {  	[sflag:s0] =	ssyncset.done $0x0;
	s26 =	rddreg [dreg:$0x16]  }
0x41: {  	s31 =	rddreg [dreg:$0x8];
	[sflag:s0] =	ssyncadd.s32 $0xFFFFFB00;
	s25 =	sshrl.u32 s26, $0x3  }
0x42: {  	[hbm:s31], [sflag:s24] =	dma.local [spmem:s25], $0x500  }
0x43: {  	_ =	swait.ge [sflag:s0], $0x500  }
0x44: {  	[sflag:s0] =	ssyncset.done $0x0;
	s26 =	rddreg [dreg:$0x17]  }
0x45: {  	s31 =	rddreg [dreg:$0x9];
	[sflag:s0] =	ssyncadd.s32 $0xFFFFFB00;
	s25 =	sshrl.u32 s26, $0x3  }
0x46: {  	[hbm:s31], [sflag:s24] =	dma.local [spmem:s25], $0x500  }
0x47: {  	_ =	swait.ge [sflag:s0], $0x500  }
0x48: {  	[sflag:s0] =	ssyncset.done $0x0;
	s26 =	rddreg [dreg:$0x18]  }
0x49: {  	s31 =	rddreg [dreg:$0xa];
	[sflag:s0] =	ssyncadd.s32 $0xFFFFFB00;
	s25 =	sshrl.u32 s26, $0x3  }
0x4a: {  	[hbm:s31], [sflag:s24] =	dma.local [spmem:s25], $0x500  }
0x4b: {  	_ =	swait.ge [sflag:s0], $0x500  }
0x4c: {  	[sflag:s0] =	ssyncset.done $0x0;
	s26 =	rddreg [dreg:$0x19]  }
0x4d: {  	s31 =	rddreg [dreg:$0xb];
	[sflag:s0] =	ssyncadd.s32 $0xFFFFFB00;
	s25 =	sshrl.u32 s26, $0x3  }
0x4e: {  	[hbm:s31], [sflag:s24] =	dma.local [spmem:s25], $0x500  }
0x4f: {  	_ =	swait.ge [sflag:s0], $0x500  }
0x50: {  	[sflag:s0] =	ssyncset.done $0x0;
	s25 =	rddreg [dreg:$0x1a]  }
0x51: {  	s26 =	rddreg [dreg:$0xc];
	[sflag:s0] =	ssyncadd.s32 $0xFFFFFB00;
	s25 =	sshrl.u32 @!p0 s25, $0x3  }
0x52: {  	[hbm:s26], [sflag:s24] =	dma.local @!p0 [spmem:s25], $0x500  }
0x53: {  	s24 =	simm.s32 @!p0 $0xA  }
0x54: {  	_ =	swait.ge @!p0 [sflag:s24], $0x500  }
0x55: {  	s23 =	sadd.s32 $0x1, s23;
	s31 =	rddreg [dreg:$0x12]  }
0x56: {  	p1 =	sne.s32 s23, s31  }
.Ltmp1:
0x57: {  	_ = 	snop;
	(pc) =	sbr.rel @!p1 .LBB2_11-.Ltmp1, $3  }
0x58: {  	_ =	sdelay $0x1  }
0x59: {  	[sflag:s24] =	ssyncset.done @!p0 $0x0  }
0x5a: {  	[sflag:s24] =	ssyncadd.s32 @!p0 $0xFFFFFB00  }
.LBB2_1:
0x5b: {  	s24 =	rddreg [dreg:$0xd];
	s25 =	simm.s32 $0xA280  }
0x5c: {  	[tilespmem:s25], [sflag:$0xA] =	stream.linear.gather [hbm4b:s24+s4], $0x80, $0x38;
	[tilespmem:$0x1DB80] =	vst v63  }
0x5d: {  	_ =	swait.ge [sflag:s0], $0x80  }
0x5e: {  	[sflag:s0] =	ssyncset.done $0x0  }
0x5f: {  	s24 =	simm.s32 $0x0;
	s25 =	simm.s32 $0x200;
	[sflag:s0] =	ssyncadd.s32 $0xFFFFFF80  }
.LBB2_2:
0x60: {  	p1 =	sne.s32 s25, $0x9E00;
	[tilespmem:s24+$0x62F0] =	vst v0  }
0x61: {  	[tilespmem:s24+$0x6280] =	vst v0  }
0x62: {  	[tilespmem:s24+$0x6290] =	vst v0  }
.Ltmp2:
0x63: {  	[tilespmem:s24+$0x62A0] =	vst v0;
	(pc) =	sbr.rel @p1 .LBB2_2-.Ltmp2, $4  }
0x64: {  	[tilespmem:s24+$0x62B0] =	vst v0  }
0x65: {  	[tilespmem:s24+$0x62C0] =	vst v0  }
0x66: {  	[tilespmem:s24+$0x62D0] =	vst v0  }
0x67: {  	[tilespmem:s24+$0x62E0] =	vst v0;
	s24 =	sshra.s32 s25, $0x2;
	s25 =	sadd.s32 $0x200, s25  }
0x68: {  	[tilespmem:s24+$0x62F0] =	vst v0  }
0x69: {  	[tilespmem:s24+$0x6280] =	vst v0  }
0x6a: {  	[tilespmem:s24+$0x6290] =	vst v0  }
0x6b: {  	[tilespmem:s24+$0x62A0] =	vst v0  }
0x6c: {  	[tilespmem:s24+$0x62B0] =	vst v0  }
0x6d: {  	[tilespmem:s24+$0x62C0] =	vst v0  }
0x6e: {  	[tilespmem:s24+$0x62D0] =	vst v0  }
0x6f: {  	[tilespmem:s24+$0x62E0] =	vst v0  }
0x70: {  	[spmem:s28] =	stream.linear.scatter [tilespmem:s5], [sflag:$0xA], $0x2800, $0x38;
	[tilespmem:$0x1DB80] =	vst v63  }
0x71: {  	_ =	swait.ge [sflag:s0], $0x2800  }
0x72: {  	[sflag:s0] =	ssyncset.done $0x0  }
0x73: {  	[sflag:s0] =	ssyncadd.s32 $0xFFFFD800  }
0x74: {  	[spmem:s29] =	stream.linear.scatter [tilespmem:s5], [sflag:$0xA], $0x2800, $0x38;
	[tilespmem:$0x1DB80] =	vst v63  }
0x75: {  	_ =	swait.ge [sflag:s0], $0x2800  }
0x76: {  	[sflag:s0] =	ssyncset.done $0x0  }
0x77: {  	[sflag:s0] =	ssyncadd.s32 $0xFFFFD800  }
0x78: {  	[spmem:s30] =	stream.linear.scatter [tilespmem:s5], [sflag:$0xA], $0x2800, $0x38;
	[tilespmem:$0x1DB80] =	vst v63  }
0x79: {  	_ =	swait.ge [sflag:s0], $0x2800  }
0x7a: {  	[sflag:s0] =	ssyncset.done $0x0  }
0x7b: {  	s30 =	rddreg [dreg:$0x16];
	[sflag:s0] =	ssyncadd.s32 $0xFFFFD800  }
0x7c: {  	[spmem:s30] =	stream.linear.scatter [tilespmem:s5], [sflag:$0xA], $0x2800, $0x38;
	[tilespmem:$0x1DB80] =	vst v63  }
0x7d: {  	_ =	swait.ge [sflag:s0], $0x2800  }
0x7e: {  	[sflag:s0] =	ssyncset.done $0x0  }
0x7f: {  	s31 =	rddreg [dreg:$0x17];
	[sflag:s0] =	ssyncadd.s32 $0xFFFFD800  }
0x80: {  	[spmem:s31] =	stream.linear.scatter [tilespmem:s5], [sflag:$0xA], $0x2800, $0x38;
	[tilespmem:$0x1DB80] =	vst v63  }
0x81: {  	_ =	swait.ge [sflag:s0], $0x2800  }
0x82: {  	[sflag:s0] =	ssyncset.done $0x0  }
0x83: {  	s25 =	rddreg [dreg:$0x18];
	[sflag:s0] =	ssyncadd.s32 $0xFFFFD800  }
0x84: {  	[spmem:s25] =	stream.linear.scatter [tilespmem:s5], [sflag:$0xA], $0x2800, $0x38;
	[tilespmem:$0x1DB80] =	vst v63  }
0x85: {  	_ =	swait.ge [sflag:s0], $0x2800  }
0x86: {  	[sflag:s0] =	ssyncset.done $0x0  }
0x87: {  	s26 =	rddreg [dreg:$0x19];
	[sflag:s0] =	ssyncadd.s32 $0xFFFFD800  }
0x88: {  	[spmem:s26] =	stream.linear.scatter [tilespmem:s5], [sflag:$0xA], $0x2800, $0x38;
	[tilespmem:$0x1DB80] =	vst v63  }
0x89: {  	_ =	swait.ge [sflag:s0], $0x2800  }
0x8a: {  	[sflag:s0] =	ssyncset.done $0x0  }
0x8b: {  	s24 =	simm.s32 @!p0 $0x6280;
	s25 =	rddreg [dreg:$0x1a];
	[sflag:s0] =	ssyncadd.s32 $0xFFFFD800  }
0x8c: {  	[spmem:s25] =	stream.linear.scatter @!p0 [tilespmem:s24], [sflag:$0xA], $0x2800, $0x38;
	[tilespmem:$0x1DB80] =	vst v63  }
0x8d: {  	s24 =	simm.s32 @!p0 $0xA  }
0x8e: {  	_ =	swait.ge @!p0 [sflag:s24], $0x2800  }
0x8f: {  	[sflag:s24] =	ssyncset.done @!p0 $0x0  }
0x90: {  	[sflag:s24] =	ssyncadd.s32 @!p0 $0xFFFFD800  }
0x91: {  	[bflag:$0x0] =	sbarrier.arrive $0xFFFF  }
0x92: {  	s24 =	simm.s32 $0x0;
	s28 =	rddreg [dreg:$0xe]  }
0x93: {  	[tilespmem:s24], [sflag:$0x1] =	stream.linear.gather [hbm4b:s28+s24], $0x60, $0x38;
	[tilespmem:$0x1DB80] =	vst v63  }
0x94: {  	s26 =	simm.s32 $0x180;
	s29 =	rddreg [dreg:$0xf]  }
0x95: {  	[tilespmem:s26], [sflag:$0x3] =	stream.linear.gather [hbm4b:s29+s24], $0x10, $0x38;
	[tilespmem:$0x1DB80] =	vst v63  }
0x96: {  	s30 =	rddreg [dreg:$0x10]  }
0x97: {  	[tilespmem:s8], [sflag:$0x2] =	stream.linear.gather [hbm4b:s30+s24], $0x60, $0x38;
	[tilespmem:$0x1DB80] =	vst v63  }
0x98: {  	s31 =	rddreg [dreg:$0x11];
	s28 =	simm.s32 $0x1  }
0x99: {  	[tilespmem:s9], [sflag:$0x4] =	stream.linear.gather [hbm4b:s31+s24], $0x10, $0x38;
	[tilespmem:$0x1DB80] =	vst v63  }
0x9a: {  	_ =	swait.ge [sflag:s28], $0x60  }
0x9b: {  	[sflag:s28] =	ssyncset.done $0x0  }
0x9c: {  	s29 =	simm.s32 $0x3;
	[sflag:s28] =	ssyncadd.s32 $0xFFFFFFA0  }
0x9d: {  	_ =	swait.ge [sflag:s29], $0x10  }
0x9e: {  	[sflag:s29] =	ssyncset.done $0x0  }
0x9f: {  	s30 =	simm.s32 $0x280;
	[sflag:s29] =	ssyncadd.s32 $0xFFFFFFF0  }
0xa0: {  	[tilespmem:s30], [sflag:$0x5] =	stream.indirect.gather [hbm4b:s15+s12], $0x80, s24, s12, $0xb8;
	[tilespmem:$0x1DB80] =	vst v63  }
0xa1: {  	s31 =	simm.s32 $0x9280  }
0xa2: {  	[tilespmem:s31], [sflag:$0x7] =	stream.indirect.gather [hbm4b:s2+s13], $0x80, s26, s13, $0xb8;
	[tilespmem:$0x1DB80] =	vst v63  }
.LBB2_4:
0xa3: {  	_ =	swait.ge [sflag:s14], $0x60  }
0xa4: {  	[sflag:s14] =	ssyncset.done $0x0  }
0xa5: {  	[sflag:s14] =	ssyncadd.s32 $0xFFFFFFA0  }
0xa6: {  	_ =	swait.ge [sflag:s17], $0x10  }
0xa7: {  	[sflag:s17] =	ssyncset.done $0x0  }
0xa8: {  	[sflag:s17] =	ssyncadd.s32 $0xFFFFFFF0  }
0xa9: {  	[tilespmem:s18], [sflag:$0x6] =	stream.indirect.gather [hbm4b:s15+s12], $0x80, s8, s12, $0xb8;
	[tilespmem:$0x1DB80] =	vst v63  }
0xaa: {  	_ = 	snop  }
0xab: {  	[tilespmem:s19], [sflag:$0x8] =	stream.indirect.gather [hbm4b:s2+s13], $0x80, s9, s13, $0xb8;
	[tilespmem:$0x1DB80] =	vst v63  }
0xac: {  	_ =	swait.ge [sflag:s20], $0x3000  }
0xad: {  	p1 =	seq.s32 s24, $0x0;
	[sflag:s20] =	ssyncset.done $0x0  }
0xae: {  	s25 =	simm.s32 @!p1 $0x9;
	[sflag:s20] =	ssyncadd.s32 $0xFFFFD000  }
0xaf: {  	_ =	swait.ge @!p1 [sflag:s25], $0x3000  }
0xb0: {  	[sflag:s25] =	ssyncset.done @!p1 $0x0  }
0xb1: {  	[sflag:s25] =	ssyncadd.s32 @!p1 $0xFFFFD000  }
0xb2: {  	v1 =	vld [tilespmem:$0x0]  }
0xb3: {  	v2 =	vld [tilespmem:$0xA280]  }
0xb4: {  	v3 =	vld [tilespmem:$0x10]  }
0xb5: {  	v4 =	vld [tilespmem:$0xA290]  }
0xb6: {  	v5 =	vld [tilespmem:$0x20]  }
0xb7: {  	v6 =	vld [tilespmem:$0xA2A0]  }
0xb8: {  	v7 =	vld [tilespmem:$0x30]  }
0xb9: {  	v8 =	vld [tilespmem:$0xA2B0]  }
0xba: {  	v9 =	vld [tilespmem:$0x40]  }
0xbb: {  	v10 =	vld [tilespmem:$0xA2C0]  }
0xbc: {  	s25 =	sshll.u32 s24, $0x1;
	v11 =	vld [tilespmem:$0x50]  }
0xbd: {  	p1 =	seq.s32 s24, $0x61;
	s26 =	sadd.s32 $0x2, s25;
	v1 =	vsub.s32 v1, v2;
	v2 =	vld [tilespmem:$0xA2D0]  }
0xbe: {  	s26 =	sshll.u32 @!p1 s26, $0x4;
	[tilespmem:$0x100] =	vst v1;
	v1 =	vsub.s32 v3, v4  }
0xbf: {  	s26 =	sadd.s32 @!p1 s6, s26;
	[tilespmem:$0x110] =	vst v1;
	v1 =	vsub.s32 v5, v6  }
0xc0: {  	s28 =	smul.u32 @!p1 $0x6, s26;
	[tilespmem:$0x120] =	vst v1;
	v1 =	vsub.s32 v7, v8  }
0xc1: {  	[tilespmem:$0x130] =	vst v1;
	v1 =	vsub.s32 v9, v10  }
0xc2: {  	s28 =	sshrl.u32 @!p1 s28, $0x3;
	[tilespmem:$0x140] =	vst v1;
	v1 =	vsub.s32 v11, v2  }
0xc3: {  	s29 =	simm.s32 @!p1 $0x0;
	s28 =	sadd.s32 @!p1 s1, s28;
	[tilespmem:$0x150] =	vst v1  }
0xc4: {  	[tilespmem:s29], [sflag:$0x1] =	stream.linear.gather @!p1 [hbm4b:s28+s29], $0x60, $0x38;
	[tilespmem:$0x1DB80] =	vst v63  }
0xc5: {  	_ =	swait.ge [sflag:s21], $0x800  }
0xc6: {  	[sflag:s21] =	ssyncset.done $0x0  }
0xc7: {  	s28 =	simm.s32 $0x0;
	[sflag:s21] =	ssyncadd.s32 $0xFFFFF800  }
.LBB2_5:
0xc8: {  	s29 =	smul.u32 $0x600, s28;
	_ =	sdelay $0x1  }
0xc9: {  	v1 =	vld [tilespmem:s29+$0x480]  }
0xca: {  	v2 =	vld [tilespmem:s29+$0x500]  }
0xcb: {  	v3 =	vld [tilespmem:s29+$0x280]  }
0xcc: {  	v4 =	vld [tilespmem:s29+$0x400]  }
0xcd: {  	v5 =	vld [tilespmem:s29+$0x300]  }
0xce: {  	v6 =	vld [tilespmem:s29+$0x380]  }
0xcf: {  	s30 =	sshll.u32 s28, $0x8;
	v7 =	vmul.f32 v2, v1  }
0xd0: {  	s30 =	sand.u32 $0x3FFFFF00, s30  }
0xd1: {  	v10 =	vld [tilespmem:s30+$0x9280];
	v8 =	vmul.f32 v7, v4  }
0xd2: {  	v9 =	vmul.f32 v5, v3  }
0xd3: {  	v11 =	vmul.f32 v8, v6  }
0xd4: {  	v6 =	vmul.f32 v6, v9;
	v8 =	vmul.f32 v8, v9  }
0xd5: {  	v5 =	vmul.f32 v11, v5;
	v3 =	vmul.f32 v11, v3  }
0xd6: {  	v38 =	vld [tilespmem:s29+$0x490];
	v4 =	vmul.f32 v4, v6;
	v41 =	vmul.f32 v8, v10  }
0xd7: {  	v39 =	vld [tilespmem:s29+$0x510];
	v6 =	vmul.f32 v7, v6;
	v3 =	vmul.f32 v3, v10  }
0xd8: {  	v40 =	vld [tilespmem:s29+$0x290];
	v5 =	vmul.f32 v5, v10;
	v2 =	vmul.f32 v2, v4;
	[tilespmem:s29+$0x6380] =	vst v41  }
0xd9: {  	v43 =	vld [tilespmem:s29+$0x310];
	v1 =	vmul.f32 v1, v4;
	[tilespmem:s29+$0x6300] =	vst v3;
	v3 =	vmul.f32 v6, v10  }
0xda: {  	v42 =	vld [tilespmem:s29+$0x410];
	[tilespmem:s29+$0x6280] =	vst v5;
	v2 =	vmul.f32 v10, v2  }
0xdb: {  	v44 =	vld [tilespmem:s29+$0x390];
	v1 =	vmul.f32 v10, v1;
	[tilespmem:s29+$0x6400] =	vst v3  }
0xdc: {  	[tilespmem:s29+$0x6480] =	vst v2  }
0xdd: {  	v3 =	vmul.f32 v39, v38;
	[tilespmem:s29+$0x6500] =	vst v1  }
0xde: {  	v2 =	vmul.f32 v43, v40;
	v45 =	vld [tilespmem:s30+$0x9290]  }
0xdf: {  	v1 =	vmul.f32 v3, v42  }
0xe0: {  	v5 =	vmul.f32 v44, v2  }
0xe1: {  	v46 =	vmul.f32 v1, v44;
	v1 =	vmul.f32 v1, v2  }
0xe2: {  	v8 =	vmul.f32 v42, v5;
	v3 =	vmul.f32 v3, v5  }
0xe3: {  	v47 =	vld [tilespmem:s29+$0x4A0];
	v4 =	vmul.f32 v46, v43;
	v1 =	vmul.f32 v1, v45  }
0xe4: {  	v48 =	vld [tilespmem:s29+$0x2A0];
	v7 =	vmul.f32 v46, v40;
	v3 =	vmul.f32 v3, v45  }
0xe5: {  	v2 =	vld [tilespmem:s29+$0x520];
	v49 =	vmul.f32 v39, v8;
	v4 =	vmul.f32 v4, v45;
	[tilespmem:s29+$0x6390] =	vst v1  }
0xe6: {  	v51 =	vld [tilespmem:s29+$0x320];
	v8 =	vmul.f32 v38, v8;
	v7 =	vmul.f32 v7, v45;
	[tilespmem:s29+$0x6410] =	vst v3  }
0xe7: {  	v50 =	vld [tilespmem:s29+$0x420];
	v1 =	vmul.f32 v45, v49;
	[tilespmem:s29+$0x6290] =	vst v4  }
0xe8: {  	v52 =	vld [tilespmem:s29+$0x3A0];
	v3 =	vmul.f32 v45, v8;
	[tilespmem:s29+$0x6310] =	vst v7  }
0xe9: {  	[tilespmem:s29+$0x6490] =	vst v1  }
0xea: {  	v53 =	vmul.f32 v2, v47;
	[tilespmem:s29+$0x6510] =	vst v3  }
0xeb: {  	v3 =	vmul.f32 v51, v48;
	v54 =	vld [tilespmem:s30+$0x92A0]  }
0xec: {  	v1 =	vmul.f32 v53, v50  }
0xed: {  	v4 =	vmul.f32 v52, v3  }
0xee: {  	v55 =	vmul.f32 v1, v52;
	v1 =	vmul.f32 v1, v3  }
0xef: {  	v56 =	vld [tilespmem:s29+$0x4B0];
	v9 =	vmul.f32 v50, v4;
	v4 =	vmul.f32 v53, v4  }
0xf0: {  	v57 =	vld [tilespmem:s29+$0x2B0];
	v7 =	vmul.f32 v55, v51;
	v1 =	vmul.f32 v1, v54  }
0xf1: {  	v3 =	vld [tilespmem:s29+$0x530];
	v5 =	vmul.f32 v55, v48;
	v4 =	vmul.f32 v4, v54  }
0xf2: {  	v58 =	vld [tilespmem:s29+$0x430];
	v2 =	vmul.f32 v2, v9;
	v7 =	vmul.f32 v7, v54;
	[tilespmem:s29+$0x63A0] =	vst v1  }
0xf3: {  	v59 =	vld [tilespmem:s29+$0x330];
	v9 =	vmul.f32 v47, v9;
	v5 =	vmul.f32 v5, v54;
	[tilespmem:s29+$0x6420] =	vst v4  }
0xf4: {  	v1 =	vmul.f32 v54, v2;
	[tilespmem:s29+$0x62A0] =	vst v7  }
0xf5: {  	v2 =	vld [tilespmem:s29+$0x3B0];
	v60 =	vmul.f32 v54, v9;
	[tilespmem:s29+$0x6320] =	vst v5  }
0xf6: {  	v61 =	vmul.f32 v3, v56;
	[tilespmem:s29+$0x64A0] =	vst v1  }
0xf7: {  	[tilespmem:s29+$0x6520] =	vst v60  }
0xf8: {  	v62 =	vmul.f32 v59, v57;
	v1 =	vmul.f32 v61, v58;
	v63 =	vld [tilespmem:s30+$0x92B0];
	_ =	sdelay $0x1  }
0xf9: {  	v12 =	vmul.f32 v1, v2;
	v2 =	vmul.f32 v2, v62  }
0xfa: {  	v1 =	vmul.f32 v1, v62  }
0xfb: {  	v13 =	vld [tilespmem:s29+$0x4C0];
	v5 =	vmul.f32 v12, v59;
	v7 =	vmul.f32 v58, v2  }
0xfc: {  	v14 =	vld [tilespmem:s29+$0x540];
	v6 =	vmul.f32 v12, v57;
	v1 =	vmul.f32 v1, v63  }
0xfd: {  	v15 =	vld [tilespmem:s29+$0x2C0];
	v2 =	vmul.f32 v61, v2;
	v5 =	vmul.f32 v5, v63  }
0xfe: {  	v16 =	vld [tilespmem:s29+$0x440];
	v6 =	vmul.f32 v6, v63;
	v3 =	vmul.f32 v3, v7;
	[tilespmem:s29+$0x63B0] =	vst v1  }
0xff: {  	v17 =	vld [tilespmem:s29+$0x340];
	v7 =	vmul.f32 v56, v7;
	v2 =	vmul.f32 v2, v63;
	[tilespmem:s29+$0x62B0] =	vst v5  }
0x100: {  	[tilespmem:s29+$0x6330] =	vst v6;
	v1 =	vmul.f32 v63, v3  }
0x101: {  	v3 =	vld [tilespmem:s29+$0x3C0];
	[tilespmem:s29+$0x6430] =	vst v2;
	v2 =	vmul.f32 v63, v7  }
0x102: {  	v18 =	vmul.f32 v14, v13;
	[tilespmem:s29+$0x64B0] =	vst v1  }
0x103: {  	[tilespmem:s29+$0x6530] =	vst v2  }
0x104: {  	v1 =	vmul.f32 v18, v16;
	v2 =	vmul.f32 v17, v15;
	v19 =	vld [tilespmem:s30+$0x92C0];
	_ =	sdelay $0x1  }
0x105: {  	v20 =	vmul.f32 v1, v3;
	v3 =	vmul.f32 v3, v2  }
0x106: {  	v1 =	vmul.f32 v1, v2  }
0x107: {  	v21 =	vld [tilespmem:s29+$0x4D0];
	v6 =	vmul.f32 v20, v17;
	v5 =	vmul.f32 v16, v3  }
0x108: {  	v2 =	vld [tilespmem:s29+$0x550];
	v8 =	vmul.f32 v20, v15;
	v1 =	vmul.f32 v1, v19  }
0x109: {  	v22 =	vld [tilespmem:s29+$0x2D0];
	v3 =	vmul.f32 v18, v3;
	v6 =	vmul.f32 v6, v19  }
0x10a: {  	v23 =	vld [tilespmem:s29+$0x450];
	v8 =	vmul.f32 v8, v19;
	v4 =	vmul.f32 v14, v5;
	[tilespmem:s29+$0x63C0] =	vst v1  }
0x10b: {  	v24 =	vld [tilespmem:s29+$0x350];
	v5 =	vmul.f32 v13, v5;
	v3 =	vmul.f32 v3, v19;
	[tilespmem:s29+$0x62C0] =	vst v6  }
0x10c: {  	v25 =	vld [tilespmem:s29+$0x3D0];
	[tilespmem:s29+$0x6340] =	vst v8;
	v1 =	vmul.f32 v19, v4  }
0x10d: {  	v26 =	vmul.f32 v2, v21;
	[tilespmem:s29+$0x6440] =	vst v3;
	v3 =	vmul.f32 v19, v5  }
0x10e: {  	[tilespmem:s29+$0x64C0] =	vst v1  }
0x10f: {  	[tilespmem:s29+$0x6540] =	vst v3;
	v1 =	vmul.f32 v26, v23  }
0x110: {  	v27 =	vld [tilespmem:s30+$0x92D0]  }
0x111: {  	v3 =	vmul.f32 v24, v22;
	v28 =	vmul.f32 v1, v25;
	_ =	sdelay $0x1  }
0x112: {  	v4 =	vmul.f32 v25, v3;
	v8 =	vmul.f32 v28, v24  }
0x113: {  	v29 =	vld [tilespmem:s29+$0x4E0];
	v1 =	vmul.f32 v1, v3;
	v7 =	vmul.f32 v28, v22  }
0x114: {  	v30 =	vld [tilespmem:s29+$0x2E0];
	v6 =	vmul.f32 v23, v4;
	v8 =	vmul.f32 v8, v27  }
0x115: {  	v3 =	vld [tilespmem:s29+$0x560];
	v4 =	vmul.f32 v26, v4;
	v7 =	vmul.f32 v7, v27  }
0x116: {  	v31 =	vld [tilespmem:s29+$0x460];
	v1 =	vmul.f32 v1, v27;
	v2 =	vmul.f32 v2, v6;
	[tilespmem:s29+$0x62D0] =	vst v8  }
0x117: {  	v32 =	vld [tilespmem:s29+$0x360];
	v6 =	vmul.f32 v21, v6;
	v4 =	vmul.f32 v4, v27;
	[tilespmem:s29+$0x6350] =	vst v7  }
0x118: {  	[tilespmem:s29+$0x63D0] =	vst v1;
	v1 =	vmul.f32 v27, v2  }
0x119: {  	v2 =	vld [tilespmem:s29+$0x3E0];
	[tilespmem:s29+$0x6450] =	vst v4;
	v33 =	vmul.f32 v27, v6  }
0x11a: {  	v34 =	vmul.f32 v3, v29;
	[tilespmem:s29+$0x64D0] =	vst v1  }
0x11b: {  	[tilespmem:s29+$0x6550] =	vst v33  }
0x11c: {  	v35 =	vmul.f32 v32, v30;
	v1 =	vmul.f32 v34, v31;
	v36 =	vld [tilespmem:s30+$0x92E0];
	_ =	sdelay $0x1  }
0x11d: {  	v37 =	vmul.f32 v1, v2;
	v2 =	vmul.f32 v2, v35  }
0x11e: {  	v1 =	vmul.f32 v1, v35  }
0x11f: {  	v7 =	vmul.f32 v37, v32;
	v8 =	vmul.f32 v31, v2  }
0x120: {  	v38 =	vld [tilespmem:s29+$0x4F0];
	v5 =	vmul.f32 v37, v30;
	v1 =	vmul.f32 v1, v36  }
0x121: {  	v39 =	vld [tilespmem:s29+$0x570];
	v2 =	vmul.f32 v34, v2;
	v7 =	vmul.f32 v7, v36  }
0x122: {  	v41 =	vld [tilespmem:s29+$0x470];
	v5 =	vmul.f32 v5, v36;
	v3 =	vmul.f32 v3, v8;
	[tilespmem:s29+$0x63E0] =	vst v1  }
0x123: {  	v42 =	vld [tilespmem:s29+$0x370];
	v8 =	vmul.f32 v29, v8;
	v2 =	vmul.f32 v2, v36;
	[tilespmem:s29+$0x62E0] =	vst v7  }
0x124: {  	v40 =	vld [tilespmem:s29+$0x2F0];
	[tilespmem:s29+$0x6360] =	vst v5;
	v1 =	vmul.f32 v36, v3  }
0x125: {  	v3 =	vld [tilespmem:s29+$0x3F0];
	[tilespmem:s29+$0x6460] =	vst v2;
	v2 =	vmul.f32 v36, v8  }
0x126: {  	v43 =	vmul.f32 v39, v38;
	[tilespmem:s29+$0x64E0] =	vst v1  }
0x127: {  	[tilespmem:s29+$0x6560] =	vst v2  }
0x128: {  	v1 =	vmul.f32 v43, v41;
	v44 =	vld [tilespmem:s30+$0x92F0]  }
0x129: {  	v2 =	vmul.f32 v42, v40  }
0x12a: {  	v45 =	vmul.f32 v1, v3  }
0x12b: {  	v3 =	vmul.f32 v3, v2;
	v1 =	vmul.f32 v1, v2  }
0x12c: {  	v5 =	vmul.f32 v45, v42;
	v6 =	vmul.f32 v45, v40  }
0x12d: {  	v7 =	vmul.f32 v41, v3;
	v1 =	vmul.f32 v1, v44  }
0x12e: {  	v3 =	vmul.f32 v43, v3;
	v2 =	vmul.f32 v6, v44  }
0x12f: {  	v5 =	vmul.f32 v5, v44;
	v4 =	vmul.f32 v39, v7;
	[tilespmem:s29+$0x63F0] =	vst v1  }
0x130: {  	v46 =	vmul.f32 v38, v7;
	[tilespmem:s29+$0x6370] =	vst v2;
	v2 =	vmul.f32 v3, v44  }
0x131: {  	[tilespmem:s29+$0x62F0] =	vst v5;
	v1 =	vmul.f32 v44, v4  }
0x132: {  	s31 =	sshllo.u32 s28, $0x1;
	[tilespmem:s29+$0x6470] =	vst v2;
	v2 =	vmul.f32 v44, v46  }
0x133: {  	s30 =	smul.u32 $0x300, s31;
	[tilespmem:s29+$0x64F0] =	vst v1  }
0x134: {  	[tilespmem:s29+$0x6570] =	vst v2  }
0x135: {  	v1 =	vld [tilespmem:s30+$0x480]  }
0x136: {  	v2 =	vld [tilespmem:s30+$0x500]  }
0x137: {  	v3 =	vld [tilespmem:s30+$0x280]  }
0x138: {  	v47 =	vld [tilespmem:s30+$0x400]  }
0x139: {  	v48 =	vld [tilespmem:s30+$0x300];
	_ =	sdelay $0x1  }
0x13a: {  	v49 =	vld [tilespmem:s30+$0x380]  }
0x13b: {  	s31 =	sshll.u32 s31, $0x7;
	v50 =	vmul.f32 v2, v1  }
0x13c: {  	s29 =	sand.u32 $0x3FFFFF80, s31  }
0x13d: {  	v53 =	vld [tilespmem:s29+$0x9280];
	v52 =	vmul.f32 v48, v3;
	v51 =	vmul.f32 v50, v47;
	_ =	sdelay $0x1  }
0x13e: {  	v6 =	vmul.f32 v49, v52;
	v54 =	vmul.f32 v51, v49  }
0x13f: {  	v8 =	vmul.f32 v51, v52  }
0x140: {  	v4 =	vmul.f32 v47, v6;
	v5 =	vmul.f32 v54, v48  }
0x141: {  	v55 =	vld [tilespmem:s30+$0x490];
	v3 =	vmul.f32 v54, v3;
	v58 =	vmul.f32 v8, v53  }
0x142: {  	v56 =	vld [tilespmem:s30+$0x510];
	v2 =	vmul.f32 v2, v4;
	v5 =	vmul.f32 v5, v53  }
0x143: {  	v57 =	vld [tilespmem:s30+$0x290];
	v1 =	vmul.f32 v1, v4;
	v3 =	vmul.f32 v3, v53;
	[tilespmem:s30+$0x6380] =	vst v58  }
0x144: {  	v60 =	vld [tilespmem:s30+$0x310];
	v6 =	vmul.f32 v50, v6;
	v2 =	vmul.f32 v53, v2;
	[tilespmem:s30+$0x6280] =	vst v5  }
0x145: {  	v59 =	vld [tilespmem:s30+$0x410];
	v1 =	vmul.f32 v53, v1;
	[tilespmem:s30+$0x6300] =	vst v3  }
0x146: {  	v61 =	vld [tilespmem:s30+$0x390];
	v3 =	vmul.f32 v6, v53;
	[tilespmem:s30+$0x6480] =	vst v2  }
0x147: {  	[tilespmem:s30+$0x6500] =	vst v1  }
0x148: {  	[tilespmem:s30+$0x6400] =	vst v3;
	v3 =	vmul.f32 v56, v55  }
0x149: {  	v2 =	vmul.f32 v60, v57;
	v62 =	vld [tilespmem:s29+$0x9290]  }
0x14a: {  	v1 =	vmul.f32 v3, v59  }
0x14b: {  	v5 =	vmul.f32 v61, v2  }
0x14c: {  	v63 =	vmul.f32 v1, v61;
	v1 =	vmul.f32 v1, v2  }
0x14d: {  	v8 =	vmul.f32 v59, v5;
	v3 =	vmul.f32 v3, v5  }
0x14e: {  	v12 =	vld [tilespmem:s30+$0x4A0];
	v4 =	vmul.f32 v63, v60;
	v1 =	vmul.f32 v1, v62  }
0x14f: {  	v13 =	vld [tilespmem:s30+$0x2A0];
	v7 =	vmul.f32 v63, v57;
	v3 =	vmul.f32 v3, v62  }
0x150: {  	v2 =	vld [tilespmem:s30+$0x520];
	v14 =	vmul.f32 v56, v8;
	v4 =	vmul.f32 v4, v62;
	[tilespmem:s30+$0x6390] =	vst v1  }
0x151: {  	v16 =	vld [tilespmem:s30+$0x320];
	v8 =	vmul.f32 v55, v8;
	v7 =	vmul.f32 v7, v62;
	[tilespmem:s30+$0x6410] =	vst v3  }
0x152: {  	v15 =	vld [tilespmem:s30+$0x420];
	v1 =	vmul.f32 v62, v14;
	[tilespmem:s30+$0x6290] =	vst v4  }
0x153: {  	v17 =	vld [tilespmem:s30+$0x3A0];
	v3 =	vmul.f32 v62, v8;
	[tilespmem:s30+$0x6310] =	vst v7  }
0x154: {  	[tilespmem:s30+$0x6490] =	vst v1  }
0x155: {  	v18 =	vmul.f32 v2, v12;
	[tilespmem:s30+$0x6510] =	vst v3  }
0x156: {  	v3 =	vmul.f32 v16, v13;
	v19 =	vld [tilespmem:s29+$0x92A0]  }
0x157: {  	v1 =	vmul.f32 v18, v15  }
0x158: {  	v4 =	vmul.f32 v17, v3  }
0x159: {  	v20 =	vmul.f32 v1, v17;
	v1 =	vmul.f32 v1, v3  }
0x15a: {  	v21 =	vld [tilespmem:s30+$0x4B0];
	v9 =	vmul.f32 v15, v4;
	v4 =	vmul.f32 v18, v4  }
0x15b: {  	v22 =	vld [tilespmem:s30+$0x2B0];
	v7 =	vmul.f32 v20, v16;
	v1 =	vmul.f32 v1, v19  }
0x15c: {  	v3 =	vld [tilespmem:s30+$0x530];
	v5 =	vmul.f32 v20, v13;
	v4 =	vmul.f32 v4, v19  }
0x15d: {  	v23 =	vld [tilespmem:s30+$0x430];
	v2 =	vmul.f32 v2, v9;
	v7 =	vmul.f32 v7, v19;
	[tilespmem:s30+$0x63A0] =	vst v1  }
0x15e: {  	v24 =	vld [tilespmem:s30+$0x330];
	v9 =	vmul.f32 v12, v9;
	v5 =	vmul.f32 v5, v19;
	[tilespmem:s30+$0x6420] =	vst v4  }
0x15f: {  	v1 =	vmul.f32 v19, v2;
	[tilespmem:s30+$0x62A0] =	vst v7  }
0x160: {  	v2 =	vld [tilespmem:s30+$0x3B0];
	v25 =	vmul.f32 v19, v9;
	[tilespmem:s30+$0x6320] =	vst v5  }
0x161: {  	v26 =	vmul.f32 v3, v21;
	[tilespmem:s30+$0x64A0] =	vst v1  }
0x162: {  	[tilespmem:s30+$0x6520] =	vst v25  }
0x163: {  	v27 =	vmul.f32 v24, v22;
	v1 =	vmul.f32 v26, v23;
	v28 =	vld [tilespmem:s29+$0x92B0];
	_ =	sdelay $0x1  }
0x164: {  	v29 =	vmul.f32 v1, v2;
	v2 =	vmul.f32 v2, v27  }
0x165: {  	v1 =	vmul.f32 v1, v27  }
0x166: {  	v30 =	vld [tilespmem:s30+$0x4C0];
	v5 =	vmul.f32 v29, v24;
	v7 =	vmul.f32 v23, v2  }
0x167: {  	v31 =	vld [tilespmem:s30+$0x540];
	v6 =	vmul.f32 v29, v22;
	v1 =	vmul.f32 v1, v28  }
0x168: {  	v32 =	vld [tilespmem:s30+$0x2C0];
	v2 =	vmul.f32 v26, v2;
	v5 =	vmul.f32 v5, v28  }
0x169: {  	v33 =	vld [tilespmem:s30+$0x440];
	v6 =	vmul.f32 v6, v28;
	v3 =	vmul.f32 v3, v7;
	[tilespmem:s30+$0x63B0] =	vst v1  }
0x16a: {  	v34 =	vld [tilespmem:s30+$0x340];
	v7 =	vmul.f32 v21, v7;
	v2 =	vmul.f32 v2, v28;
	[tilespmem:s30+$0x62B0] =	vst v5  }
0x16b: {  	[tilespmem:s30+$0x6330] =	vst v6;
	v1 =	vmul.f32 v28, v3  }
0x16c: {  	v3 =	vld [tilespmem:s30+$0x3C0];
	[tilespmem:s30+$0x6430] =	vst v2;
	v2 =	vmul.f32 v28, v7  }
0x16d: {  	v35 =	vmul.f32 v31, v30;
	[tilespmem:s30+$0x64B0] =	vst v1  }
0x16e: {  	[tilespmem:s30+$0x6530] =	vst v2  }
0x16f: {  	v1 =	vmul.f32 v35, v33;
	v2 =	vmul.f32 v34, v32;
	v36 =	vld [tilespmem:s29+$0x92C0];
	_ =	sdelay $0x1  }
0x170: {  	v37 =	vmul.f32 v1, v3;
	v3 =	vmul.f32 v3, v2  }
0x171: {  	v1 =	vmul.f32 v1, v2  }
0x172: {  	v38 =	vld [tilespmem:s30+$0x4D0];
	v6 =	vmul.f32 v37, v34;
	v5 =	vmul.f32 v33, v3  }
0x173: {  	v2 =	vld [tilespmem:s30+$0x550];
	v8 =	vmul.f32 v37, v32;
	v1 =	vmul.f32 v1, v36  }
0x174: {  	v39 =	vld [tilespmem:s30+$0x2D0];
	v3 =	vmul.f32 v35, v3;
	v6 =	vmul.f32 v6, v36  }
0x175: {  	v40 =	vld [tilespmem:s30+$0x450];
	v8 =	vmul.f32 v8, v36;
	v4 =	vmul.f32 v31, v5;
	[tilespmem:s30+$0x63C0] =	vst v1  }
0x176: {  	v41 =	vld [tilespmem:s30+$0x350];
	v5 =	vmul.f32 v30, v5;
	v3 =	vmul.f32 v3, v36;
	[tilespmem:s30+$0x62C0] =	vst v6  }
0x177: {  	v42 =	vld [tilespmem:s30+$0x3D0];
	[tilespmem:s30+$0x6340] =	vst v8;
	v1 =	vmul.f32 v36, v4  }
0x178: {  	v43 =	vmul.f32 v2, v38;
	[tilespmem:s30+$0x6440] =	vst v3;
	v3 =	vmul.f32 v36, v5  }
0x179: {  	[tilespmem:s30+$0x64C0] =	vst v1  }
0x17a: {  	[tilespmem:s30+$0x6540] =	vst v3;
	v1 =	vmul.f32 v43, v40  }
0x17b: {  	v44 =	vld [tilespmem:s29+$0x92D0]  }
0x17c: {  	v3 =	vmul.f32 v41, v39;
	v45 =	vmul.f32 v1, v42;
	_ =	sdelay $0x1  }
0x17d: {  	v4 =	vmul.f32 v42, v3;
	v8 =	vmul.f32 v45, v41  }
0x17e: {  	v46 =	vld [tilespmem:s30+$0x4E0];
	v1 =	vmul.f32 v1, v3;
	v7 =	vmul.f32 v45, v39  }
0x17f: {  	v47 =	vld [tilespmem:s30+$0x2E0];
	v6 =	vmul.f32 v40, v4;
	v8 =	vmul.f32 v8, v44  }
0x180: {  	v3 =	vld [tilespmem:s30+$0x560];
	v4 =	vmul.f32 v43, v4;
	v7 =	vmul.f32 v7, v44  }
0x181: {  	v49 =	vld [tilespmem:s30+$0x360];
	v1 =	vmul.f32 v1, v44;
	v2 =	vmul.f32 v2, v6;
	[tilespmem:s30+$0x62D0] =	vst v8  }
0x182: {  	v48 =	vld [tilespmem:s30+$0x460];
	v6 =	vmul.f32 v38, v6;
	v4 =	vmul.f32 v4, v44;
	[tilespmem:s30+$0x6350] =	vst v7  }
0x183: {  	[tilespmem:s30+$0x63D0] =	vst v1;
	v1 =	vmul.f32 v44, v2  }
0x184: {  	v2 =	vld [tilespmem:s30+$0x3E0];
	[tilespmem:s30+$0x6450] =	vst v4;
	v50 =	vmul.f32 v44, v6  }
0x185: {  	v51 =	vmul.f32 v3, v46;
	[tilespmem:s30+$0x64D0] =	vst v1  }
0x186: {  	[tilespmem:s30+$0x6550] =	vst v50  }
0x187: {  	v52 =	vmul.f32 v49, v47;
	v1 =	vmul.f32 v51, v48;
	v53 =	vld [tilespmem:s29+$0x92E0];
	_ =	sdelay $0x1  }
0x188: {  	v54 =	vmul.f32 v1, v2;
	v2 =	vmul.f32 v2, v52  }
0x189: {  	v1 =	vmul.f32 v1, v52  }
0x18a: {  	v7 =	vmul.f32 v54, v49;
	v8 =	vmul.f32 v48, v2  }
0x18b: {  	v55 =	vld [tilespmem:s30+$0x4F0];
	v5 =	vmul.f32 v54, v47;
	v1 =	vmul.f32 v1, v53  }
0x18c: {  	v56 =	vld [tilespmem:s30+$0x570];
	v2 =	vmul.f32 v51, v2;
	v7 =	vmul.f32 v7, v53  }
0x18d: {  	v58 =	vld [tilespmem:s30+$0x470];
	v5 =	vmul.f32 v5, v53;
	v3 =	vmul.f32 v3, v8;
	[tilespmem:s30+$0x63E0] =	vst v1  }
0x18e: {  	v59 =	vld [tilespmem:s30+$0x370];
	v8 =	vmul.f32 v46, v8;
	v2 =	vmul.f32 v2, v53;
	[tilespmem:s30+$0x62E0] =	vst v7  }
0x18f: {  	v57 =	vld [tilespmem:s30+$0x2F0];
	[tilespmem:s30+$0x6360] =	vst v5;
	v1 =	vmul.f32 v53, v3  }
0x190: {  	v3 =	vld [tilespmem:s30+$0x3F0];
	[tilespmem:s30+$0x6460] =	vst v2;
	v2 =	vmul.f32 v53, v8  }
0x191: {  	v60 =	vmul.f32 v56, v55;
	[tilespmem:s30+$0x64E0] =	vst v1  }
0x192: {  	[tilespmem:s30+$0x6560] =	vst v2  }
0x193: {  	v1 =	vmul.f32 v60, v58;
	v61 =	vld [tilespmem:s29+$0x92F0]  }
0x194: {  	v2 =	vmul.f32 v59, v57  }
0x195: {  	v62 =	vmul.f32 v1, v3  }
0x196: {  	v3 =	vmul.f32 v3, v2;
	v1 =	vmul.f32 v1, v2  }
0x197: {  	v5 =	vmul.f32 v62, v59;
	v6 =	vmul.f32 v62, v57  }
0x198: {  	v7 =	vmul.f32 v58, v3;
	v1 =	vmul.f32 v1, v61  }
0x199: {  	v3 =	vmul.f32 v60, v3;
	v2 =	vmul.f32 v6, v61  }
0x19a: {  	p2 =	sne.s32 s28, $0x7;
	v5 =	vmul.f32 v5, v61;
	v4 =	vmul.f32 v56, v7;
	[tilespmem:s30+$0x63F0] =	vst v1  }
.Ltmp3:
0x19b: {  	v63 =	vmul.f32 v55, v7;
	[tilespmem:s30+$0x6370] =	vst v2;
	v2 =	vmul.f32 v3, v61;
	(pc) =	sbr.rel @p2 .LBB2_5-.Ltmp3, $4  }
0x19c: {  	[tilespmem:s30+$0x62F0] =	vst v5;
	v1 =	vmul.f32 v61, v4  }
0x19d: {  	[tilespmem:s30+$0x6470] =	vst v2;
	v2 =	vmul.f32 v61, v63  }
0x19e: {  	[tilespmem:s30+$0x64F0] =	vst v1  }
0x19f: {  	s28 =	sadd.s32 $0x1, s28;
	[tilespmem:s30+$0x6570] =	vst v2  }
0x1a0: {  	s28 =	simm.s32 @p1 $0x60  }
0x1a1: {  	s29 =	simm.s32 @p1 $0x100;
	s30 =	simm.s32 @p1 $0x6280;
	s26 =	sshrl.u32 @!p1 s26, $0x3  }
0x1a2: {  	[spmem:s3] =	stream.indirect.scatter.add.f32 @p1 [tilespmem:s30], [sflag:$0x9], $0x80, s29, s28, $0xb8;
	[tilespmem:$0x1DB80] =	vst v63  }
0x1a3: {  	s26 =	sadd.s32 @!p1 s16, s26;
	s28 =	simm.s32 @!p1 $0x0;
	s29 =	simm.s32 @!p1 $0x180  }
0x1a4: {  	[tilespmem:s29], [sflag:$0x3] =	stream.linear.gather @!p1 [hbm4b:s26+s28], $0x10, $0x38;
	[tilespmem:$0x1DB80] =	vst v63  }
0x1a5: {  	s31 =	simm.s32 @!p1 $0x6280;
	s30 =	simm.s32 @!p1 $0x100;
	s26 =	simm.s32 @!p1 $0x60  }
0x1a6: {  	[spmem:s3] =	stream.indirect.scatter.add.f32 @!p1 [tilespmem:s31], [sflag:$0x9], $0x80, s30, s26, $0xb8;
	[tilespmem:$0x1DB80] =	vst v63  }
0x1a7: {  	s30 =	simm.s32 @!p1 $0x1  }
0x1a8: {  	_ =	swait.ge @!p1 [sflag:s30], $0x60  }
0x1a9: {  	[sflag:s30] =	ssyncset.done @!p1 $0x0  }
0x1aa: {  	[sflag:s30] =	ssyncadd.s32 @!p1 $0xFFFFFFA0;
	s30 =	simm.s32 @!p1 $0x3  }
0x1ab: {  	_ =	swait.ge @!p1 [sflag:s30], $0x10  }
0x1ac: {  	[sflag:s30] =	ssyncset.done @!p1 $0x0  }
0x1ad: {  	[sflag:s30] =	ssyncadd.s32 @!p1 $0xFFFFFFF0;
	s30 =	simm.s32 @!p1 $0x280  }
0x1ae: {  	[tilespmem:s30], [sflag:$0x5] =	stream.indirect.gather @!p1 [hbm4b:s15+s26], $0x80, s28, s26, $0xb8;
	[tilespmem:$0x1DB80] =	vst v63  }
0x1af: {  	s26 =	simm.s32 @!p1 $0x10;
	s30 =	simm.s32 @!p1 $0x9280  }
0x1b0: {  	[tilespmem:s30], [sflag:$0x7] =	stream.indirect.gather @!p1 [hbm4b:s2+s26], $0x80, s29, s26, $0xb8;
	[tilespmem:$0x1DB80] =	vst v63  }
0x1b1: {  	_ =	swait.ge [sflag:s22], $0x3000  }
0x1b2: {  	[sflag:s22] =	ssyncset.done $0x0  }
0x1b3: {  	[sflag:s22] =	ssyncadd.s32 $0xFFFFD000  }
0x1b4: {  	_ =	swait.ge [sflag:s7], $0x3000  }
0x1b5: {  	[sflag:s7] =	ssyncset.done $0x0  }
0x1b6: {  	[sflag:s7] =	ssyncadd.s32 $0xFFFFD000  }
0x1b7: {  	v1 =	vld [tilespmem:$0x80]  }
0x1b8: {  	v2 =	vld [tilespmem:$0xA280]  }
0x1b9: {  	v3 =	vld [tilespmem:$0x90]  }
0x1ba: {  	v4 =	vld [tilespmem:$0xA290]  }
0x1bb: {  	v5 =	vld [tilespmem:$0xA0]  }
0x1bc: {  	v6 =	vld [tilespmem:$0xA2A0]  }
0x1bd: {  	v7 =	vld [tilespmem:$0xB0]  }
0x1be: {  	v8 =	vld [tilespmem:$0xA2B0]  }
0x1bf: {  	v9 =	vld [tilespmem:$0xC0]  }
0x1c0: {  	v10 =	vld [tilespmem:$0xA2C0]  }
0x1c1: {  	v11 =	vld [tilespmem:$0xD0]  }
0x1c2: {  	s25 =	sadd.s32 $0x3, s25;
	v1 =	vsub.s32 v1, v2;
	v2 =	vld [tilespmem:$0xA2D0]  }
0x1c3: {  	s26 =	sshll.u32 @!p1 s25, $0x4;
	[tilespmem:$0x100] =	vst v1;
	v1 =	vsub.s32 v3, v4  }
0x1c4: {  	s26 =	sadd.s32 @!p1 s6, s26;
	[tilespmem:$0x110] =	vst v1;
	v1 =	vsub.s32 v5, v6  }
0x1c5: {  	s26 =	smul.u32 @!p1 $0x6, s26;
	[tilespmem:$0x120] =	vst v1;
	v1 =	vsub.s32 v7, v8  }
0x1c6: {  	[tilespmem:$0x130] =	vst v1;
	v1 =	vsub.s32 v9, v10  }
0x1c7: {  	s26 =	sshrl.u32 @!p1 s26, $0x3;
	[tilespmem:$0x140] =	vst v1;
	v1 =	vsub.s32 v11, v2  }
0x1c8: {  	s29 =	simm.s32 @!p1 $0x80;
	s26 =	sadd.s32 @!p1 s1, s26;
	[tilespmem:$0x150] =	vst v1  }
0x1c9: {  	[tilespmem:s29], [sflag:$0x2] =	stream.linear.gather @!p1 [hbm4b:s26+s28], $0x60, $0x38;
	[tilespmem:$0x1DB80] =	vst v63  }
0x1ca: {  	_ =	swait.ge [sflag:s10], $0x800  }
0x1cb: {  	[sflag:s10] =	ssyncset.done $0x0  }
0x1cc: {  	s26 =	simm.s32 $0x0;
	[sflag:s10] =	ssyncadd.s32 $0xFFFFF800  }
.LBB2_7:
0x1cd: {  	s28 =	smul.u32 $0x600, s26;
	_ =	sdelay $0x1  }
0x1ce: {  	v1 =	vld [tilespmem:s28+$0x3480]  }
0x1cf: {  	v2 =	vld [tilespmem:s28+$0x3500]  }
0x1d0: {  	v3 =	vld [tilespmem:s28+$0x3280]  }
0x1d1: {  	v4 =	vld [tilespmem:s28+$0x3400]  }
0x1d2: {  	v5 =	vld [tilespmem:s28+$0x3300]  }
0x1d3: {  	v6 =	vld [tilespmem:s28+$0x3380]  }
0x1d4: {  	s29 =	sshll.u32 s26, $0x8;
	v7 =	vmul.f32 v2, v1  }
0x1d5: {  	s29 =	sand.u32 $0x3FFFFF00, s29  }
0x1d6: {  	v10 =	vld [tilespmem:s29+$0x9A80];
	v8 =	vmul.f32 v7, v4  }
0x1d7: {  	v9 =	vmul.f32 v5, v3  }
0x1d8: {  	v11 =	vmul.f32 v8, v6  }
0x1d9: {  	v6 =	vmul.f32 v6, v9;
	v8 =	vmul.f32 v8, v9  }
0x1da: {  	v5 =	vmul.f32 v11, v5;
	v3 =	vmul.f32 v11, v3  }
0x1db: {  	v38 =	vld [tilespmem:s28+$0x3490];
	v4 =	vmul.f32 v4, v6;
	v41 =	vmul.f32 v8, v10  }
0x1dc: {  	v39 =	vld [tilespmem:s28+$0x3510];
	v6 =	vmul.f32 v7, v6;
	v3 =	vmul.f32 v3, v10  }
0x1dd: {  	v40 =	vld [tilespmem:s28+$0x3290];
	v5 =	vmul.f32 v5, v10;
	v2 =	vmul.f32 v2, v4;
	[tilespmem:s28+$0x6380] =	vst v41  }
0x1de: {  	v43 =	vld [tilespmem:s28+$0x3310];
	v1 =	vmul.f32 v1, v4;
	[tilespmem:s28+$0x6300] =	vst v3;
	v3 =	vmul.f32 v6, v10  }
0x1df: {  	v42 =	vld [tilespmem:s28+$0x3410];
	[tilespmem:s28+$0x6280] =	vst v5;
	v2 =	vmul.f32 v10, v2  }
0x1e0: {  	v44 =	vld [tilespmem:s28+$0x3390];
	v1 =	vmul.f32 v10, v1;
	[tilespmem:s28+$0x6400] =	vst v3  }
0x1e1: {  	[tilespmem:s28+$0x6480] =	vst v2  }
0x1e2: {  	v3 =	vmul.f32 v39, v38;
	[tilespmem:s28+$0x6500] =	vst v1  }
0x1e3: {  	v2 =	vmul.f32 v43, v40;
	v45 =	vld [tilespmem:s29+$0x9A90]  }
0x1e4: {  	v1 =	vmul.f32 v3, v42  }
0x1e5: {  	v5 =	vmul.f32 v44, v2  }
0x1e6: {  	v46 =	vmul.f32 v1, v44;
	v1 =	vmul.f32 v1, v2  }
0x1e7: {  	v8 =	vmul.f32 v42, v5;
	v3 =	vmul.f32 v3, v5  }
0x1e8: {  	v47 =	vld [tilespmem:s28+$0x34A0];
	v4 =	vmul.f32 v46, v43;
	v1 =	vmul.f32 v1, v45  }
0x1e9: {  	v48 =	vld [tilespmem:s28+$0x32A0];
	v7 =	vmul.f32 v46, v40;
	v3 =	vmul.f32 v3, v45  }
0x1ea: {  	v2 =	vld [tilespmem:s28+$0x3520];
	v49 =	vmul.f32 v39, v8;
	v4 =	vmul.f32 v4, v45;
	[tilespmem:s28+$0x6390] =	vst v1  }
0x1eb: {  	v51 =	vld [tilespmem:s28+$0x3320];
	v8 =	vmul.f32 v38, v8;
	v7 =	vmul.f32 v7, v45;
	[tilespmem:s28+$0x6410] =	vst v3  }
0x1ec: {  	v50 =	vld [tilespmem:s28+$0x3420];
	v1 =	vmul.f32 v45, v49;
	[tilespmem:s28+$0x6290] =	vst v4  }
0x1ed: {  	v52 =	vld [tilespmem:s28+$0x33A0];
	v3 =	vmul.f32 v45, v8;
	[tilespmem:s28+$0x6310] =	vst v7  }
0x1ee: {  	[tilespmem:s28+$0x6490] =	vst v1  }
0x1ef: {  	v53 =	vmul.f32 v2, v47;
	[tilespmem:s28+$0x6510] =	vst v3  }
0x1f0: {  	v3 =	vmul.f32 v51, v48;
	v54 =	vld [tilespmem:s29+$0x9AA0]  }
0x1f1: {  	v1 =	vmul.f32 v53, v50  }
0x1f2: {  	v4 =	vmul.f32 v52, v3  }
0x1f3: {  	v55 =	vmul.f32 v1, v52;
	v1 =	vmul.f32 v1, v3  }
0x1f4: {  	v56 =	vld [tilespmem:s28+$0x34B0];
	v9 =	vmul.f32 v50, v4;
	v4 =	vmul.f32 v53, v4  }
0x1f5: {  	v57 =	vld [tilespmem:s28+$0x32B0];
	v7 =	vmul.f32 v55, v51;
	v1 =	vmul.f32 v1, v54  }
0x1f6: {  	v3 =	vld [tilespmem:s28+$0x3530];
	v5 =	vmul.f32 v55, v48;
	v4 =	vmul.f32 v4, v54  }
0x1f7: {  	v58 =	vld [tilespmem:s28+$0x3430];
	v2 =	vmul.f32 v2, v9;
	v7 =	vmul.f32 v7, v54;
	[tilespmem:s28+$0x63A0] =	vst v1  }
0x1f8: {  	v59 =	vld [tilespmem:s28+$0x3330];
	v9 =	vmul.f32 v47, v9;
	v5 =	vmul.f32 v5, v54;
	[tilespmem:s28+$0x6420] =	vst v4  }
0x1f9: {  	v1 =	vmul.f32 v54, v2;
	[tilespmem:s28+$0x62A0] =	vst v7  }
0x1fa: {  	v2 =	vld [tilespmem:s28+$0x33B0];
	v60 =	vmul.f32 v54, v9;
	[tilespmem:s28+$0x6320] =	vst v5  }
0x1fb: {  	v61 =	vmul.f32 v3, v56;
	[tilespmem:s28+$0x64A0] =	vst v1  }
0x1fc: {  	[tilespmem:s28+$0x6520] =	vst v60  }
0x1fd: {  	v62 =	vmul.f32 v59, v57;
	v1 =	vmul.f32 v61, v58;
	v63 =	vld [tilespmem:s29+$0x9AB0];
	_ =	sdelay $0x1  }
0x1fe: {  	v12 =	vmul.f32 v1, v2;
	v2 =	vmul.f32 v2, v62  }
0x1ff: {  	v1 =	vmul.f32 v1, v62  }
0x200: {  	v13 =	vld [tilespmem:s28+$0x34C0];
	v5 =	vmul.f32 v12, v59;
	v7 =	vmul.f32 v58, v2  }
0x201: {  	v14 =	vld [tilespmem:s28+$0x3540];
	v6 =	vmul.f32 v12, v57;
	v1 =	vmul.f32 v1, v63  }
0x202: {  	v15 =	vld [tilespmem:s28+$0x32C0];
	v2 =	vmul.f32 v61, v2;
	v5 =	vmul.f32 v5, v63  }
0x203: {  	v16 =	vld [tilespmem:s28+$0x3440];
	v6 =	vmul.f32 v6, v63;
	v3 =	vmul.f32 v3, v7;
	[tilespmem:s28+$0x63B0] =	vst v1  }
0x204: {  	v17 =	vld [tilespmem:s28+$0x3340];
	v7 =	vmul.f32 v56, v7;
	v2 =	vmul.f32 v2, v63;
	[tilespmem:s28+$0x62B0] =	vst v5  }
0x205: {  	[tilespmem:s28+$0x6330] =	vst v6;
	v1 =	vmul.f32 v63, v3  }
0x206: {  	v3 =	vld [tilespmem:s28+$0x33C0];
	[tilespmem:s28+$0x6430] =	vst v2;
	v2 =	vmul.f32 v63, v7  }
0x207: {  	v18 =	vmul.f32 v14, v13;
	[tilespmem:s28+$0x64B0] =	vst v1  }
0x208: {  	[tilespmem:s28+$0x6530] =	vst v2  }
0x209: {  	v1 =	vmul.f32 v18, v16;
	v2 =	vmul.f32 v17, v15;
	v19 =	vld [tilespmem:s29+$0x9AC0];
	_ =	sdelay $0x1  }
0x20a: {  	v20 =	vmul.f32 v1, v3;
	v3 =	vmul.f32 v3, v2  }
0x20b: {  	v1 =	vmul.f32 v1, v2  }
0x20c: {  	v21 =	vld [tilespmem:s28+$0x34D0];
	v6 =	vmul.f32 v20, v17;
	v5 =	vmul.f32 v16, v3  }
0x20d: {  	v2 =	vld [tilespmem:s28+$0x3550];
	v8 =	vmul.f32 v20, v15;
	v1 =	vmul.f32 v1, v19  }
0x20e: {  	v22 =	vld [tilespmem:s28+$0x32D0];
	v3 =	vmul.f32 v18, v3;
	v6 =	vmul.f32 v6, v19  }
0x20f: {  	v23 =	vld [tilespmem:s28+$0x3450];
	v8 =	vmul.f32 v8, v19;
	v4 =	vmul.f32 v14, v5;
	[tilespmem:s28+$0x63C0] =	vst v1  }
0x210: {  	v24 =	vld [tilespmem:s28+$0x3350];
	v5 =	vmul.f32 v13, v5;
	v3 =	vmul.f32 v3, v19;
	[tilespmem:s28+$0x62C0] =	vst v6  }
0x211: {  	v25 =	vld [tilespmem:s28+$0x33D0];
	[tilespmem:s28+$0x6340] =	vst v8;
	v1 =	vmul.f32 v19, v4  }
0x212: {  	v26 =	vmul.f32 v2, v21;
	[tilespmem:s28+$0x6440] =	vst v3;
	v3 =	vmul.f32 v19, v5  }
0x213: {  	[tilespmem:s28+$0x64C0] =	vst v1  }
0x214: {  	[tilespmem:s28+$0x6540] =	vst v3;
	v1 =	vmul.f32 v26, v23  }
0x215: {  	v27 =	vld [tilespmem:s29+$0x9AD0]  }
0x216: {  	v3 =	vmul.f32 v24, v22;
	v28 =	vmul.f32 v1, v25;
	_ =	sdelay $0x1  }
0x217: {  	v4 =	vmul.f32 v25, v3;
	v8 =	vmul.f32 v28, v24  }
0x218: {  	v29 =	vld [tilespmem:s28+$0x34E0];
	v1 =	vmul.f32 v1, v3;
	v7 =	vmul.f32 v28, v22  }
0x219: {  	v30 =	vld [tilespmem:s28+$0x32E0];
	v6 =	vmul.f32 v23, v4;
	v8 =	vmul.f32 v8, v27  }
0x21a: {  	v3 =	vld [tilespmem:s28+$0x3560];
	v4 =	vmul.f32 v26, v4;
	v7 =	vmul.f32 v7, v27  }
0x21b: {  	v31 =	vld [tilespmem:s28+$0x3460];
	v1 =	vmul.f32 v1, v27;
	v2 =	vmul.f32 v2, v6;
	[tilespmem:s28+$0x62D0] =	vst v8  }
0x21c: {  	v32 =	vld [tilespmem:s28+$0x3360];
	v6 =	vmul.f32 v21, v6;
	v4 =	vmul.f32 v4, v27;
	[tilespmem:s28+$0x6350] =	vst v7  }
0x21d: {  	[tilespmem:s28+$0x63D0] =	vst v1;
	v1 =	vmul.f32 v27, v2  }
0x21e: {  	v2 =	vld [tilespmem:s28+$0x33E0];
	[tilespmem:s28+$0x6450] =	vst v4;
	v33 =	vmul.f32 v27, v6  }
0x21f: {  	v34 =	vmul.f32 v3, v29;
	[tilespmem:s28+$0x64D0] =	vst v1  }
0x220: {  	[tilespmem:s28+$0x6550] =	vst v33  }
0x221: {  	v35 =	vmul.f32 v32, v30;
	v1 =	vmul.f32 v34, v31;
	v36 =	vld [tilespmem:s29+$0x9AE0];
	_ =	sdelay $0x1  }
0x222: {  	v37 =	vmul.f32 v1, v2;
	v2 =	vmul.f32 v2, v35  }
0x223: {  	v1 =	vmul.f32 v1, v35  }
0x224: {  	v7 =	vmul.f32 v37, v32;
	v8 =	vmul.f32 v31, v2  }
0x225: {  	v38 =	vld [tilespmem:s28+$0x34F0];
	v5 =	vmul.f32 v37, v30;
	v1 =	vmul.f32 v1, v36  }
0x226: {  	v39 =	vld [tilespmem:s28+$0x3570];
	v2 =	vmul.f32 v34, v2;
	v7 =	vmul.f32 v7, v36  }
0x227: {  	v41 =	vld [tilespmem:s28+$0x3470];
	v5 =	vmul.f32 v5, v36;
	v3 =	vmul.f32 v3, v8;
	[tilespmem:s28+$0x63E0] =	vst v1  }
0x228: {  	v42 =	vld [tilespmem:s28+$0x3370];
	v8 =	vmul.f32 v29, v8;
	v2 =	vmul.f32 v2, v36;
	[tilespmem:s28+$0x62E0] =	vst v7  }
0x229: {  	v40 =	vld [tilespmem:s28+$0x32F0];
	[tilespmem:s28+$0x6360] =	vst v5;
	v1 =	vmul.f32 v36, v3  }
0x22a: {  	v3 =	vld [tilespmem:s28+$0x33F0];
	[tilespmem:s28+$0x6460] =	vst v2;
	v2 =	vmul.f32 v36, v8  }
0x22b: {  	v43 =	vmul.f32 v39, v38;
	[tilespmem:s28+$0x64E0] =	vst v1  }
0x22c: {  	[tilespmem:s28+$0x6560] =	vst v2  }
0x22d: {  	v1 =	vmul.f32 v43, v41;
	v44 =	vld [tilespmem:s29+$0x9AF0]  }
0x22e: {  	v2 =	vmul.f32 v42, v40  }
0x22f: {  	v45 =	vmul.f32 v1, v3  }
0x230: {  	v3 =	vmul.f32 v3, v2;
	v1 =	vmul.f32 v1, v2  }
0x231: {  	v5 =	vmul.f32 v45, v42;
	v6 =	vmul.f32 v45, v40  }
0x232: {  	v7 =	vmul.f32 v41, v3;
	v1 =	vmul.f32 v1, v44  }
0x233: {  	v3 =	vmul.f32 v43, v3;
	v2 =	vmul.f32 v6, v44  }
0x234: {  	v5 =	vmul.f32 v5, v44;
	v4 =	vmul.f32 v39, v7;
	[tilespmem:s28+$0x63F0] =	vst v1  }
0x235: {  	v46 =	vmul.f32 v38, v7;
	[tilespmem:s28+$0x6370] =	vst v2;
	v2 =	vmul.f32 v3, v44  }
0x236: {  	[tilespmem:s28+$0x62F0] =	vst v5;
	v1 =	vmul.f32 v44, v4  }
0x237: {  	s30 =	sshllo.u32 s26, $0x1;
	[tilespmem:s28+$0x6470] =	vst v2;
	v2 =	vmul.f32 v44, v46  }
0x238: {  	s29 =	smul.u32 $0x300, s30;
	[tilespmem:s28+$0x64F0] =	vst v1  }
0x239: {  	[tilespmem:s28+$0x6570] =	vst v2  }
0x23a: {  	v1 =	vld [tilespmem:s29+$0x3480]  }
0x23b: {  	v2 =	vld [tilespmem:s29+$0x3500]  }
0x23c: {  	v3 =	vld [tilespmem:s29+$0x3280]  }
0x23d: {  	v47 =	vld [tilespmem:s29+$0x3400]  }
0x23e: {  	v48 =	vld [tilespmem:s29+$0x3300];
	_ =	sdelay $0x1  }
0x23f: {  	v49 =	vld [tilespmem:s29+$0x3380]  }
0x240: {  	s31 =	sshll.u32 s30, $0x7;
	v50 =	vmul.f32 v2, v1  }
0x241: {  	s28 =	sand.u32 $0x3FFFFF80, s31  }
0x242: {  	v53 =	vld [tilespmem:s28+$0x9A80];
	v52 =	vmul.f32 v48, v3;
	v51 =	vmul.f32 v50, v47;
	_ =	sdelay $0x1  }
0x243: {  	v6 =	vmul.f32 v49, v52;
	v54 =	vmul.f32 v51, v49  }
0x244: {  	v8 =	vmul.f32 v51, v52  }
0x245: {  	v4 =	vmul.f32 v47, v6;
	v5 =	vmul.f32 v54, v48  }
0x246: {  	v55 =	vld [tilespmem:s29+$0x3490];
	v3 =	vmul.f32 v54, v3;
	v58 =	vmul.f32 v8, v53  }
0x247: {  	v56 =	vld [tilespmem:s29+$0x3510];
	v2 =	vmul.f32 v2, v4;
	v5 =	vmul.f32 v5, v53  }
0x248: {  	v57 =	vld [tilespmem:s29+$0x3290];
	v1 =	vmul.f32 v1, v4;
	v3 =	vmul.f32 v3, v53;
	[tilespmem:s29+$0x6380] =	vst v58  }
0x249: {  	v60 =	vld [tilespmem:s29+$0x3310];
	v6 =	vmul.f32 v50, v6;
	v2 =	vmul.f32 v53, v2;
	[tilespmem:s29+$0x6280] =	vst v5  }
0x24a: {  	v59 =	vld [tilespmem:s29+$0x3410];
	v1 =	vmul.f32 v53, v1;
	[tilespmem:s29+$0x6300] =	vst v3  }
0x24b: {  	v61 =	vld [tilespmem:s29+$0x3390];
	v3 =	vmul.f32 v6, v53;
	[tilespmem:s29+$0x6480] =	vst v2  }
0x24c: {  	[tilespmem:s29+$0x6500] =	vst v1  }
0x24d: {  	[tilespmem:s29+$0x6400] =	vst v3;
	v3 =	vmul.f32 v56, v55  }
0x24e: {  	v2 =	vmul.f32 v60, v57;
	v62 =	vld [tilespmem:s28+$0x9A90]  }
0x24f: {  	v1 =	vmul.f32 v3, v59  }
0x250: {  	v5 =	vmul.f32 v61, v2  }
0x251: {  	v63 =	vmul.f32 v1, v61;
	v1 =	vmul.f32 v1, v2  }
0x252: {  	v8 =	vmul.f32 v59, v5;
	v3 =	vmul.f32 v3, v5  }
0x253: {  	v12 =	vld [tilespmem:s29+$0x34A0];
	v4 =	vmul.f32 v63, v60;
	v1 =	vmul.f32 v1, v62  }
0x254: {  	v13 =	vld [tilespmem:s29+$0x32A0];
	v7 =	vmul.f32 v63, v57;
	v3 =	vmul.f32 v3, v62  }
0x255: {  	v2 =	vld [tilespmem:s29+$0x3520];
	v14 =	vmul.f32 v56, v8;
	v4 =	vmul.f32 v4, v62;
	[tilespmem:s29+$0x6390] =	vst v1  }
0x256: {  	v16 =	vld [tilespmem:s29+$0x3320];
	v8 =	vmul.f32 v55, v8;
	v7 =	vmul.f32 v7, v62;
	[tilespmem:s29+$0x6410] =	vst v3  }
0x257: {  	v15 =	vld [tilespmem:s29+$0x3420];
	v1 =	vmul.f32 v62, v14;
	[tilespmem:s29+$0x6290] =	vst v4  }
0x258: {  	v17 =	vld [tilespmem:s29+$0x33A0];
	v3 =	vmul.f32 v62, v8;
	[tilespmem:s29+$0x6310] =	vst v7  }
0x259: {  	[tilespmem:s29+$0x6490] =	vst v1  }
0x25a: {  	v18 =	vmul.f32 v2, v12;
	[tilespmem:s29+$0x6510] =	vst v3  }
0x25b: {  	v3 =	vmul.f32 v16, v13;
	v19 =	vld [tilespmem:s28+$0x9AA0]  }
0x25c: {  	v1 =	vmul.f32 v18, v15  }
0x25d: {  	v4 =	vmul.f32 v17, v3  }
0x25e: {  	v20 =	vmul.f32 v1, v17;
	v1 =	vmul.f32 v1, v3  }
0x25f: {  	v21 =	vld [tilespmem:s29+$0x34B0];
	v9 =	vmul.f32 v15, v4;
	v4 =	vmul.f32 v18, v4  }
0x260: {  	v22 =	vld [tilespmem:s29+$0x32B0];
	v7 =	vmul.f32 v20, v16;
	v1 =	vmul.f32 v1, v19  }
0x261: {  	v3 =	vld [tilespmem:s29+$0x3530];
	v5 =	vmul.f32 v20, v13;
	v4 =	vmul.f32 v4, v19  }
0x262: {  	v23 =	vld [tilespmem:s29+$0x3430];
	v2 =	vmul.f32 v2, v9;
	v7 =	vmul.f32 v7, v19;
	[tilespmem:s29+$0x63A0] =	vst v1  }
0x263: {  	v24 =	vld [tilespmem:s29+$0x3330];
	v9 =	vmul.f32 v12, v9;
	v5 =	vmul.f32 v5, v19;
	[tilespmem:s29+$0x6420] =	vst v4  }
0x264: {  	v1 =	vmul.f32 v19, v2;
	[tilespmem:s29+$0x62A0] =	vst v7  }
0x265: {  	v2 =	vld [tilespmem:s29+$0x33B0];
	v25 =	vmul.f32 v19, v9;
	[tilespmem:s29+$0x6320] =	vst v5  }
0x266: {  	v26 =	vmul.f32 v3, v21;
	[tilespmem:s29+$0x64A0] =	vst v1  }
0x267: {  	[tilespmem:s29+$0x6520] =	vst v25  }
0x268: {  	v27 =	vmul.f32 v24, v22;
	v1 =	vmul.f32 v26, v23;
	v28 =	vld [tilespmem:s28+$0x9AB0];
	_ =	sdelay $0x1  }
0x269: {  	v29 =	vmul.f32 v1, v2;
	v2 =	vmul.f32 v2, v27  }
0x26a: {  	v1 =	vmul.f32 v1, v27  }
0x26b: {  	v30 =	vld [tilespmem:s29+$0x34C0];
	v5 =	vmul.f32 v29, v24;
	v7 =	vmul.f32 v23, v2  }
0x26c: {  	v31 =	vld [tilespmem:s29+$0x3540];
	v6 =	vmul.f32 v29, v22;
	v1 =	vmul.f32 v1, v28  }
0x26d: {  	v32 =	vld [tilespmem:s29+$0x32C0];
	v2 =	vmul.f32 v26, v2;
	v5 =	vmul.f32 v5, v28  }
0x26e: {  	v33 =	vld [tilespmem:s29+$0x3440];
	v6 =	vmul.f32 v6, v28;
	v3 =	vmul.f32 v3, v7;
	[tilespmem:s29+$0x63B0] =	vst v1  }
0x26f: {  	v34 =	vld [tilespmem:s29+$0x3340];
	v7 =	vmul.f32 v21, v7;
	v2 =	vmul.f32 v2, v28;
	[tilespmem:s29+$0x62B0] =	vst v5  }
0x270: {  	[tilespmem:s29+$0x6330] =	vst v6;
	v1 =	vmul.f32 v28, v3  }
0x271: {  	v3 =	vld [tilespmem:s29+$0x33C0];
	[tilespmem:s29+$0x6430] =	vst v2;
	v2 =	vmul.f32 v28, v7  }
0x272: {  	v35 =	vmul.f32 v31, v30;
	[tilespmem:s29+$0x64B0] =	vst v1  }
0x273: {  	[tilespmem:s29+$0x6530] =	vst v2  }
0x274: {  	v1 =	vmul.f32 v35, v33;
	v2 =	vmul.f32 v34, v32;
	v36 =	vld [tilespmem:s28+$0x9AC0];
	_ =	sdelay $0x1  }
0x275: {  	v37 =	vmul.f32 v1, v3;
	v3 =	vmul.f32 v3, v2  }
0x276: {  	v1 =	vmul.f32 v1, v2  }
0x277: {  	v38 =	vld [tilespmem:s29+$0x34D0];
	v6 =	vmul.f32 v37, v34;
	v5 =	vmul.f32 v33, v3  }
0x278: {  	v2 =	vld [tilespmem:s29+$0x3550];
	v8 =	vmul.f32 v37, v32;
	v1 =	vmul.f32 v1, v36  }
0x279: {  	v39 =	vld [tilespmem:s29+$0x32D0];
	v3 =	vmul.f32 v35, v3;
	v6 =	vmul.f32 v6, v36  }
0x27a: {  	v40 =	vld [tilespmem:s29+$0x3450];
	v8 =	vmul.f32 v8, v36;
	v4 =	vmul.f32 v31, v5;
	[tilespmem:s29+$0x63C0] =	vst v1  }
0x27b: {  	v41 =	vld [tilespmem:s29+$0x3350];
	v5 =	vmul.f32 v30, v5;
	v3 =	vmul.f32 v3, v36;
	[tilespmem:s29+$0x62C0] =	vst v6  }
0x27c: {  	v42 =	vld [tilespmem:s29+$0x33D0];
	[tilespmem:s29+$0x6340] =	vst v8;
	v1 =	vmul.f32 v36, v4  }
0x27d: {  	v43 =	vmul.f32 v2, v38;
	[tilespmem:s29+$0x6440] =	vst v3;
	v3 =	vmul.f32 v36, v5  }
0x27e: {  	[tilespmem:s29+$0x64C0] =	vst v1  }
0x27f: {  	[tilespmem:s29+$0x6540] =	vst v3;
	v1 =	vmul.f32 v43, v40  }
0x280: {  	v44 =	vld [tilespmem:s28+$0x9AD0]  }
0x281: {  	v3 =	vmul.f32 v41, v39;
	v45 =	vmul.f32 v1, v42;
	_ =	sdelay $0x1  }
0x282: {  	v4 =	vmul.f32 v42, v3;
	v8 =	vmul.f32 v45, v41  }
0x283: {  	v46 =	vld [tilespmem:s29+$0x34E0];
	v1 =	vmul.f32 v1, v3;
	v7 =	vmul.f32 v45, v39  }
0x284: {  	v47 =	vld [tilespmem:s29+$0x32E0];
	v6 =	vmul.f32 v40, v4;
	v8 =	vmul.f32 v8, v44  }
0x285: {  	v3 =	vld [tilespmem:s29+$0x3560];
	v4 =	vmul.f32 v43, v4;
	v7 =	vmul.f32 v7, v44  }
0x286: {  	v49 =	vld [tilespmem:s29+$0x3360];
	v1 =	vmul.f32 v1, v44;
	v2 =	vmul.f32 v2, v6;
	[tilespmem:s29+$0x62D0] =	vst v8  }
0x287: {  	v48 =	vld [tilespmem:s29+$0x3460];
	v6 =	vmul.f32 v38, v6;
	v4 =	vmul.f32 v4, v44;
	[tilespmem:s29+$0x6350] =	vst v7  }
0x288: {  	[tilespmem:s29+$0x63D0] =	vst v1;
	v1 =	vmul.f32 v44, v2  }
0x289: {  	v2 =	vld [tilespmem:s29+$0x33E0];
	[tilespmem:s29+$0x6450] =	vst v4;
	v50 =	vmul.f32 v44, v6  }
0x28a: {  	v51 =	vmul.f32 v3, v46;
	[tilespmem:s29+$0x64D0] =	vst v1  }
0x28b: {  	[tilespmem:s29+$0x6550] =	vst v50  }
0x28c: {  	v52 =	vmul.f32 v49, v47;
	v1 =	vmul.f32 v51, v48;
	v53 =	vld [tilespmem:s28+$0x9AE0];
	_ =	sdelay $0x1  }
0x28d: {  	v54 =	vmul.f32 v1, v2;
	v2 =	vmul.f32 v2, v52  }
0x28e: {  	v1 =	vmul.f32 v1, v52  }
0x28f: {  	v7 =	vmul.f32 v54, v49;
	v8 =	vmul.f32 v48, v2  }
0x290: {  	v55 =	vld [tilespmem:s29+$0x34F0];
	v5 =	vmul.f32 v54, v47;
	v1 =	vmul.f32 v1, v53  }
0x291: {  	v56 =	vld [tilespmem:s29+$0x3570];
	v2 =	vmul.f32 v51, v2;
	v7 =	vmul.f32 v7, v53  }
0x292: {  	v58 =	vld [tilespmem:s29+$0x3470];
	v5 =	vmul.f32 v5, v53;
	v3 =	vmul.f32 v3, v8;
	[tilespmem:s29+$0x63E0] =	vst v1  }
0x293: {  	v59 =	vld [tilespmem:s29+$0x3370];
	v8 =	vmul.f32 v46, v8;
	v2 =	vmul.f32 v2, v53;
	[tilespmem:s29+$0x62E0] =	vst v7  }
0x294: {  	v57 =	vld [tilespmem:s29+$0x32F0];
	[tilespmem:s29+$0x6360] =	vst v5;
	v1 =	vmul.f32 v53, v3  }
0x295: {  	v3 =	vld [tilespmem:s29+$0x33F0];
	[tilespmem:s29+$0x6460] =	vst v2;
	v2 =	vmul.f32 v53, v8  }
0x296: {  	v60 =	vmul.f32 v56, v55;
	[tilespmem:s29+$0x64E0] =	vst v1  }
0x297: {  	[tilespmem:s29+$0x6560] =	vst v2  }
0x298: {  	v1 =	vmul.f32 v60, v58;
	v61 =	vld [tilespmem:s28+$0x9AF0]  }
0x299: {  	v2 =	vmul.f32 v59, v57  }
0x29a: {  	v62 =	vmul.f32 v1, v3  }
0x29b: {  	v3 =	vmul.f32 v3, v2;
	v1 =	vmul.f32 v1, v2  }
0x29c: {  	v5 =	vmul.f32 v62, v59;
	v6 =	vmul.f32 v62, v57  }
0x29d: {  	v7 =	vmul.f32 v58, v3;
	v1 =	vmul.f32 v1, v61  }
0x29e: {  	v3 =	vmul.f32 v60, v3;
	v2 =	vmul.f32 v6, v61  }
0x29f: {  	p2 =	sne.s32 s26, $0x7;
	v5 =	vmul.f32 v5, v61;
	v4 =	vmul.f32 v56, v7;
	[tilespmem:s29+$0x63F0] =	vst v1  }
.Ltmp4:
0x2a0: {  	v63 =	vmul.f32 v55, v7;
	[tilespmem:s29+$0x6370] =	vst v2;
	v2 =	vmul.f32 v3, v61;
	(pc) =	sbr.rel @p2 .LBB2_7-.Ltmp4, $4  }
0x2a1: {  	[tilespmem:s29+$0x62F0] =	vst v5;
	v1 =	vmul.f32 v61, v4  }
0x2a2: {  	[tilespmem:s29+$0x6470] =	vst v2;
	v2 =	vmul.f32 v61, v63  }
0x2a3: {  	[tilespmem:s29+$0x64F0] =	vst v1  }
0x2a4: {  	s26 =	sadd.s32 $0x1, s26;
	[tilespmem:s29+$0x6570] =	vst v2  }
.Ltmp5:
0x2a5: {  	(pc) =	sbr.rel @p1 .LBB2_10-.Ltmp5, $1  }
0x2a6: {  	_ =	sdelay $0x3  }
0x2a7: {  	s25 =	sshll.u32 s25, $0x4  }
0x2a8: {  	s25 =	sadd.s32 s6, s25  }
.Ltmp6:
0x2a9: {  	s25 =	sshrl.u32 s25, $0x3;
	(pc) =	sbr.rel .LBB2_4-.Ltmp6, $4  }
0x2aa: {  	s25 =	sadd.s32 s16, s25  }
0x2ab: {  	[tilespmem:s9], [sflag:$0x4] =	stream.linear.gather [hbm4b:s25+s4], $0x10, $0x38;
	[tilespmem:$0x1DB80] =	vst v63  }
0x2ac: {  	s24 =	sadd.s32 $0x1, s24  }
0x2ad: {  	[spmem:s3] =	stream.indirect.scatter.add.f32 [tilespmem:s5], [sflag:$0x9], $0x80, s11, s12, $0xb8;
	[tilespmem:$0x1DB80] =	vst v63  }
.LBB2_11:
0x2ae: {  	_ =	sfence.sel $0x180000  }
0x2af: {  	[bflag:$0x0] =	sbarrier.arrive $0xFFFF  }
0x2b0: {  	_ =	strace $0x90000047  }
0x2b1: {  	s0 =	stileid.u32;
	[bflag:$0x2] =	sbarrier.arrive $0xFFFF  }
0x2b2: {  	p0 =	sne.s32 s0, $0x0;
	s0 =	rddreg [dreg:$0x4]  }
0x2b3: {  	s0 =	sadd.s32 @!p0 $0x100000, s0  }
0x2b4: {  	[sflag:s0] =	ssyncadd.tile.s32 @!p0 $0x1;
	_ =	shalt  }
.Lfunc_end2:
_tile_overlayer_lowered:
.L_overlay_start_2:
0x2b5: {  	(tag) =	ssettag $0x2  }
0x2b6: {  	s0 =	rddreg [dreg:$0x0];
	s2 =	stileid.u32  }
0x2b7: {  	s1 =	rddreg [dreg:$0x1];
	p0 =	sne.s32 s2, $0x0  }
0x2b8: {  	s3 =	rddreg [dreg:$0x2];
	[bflag:$0x3] =	sbarrier.arrive $0xFFFF;
	s2 =	simm.s32 @!p0 $0x1C0A  }
0x2b9: {  	[timem:s3], [sflag:s2] =	dma.local @!p0 [hbm:s0], s1  }
0x2ba: {  	s0 =	simm.s32 @!p0 $0xA  }
0x2bb: {  	_ =	swait.ge @!p0 [sflag:s0], s1  }
0x2bc: {  	s1 =	ssub.s32 @!p0 $0x0, s1;
	[sflag:s0] =	ssyncset.done @!p0 $0x0  }
0x2bd: {  	[sflag:s0] =	ssyncadd.s32 @!p0 s1  }
0x2be: {  	[bflag:$0x3] =	sbarrier.arrive $0xFFFF  }
0x2bf: {  	_ =	shalt  }

</sc_bundles>
